<compile_context>
chip_gen: v7x
topology: tpu7x:2x2x1
jax: 0.10.2.dev20260603
libtpu: 0.0.44.dev20260713+nightly
codegen_flags: <defaults>
</compile_context>

<pallas_src>
import functools

import jax
import jax.numpy as jnp
from jax import lax
from jax.experimental import pallas as pl
from jax.experimental.pallas import tpu as pltpu
from jax.experimental.pallas import tpu_sc as plsc

VOCAB_SIZE = 100000
EMB_DIM = 128

HEAD = 74400
BLK = 7440
NBLK = HEAD // BLK

TAIL = VOCAB_SIZE - HEAD
NW = 32
ROWS_PT = TAIL // NW
CHUNK = 160
NCHUNK = ROWS_PT // CHUNK
GROUPS = CHUNK // 16


def _permute(v, idx):
    return lax.gather(
        v,
        idx.reshape(16, 1),
        lax.GatherDimensionNumbers(
            offset_dims=(), collapsed_slice_dims=(0,), start_index_map=(0,)
        ),
        slice_sizes=(1,),
        mode=lax.GatherScatterMode.PROMISE_IN_BOUNDS,
    )


def _sc_tail_logits(idx, table, W, b):
    mesh = plsc.VectorSubcoreMesh(core_axis_name="c", subcore_axis_name="s")

    @functools.partial(
        pl.kernel,
        mesh=mesh,
        out_type=jax.ShapeDtypeStruct((NW, ROWS_PT), jnp.float32),
        scratch_types=[
            pltpu.VMEM((1,), jnp.int32),
            pltpu.VMEM((1, EMB_DIM), jnp.float32),
            pltpu.VMEM((ROWS_PT, EMB_DIM), jnp.float32),
            pltpu.VMEM((ROWS_PT,), jnp.float32),
            pltpu.VMEM((ROWS_PT,), jnp.float32),
            pltpu.SemaphoreType.DMA,
            pltpu.SemaphoreType.DMA,
        ],
    )
    def k(idx_hbm, table_hbm, w_hbm, b_hbm, out_hbm,
          idx_v, e_v, wbuf_v, b_v, log_v, sem_e, sem_w):
        c = lax.axis_index("c")
        s = lax.axis_index("s")
        wid = s * 2 + c
        base = HEAD + wid * ROWS_PT

        pltpu.sync_copy(idx_hbm, idx_v)
        pltpu.async_copy(table_hbm.at[idx_v], e_v, sem_e)

        for ch in range(NCHUNK):
            pltpu.async_copy(
                w_hbm.at[pl.ds(base + ch * CHUNK, CHUNK)],
                wbuf_v.at[pl.ds(ch * CHUNK, CHUNK)],
                sem_w,
            )
        pltpu.sync_copy(b_hbm.at[pl.ds(base, ROWS_PT)], b_v)

        pltpu.make_async_copy(table_hbm.at[idx_v], e_v, sem_e).wait()
        e_regs = [e_v[0, pl.ds(16 * j, 16)] for j in range(8)]
        lanes = lax.iota(jnp.int32, 16)
        perms = [jnp.bitwise_xor(lanes, k) for k in (1, 2, 4, 8)]

        def chunk_body(ch, _):
            pltpu.make_async_copy(
                w_hbm.at[pl.ds(base, CHUNK)],
                wbuf_v.at[pl.ds(0, CHUNK)],
                sem_w,
            ).wait()

            def group_body(g, _):
                staged = jnp.zeros((16,), jnp.float32)
                for rl in range(16):
                    row = g * 16 + rl
                    acc = wbuf_v[row, pl.ds(0, 16)] * e_regs[0]
                    for j in range(1, 8):
                        acc = acc + wbuf_v[row, pl.ds(16 * j, 16)] * e_regs[j]
                    for p in perms:
                        acc = acc + _permute(acc, p)
                    staged = jnp.where(lanes == rl, acc, staged)
                log_v[pl.ds(g * 16, 16)] = staged + b_v[pl.ds(g * 16, 16)]
                return 0

            lax.fori_loop(ch * GROUPS, (ch + 1) * GROUPS, group_body, 0,
                          unroll=False)
            return 0

        lax.fori_loop(0, NCHUNK, chunk_body, 0, unroll=False)
        pltpu.sync_copy(log_v, out_hbm.at[wid])

    return k(idx, table, W, b)


def _tc1_body(idx_ref, e_ref, w_ref, out_ref):
    e = e_ref[0]
    out_ref[0] = lax.dot_general(
        e, w_ref[...], (((1,), (1,)), ((), ())), preferred_element_type=jnp.float32
    )


def _tc1_head_logits(idx, emb_table, W):
    grid_spec = pltpu.PrefetchScalarGridSpec(
        num_scalar_prefetch=1,
        grid=(NBLK,),
        in_specs=[
            pl.BlockSpec((1, 1, EMB_DIM), lambda i, idx_ref: (idx_ref[0], 0, 0)),
            pl.BlockSpec((BLK, EMB_DIM), lambda i, idx_ref: (i, 0)),
        ],
        out_specs=pl.BlockSpec((1, 1, BLK), lambda i, idx_ref: (i, 0, 0)),
    )
    return pl.pallas_call(
        _tc1_body,
        grid_spec=grid_spec,
        out_shape=jax.ShapeDtypeStruct((NBLK, 1, BLK), jnp.float32),
    )(idx, emb_table.reshape(VOCAB_SIZE, 1, EMB_DIM), W)


def _tc2_body(h_ref, t_ref, b_ref, o_ref):
    xt = t_ref[...]
    m = jnp.max(xt)
    for i in range(NBLK):
        xi = h_ref[i] + b_ref[0:1, pl.ds(i * BLK, BLK)]
        m = jnp.maximum(m, jnp.max(xi))
    s = jnp.sum(jnp.exp(xt - m))
    for i in range(NBLK):
        xi = h_ref[i] + b_ref[0:1, pl.ds(i * BLK, BLK)]
        s = s + jnp.sum(jnp.exp(xi - m))
    lse = m + jnp.log(s)
    for i in range(NBLK):
        xi = h_ref[i] + b_ref[0:1, pl.ds(i * BLK, BLK)]
        o_ref[0:1, pl.ds(i * BLK, BLK)] = xi - lse
    for r in range(NW):
        o_ref[0:1, pl.ds(HEAD + r * ROWS_PT, ROWS_PT)] = (
            t_ref[r] - lse
        ).reshape(1, ROWS_PT)


def _tc2_logsoftmax(h, t, b2):
    return pl.pallas_call(
        _tc2_body,
        out_shape=jax.ShapeDtypeStruct((1, VOCAB_SIZE), jnp.float32),
    )(h, t, b2)


def kernel(inputs, emb_table, W, b):
    idx = inputs.astype(jnp.int32)
    head = _tc1_head_logits(idx, emb_table, W)
    tail = _sc_tail_logits(idx, emb_table, W, b)
    return _tc2_logsoftmax(head, tail, b.reshape(1, VOCAB_SIZE))

# --- scband reference (transcript-rebuilt; emitter-appended) ---
"""Pipeline reference for scband-skip-gram-43774306680949 (READ-ONLY COPY).

The authoritative reference and input builder live on the scoring server;
editing this copy changes nothing except your own understanding.
"""

import jax, jax.numpy as jnp
import numpy as np

VOCAB = 100000
EMB = 128

def setup_inputs(seed: int = 0) -> dict:
    key = jax.random.key(seed)
    k1, k2, k3, k4 = jax.random.split(key, 4)
    inputs = jax.random.randint(k1, (1,), 0, VOCAB, dtype=jnp.int64 if jax.config.jax_enable_x64 else jnp.int32)
    emb_table = jax.random.normal(k2, (VOCAB, EMB), dtype=jnp.float32)
    # torch nn.Linear(embedding_dim, vocab_size): weight [vocab, emb], bias [vocab]
    W = jax.random.normal(k3, (VOCAB, EMB), dtype=jnp.float32) * (1.0 / np.sqrt(EMB))
    b = jax.random.normal(k4, (VOCAB,), dtype=jnp.float32) * 0.01
    return {"inputs": inputs, "emb_table": emb_table, "W": W, "b": b}

def reference(inputs, emb_table, W, b):
    # embeds = self.embeddings(inputs).view((1, -1))
    embeds = jnp.take(emb_table, inputs, axis=0).reshape((1, -1))
    # out = self.linear1(embeds)
    out = embeds @ W.T + b
    # log_probs = torch.log_softmax(out, dim=1)
    log_probs = jax.nn.log_softmax(out, axis=1)
    return log_probs

if __name__ == "__main__":
    import jax
    _d = setup_inputs()
    print(jax.jit(kernel)(*tuple(_d.values())))

</pallas_src>

<mosaic_0001>
#map = affine_map<(d0, d1) -> (0)>
#map1 = affine_map<(d0, d1) -> (0, 0)>
module attributes {stable_mosaic.version = 14 : i64} {
  func.func @k(%arg0: i32, %arg1: i32, %arg2: memref<1xi32, #tpu.memory_space<hbm>>, %arg3: memref<100000x128xf32, #tpu.memory_space<hbm>>, %arg4: memref<100000x128xf32, #tpu.memory_space<hbm>>, %arg5: memref<100000xf32, #tpu.memory_space<hbm>>, %arg6: memref<32x800xf32, #tpu.memory_space<hbm>>, %arg7: memref<1xi32, #tpu.memory_space<vmem>>, %arg8: memref<1x128xf32, #tpu.memory_space<vmem>>, %arg9: memref<800x128xf32, #tpu.memory_space<vmem>>, %arg10: memref<800xf32, #tpu.memory_space<vmem>>, %arg11: memref<800xf32, #tpu.memory_space<vmem>>, %arg12: memref<!tpu.dma_semaphore, #tpu.memory_space<semaphore_mem>>, %arg13: memref<!tpu.dma_semaphore, #tpu.memory_space<semaphore_mem>>) attributes {dimension_semantics = [#tpu.dimension_semantics<core_parallel>, #tpu.dimension_semantics<subcore_parallel>], iteration_bounds = array<i64: 2, 16>, scalar_prefetch = 0 : i64, scratch_operands = 7 : i64, tpu.core_type = #tpu.core_type<sc_vector_subcore>, window_params = [{transform_indices = #map}, {transform_indices = #map1}, {transform_indices = #map1}, {transform_indices = #map}, {transform_indices = #map1}]} {
    %mul3A = arith.constant 2 : i32
    %mul3A_0 = arith.muli %arg1, %mul3A : i32
    %add3A = arith.addi %mul3A_0, %arg0 : i32
    %mul3A_1 = arith.constant 800 : i32
    %mul3A_2 = arith.muli %add3A, %mul3A_1 : i32
    %add3A_3 = arith.constant 74400 : i32
    %add3A_4 = arith.addi %add3A_3, %mul3A_2 : i32
    "tpu.region"() ({
      %run_scoped3A = tpu.sem_alloc : memref<!tpu.dma_semaphore, #tpu.memory_space<semaphore_mem>>
      tpu.enqueue_dma source(%arg2 : memref<1xi32, #tpu.memory_space<hbm>>) target(%arg7 : memref<1xi32, #tpu.memory_space<vmem>>) target_semaphore(%run_scoped3A : memref<!tpu.dma_semaphore, #tpu.memory_space<semaphore_mem>>)
      tpu.wait_dma2 semaphore(%run_scoped3A : memref<!tpu.dma_semaphore, #tpu.memory_space<semaphore_mem>>) src(%arg2 : memref<1xi32, #tpu.memory_space<hbm>>) dst(%arg7 : memref<1xi32, #tpu.memory_space<vmem>>)
      tpu.yield
    }) : () -> ()
    %dma_start3A = arith.constant 0 : i32
    %dma_start3A_5 = arith.constant 0 : i32
    %dma_start3A_6 = tpu.memref_slice %arg3[%dma_start3A, %dma_start3A_5] : memref<100000x128xf32, #tpu.memory_space<hbm>> -> memref<100000x128xf32, #tpu.memory_space<hbm>>
    tpu.enqueue_indirect_dma source(%dma_start3A_6 : memref<100000x128xf32, #tpu.memory_space<hbm>>) target(%arg8 : memref<1x128xf32, #tpu.memory_space<vmem>>) offsets(%arg7 : memref<1xi32, #tpu.memory_space<vmem>>) semaphore(%arg12 : memref<!tpu.dma_semaphore, #tpu.memory_space<semaphore_mem>>)
    %add3A_7 = arith.constant 0 : i32
    %add3A_8 = arith.addi %add3A_4, %add3A_7 : i32
    %dma_start3A_9 = arith.constant 0 : i32
    %dma_start3A_10 = arith.constant 0 : i32
    %dma_start3A_11 = tpu.memref_slice %arg9[%dma_start3A_9, %dma_start3A_10] : memref<800x128xf32, #tpu.memory_space<vmem>> -> memref<160x128xf32, #tpu.memory_space<vmem>>
    %dma_start3A_12 = arith.constant 0 : i32
    %dma_start3A_13 = tpu.memref_slice %arg4[%add3A_8, %dma_start3A_12] : memref<100000x128xf32, #tpu.memory_space<hbm>> -> memref<160x128xf32, #tpu.memory_space<hbm>>
    %dma_start3A_14 = arith.constant 0 : i32
    %dma_start3A_15 = arith.constant 0 : i32
    %dma_start3A_16 = tpu.memref_slice %arg9[%dma_start3A_14, %dma_start3A_15] : memref<800x128xf32, #tpu.memory_space<vmem>> -> memref<160x128xf32, #tpu.memory_space<vmem>>
    %dma_start3A_17 = arith.constant 0 : i32
    %dma_start3A_18 = tpu.memref_slice %arg4[%add3A_8, %dma_start3A_17] : memref<100000x128xf32, #tpu.memory_space<hbm>> -> memref<160x128xf32, #tpu.memory_space<hbm>>
    tpu.enqueue_dma source(%dma_start3A_18 : memref<160x128xf32, #tpu.memory_space<hbm>>) target(%dma_start3A_16 : memref<160x128xf32, #tpu.memory_space<vmem>>) target_semaphore(%arg13 : memref<!tpu.dma_semaphore, #tpu.memory_space<semaphore_mem>>)
    %add3A_19 = arith.constant 160 : i32
    %add3A_20 = arith.addi %add3A_4, %add3A_19 : i32
    %dma_start3A_21 = arith.constant 160 : i32
    %dma_start3A_22 = arith.constant 0 : i32
    %dma_start3A_23 = tpu.memref_slice %arg9[%dma_start3A_21, %dma_start3A_22] : memref<800x128xf32, #tpu.memory_space<vmem>> -> memref<160x128xf32, #tpu.memory_space<vmem>>
    %dma_start3A_24 = arith.constant 0 : i32
    %dma_start3A_25 = tpu.memref_slice %arg4[%add3A_20, %dma_start3A_24] : memref<100000x128xf32, #tpu.memory_space<hbm>> -> memref<160x128xf32, #tpu.memory_space<hbm>>
    %dma_start3A_26 = arith.constant 160 : i32
    %dma_start3A_27 = arith.constant 0 : i32
    %dma_start3A_28 = tpu.memref_slice %arg9[%dma_start3A_26, %dma_start3A_27] : memref<800x128xf32, #tpu.memory_space<vmem>> -> memref<160x128xf32, #tpu.memory_space<vmem>>
    %dma_start3A_29 = arith.constant 0 : i32
    %dma_start3A_30 = tpu.memref_slice %arg4[%add3A_20, %dma_start3A_29] : memref<100000x128xf32, #tpu.memory_space<hbm>> -> memref<160x128xf32, #tpu.memory_space<hbm>>
    tpu.enqueue_dma source(%dma_start3A_30 : memref<160x128xf32, #tpu.memory_space<hbm>>) target(%dma_start3A_28 : memref<160x128xf32, #tpu.memory_space<vmem>>) target_semaphore(%arg13 : memref<!tpu.dma_semaphore, #tpu.memory_space<semaphore_mem>>)
    %add3A_31 = arith.constant 320 : i32
    %add3A_32 = arith.addi %add3A_4, %add3A_31 : i32
    %dma_start3A_33 = arith.constant 320 : i32
    %dma_start3A_34 = arith.constant 0 : i32
    %dma_start3A_35 = tpu.memref_slice %arg9[%dma_start3A_33, %dma_start3A_34] : memref<800x128xf32, #tpu.memory_space<vmem>> -> memref<160x128xf32, #tpu.memory_space<vmem>>
    %dma_start3A_36 = arith.constant 0 : i32
    %dma_start3A_37 = tpu.memref_slice %arg4[%add3A_32, %dma_start3A_36] : memref<100000x128xf32, #tpu.memory_space<hbm>> -> memref<160x128xf32, #tpu.memory_space<hbm>>
    %dma_start3A_38 = arith.constant 320 : i32
    %dma_start3A_39 = arith.constant 0 : i32
    %dma_start3A_40 = tpu.memref_slice %arg9[%dma_start3A_38, %dma_start3A_39] : memref<800x128xf32, #tpu.memory_space<vmem>> -> memref<160x128xf32, #tpu.memory_space<vmem>>
    %dma_start3A_41 = arith.constant 0 : i32
    %dma_start3A_42 = tpu.memref_slice %arg4[%add3A_32, %dma_start3A_41] : memref<100000x128xf32, #tpu.memory_space<hbm>> -> memref<160x128xf32, #tpu.memory_space<hbm>>
    tpu.enqueue_dma source(%dma_start3A_42 : memref<160x128xf32, #tpu.memory_space<hbm>>) target(%dma_start3A_40 : memref<160x128xf32, #tpu.memory_space<vmem>>) target_semaphore(%arg13 : memref<!tpu.dma_semaphore, #tpu.memory_space<semaphore_mem>>)
    %add3A_43 = arith.constant 480 : i32
    %add3A_44 = arith.addi %add3A_4, %add3A_43 : i32
    %dma_start3A_45 = arith.constant 480 : i32
    %dma_start3A_46 = arith.constant 0 : i32
    %dma_start3A_47 = tpu.memref_slice %arg9[%dma_start3A_45, %dma_start3A_46] : memref<800x128xf32, #tpu.memory_space<vmem>> -> memref<160x128xf32, #tpu.memory_space<vmem>>
    %dma_start3A_48 = arith.constant 0 : i32
    %dma_start3A_49 = tpu.memref_slice %arg4[%add3A_44, %dma_start3A_48] : memref<100000x128xf32, #tpu.memory_space<hbm>> -> memref<160x128xf32, #tpu.memory_space<hbm>>
    %dma_start3A_50 = arith.constant 480 : i32
    %dma_start3A_51 = arith.constant 0 : i32
    %dma_start3A_52 = tpu.memref_slice %arg9[%dma_start3A_50, %dma_start3A_51] : memref<800x128xf32, #tpu.memory_space<vmem>> -> memref<160x128xf32, #tpu.memory_space<vmem>>
    %dma_start3A_53 = arith.constant 0 : i32
    %dma_start3A_54 = tpu.memref_slice %arg4[%add3A_44, %dma_start3A_53] : memref<100000x128xf32, #tpu.memory_space<hbm>> -> memref<160x128xf32, #tpu.memory_space<hbm>>
    tpu.enqueue_dma source(%dma_start3A_54 : memref<160x128xf32, #tpu.memory_space<hbm>>) target(%dma_start3A_52 : memref<160x128xf32, #tpu.memory_space<vmem>>) target_semaphore(%arg13 : memref<!tpu.dma_semaphore, #tpu.memory_space<semaphore_mem>>)
    %add3A_55 = arith.constant 640 : i32
    %add3A_56 = arith.addi %add3A_4, %add3A_55 : i32
    %dma_start3A_57 = arith.constant 640 : i32
    %dma_start3A_58 = arith.constant 0 : i32
    %dma_start3A_59 = tpu.memref_slice %arg9[%dma_start3A_57, %dma_start3A_58] : memref<800x128xf32, #tpu.memory_space<vmem>> -> memref<160x128xf32, #tpu.memory_space<vmem>>
    %dma_start3A_60 = arith.constant 0 : i32
    %dma_start3A_61 = tpu.memref_slice %arg4[%add3A_56, %dma_start3A_60] : memref<100000x128xf32, #tpu.memory_space<hbm>> -> memref<160x128xf32, #tpu.memory_space<hbm>>
    %dma_start3A_62 = arith.constant 640 : i32
    %dma_start3A_63 = arith.constant 0 : i32
    %dma_start3A_64 = tpu.memref_slice %arg9[%dma_start3A_62, %dma_start3A_63] : memref<800x128xf32, #tpu.memory_space<vmem>> -> memref<160x128xf32, #tpu.memory_space<vmem>>
    %dma_start3A_65 = arith.constant 0 : i32
    %dma_start3A_66 = tpu.memref_slice %arg4[%add3A_56, %dma_start3A_65] : memref<100000x128xf32, #tpu.memory_space<hbm>> -> memref<160x128xf32, #tpu.memory_space<hbm>>
    tpu.enqueue_dma source(%dma_start3A_66 : memref<160x128xf32, #tpu.memory_space<hbm>>) target(%dma_start3A_64 : memref<160x128xf32, #tpu.memory_space<vmem>>) target_semaphore(%arg13 : memref<!tpu.dma_semaphore, #tpu.memory_space<semaphore_mem>>)
    "tpu.region"() ({
      %run_scoped3A = tpu.sem_alloc : memref<!tpu.dma_semaphore, #tpu.memory_space<semaphore_mem>>
      %dma_start3A_125 = tpu.memref_slice %arg5[%add3A_4] : memref<100000xf32, #tpu.memory_space<hbm>> -> memref<800xf32, #tpu.memory_space<hbm>>
      %dma_start3A_126 = tpu.memref_slice %arg5[%add3A_4] : memref<100000xf32, #tpu.memory_space<hbm>> -> memref<800xf32, #tpu.memory_space<hbm>>
      tpu.enqueue_dma source(%dma_start3A_126 : memref<800xf32, #tpu.memory_space<hbm>>) target(%arg10 : memref<800xf32, #tpu.memory_space<vmem>>) target_semaphore(%run_scoped3A : memref<!tpu.dma_semaphore, #tpu.memory_space<semaphore_mem>>)
      %dma_wait3A_127 = tpu.memref_slice %arg5[%add3A_4] : memref<100000xf32, #tpu.memory_space<hbm>> -> memref<800xf32, #tpu.memory_space<hbm>>
      %dma_wait3A_128 = tpu.memref_slice %arg5[%add3A_4] : memref<100000xf32, #tpu.memory_space<hbm>> -> memref<800xf32, #tpu.memory_space<hbm>>
      tpu.wait_dma2 semaphore(%run_scoped3A : memref<!tpu.dma_semaphore, #tpu.memory_space<semaphore_mem>>) src(%dma_wait3A_128 : memref<800xf32, #tpu.memory_space<hbm>>) dst(%arg10 : memref<800xf32, #tpu.memory_space<vmem>>)
      tpu.yield
    }) : () -> ()
    %dma_wait3A = arith.constant 0 : i32
    %dma_wait3A_67 = arith.constant 0 : i32
    %dma_wait3A_68 = tpu.memref_slice %arg3[%dma_wait3A, %dma_wait3A_67] : memref<100000x128xf32, #tpu.memory_space<hbm>> -> memref<100000x128xf32, #tpu.memory_space<hbm>>
    tpu.wait_indirect_dma semaphore(%arg12 : memref<!tpu.dma_semaphore, #tpu.memory_space<semaphore_mem>>) src(%dma_wait3A_68 : memref<100000x128xf32, #tpu.memory_space<hbm>>) dst(%arg8 : memref<1x128xf32, #tpu.memory_space<vmem>>)
    %get3A = arith.constant 0 : i32
    %get3A_69 = arith.index_cast %get3A : i32 to index
    %get3A_70 = arith.constant 0 : index
    %get3A_71 = tpu.vector_load %arg8[%get3A_69, %get3A_70] {strides = array<i32>} : memref<1x128xf32, #tpu.memory_space<vmem>>, vector<1x16xf32>,
    %get3A_72 = vector.shape_cast %get3A_71 : vector<1x16xf32> to vector<16xf32>
    %get3A_73 = arith.constant 0 : i32
    %get3A_74 = arith.index_cast %get3A_73 : i32 to index
    %get3A_75 = arith.constant 16 : index
    %get3A_76 = tpu.vector_load %arg8[%get3A_74, %get3A_75] {strides = array<i32>} : memref<1x128xf32, #tpu.memory_space<vmem>>, vector<1x16xf32>,
    %get3A_77 = vector.shape_cast %get3A_76 : vector<1x16xf32> to vector<16xf32>
    %get3A_78 = arith.constant 0 : i32
    %get3A_79 = arith.index_cast %get3A_78 : i32 to index
    %get3A_80 = arith.constant 32 : index
    %get3A_81 = tpu.vector_load %arg8[%get3A_79, %get3A_80] {strides = array<i32>} : memref<1x128xf32, #tpu.memory_space<vmem>>, vector<1x16xf32>,
    %get3A_82 = vector.shape_cast %get3A_81 : vector<1x16xf32> to vector<16xf32>
    %get3A_83 = arith.constant 0 : i32
    %get3A_84 = arith.index_cast %get3A_83 : i32 to index
    %get3A_85 = arith.constant 48 : index
    %get3A_86 = tpu.vector_load %arg8[%get3A_84, %get3A_85] {strides = array<i32>} : memref<1x128xf32, #tpu.memory_space<vmem>>, vector<1x16xf32>,
    %get3A_87 = vector.shape_cast %get3A_86 : vector<1x16xf32> to vector<16xf32>
    %get3A_88 = arith.constant 0 : i32
    %get3A_89 = arith.index_cast %get3A_88 : i32 to index
    %get3A_90 = arith.constant 64 : index
    %get3A_91 = tpu.vector_load %arg8[%get3A_89, %get3A_90] {strides = array<i32>} : memref<1x128xf32, #tpu.memory_space<vmem>>, vector<1x16xf32>,
    %get3A_92 = vector.shape_cast %get3A_91 : vector<1x16xf32> to vector<16xf32>
    %get3A_93 = arith.constant 0 : i32
    %get3A_94 = arith.index_cast %get3A_93 : i32 to index
    %get3A_95 = arith.constant 80 : index
    %get3A_96 = tpu.vector_load %arg8[%get3A_94, %get3A_95] {strides = array<i32>} : memref<1x128xf32, #tpu.memory_space<vmem>>, vector<1x16xf32>,
    %get3A_97 = vector.shape_cast %get3A_96 : vector<1x16xf32> to vector<16xf32>
    %get3A_98 = arith.constant 0 : i32
    %get3A_99 = arith.index_cast %get3A_98 : i32 to index
    %get3A_100 = arith.constant 96 : index
    %get3A_101 = tpu.vector_load %arg8[%get3A_99, %get3A_100] {strides = array<i32>} : memref<1x128xf32, #tpu.memory_space<vmem>>, vector<1x16xf32>,
    %get3A_102 = vector.shape_cast %get3A_101 : vector<1x16xf32> to vector<16xf32>
    %get3A_103 = arith.constant 0 : i32
    %get3A_104 = arith.index_cast %get3A_103 : i32 to index
    %get3A_105 = arith.constant 112 : index
    %get3A_106 = tpu.vector_load %arg8[%get3A_104, %get3A_105] {strides = array<i32>} : memref<1x128xf32, #tpu.memory_space<vmem>>, vector<1x16xf32>,
    %get3A_107 = vector.shape_cast %get3A_106 : vector<1x16xf32> to vector<16xf32>
    %iota3A = tpu.iota {dimensions = array<i32: 0>} : vector<16xi32>
    %xor3A = arith.constant 1 : i32
    %xor3A_108 = vector.broadcast %xor3A : i32 to vector<16xi32>
    %xor3A_109 = arith.xori %iota3A, %xor3A_108 : vector<16xi32>
    %xor3A_110 = arith.constant 2 : i32
    %xor3A_111 = vector.broadcast %xor3A_110 : i32 to vector<16xi32>
    %xor3A_112 = arith.xori %iota3A, %xor3A_111 : vector<16xi32>
    %xor3A_113 = arith.constant 4 : i32
    %xor3A_114 = vector.broadcast %xor3A_113 : i32 to vector<16xi32>
    %xor3A_115 = arith.xori %iota3A, %xor3A_114 : vector<16xi32>
    %xor3A_116 = arith.constant 8 : i32
    %xor3A_117 = vector.broadcast %xor3A_116 : i32 to vector<16xi32>
    %xor3A_118 = arith.xori %iota3A, %xor3A_117 : vector<16xi32>
    %scan3A = arith.constant 0 : i32
    %scan3A_119 = arith.constant 0 : i32
    %scan3A_120 = arith.constant 5 : i32
    %scan3A_121 = arith.addi %scan3A_119, %scan3A_120 : i32
    %scan3A_122 = arith.constant 1 : i32
    %scan3A_123 = scf.for %scan3A_125 = %scan3A_119 to %scan3A_121 step %scan3A_122 iter_args(%scan3A_126 = %scan3A) -> (i32)  : i32 {
      %dma_wait3A_127 = arith.constant 0 : i32
      %dma_wait3A_128 = arith.constant 0 : i32
      %dma_wait3A_129 = tpu.memref_slice %arg9[%dma_wait3A_127, %dma_wait3A_128] : memref<800x128xf32, #tpu.memory_space<vmem>> -> memref<160x128xf32, #tpu.memory_space<vmem>>
      %dma_wait3A_130 = arith.constant 0 : i32
      %dma_wait3A_131 = tpu.memref_slice %arg4[%add3A_4, %dma_wait3A_130] : memref<100000x128xf32, #tpu.memory_space<hbm>> -> memref<160x128xf32, #tpu.memory_space<hbm>>
      %dma_wait3A_132 = arith.constant 0 : i32
      %dma_wait3A_133 = arith.constant 0 : i32
      %dma_wait3A_134 = tpu.memref_slice %arg9[%dma_wait3A_132, %dma_wait3A_133] : memref<800x128xf32, #tpu.memory_space<vmem>> -> memref<160x128xf32, #tpu.memory_space<vmem>>
      %dma_wait3A_135 = arith.constant 0 : i32
      %dma_wait3A_136 = tpu.memref_slice %arg4[%add3A_4, %dma_wait3A_135] : memref<100000x128xf32, #tpu.memory_space<hbm>> -> memref<160x128xf32, #tpu.memory_space<hbm>>
      tpu.wait_dma2 semaphore(%arg13 : memref<!tpu.dma_semaphore, #tpu.memory_space<semaphore_mem>>) src(%dma_wait3A_136 : memref<160x128xf32, #tpu.memory_space<hbm>>) dst(%dma_wait3A_134 : memref<160x128xf32, #tpu.memory_space<vmem>>)
      %mul3A_137 = arith.constant 10 : i32
      %mul3A_138 = arith.muli %scan3A_125, %mul3A_137 : i32
      %add3A_139 = arith.constant 1 : i32
      %add3A_140 = arith.addi %scan3A_125, %add3A_139 : i32
      %mul3A_141 = arith.constant 10 : i32
      %mul3A_142 = arith.muli %add3A_140, %mul3A_141 : i32
      %while3A = arith.constant 0 : i32
      %while3A_143 = arith.subi %mul3A_142, %mul3A_138 : i32
      %while3A_144 = arith.addi %mul3A_138, %while3A_143 : i32
      %while3A_145 = arith.constant 1 : i32
      %while3A_146 = arith.divsi %while3A_143, %while3A_145 : i32
      %while3A_147 = arith.muli %while3A_146, %while3A_145 : i32
      %while3A_148 = arith.addi %mul3A_138, %while3A_147 : i32
      %while3A_149 = arith.constant 1 : i32
      %while3A_150 = scf.for %while3A_154 = %mul3A_138 to %while3A_148 step %while3A_149 iter_args(%while3A_155 = %while3A) -> (i32)  : i32 {
        %broadcast_in_dim3A = arith.constant 0.000000e+00 : f32
        %broadcast_in_dim3A_156 = vector.broadcast %broadcast_in_dim3A : f32 to vector<16xf32>
        %mul3A_157 = arith.constant 16 : i32
        %mul3A_158 = arith.muli %while3A_154, %mul3A_157 : i32
        %add3A_159 = arith.constant 0 : i32
        %add3A_160 = arith.addi %mul3A_158, %add3A_159 : i32
        %get3A_161 = arith.index_cast %add3A_160 : i32 to index
        %get3A_162 = arith.constant 0 : index
        %get3A_163 = tpu.vector_load %arg9[%get3A_161, %get3A_162] {strides = array<i32>} : memref<800x128xf32, #tpu.memory_space<vmem>>, vector<1x16xf32>,
        %get3A_164 = vector.shape_cast %get3A_163 : vector<1x16xf32> to vector<16xf32>
        %mul3A_165 = arith.mulf %get3A_164, %get3A_72 : vector<16xf32>
        %get3A_166 = arith.index_cast %add3A_160 : i32 to index
        %get3A_167 = arith.constant 16 : index
        %get3A_168 = tpu.vector_load %arg9[%get3A_166, %get3A_167] {strides = array<i32>} : memref<800x128xf32, #tpu.memory_space<vmem>>, vector<1x16xf32>,
        %get3A_169 = vector.shape_cast %get3A_168 : vector<1x16xf32> to vector<16xf32>
        %mul3A_170 = arith.mulf %get3A_169, %get3A_77 : vector<16xf32>
        %add3A_171 = arith.addf %mul3A_165, %mul3A_170 : vector<16xf32>
        %get3A_172 = arith.index_cast %add3A_160 : i32 to index
        %get3A_173 = arith.constant 32 : index
        %get3A_174 = tpu.vector_load %arg9[%get3A_172, %get3A_173] {strides = array<i32>} : memref<800x128xf32, #tpu.memory_space<vmem>>, vector<1x16xf32>,
        %get3A_175 = vector.shape_cast %get3A_174 : vector<1x16xf32> to vector<16xf32>
        %mul3A_176 = arith.mulf %get3A_175, %get3A_82 : vector<16xf32>
        %add3A_177 = arith.addf %add3A_171, %mul3A_176 : vector<16xf32>
        %get3A_178 = arith.index_cast %add3A_160 : i32 to index
        %get3A_179 = arith.constant 48 : index
        %get3A_180 = tpu.vector_load %arg9[%get3A_178, %get3A_179] {strides = array<i32>} : memref<800x128xf32, #tpu.memory_space<vmem>>, vector<1x16xf32>,
        %get3A_181 = vector.shape_cast %get3A_180 : vector<1x16xf32> to vector<16xf32>
        %mul3A_182 = arith.mulf %get3A_181, %get3A_87 : vector<16xf32>
        %add3A_183 = arith.addf %add3A_177, %mul3A_182 : vector<16xf32>
        %get3A_184 = arith.index_cast %add3A_160 : i32 to index
        %get3A_185 = arith.constant 64 : index
        %get3A_186 = tpu.vector_load %arg9[%get3A_184, %get3A_185] {strides = array<i32>} : memref<800x128xf32, #tpu.memory_space<vmem>>, vector<1x16xf32>,
        %get3A_187 = vector.shape_cast %get3A_186 : vector<1x16xf32> to vector<16xf32>
        %mul3A_188 = arith.mulf %get3A_187, %get3A_92 : vector<16xf32>
        %add3A_189 = arith.addf %add3A_183, %mul3A_188 : vector<16xf32>
        %get3A_190 = arith.index_cast %add3A_160 : i32 to index
        %get3A_191 = arith.constant 80 : index
        %get3A_192 = tpu.vector_load %arg9[%get3A_190, %get3A_191] {strides = array<i32>} : memref<800x128xf32, #tpu.memory_space<vmem>>, vector<1x16xf32>,
        %get3A_193 = vector.shape_cast %get3A_192 : vector<1x16xf32> to vector<16xf32>
        %mul3A_194 = arith.mulf %get3A_193, %get3A_97 : vector<16xf32>
        %add3A_195 = arith.addf %add3A_189, %mul3A_194 : vector<16xf32>
        %get3A_196 = arith.index_cast %add3A_160 : i32 to index
        %get3A_197 = arith.constant 96 : index
        %get3A_198 = tpu.vector_load %arg9[%get3A_196, %get3A_197] {strides = array<i32>} : memref<800x128xf32, #tpu.memory_space<vmem>>, vector<1x16xf32>,
        %get3A_199 = vector.shape_cast %get3A_198 : vector<1x16xf32> to vector<16xf32>
        %mul3A_200 = arith.mulf %get3A_199, %get3A_102 : vector<16xf32>
        %add3A_201 = arith.addf %add3A_195, %mul3A_200 : vector<16xf32>
        %get3A_202 = arith.index_cast %add3A_160 : i32 to index
        %get3A_203 = arith.constant 112 : index
        %get3A_204 = tpu.vector_load %arg9[%get3A_202, %get3A_203] {strides = array<i32>} : memref<800x128xf32, #tpu.memory_space<vmem>>, vector<1x16xf32>,
        %get3A_205 = vector.shape_cast %get3A_204 : vector<1x16xf32> to vector<16xf32>
        %mul3A_206 = arith.mulf %get3A_205, %get3A_107 : vector<16xf32>
        %add3A_207 = arith.addf %add3A_201, %mul3A_206 : vector<16xf32>
        %reshape3A = vector.shape_cast %xor3A_109 : vector<16xi32> to vector<16x1xi32>
        %gather3A = vector.shape_cast %reshape3A : vector<16x1xi32> to vector<16xi32>
        %gather3A_208 = tpu.dynamic_gather %add3A_207[%gather3A] in [0] : vector<16xf32>, vector<16xi32> -> vector<16xf32>
        %add3A_209 = arith.addf %add3A_207, %gather3A_208 : vector<16xf32>
        %reshape3A_210 = vector.shape_cast %xor3A_112 : vector<16xi32> to vector<16x1xi32>
        %gather3A_211 = vector.shape_cast %reshape3A_210 : vector<16x1xi32> to vector<16xi32>
        %gather3A_212 = tpu.dynamic_gather %add3A_209[%gather3A_211] in [0] : vector<16xf32>, vector<16xi32> -> vector<16xf32>
        %add3A_213 = arith.addf %add3A_209, %gather3A_212 : vector<16xf32>
        %reshape3A_214 = vector.shape_cast %xor3A_115 : vector<16xi32> to vector<16x1xi32>
        %gather3A_215 = vector.shape_cast %reshape3A_214 : vector<16x1xi32> to vector<16xi32>
        %gather3A_216 = tpu.dynamic_gather %add3A_213[%gather3A_215] in [0] : vector<16xf32>, vector<16xi32> -> vector<16xf32>
        %add3A_217 = arith.addf %add3A_213, %gather3A_216 : vector<16xf32>
        %reshape3A_218 = vector.shape_cast %xor3A_118 : vector<16xi32> to vector<16x1xi32>
        %gather3A_219 = vector.shape_cast %reshape3A_218 : vector<16x1xi32> to vector<16xi32>
        %gather3A_220 = tpu.dynamic_gather %add3A_217[%gather3A_219] in [0] : vector<16xf32>, vector<16xi32> -> vector<16xf32>
        %add3A_221 = arith.addf %add3A_217, %gather3A_220 : vector<16xf32>
        %eq3A = arith.constant 0 : i32
        %eq3A_222 = vector.broadcast %eq3A : i32 to vector<16xi32>
        %eq3A_223 = arith.cmpi eq, %iota3A, %eq3A_222 : vector<16xi32>
        %select_n3A = arith.select %eq3A_223, %add3A_221, %broadcast_in_dim3A_156 : vector<16xi1>, vector<16xf32>
        %mul3A_224 = arith.constant 16 : i32
        %mul3A_225 = arith.muli %while3A_154, %mul3A_224 : i32
        %add3A_226 = arith.constant 1 : i32
        %add3A_227 = arith.addi %mul3A_225, %add3A_226 : i32
        %get3A_228 = arith.index_cast %add3A_227 : i32 to index
        %get3A_229 = arith.constant 0 : index
        %get3A_230 = tpu.vector_load %arg9[%get3A_228, %get3A_229] {strides = array<i32>} : memref<800x128xf32, #tpu.memory_space<vmem>>, vector<1x16xf32>,
        %get3A_231 = vector.shape_cast %get3A_230 : vector<1x16xf32> to vector<16xf32>
        %mul3A_232 = arith.mulf %get3A_231, %get3A_72 : vector<16xf32>
        %get3A_233 = arith.index_cast %add3A_227 : i32 to index
        %get3A_234 = arith.constant 16 : index
        %get3A_235 = tpu.vector_load %arg9[%get3A_233, %get3A_234] {strides = array<i32>} : memref<800x128xf32, #tpu.memory_space<vmem>>, vector<1x16xf32>,
        %get3A_236 = vector.shape_cast %get3A_235 : vector<1x16xf32> to vector<16xf32>
        %mul3A_237 = arith.mulf %get3A_236, %get3A_77 : vector<16xf32>
        %add3A_238 = arith.addf %mul3A_232, %mul3A_237 : vector<16xf32>
        %get3A_239 = arith.index_cast %add3A_227 : i32 to index
        %get3A_240 = arith.constant 32 : index
        %get3A_241 = tpu.vector_load %arg9[%get3A_239, %get3A_240] {strides = array<i32>} : memref<800x128xf32, #tpu.memory_space<vmem>>, vector<1x16xf32>,
        %get3A_242 = vector.shape_cast %get3A_241 : vector<1x16xf32> to vector<16xf32>
        %mul3A_243 = arith.mulf %get3A_242, %get3A_82 : vector<16xf32>
        %add3A_244 = arith.addf %add3A_238, %mul3A_243 : vector<16xf32>
        %get3A_245 = arith.index_cast %add3A_227 : i32 to index
        %get3A_246 = arith.constant 48 : index
        %get3A_247 = tpu.vector_load %arg9[%get3A_245, %get3A_246] {strides = array<i32>} : memref<800x128xf32, #tpu.memory_space<vmem>>, vector<1x16xf32>,
        %get3A_248 = vector.shape_cast %get3A_247 : vector<1x16xf32> to vector<16xf32>
        %mul3A_249 = arith.mulf %get3A_248, %get3A_87 : vector<16xf32>
        %add3A_250 = arith.addf %add3A_244, %mul3A_249 : vector<16xf32>
        %get3A_251 = arith.index_cast %add3A_227 : i32 to index
        %get3A_252 = arith.constant 64 : index
        %get3A_253 = tpu.vector_load %arg9[%get3A_251, %get3A_252] {strides = array<i32>} : memref<800x128xf32, #tpu.memory_space<vmem>>, vector<1x16xf32>,
        %get3A_254 = vector.shape_cast %get3A_253 : vector<1x16xf32> to vector<16xf32>
        %mul3A_255 = arith.mulf %get3A_254, %get3A_92 : vector<16xf32>
        %add3A_256 = arith.addf %add3A_250, %mul3A_255 : vector<16xf32>
        %get3A_257 = arith.index_cast %add3A_227 : i32 to index
        %get3A_258 = arith.constant 80 : index
        %get3A_259 = tpu.vector_load %arg9[%get3A_257, %get3A_258] {strides = array<i32>} : memref<800x128xf32, #tpu.memory_space<vmem>>, vector<1x16xf32>,
        %get3A_260 = vector.shape_cast %get3A_259 : vector<1x16xf32> to vector<16xf32>
        %mul3A_261 = arith.mulf %get3A_260, %get3A_97 : vector<16xf32>
        %add3A_262 = arith.addf %add3A_256, %mul3A_261 : vector<16xf32>
        %get3A_263 = arith.index_cast %add3A_227 : i32 to index
        %get3A_264 = arith.constant 96 : index
        %get3A_265 = tpu.vector_load %arg9[%get3A_263, %get3A_264] {strides = array<i32>} : memref<800x128xf32, #tpu.memory_space<vmem>>, vector<1x16xf32>,
        %get3A_266 = vector.shape_cast %get3A_265 : vector<1x16xf32> to vector<16xf32>
        %mul3A_267 = arith.mulf %get3A_266, %get3A_102 : vector<16xf32>
        %add3A_268 = arith.addf %add3A_262, %mul3A_267 : vector<16xf32>
        %get3A_269 = arith.index_cast %add3A_227 : i32 to index
        %get3A_270 = arith.constant 112 : index
        %get3A_271 = tpu.vector_load %arg9[%get3A_269, %get3A_270] {strides = array<i32>} : memref<800x128xf32, #tpu.memory_space<vmem>>, vector<1x16xf32>,
        %get3A_272 = vector.shape_cast %get3A_271 : vector<1x16xf32> to vector<16xf32>
        %mul3A_273 = arith.mulf %get3A_272, %get3A_107 : vector<16xf32>
        %add3A_274 = arith.addf %add3A_268, %mul3A_273 : vector<16xf32>
        %reshape3A_275 = vector.shape_cast %xor3A_109 : vector<16xi32> to vector<16x1xi32>
        %gather3A_276 = vector.shape_cast %reshape3A_275 : vector<16x1xi32> to vector<16xi32>
        %gather3A_277 = tpu.dynamic_gather %add3A_274[%gather3A_276] in [0] : vector<16xf32>, vector<16xi32> -> vector<16xf32>
        %add3A_278 = arith.addf %add3A_274, %gather3A_277 : vector<16xf32>
        %reshape3A_279 = vector.shape_cast %xor3A_112 : vector<16xi32> to vector<16x1xi32>
        %gather3A_280 = vector.shape_cast %reshape3A_279 : vector<16x1xi32> to vector<16xi32>
        %gather3A_281 = tpu.dynamic_gather %add3A_278[%gather3A_280] in [0] : vector<16xf32>, vector<16xi32> -> vector<16xf32>
        %add3A_282 = arith.addf %add3A_278, %gather3A_281 : vector<16xf32>
        %reshape3A_283 = vector.shape_cast %xor3A_115 : vector<16xi32> to vector<16x1xi32>
        %gather3A_284 = vector.shape_cast %reshape3A_283 : vector<16x1xi32> to vector<16xi32>
        %gather3A_285 = tpu.dynamic_gather %add3A_282[%gather3A_284] in [0] : vector<16xf32>, vector<16xi32> -> vector<16xf32>
        %add3A_286 = arith.addf %add3A_282, %gather3A_285 : vector<16xf32>
        %reshape3A_287 = vector.shape_cast %xor3A_118 : vector<16xi32> to vector<16x1xi32>
        %gather3A_288 = vector.shape_cast %reshape3A_287 : vector<16x1xi32> to vector<16xi32>
        %gather3A_289 = tpu.dynamic_gather %add3A_286[%gather3A_288] in [0] : vector<16xf32>, vector<16xi32> -> vector<16xf32>
        %add3A_290 = arith.addf %add3A_286, %gather3A_289 : vector<16xf32>
        %eq3A_291 = arith.constant 1 : i32
        %eq3A_292 = vector.broadcast %eq3A_291 : i32 to vector<16xi32>
        %eq3A_293 = arith.cmpi eq, %iota3A, %eq3A_292 : vector<16xi32>
        %select_n3A_294 = arith.select %eq3A_293, %add3A_290, %select_n3A : vector<16xi1>, vector<16xf32>
        %mul3A_295 = arith.constant 16 : i32
        %mul3A_296 = arith.muli %while3A_154, %mul3A_295 : i32
        %add3A_297 = arith.constant 2 : i32
        %add3A_298 = arith.addi %mul3A_296, %add3A_297 : i32
        %get3A_299 = arith.index_cast %add3A_298 : i32 to index
        %get3A_300 = arith.constant 0 : index
        %get3A_301 = tpu.vector_load %arg9[%get3A_299, %get3A_300] {strides = array<i32>} : memref<800x128xf32, #tpu.memory_space<vmem>>, vector<1x16xf32>,
        %get3A_302 = vector.shape_cast %get3A_301 : vector<1x16xf32> to vector<16xf32>
        %mul3A_303 = arith.mulf %get3A_302, %get3A_72 : vector<16xf32>
        %get3A_304 = arith.index_cast %add3A_298 : i32 to index
        %get3A_305 = arith.constant 16 : index
        %get3A_306 = tpu.vector_load %arg9[%get3A_304, %get3A_305] {strides = array<i32>} : memref<800x128xf32, #tpu.memory_space<vmem>>, vector<1x16xf32>,
        %get3A_307 = vector.shape_cast %get3A_306 : vector<1x16xf32> to vector<16xf32>
        %mul3A_308 = arith.mulf %get3A_307, %get3A_77 : vector<16xf32>
        %add3A_309 = arith.addf %mul3A_303, %mul3A_308 : vector<16xf32>
        %get3A_310 = arith.index_cast %add3A_298 : i32 to index
        %get3A_311 = arith.constant 32 : index
        %get3A_312 = tpu.vector_load %arg9[%get3A_310, %get3A_311] {strides = array<i32>} : memref<800x128xf32, #tpu.memory_space<vmem>>, vector<1x16xf32>,
        %get3A_313 = vector.shape_cast %get3A_312 : vector<1x16xf32> to vector<16xf32>
        %mul3A_314 = arith.mulf %get3A_313, %get3A_82 : vector<16xf32>
        %add3A_315 = arith.addf %add3A_309, %mul3A_314 : vector<16xf32>
        %get3A_316 = arith.index_cast %add3A_298 : i32 to index
        %get3A_317 = arith.constant 48 : index
        %get3A_318 = tpu.vector_load %arg9[%get3A_316, %get3A_317] {strides = array<i32>} : memref<800x128xf32, #tpu.memory_space<vmem>>, vector<1x16xf32>,
        %get3A_319 = vector.shape_cast %get3A_318 : vector<1x16xf32> to vector<16xf32>
        %mul3A_320 = arith.mulf %get3A_319, %get3A_87 : vector<16xf32>
        %add3A_321 = arith.addf %add3A_315, %mul3A_320 : vector<16xf32>
        %get3A_322 = arith.index_cast %add3A_298 : i32 to index
        %get3A_323 = arith.constant 64 : index
        %get3A_324 = tpu.vector_load %arg9[%get3A_322, %get3A_323] {strides = array<i32>} : memref<800x128xf32, #tpu.memory_space<vmem>>, vector<1x16xf32>,
        %get3A_325 = vector.shape_cast %get3A_324 : vector<1x16xf32> to vector<16xf32>
        %mul3A_326 = arith.mulf %get3A_325, %get3A_92 : vector<16xf32>
        %add3A_327 = arith.addf %add3A_321, %mul3A_326 : vector<16xf32>
        %get3A_328 = arith.index_cast %add3A_298 : i32 to index
        %get3A_329 = arith.constant 80 : index
        %get3A_330 = tpu.vector_load %arg9[%get3A_328, %get3A_329] {strides = array<i32>} : memref<800x128xf32, #tpu.memory_space<vmem>>, vector<1x16xf32>,
        %get3A_331 = vector.shape_cast %get3A_330 : vector<1x16xf32> to vector<16xf32>
        %mul3A_332 = arith.mulf %get3A_331, %get3A_97 : vector<16xf32>
        %add3A_333 = arith.addf %add3A_327, %mul3A_332 : vector<16xf32>
        %get3A_334 = arith.index_cast %add3A_298 : i32 to index
        %get3A_335 = arith.constant 96 : index
        %get3A_336 = tpu.vector_load %arg9[%get3A_334, %get3A_335] {strides = array<i32>} : memref<800x128xf32, #tpu.memory_space<vmem>>, vector<1x16xf32>,
        %get3A_337 = vector.shape_cast %get3A_336 : vector<1x16xf32> to vector<16xf32>
        %mul3A_338 = arith.mulf %get3A_337, %get3A_102 : vector<16xf32>
        %add3A_339 = arith.addf %add3A_333, %mul3A_338 : vector<16xf32>
        %get3A_340 = arith.index_cast %add3A_298 : i32 to index
        %get3A_341 = arith.constant 112 : index
        %get3A_342 = tpu.vector_load %arg9[%get3A_340, %get3A_341] {strides = array<i32>} : memref<800x128xf32, #tpu.memory_space<vmem>>, vector<1x16xf32>,
        %get3A_343 = vector.shape_cast %get3A_342 : vector<1x16xf32> to vector<16xf32>
        %mul3A_344 = arith.mulf %get3A_343, %get3A_107 : vector<16xf32>
        %add3A_345 = arith.addf %add3A_339, %mul3A_344 : vector<16xf32>
        %reshape3A_346 = vector.shape_cast %xor3A_109 : vector<16xi32> to vector<16x1xi32>
        %gather3A_347 = vector.shape_cast %reshape3A_346 : vector<16x1xi32> to vector<16xi32>
        %gather3A_348 = tpu.dynamic_gather %add3A_345[%gather3A_347] in [0] : vector<16xf32>, vector<16xi32> -> vector<16xf32>
        %add3A_349 = arith.addf %add3A_345, %gather3A_348 : vector<16xf32>
        %reshape3A_350 = vector.shape_cast %xor3A_112 : vector<16xi32> to vector<16x1xi32>
        %gather3A_351 = vector.shape_cast %reshape3A_350 : vector<16x1xi32> to vector<16xi32>
        %gather3A_352 = tpu.dynamic_gather %add3A_349[%gather3A_351] in [0] : vector<16xf32>, vector<16xi32> -> vector<16xf32>
        %add3A_353 = arith.addf %add3A_349, %gather3A_352 : vector<16xf32>
        %reshape3A_354 = vector.shape_cast %xor3A_115 : vector<16xi32> to vector<16x1xi32>
        %gather3A_355 = vector.shape_cast %reshape3A_354 : vector<16x1xi32> to vector<16xi32>
        %gather3A_356 = tpu.dynamic_gather %add3A_353[%gather3A_355] in [0] : vector<16xf32>, vector<16xi32> -> vector<16xf32>
        %add3A_357 = arith.addf %add3A_353, %gather3A_356 : vector<16xf32>
        %reshape3A_358 = vector.shape_cast %xor3A_118 : vector<16xi32> to vector<16x1xi32>
        %gather3A_359 = vector.shape_cast %reshape3A_358 : vector<16x1xi32> to vector<16xi32>
        %gather3A_360 = tpu.dynamic_gather %add3A_357[%gather3A_359] in [0] : vector<16xf32>, vector<16xi32> -> vector<16xf32>
        %add3A_361 = arith.addf %add3A_357, %gather3A_360 : vector<16xf32>
        %eq3A_362 = arith.constant 2 : i32
        %eq3A_363 = vector.broadcast %eq3A_362 : i32 to vector<16xi32>
        %eq3A_364 = arith.cmpi eq, %iota3A, %eq3A_363 : vector<16xi32>
        %select_n3A_365 = arith.select %eq3A_364, %add3A_361, %select_n3A_294 : vector<16xi1>, vector<16xf32>
        %mul3A_366 = arith.constant 16 : i32
        %mul3A_367 = arith.muli %while3A_154, %mul3A_366 : i32
        %add3A_368 = arith.constant 3 : i32
        %add3A_369 = arith.addi %mul3A_367, %add3A_368 : i32
        %get3A_370 = arith.index_cast %add3A_369 : i32 to index
        %get3A_371 = arith.constant 0 : index
        %get3A_372 = tpu.vector_load %arg9[%get3A_370, %get3A_371] {strides = array<i32>} : memref<800x128xf32, #tpu.memory_space<vmem>>, vector<1x16xf32>,
        %get3A_373 = vector.shape_cast %get3A_372 : vector<1x16xf32> to vector<16xf32>
        %mul3A_374 = arith.mulf %get3A_373, %get3A_72 : vector<16xf32>
        %get3A_375 = arith.index_cast %add3A_369 : i32 to index
        %get3A_376 = arith.constant 16 : index
        %get3A_377 = tpu.vector_load %arg9[%get3A_375, %get3A_376] {strides = array<i32>} : memref<800x128xf32, #tpu.memory_space<vmem>>, vector<1x16xf32>,
        %get3A_378 = vector.shape_cast %get3A_377 : vector<1x16xf32> to vector<16xf32>
        %mul3A_379 = arith.mulf %get3A_378, %get3A_77 : vector<16xf32>
        %add3A_380 = arith.addf %mul3A_374, %mul3A_379 : vector<16xf32>
        %get3A_381 = arith.index_cast %add3A_369 : i32 to index
        %get3A_382 = arith.constant 32 : index
        %get3A_383 = tpu.vector_load %arg9[%get3A_381, %get3A_382] {strides = array<i32>} : memref<800x128xf32, #tpu.memory_space<vmem>>, vector<1x16xf32>,
        %get3A_384 = vector.shape_cast %get3A_383 : vector<1x16xf32> to vector<16xf32>
        %mul3A_385 = arith.mulf %get3A_384, %get3A_82 : vector<16xf32>
        %add3A_386 = arith.addf %add3A_380, %mul3A_385 : vector<16xf32>
        %get3A_387 = arith.index_cast %add3A_369 : i32 to index
        %get3A_388 = arith.constant 48 : index
        %get3A_389 = tpu.vector_load %arg9[%get3A_387, %get3A_388] {strides = array<i32>} : memref<800x128xf32, #tpu.memory_space<vmem>>, vector<1x16xf32>,
        %get3A_390 = vector.shape_cast %get3A_389 : vector<1x16xf32> to vector<16xf32>
        %mul3A_391 = arith.mulf %get3A_390, %get3A_87 : vector<16xf32>
        %add3A_392 = arith.addf %add3A_386, %mul3A_391 : vector<16xf32>
        %get3A_393 = arith.index_cast %add3A_369 : i32 to index
        %get3A_394 = arith.constant 64 : index
        %get3A_395 = tpu.vector_load %arg9[%get3A_393, %get3A_394] {strides = array<i32>} : memref<800x128xf32, #tpu.memory_space<vmem>>, vector<1x16xf32>,
        %get3A_396 = vector.shape_cast %get3A_395 : vector<1x16xf32> to vector<16xf32>
        %mul3A_397 = arith.mulf %get3A_396, %get3A_92 : vector<16xf32>
        %add3A_398 = arith.addf %add3A_392, %mul3A_397 : vector<16xf32>
        %get3A_399 = arith.index_cast %add3A_369 : i32 to index
        %get3A_400 = arith.constant 80 : index
        %get3A_401 = tpu.vector_load %arg9[%get3A_399, %get3A_400] {strides = array<i32>} : memref<800x128xf32, #tpu.memory_space<vmem>>, vector<1x16xf32>,
        %get3A_402 = vector.shape_cast %get3A_401 : vector<1x16xf32> to vector<16xf32>
        %mul3A_403 = arith.mulf %get3A_402, %get3A_97 : vector<16xf32>
        %add3A_404 = arith.addf %add3A_398, %mul3A_403 : vector<16xf32>
        %get3A_405 = arith.index_cast %add3A_369 : i32 to index
        %get3A_406 = arith.constant 96 : index
        %get3A_407 = tpu.vector_load %arg9[%get3A_405, %get3A_406] {strides = array<i32>} : memref<800x128xf32, #tpu.memory_space<vmem>>, vector<1x16xf32>,
        %get3A_408 = vector.shape_cast %get3A_407 : vector<1x16xf32> to vector<16xf32>
        %mul3A_409 = arith.mulf %get3A_408, %get3A_102 : vector<16xf32>
        %add3A_410 = arith.addf %add3A_404, %mul3A_409 : vector<16xf32>
        %get3A_411 = arith.index_cast %add3A_369 : i32 to index
        %get3A_412 = arith.constant 112 : index
        %get3A_413 = tpu.vector_load %arg9[%get3A_411, %get3A_412] {strides = array<i32>} : memref<800x128xf32, #tpu.memory_space<vmem>>, vector<1x16xf32>,
        %get3A_414 = vector.shape_cast %get3A_413 : vector<1x16xf32> to vector<16xf32>
        %mul3A_415 = arith.mulf %get3A_414, %get3A_107 : vector<16xf32>
        %add3A_416 = arith.addf %add3A_410, %mul3A_415 : vector<16xf32>
        %reshape3A_417 = vector.shape_cast %xor3A_109 : vector<16xi32> to vector<16x1xi32>
        %gather3A_418 = vector.shape_cast %reshape3A_417 : vector<16x1xi32> to vector<16xi32>
        %gather3A_419 = tpu.dynamic_gather %add3A_416[%gather3A_418] in [0] : vector<16xf32>, vector<16xi32> -> vector<16xf32>
        %add3A_420 = arith.addf %add3A_416, %gather3A_419 : vector<16xf32>
        %reshape3A_421 = vector.shape_cast %xor3A_112 : vector<16xi32> to vector<16x1xi32>
        %gather3A_422 = vector.shape_cast %reshape3A_421 : vector<16x1xi32> to vector<16xi32>
        %gather3A_423 = tpu.dynamic_gather %add3A_420[%gather3A_422] in [0] : vector<16xf32>, vector<16xi32> -> vector<16xf32>
        %add3A_424 = arith.addf %add3A_420, %gather3A_423 : vector<16xf32>
        %reshape3A_425 = vector.shape_cast %xor3A_115 : vector<16xi32> to vector<16x1xi32>
        %gather3A_426 = vector.shape_cast %reshape3A_425 : vector<16x1xi32> to vector<16xi32>
        %gather3A_427 = tpu.dynamic_gather %add3A_424[%gather3A_426] in [0] : vector<16xf32>, vector<16xi32> -> vector<16xf32>
        %add3A_428 = arith.addf %add3A_424, %gather3A_427 : vector<16xf32>
        %reshape3A_429 = vector.shape_cast %xor3A_118 : vector<16xi32> to vector<16x1xi32>
        %gather3A_430 = vector.shape_cast %reshape3A_429 : vector<16x1xi32> to vector<16xi32>
        %gather3A_431 = tpu.dynamic_gather %add3A_428[%gather3A_430] in [0] : vector<16xf32>, vector<16xi32> -> vector<16xf32>
        %add3A_432 = arith.addf %add3A_428, %gather3A_431 : vector<16xf32>
        %eq3A_433 = arith.constant 3 : i32
        %eq3A_434 = vector.broadcast %eq3A_433 : i32 to vector<16xi32>
        %eq3A_435 = arith.cmpi eq, %iota3A, %eq3A_434 : vector<16xi32>
        %select_n3A_436 = arith.select %eq3A_435, %add3A_432, %select_n3A_365 : vector<16xi1>, vector<16xf32>
        %mul3A_437 = arith.constant 16 : i32
        %mul3A_438 = arith.muli %while3A_154, %mul3A_437 : i32
        %add3A_439 = arith.constant 4 : i32
        %add3A_440 = arith.addi %mul3A_438, %add3A_439 : i32
        %get3A_441 = arith.index_cast %add3A_440 : i32 to index
        %get3A_442 = arith.constant 0 : index
        %get3A_443 = tpu.vector_load %arg9[%get3A_441, %get3A_442] {strides = array<i32>} : memref<800x128xf32, #tpu.memory_space<vmem>>, vector<1x16xf32>,
        %get3A_444 = vector.shape_cast %get3A_443 : vector<1x16xf32> to vector<16xf32>
        %mul3A_445 = arith.mulf %get3A_444, %get3A_72 : vector<16xf32>
        %get3A_446 = arith.index_cast %add3A_440 : i32 to index
        %get3A_447 = arith.constant 16 : index
        %get3A_448 = tpu.vector_load %arg9[%get3A_446, %get3A_447] {strides = array<i32>} : memref<800x128xf32, #tpu.memory_space<vmem>>, vector<1x16xf32>,
        %get3A_449 = vector.shape_cast %get3A_448 : vector<1x16xf32> to vector<16xf32>
        %mul3A_450 = arith.mulf %get3A_449, %get3A_77 : vector<16xf32>
        %add3A_451 = arith.addf %mul3A_445, %mul3A_450 : vector<16xf32>
        %get3A_452 = arith.index_cast %add3A_440 : i32 to index
        %get3A_453 = arith.constant 32 : index
        %get3A_454 = tpu.vector_load %arg9[%get3A_452, %get3A_453] {strides = array<i32>} : memref<800x128xf32, #tpu.memory_space<vmem>>, vector<1x16xf32>,
        %get3A_455 = vector.shape_cast %get3A_454 : vector<1x16xf32> to vector<16xf32>
        %mul3A_456 = arith.mulf %get3A_455, %get3A_82 : vector<16xf32>
        %add3A_457 = arith.addf %add3A_451, %mul3A_456 : vector<16xf32>
        %get3A_458 = arith.index_cast %add3A_440 : i32 to index
        %get3A_459 = arith.constant 48 : index
        %get3A_460 = tpu.vector_load %arg9[%get3A_458, %get3A_459] {strides = array<i32>} : memref<800x128xf32, #tpu.memory_space<vmem>>, vector<1x16xf32>,
        %get3A_461 = vector.shape_cast %get3A_460 : vector<1x16xf32> to vector<16xf32>
        %mul3A_462 = arith.mulf %get3A_461, %get3A_87 : vector<16xf32>
        %add3A_463 = arith.addf %add3A_457, %mul3A_462 : vector<16xf32>
        %get3A_464 = arith.index_cast %add3A_440 : i32 to index
        %get3A_465 = arith.constant 64 : index
        %get3A_466 = tpu.vector_load %arg9[%get3A_464, %get3A_465] {strides = array<i32>} : memref<800x128xf32, #tpu.memory_space<vmem>>, vector<1x16xf32>,
        %get3A_467 = vector.shape_cast %get3A_466 : vector<1x16xf32> to vector<16xf32>
        %mul3A_468 = arith.mulf %get3A_467, %get3A_92 : vector<16xf32>
        %add3A_469 = arith.addf %add3A_463, %mul3A_468 : vector<16xf32>
        %get3A_470 = arith.index_cast %add3A_440 : i32 to index
        %get3A_471 = arith.constant 80 : index
        %get3A_472 = tpu.vector_load %arg9[%get3A_470, %get3A_471] {strides = array<i32>} : memref<800x128xf32, #tpu.memory_space<vmem>>, vector<1x16xf32>,
        %get3A_473 = vector.shape_cast %get3A_472 : vector<1x16xf32> to vector<16xf32>
        %mul3A_474 = arith.mulf %get3A_473, %get3A_97 : vector<16xf32>
        %add3A_475 = arith.addf %add3A_469, %mul3A_474 : vector<16xf32>
        %get3A_476 = arith.index_cast %add3A_440 : i32 to index
        %get3A_477 = arith.constant 96 : index
        %get3A_478 = tpu.vector_load %arg9[%get3A_476, %get3A_477] {strides = array<i32>} : memref<800x128xf32, #tpu.memory_space<vmem>>, vector<1x16xf32>,
        %get3A_479 = vector.shape_cast %get3A_478 : vector<1x16xf32> to vector<16xf32>
        %mul3A_480 = arith.mulf %get3A_479, %get3A_102 : vector<16xf32>
        %add3A_481 = arith.addf %add3A_475, %mul3A_480 : vector<16xf32>
        %get3A_482 = arith.index_cast %add3A_440 : i32 to index
        %get3A_483 = arith.constant 112 : index
        %get3A_484 = tpu.vector_load %arg9[%get3A_482, %get3A_483] {strides = array<i32>} : memref<800x128xf32, #tpu.memory_space<vmem>>, vector<1x16xf32>,
        %get3A_485 = vector.shape_cast %get3A_484 : vector<1x16xf32> to vector<16xf32>
        %mul3A_486 = arith.mulf %get3A_485, %get3A_107 : vector<16xf32>
        %add3A_487 = arith.addf %add3A_481, %mul3A_486 : vector<16xf32>
        %reshape3A_488 = vector.shape_cast %xor3A_109 : vector<16xi32> to vector<16x1xi32>
        %gather3A_489 = vector.shape_cast %reshape3A_488 : vector<16x1xi32> to vector<16xi32>
        %gather3A_490 = tpu.dynamic_gather %add3A_487[%gather3A_489] in [0] : vector<16xf32>, vector<16xi32> -> vector<16xf32>
        %add3A_491 = arith.addf %add3A_487, %gather3A_490 : vector<16xf32>
        %reshape3A_492 = vector.shape_cast %xor3A_112 : vector<16xi32> to vector<16x1xi32>
        %gather3A_493 = vector.shape_cast %reshape3A_492 : vector<16x1xi32> to vector<16xi32>
        %gather3A_494 = tpu.dynamic_gather %add3A_491[%gather3A_493] in [0] : vector<16xf32>, vector<16xi32> -> vector<16xf32>
        %add3A_495 = arith.addf %add3A_491, %gather3A_494 : vector<16xf32>
        %reshape3A_496 = vector.shape_cast %xor3A_115 : vector<16xi32> to vector<16x1xi32>
        %gather3A_497 = vector.shape_cast %reshape3A_496 : vector<16x1xi32> to vector<16xi32>
        %gather3A_498 = tpu.dynamic_gather %add3A_495[%gather3A_497] in [0] : vector<16xf32>, vector<16xi32> -> vector<16xf32>
        %add3A_499 = arith.addf %add3A_495, %gather3A_498 : vector<16xf32>
        %reshape3A_500 = vector.shape_cast %xor3A_118 : vector<16xi32> to vector<16x1xi32>
        %gather3A_501 = vector.shape_cast %reshape3A_500 : vector<16x1xi32> to vector<16xi32>
        %gather3A_502 = tpu.dynamic_gather %add3A_499[%gather3A_501] in [0] : vector<16xf32>, vector<16xi32> -> vector<16xf32>
        %add3A_503 = arith.addf %add3A_499, %gather3A_502 : vector<16xf32>
        %eq3A_504 = arith.constant 4 : i32
        %eq3A_505 = vector.broadcast %eq3A_504 : i32 to vector<16xi32>
        %eq3A_506 = arith.cmpi eq, %iota3A, %eq3A_505 : vector<16xi32>
        %select_n3A_507 = arith.select %eq3A_506, %add3A_503, %select_n3A_436 : vector<16xi1>, vector<16xf32>
        %mul3A_508 = arith.constant 16 : i32
        %mul3A_509 = arith.muli %while3A_154, %mul3A_508 : i32
        %add3A_510 = arith.constant 5 : i32
        %add3A_511 = arith.addi %mul3A_509, %add3A_510 : i32
        %get3A_512 = arith.index_cast %add3A_511 : i32 to index
        %get3A_513 = arith.constant 0 : index
        %get3A_514 = tpu.vector_load %arg9[%get3A_512, %get3A_513] {strides = array<i32>} : memref<800x128xf32, #tpu.memory_space<vmem>>, vector<1x16xf32>,
        %get3A_515 = vector.shape_cast %get3A_514 : vector<1x16xf32> to vector<16xf32>
        %mul3A_516 = arith.mulf %get3A_515, %get3A_72 : vector<16xf32>
        %get3A_517 = arith.index_cast %add3A_511 : i32 to index
        %get3A_518 = arith.constant 16 : index
        %get3A_519 = tpu.vector_load %arg9[%get3A_517, %get3A_518] {strides = array<i32>} : memref<800x128xf32, #tpu.memory_space<vmem>>, vector<1x16xf32>,
        %get3A_520 = vector.shape_cast %get3A_519 : vector<1x16xf32> to vector<16xf32>
        %mul3A_521 = arith.mulf %get3A_520, %get3A_77 : vector<16xf32>
        %add3A_522 = arith.addf %mul3A_516, %mul3A_521 : vector<16xf32>
        %get3A_523 = arith.index_cast %add3A_511 : i32 to index
        %get3A_524 = arith.constant 32 : index
        %get3A_525 = tpu.vector_load %arg9[%get3A_523, %get3A_524] {strides = array<i32>} : memref<800x128xf32, #tpu.memory_space<vmem>>, vector<1x16xf32>,
        %get3A_526 = vector.shape_cast %get3A_525 : vector<1x16xf32> to vector<16xf32>
        %mul3A_527 = arith.mulf %get3A_526, %get3A_82 : vector<16xf32>
        %add3A_528 = arith.addf %add3A_522, %mul3A_527 : vector<16xf32>
        %get3A_529 = arith.index_cast %add3A_511 : i32 to index
        %get3A_530 = arith.constant 48 : index
        %get3A_531 = tpu.vector_load %arg9[%get3A_529, %get3A_530] {strides = array<i32>} : memref<800x128xf32, #tpu.memory_space<vmem>>, vector<1x16xf32>,
        %get3A_532 = vector.shape_cast %get3A_531 : vector<1x16xf32> to vector<16xf32>
        %mul3A_533 = arith.mulf %get3A_532, %get3A_87 : vector<16xf32>
        %add3A_534 = arith.addf %add3A_528, %mul3A_533 : vector<16xf32>
        %get3A_535 = arith.index_cast %add3A_511 : i32 to index
        %get3A_536 = arith.constant 64 : index
        %get3A_537 = tpu.vector_load %arg9[%get3A_535, %get3A_536] {strides = array<i32>} : memref<800x128xf32, #tpu.memory_space<vmem>>, vector<1x16xf32>,
        %get3A_538 = vector.shape_cast %get3A_537 : vector<1x16xf32> to vector<16xf32>
        %mul3A_539 = arith.mulf %get3A_538, %get3A_92 : vector<16xf32>
        %add3A_540 = arith.addf %add3A_534, %mul3A_539 : vector<16xf32>
        %get3A_541 = arith.index_cast %add3A_511 : i32 to index
        %get3A_542 = arith.constant 80 : index
        %get3A_543 = tpu.vector_load %arg9[%get3A_541, %get3A_542] {strides = array<i32>} : memref<800x128xf32, #tpu.memory_space<vmem>>, vector<1x16xf32>,
        %get3A_544 = vector.shape_cast %get3A_543 : vector<1x16xf32> to vector<16xf32>
        %mul3A_545 = arith.mulf %get3A_544, %get3A_97 : vector<16xf32>
        %add3A_546 = arith.addf %add3A_540, %mul3A_545 : vector<16xf32>
        %get3A_547 = arith.index_cast %add3A_511 : i32 to index
        %get3A_548 = arith.constant 96 : index
        %get3A_549 = tpu.vector_load %arg9[%get3A_547, %get3A_548] {strides = array<i32>} : memref<800x128xf32, #tpu.memory_space<vmem>>, vector<1x16xf32>,
        %get3A_550 = vector.shape_cast %get3A_549 : vector<1x16xf32> to vector<16xf32>
        %mul3A_551 = arith.mulf %get3A_550, %get3A_102 : vector<16xf32>
        %add3A_552 = arith.addf %add3A_546, %mul3A_551 : vector<16xf32>
        %get3A_553 = arith.index_cast %add3A_511 : i32 to index
        %get3A_554 = arith.constant 112 : index
        %get3A_555 = tpu.vector_load %arg9[%get3A_553, %get3A_554] {strides = array<i32>} : memref<800x128xf32, #tpu.memory_space<vmem>>, vector<1x16xf32>,
        %get3A_556 = vector.shape_cast %get3A_555 : vector<1x16xf32> to vector<16xf32>
        %mul3A_557 = arith.mulf %get3A_556, %get3A_107 : vector<16xf32>
        %add3A_558 = arith.addf %add3A_552, %mul3A_557 : vector<16xf32>
        %reshape3A_559 = vector.shape_cast %xor3A_109 : vector<16xi32> to vector<16x1xi32>
        %gather3A_560 = vector.shape_cast %reshape3A_559 : vector<16x1xi32> to vector<16xi32>
        %gather3A_561 = tpu.dynamic_gather %add3A_558[%gather3A_560] in [0] : vector<16xf32>, vector<16xi32> -> vector<16xf32>
        %add3A_562 = arith.addf %add3A_558, %gather3A_561 : vector<16xf32>
        %reshape3A_563 = vector.shape_cast %xor3A_112 : vector<16xi32> to vector<16x1xi32>
        %gather3A_564 = vector.shape_cast %reshape3A_563 : vector<16x1xi32> to vector<16xi32>
        %gather3A_565 = tpu.dynamic_gather %add3A_562[%gather3A_564] in [0] : vector<16xf32>, vector<16xi32> -> vector<16xf32>
        %add3A_566 = arith.addf %add3A_562, %gather3A_565 : vector<16xf32>
        %reshape3A_567 = vector.shape_cast %xor3A_115 : vector<16xi32> to vector<16x1xi32>
        %gather3A_568 = vector.shape_cast %reshape3A_567 : vector<16x1xi32> to vector<16xi32>
        %gather3A_569 = tpu.dynamic_gather %add3A_566[%gather3A_568] in [0] : vector<16xf32>, vector<16xi32> -> vector<16xf32>
        %add3A_570 = arith.addf %add3A_566, %gather3A_569 : vector<16xf32>
        %reshape3A_571 = vector.shape_cast %xor3A_118 : vector<16xi32> to vector<16x1xi32>
        %gather3A_572 = vector.shape_cast %reshape3A_571 : vector<16x1xi32> to vector<16xi32>
        %gather3A_573 = tpu.dynamic_gather %add3A_570[%gather3A_572] in [0] : vector<16xf32>, vector<16xi32> -> vector<16xf32>
        %add3A_574 = arith.addf %add3A_570, %gather3A_573 : vector<16xf32>
        %eq3A_575 = arith.constant 5 : i32
        %eq3A_576 = vector.broadcast %eq3A_575 : i32 to vector<16xi32>
        %eq3A_577 = arith.cmpi eq, %iota3A, %eq3A_576 : vector<16xi32>
        %select_n3A_578 = arith.select %eq3A_577, %add3A_574, %select_n3A_507 : vector<16xi1>, vector<16xf32>
        %mul3A_579 = arith.constant 16 : i32
        %mul3A_580 = arith.muli %while3A_154, %mul3A_579 : i32
        %add3A_581 = arith.constant 6 : i32
        %add3A_582 = arith.addi %mul3A_580, %add3A_581 : i32
        %get3A_583 = arith.index_cast %add3A_582 : i32 to index
        %get3A_584 = arith.constant 0 : index
        %get3A_585 = tpu.vector_load %arg9[%get3A_583, %get3A_584] {strides = array<i32>} : memref<800x128xf32, #tpu.memory_space<vmem>>, vector<1x16xf32>,
        %get3A_586 = vector.shape_cast %get3A_585 : vector<1x16xf32> to vector<16xf32>
        %mul3A_587 = arith.mulf %get3A_586, %get3A_72 : vector<16xf32>
        %get3A_588 = arith.index_cast %add3A_582 : i32 to index
        %get3A_589 = arith.constant 16 : index
        %get3A_590 = tpu.vector_load %arg9[%get3A_588, %get3A_589] {strides = array<i32>} : memref<800x128xf32, #tpu.memory_space<vmem>>, vector<1x16xf32>,
        %get3A_591 = vector.shape_cast %get3A_590 : vector<1x16xf32> to vector<16xf32>
        %mul3A_592 = arith.mulf %get3A_591, %get3A_77 : vector<16xf32>
        %add3A_593 = arith.addf %mul3A_587, %mul3A_592 : vector<16xf32>
        %get3A_594 = arith.index_cast %add3A_582 : i32 to index
        %get3A_595 = arith.constant 32 : index
        %get3A_596 = tpu.vector_load %arg9[%get3A_594, %get3A_595] {strides = array<i32>} : memref<800x128xf32, #tpu.memory_space<vmem>>, vector<1x16xf32>,
        %get3A_597 = vector.shape_cast %get3A_596 : vector<1x16xf32> to vector<16xf32>
        %mul3A_598 = arith.mulf %get3A_597, %get3A_82 : vector<16xf32>
        %add3A_599 = arith.addf %add3A_593, %mul3A_598 : vector<16xf32>
        %get3A_600 = arith.index_cast %add3A_582 : i32 to index
        %get3A_601 = arith.constant 48 : index
        %get3A_602 = tpu.vector_load %arg9[%get3A_600, %get3A_601] {strides = array<i32>} : memref<800x128xf32, #tpu.memory_space<vmem>>, vector<1x16xf32>,
        %get3A_603 = vector.shape_cast %get3A_602 : vector<1x16xf32> to vector<16xf32>
        %mul3A_604 = arith.mulf %get3A_603, %get3A_87 : vector<16xf32>
        %add3A_605 = arith.addf %add3A_599, %mul3A_604 : vector<16xf32>
        %get3A_606 = arith.index_cast %add3A_582 : i32 to index
        %get3A_607 = arith.constant 64 : index
        %get3A_608 = tpu.vector_load %arg9[%get3A_606, %get3A_607] {strides = array<i32>} : memref<800x128xf32, #tpu.memory_space<vmem>>, vector<1x16xf32>,
        %get3A_609 = vector.shape_cast %get3A_608 : vector<1x16xf32> to vector<16xf32>
        %mul3A_610 = arith.mulf %get3A_609, %get3A_92 : vector<16xf32>
        %add3A_611 = arith.addf %add3A_605, %mul3A_610 : vector<16xf32>
        %get3A_612 = arith.index_cast %add3A_582 : i32 to index
        %get3A_613 = arith.constant 80 : index
        %get3A_614 = tpu.vector_load %arg9[%get3A_612, %get3A_613] {strides = array<i32>} : memref<800x128xf32, #tpu.memory_space<vmem>>, vector<1x16xf32>,
        %get3A_615 = vector.shape_cast %get3A_614 : vector<1x16xf32> to vector<16xf32>
        %mul3A_616 = arith.mulf %get3A_615, %get3A_97 : vector<16xf32>
        %add3A_617 = arith.addf %add3A_611, %mul3A_616 : vector<16xf32>
        %get3A_618 = arith.index_cast %add3A_582 : i32 to index
        %get3A_619 = arith.constant 96 : index
        %get3A_620 = tpu.vector_load %arg9[%get3A_618, %get3A_619] {strides = array<i32>} : memref<800x128xf32, #tpu.memory_space<vmem>>, vector<1x16xf32>,
        %get3A_621 = vector.shape_cast %get3A_620 : vector<1x16xf32> to vector<16xf32>
        %mul3A_622 = arith.mulf %get3A_621, %get3A_102 : vector<16xf32>
        %add3A_623 = arith.addf %add3A_617, %mul3A_622 : vector<16xf32>
        %get3A_624 = arith.index_cast %add3A_582 : i32 to index
        %get3A_625 = arith.constant 112 : index
        %get3A_626 = tpu.vector_load %arg9[%get3A_624, %get3A_625] {strides = array<i32>} : memref<800x128xf32, #tpu.memory_space<vmem>>, vector<1x16xf32>,
        %get3A_627 = vector.shape_cast %get3A_626 : vector<1x16xf32> to vector<16xf32>
        %mul3A_628 = arith.mulf %get3A_627, %get3A_107 : vector<16xf32>
        %add3A_629 = arith.addf %add3A_623, %mul3A_628 : vector<16xf32>
        %reshape3A_630 = vector.shape_cast %xor3A_109 : vector<16xi32> to vector<16x1xi32>
        %gather3A_631 = vector.shape_cast %reshape3A_630 : vector<16x1xi32> to vector<16xi32>
        %gather3A_632 = tpu.dynamic_gather %add3A_629[%gather3A_631] in [0] : vector<16xf32>, vector<16xi32> -> vector<16xf32>
        %add3A_633 = arith.addf %add3A_629, %gather3A_632 : vector<16xf32>
        %reshape3A_634 = vector.shape_cast %xor3A_112 : vector<16xi32> to vector<16x1xi32>
        %gather3A_635 = vector.shape_cast %reshape3A_634 : vector<16x1xi32> to vector<16xi32>
        %gather3A_636 = tpu.dynamic_gather %add3A_633[%gather3A_635] in [0] : vector<16xf32>, vector<16xi32> -> vector<16xf32>
        %add3A_637 = arith.addf %add3A_633, %gather3A_636 : vector<16xf32>
        %reshape3A_638 = vector.shape_cast %xor3A_115 : vector<16xi32> to vector<16x1xi32>
        %gather3A_639 = vector.shape_cast %reshape3A_638 : vector<16x1xi32> to vector<16xi32>
        %gather3A_640 = tpu.dynamic_gather %add3A_637[%gather3A_639] in [0] : vector<16xf32>, vector<16xi32> -> vector<16xf32>
        %add3A_641 = arith.addf %add3A_637, %gather3A_640 : vector<16xf32>
        %reshape3A_642 = vector.shape_cast %xor3A_118 : vector<16xi32> to vector<16x1xi32>
        %gather3A_643 = vector.shape_cast %reshape3A_642 : vector<16x1xi32> to vector<16xi32>
        %gather3A_644 = tpu.dynamic_gather %add3A_641[%gather3A_643] in [0] : vector<16xf32>, vector<16xi32> -> vector<16xf32>
        %add3A_645 = arith.addf %add3A_641, %gather3A_644 : vector<16xf32>
        %eq3A_646 = arith.constant 6 : i32
        %eq3A_647 = vector.broadcast %eq3A_646 : i32 to vector<16xi32>
        %eq3A_648 = arith.cmpi eq, %iota3A, %eq3A_647 : vector<16xi32>
        %select_n3A_649 = arith.select %eq3A_648, %add3A_645, %select_n3A_578 : vector<16xi1>, vector<16xf32>
        %mul3A_650 = arith.constant 16 : i32
        %mul3A_651 = arith.muli %while3A_154, %mul3A_650 : i32
        %add3A_652 = arith.constant 7 : i32
        %add3A_653 = arith.addi %mul3A_651, %add3A_652 : i32
        %get3A_654 = arith.index_cast %add3A_653 : i32 to index
        %get3A_655 = arith.constant 0 : index
        %get3A_656 = tpu.vector_load %arg9[%get3A_654, %get3A_655] {strides = array<i32>} : memref<800x128xf32, #tpu.memory_space<vmem>>, vector<1x16xf32>,
        %get3A_657 = vector.shape_cast %get3A_656 : vector<1x16xf32> to vector<16xf32>
        %mul3A_658 = arith.mulf %get3A_657, %get3A_72 : vector<16xf32>
        %get3A_659 = arith.index_cast %add3A_653 : i32 to index
        %get3A_660 = arith.constant 16 : index
        %get3A_661 = tpu.vector_load %arg9[%get3A_659, %get3A_660] {strides = array<i32>} : memref<800x128xf32, #tpu.memory_space<vmem>>, vector<1x16xf32>,
        %get3A_662 = vector.shape_cast %get3A_661 : vector<1x16xf32> to vector<16xf32>
        %mul3A_663 = arith.mulf %get3A_662, %get3A_77 : vector<16xf32>
        %add3A_664 = arith.addf %mul3A_658, %mul3A_663 : vector<16xf32>
        %get3A_665 = arith.index_cast %add3A_653 : i32 to index
        %get3A_666 = arith.constant 32 : index
        %get3A_667 = tpu.vector_load %arg9[%get3A_665, %get3A_666] {strides = array<i32>} : memref<800x128xf32, #tpu.memory_space<vmem>>, vector<1x16xf32>,
        %get3A_668 = vector.shape_cast %get3A_667 : vector<1x16xf32> to vector<16xf32>
        %mul3A_669 = arith.mulf %get3A_668, %get3A_82 : vector<16xf32>
        %add3A_670 = arith.addf %add3A_664, %mul3A_669 : vector<16xf32>
        %get3A_671 = arith.index_cast %add3A_653 : i32 to index
        %get3A_672 = arith.constant 48 : index
        %get3A_673 = tpu.vector_load %arg9[%get3A_671, %get3A_672] {strides = array<i32>} : memref<800x128xf32, #tpu.memory_space<vmem>>, vector<1x16xf32>,
        %get3A_674 = vector.shape_cast %get3A_673 : vector<1x16xf32> to vector<16xf32>
        %mul3A_675 = arith.mulf %get3A_674, %get3A_87 : vector<16xf32>
        %add3A_676 = arith.addf %add3A_670, %mul3A_675 : vector<16xf32>
        %get3A_677 = arith.index_cast %add3A_653 : i32 to index
        %get3A_678 = arith.constant 64 : index
        %get3A_679 = tpu.vector_load %arg9[%get3A_677, %get3A_678] {strides = array<i32>} : memref<800x128xf32, #tpu.memory_space<vmem>>, vector<1x16xf32>,
        %get3A_680 = vector.shape_cast %get3A_679 : vector<1x16xf32> to vector<16xf32>
        %mul3A_681 = arith.mulf %get3A_680, %get3A_92 : vector<16xf32>
        %add3A_682 = arith.addf %add3A_676, %mul3A_681 : vector<16xf32>
        %get3A_683 = arith.index_cast %add3A_653 : i32 to index
        %get3A_684 = arith.constant 80 : index
        %get3A_685 = tpu.vector_load %arg9[%get3A_683, %get3A_684] {strides = array<i32>} : memref<800x128xf32, #tpu.memory_space<vmem>>, vector<1x16xf32>,
        %get3A_686 = vector.shape_cast %get3A_685 : vector<1x16xf32> to vector<16xf32>
        %mul3A_687 = arith.mulf %get3A_686, %get3A_97 : vector<16xf32>
        %add3A_688 = arith.addf %add3A_682, %mul3A_687 : vector<16xf32>
        %get3A_689 = arith.index_cast %add3A_653 : i32 to index
        %get3A_690 = arith.constant 96 : index
        %get3A_691 = tpu.vector_load %arg9[%get3A_689, %get3A_690] {strides = array<i32>} : memref<800x128xf32, #tpu.memory_space<vmem>>, vector<1x16xf32>,
        %get3A_692 = vector.shape_cast %get3A_691 : vector<1x16xf32> to vector<16xf32>
        %mul3A_693 = arith.mulf %get3A_692, %get3A_102 : vector<16xf32>
        %add3A_694 = arith.addf %add3A_688, %mul3A_693 : vector<16xf32>
        %get3A_695 = arith.index_cast %add3A_653 : i32 to index
        %get3A_696 = arith.constant 112 : index
        %get3A_697 = tpu.vector_load %arg9[%get3A_695, %get3A_696] {strides = array<i32>} : memref<800x128xf32, #tpu.memory_space<vmem>>, vector<1x16xf32>,
        %get3A_698 = vector.shape_cast %get3A_697 : vector<1x16xf32> to vector<16xf32>
        %mul3A_699 = arith.mulf %get3A_698, %get3A_107 : vector<16xf32>
        %add3A_700 = arith.addf %add3A_694, %mul3A_699 : vector<16xf32>
        %reshape3A_701 = vector.shape_cast %xor3A_109 : vector<16xi32> to vector<16x1xi32>
        %gather3A_702 = vector.shape_cast %reshape3A_701 : vector<16x1xi32> to vector<16xi32>
        %gather3A_703 = tpu.dynamic_gather %add3A_700[%gather3A_702] in [0] : vector<16xf32>, vector<16xi32> -> vector<16xf32>
        %add3A_704 = arith.addf %add3A_700, %gather3A_703 : vector<16xf32>
        %reshape3A_705 = vector.shape_cast %xor3A_112 : vector<16xi32> to vector<16x1xi32>
        %gather3A_706 = vector.shape_cast %reshape3A_705 : vector<16x1xi32> to vector<16xi32>
        %gather3A_707 = tpu.dynamic_gather %add3A_704[%gather3A_706] in [0] : vector<16xf32>, vector<16xi32> -> vector<16xf32>
        %add3A_708 = arith.addf %add3A_704, %gather3A_707 : vector<16xf32>
        %reshape3A_709 = vector.shape_cast %xor3A_115 : vector<16xi32> to vector<16x1xi32>
        %gather3A_710 = vector.shape_cast %reshape3A_709 : vector<16x1xi32> to vector<16xi32>
        %gather3A_711 = tpu.dynamic_gather %add3A_708[%gather3A_710] in [0] : vector<16xf32>, vector<16xi32> -> vector<16xf32>
        %add3A_712 = arith.addf %add3A_708, %gather3A_711 : vector<16xf32>
        %reshape3A_713 = vector.shape_cast %xor3A_118 : vector<16xi32> to vector<16x1xi32>
        %gather3A_714 = vector.shape_cast %reshape3A_713 : vector<16x1xi32> to vector<16xi32>
        %gather3A_715 = tpu.dynamic_gather %add3A_712[%gather3A_714] in [0] : vector<16xf32>, vector<16xi32> -> vector<16xf32>
        %add3A_716 = arith.addf %add3A_712, %gather3A_715 : vector<16xf32>
        %eq3A_717 = arith.constant 7 : i32
        %eq3A_718 = vector.broadcast %eq3A_717 : i32 to vector<16xi32>
        %eq3A_719 = arith.cmpi eq, %iota3A, %eq3A_718 : vector<16xi32>
        %select_n3A_720 = arith.select %eq3A_719, %add3A_716, %select_n3A_649 : vector<16xi1>, vector<16xf32>
        %mul3A_721 = arith.constant 16 : i32
        %mul3A_722 = arith.muli %while3A_154, %mul3A_721 : i32
        %add3A_723 = arith.constant 8 : i32
        %add3A_724 = arith.addi %mul3A_722, %add3A_723 : i32
        %get3A_725 = arith.index_cast %add3A_724 : i32 to index
        %get3A_726 = arith.constant 0 : index
        %get3A_727 = tpu.vector_load %arg9[%get3A_725, %get3A_726] {strides = array<i32>} : memref<800x128xf32, #tpu.memory_space<vmem>>, vector<1x16xf32>,
        %get3A_728 = vector.shape_cast %get3A_727 : vector<1x16xf32> to vector<16xf32>
        %mul3A_729 = arith.mulf %get3A_728, %get3A_72 : vector<16xf32>
        %get3A_730 = arith.index_cast %add3A_724 : i32 to index
        %get3A_731 = arith.constant 16 : index
        %get3A_732 = tpu.vector_load %arg9[%get3A_730, %get3A_731] {strides = array<i32>} : memref<800x128xf32, #tpu.memory_space<vmem>>, vector<1x16xf32>,
        %get3A_733 = vector.shape_cast %get3A_732 : vector<1x16xf32> to vector<16xf32>
        %mul3A_734 = arith.mulf %get3A_733, %get3A_77 : vector<16xf32>
        %add3A_735 = arith.addf %mul3A_729, %mul3A_734 : vector<16xf32>
        %get3A_736 = arith.index_cast %add3A_724 : i32 to index
        %get3A_737 = arith.constant 32 : index
        %get3A_738 = tpu.vector_load %arg9[%get3A_736, %get3A_737] {strides = array<i32>} : memref<800x128xf32, #tpu.memory_space<vmem>>, vector<1x16xf32>,
        %get3A_739 = vector.shape_cast %get3A_738 : vector<1x16xf32> to vector<16xf32>
        %mul3A_740 = arith.mulf %get3A_739, %get3A_82 : vector<16xf32>
        %add3A_741 = arith.addf %add3A_735, %mul3A_740 : vector<16xf32>
        %get3A_742 = arith.index_cast %add3A_724 : i32 to index
        %get3A_743 = arith.constant 48 : index
        %get3A_744 = tpu.vector_load %arg9[%get3A_742, %get3A_743] {strides = array<i32>} : memref<800x128xf32, #tpu.memory_space<vmem>>, vector<1x16xf32>,
        %get3A_745 = vector.shape_cast %get3A_744 : vector<1x16xf32> to vector<16xf32>
        %mul3A_746 = arith.mulf %get3A_745, %get3A_87 : vector<16xf32>
        %add3A_747 = arith.addf %add3A_741, %mul3A_746 : vector<16xf32>
        %get3A_748 = arith.index_cast %add3A_724 : i32 to index
        %get3A_749 = arith.constant 64 : index
        %get3A_750 = tpu.vector_load %arg9[%get3A_748, %get3A_749] {strides = array<i32>} : memref<800x128xf32, #tpu.memory_space<vmem>>, vector<1x16xf32>,
        %get3A_751 = vector.shape_cast %get3A_750 : vector<1x16xf32> to vector<16xf32>
        %mul3A_752 = arith.mulf %get3A_751, %get3A_92 : vector<16xf32>
        %add3A_753 = arith.addf %add3A_747, %mul3A_752 : vector<16xf32>
        %get3A_754 = arith.index_cast %add3A_724 : i32 to index
        %get3A_755 = arith.constant 80 : index
        %get3A_756 = tpu.vector_load %arg9[%get3A_754, %get3A_755] {strides = array<i32>} : memref<800x128xf32, #tpu.memory_space<vmem>>, vector<1x16xf32>,
        %get3A_757 = vector.shape_cast %get3A_756 : vector<1x16xf32> to vector<16xf32>
        %mul3A_758 = arith.mulf %get3A_757, %get3A_97 : vector<16xf32>
        %add3A_759 = arith.addf %add3A_753, %mul3A_758 : vector<16xf32>
        %get3A_760 = arith.index_cast %add3A_724 : i32 to index
        %get3A_761 = arith.constant 96 : index
        %get3A_762 = tpu.vector_load %arg9[%get3A_760, %get3A_761] {strides = array<i32>} : memref<800x128xf32, #tpu.memory_space<vmem>>, vector<1x16xf32>,
        %get3A_763 = vector.shape_cast %get3A_762 : vector<1x16xf32> to vector<16xf32>
        %mul3A_764 = arith.mulf %get3A_763, %get3A_102 : vector<16xf32>
        %add3A_765 = arith.addf %add3A_759, %mul3A_764 : vector<16xf32>
        %get3A_766 = arith.index_cast %add3A_724 : i32 to index
        %get3A_767 = arith.constant 112 : index
        %get3A_768 = tpu.vector_load %arg9[%get3A_766, %get3A_767] {strides = array<i32>} : memref<800x128xf32, #tpu.memory_space<vmem>>, vector<1x16xf32>,
        %get3A_769 = vector.shape_cast %get3A_768 : vector<1x16xf32> to vector<16xf32>
        %mul3A_770 = arith.mulf %get3A_769, %get3A_107 : vector<16xf32>
        %add3A_771 = arith.addf %add3A_765, %mul3A_770 : vector<16xf32>
        %reshape3A_772 = vector.shape_cast %xor3A_109 : vector<16xi32> to vector<16x1xi32>
        %gather3A_773 = vector.shape_cast %reshape3A_772 : vector<16x1xi32> to vector<16xi32>
        %gather3A_774 = tpu.dynamic_gather %add3A_771[%gather3A_773] in [0] : vector<16xf32>, vector<16xi32> -> vector<16xf32>
        %add3A_775 = arith.addf %add3A_771, %gather3A_774 : vector<16xf32>
        %reshape3A_776 = vector.shape_cast %xor3A_112 : vector<16xi32> to vector<16x1xi32>
        %gather3A_777 = vector.shape_cast %reshape3A_776 : vector<16x1xi32> to vector<16xi32>
        %gather3A_778 = tpu.dynamic_gather %add3A_775[%gather3A_777] in [0] : vector<16xf32>, vector<16xi32> -> vector<16xf32>
        %add3A_779 = arith.addf %add3A_775, %gather3A_778 : vector<16xf32>
        %reshape3A_780 = vector.shape_cast %xor3A_115 : vector<16xi32> to vector<16x1xi32>
        %gather3A_781 = vector.shape_cast %reshape3A_780 : vector<16x1xi32> to vector<16xi32>
        %gather3A_782 = tpu.dynamic_gather %add3A_779[%gather3A_781] in [0] : vector<16xf32>, vector<16xi32> -> vector<16xf32>
        %add3A_783 = arith.addf %add3A_779, %gather3A_782 : vector<16xf32>
        %reshape3A_784 = vector.shape_cast %xor3A_118 : vector<16xi32> to vector<16x1xi32>
        %gather3A_785 = vector.shape_cast %reshape3A_784 : vector<16x1xi32> to vector<16xi32>
        %gather3A_786 = tpu.dynamic_gather %add3A_783[%gather3A_785] in [0] : vector<16xf32>, vector<16xi32> -> vector<16xf32>
        %add3A_787 = arith.addf %add3A_783, %gather3A_786 : vector<16xf32>
        %eq3A_788 = arith.constant 8 : i32
        %eq3A_789 = vector.broadcast %eq3A_788 : i32 to vector<16xi32>
        %eq3A_790 = arith.cmpi eq, %iota3A, %eq3A_789 : vector<16xi32>
        %select_n3A_791 = arith.select %eq3A_790, %add3A_787, %select_n3A_720 : vector<16xi1>, vector<16xf32>
        %mul3A_792 = arith.constant 16 : i32
        %mul3A_793 = arith.muli %while3A_154, %mul3A_792 : i32
        %add3A_794 = arith.constant 9 : i32
        %add3A_795 = arith.addi %mul3A_793, %add3A_794 : i32
        %get3A_796 = arith.index_cast %add3A_795 : i32 to index
        %get3A_797 = arith.constant 0 : index
        %get3A_798 = tpu.vector_load %arg9[%get3A_796, %get3A_797] {strides = array<i32>} : memref<800x128xf32, #tpu.memory_space<vmem>>, vector<1x16xf32>,
        %get3A_799 = vector.shape_cast %get3A_798 : vector<1x16xf32> to vector<16xf32>
        %mul3A_800 = arith.mulf %get3A_799, %get3A_72 : vector<16xf32>
        %get3A_801 = arith.index_cast %add3A_795 : i32 to index
        %get3A_802 = arith.constant 16 : index
        %get3A_803 = tpu.vector_load %arg9[%get3A_801, %get3A_802] {strides = array<i32>} : memref<800x128xf32, #tpu.memory_space<vmem>>, vector<1x16xf32>,
        %get3A_804 = vector.shape_cast %get3A_803 : vector<1x16xf32> to vector<16xf32>
        %mul3A_805 = arith.mulf %get3A_804, %get3A_77 : vector<16xf32>
        %add3A_806 = arith.addf %mul3A_800, %mul3A_805 : vector<16xf32>
        %get3A_807 = arith.index_cast %add3A_795 : i32 to index
        %get3A_808 = arith.constant 32 : index
        %get3A_809 = tpu.vector_load %arg9[%get3A_807, %get3A_808] {strides = array<i32>} : memref<800x128xf32, #tpu.memory_space<vmem>>, vector<1x16xf32>,
        %get3A_810 = vector.shape_cast %get3A_809 : vector<1x16xf32> to vector<16xf32>
        %mul3A_811 = arith.mulf %get3A_810, %get3A_82 : vector<16xf32>
        %add3A_812 = arith.addf %add3A_806, %mul3A_811 : vector<16xf32>
        %get3A_813 = arith.index_cast %add3A_795 : i32 to index
        %get3A_814 = arith.constant 48 : index
        %get3A_815 = tpu.vector_load %arg9[%get3A_813, %get3A_814] {strides = array<i32>} : memref<800x128xf32, #tpu.memory_space<vmem>>, vector<1x16xf32>,
        %get3A_816 = vector.shape_cast %get3A_815 : vector<1x16xf32> to vector<16xf32>
        %mul3A_817 = arith.mulf %get3A_816, %get3A_87 : vector<16xf32>
        %add3A_818 = arith.addf %add3A_812, %mul3A_817 : vector<16xf32>
        %get3A_819 = arith.index_cast %add3A_795 : i32 to index
        %get3A_820 = arith.constant 64 : index
        %get3A_821 = tpu.vector_load %arg9[%get3A_819, %get3A_820] {strides = array<i32>} : memref<800x128xf32, #tpu.memory_space<vmem>>, vector<1x16xf32>,
        %get3A_822 = vector.shape_cast %get3A_821 : vector<1x16xf32> to vector<16xf32>
        %mul3A_823 = arith.mulf %get3A_822, %get3A_92 : vector<16xf32>
        %add3A_824 = arith.addf %add3A_818, %mul3A_823 : vector<16xf32>
        %get3A_825 = arith.index_cast %add3A_795 : i32 to index
        %get3A_826 = arith.constant 80 : index
        %get3A_827 = tpu.vector_load %arg9[%get3A_825, %get3A_826] {strides = array<i32>} : memref<800x128xf32, #tpu.memory_space<vmem>>, vector<1x16xf32>,
        %get3A_828 = vector.shape_cast %get3A_827 : vector<1x16xf32> to vector<16xf32>
        %mul3A_829 = arith.mulf %get3A_828, %get3A_97 : vector<16xf32>
        %add3A_830 = arith.addf %add3A_824, %mul3A_829 : vector<16xf32>
        %get3A_831 = arith.index_cast %add3A_795 : i32 to index
        %get3A_832 = arith.constant 96 : index
        %get3A_833 = tpu.vector_load %arg9[%get3A_831, %get3A_832] {strides = array<i32>} : memref<800x128xf32, #tpu.memory_space<vmem>>, vector<1x16xf32>,
        %get3A_834 = vector.shape_cast %get3A_833 : vector<1x16xf32> to vector<16xf32>
        %mul3A_835 = arith.mulf %get3A_834, %get3A_102 : vector<16xf32>
        %add3A_836 = arith.addf %add3A_830, %mul3A_835 : vector<16xf32>
        %get3A_837 = arith.index_cast %add3A_795 : i32 to index
        %get3A_838 = arith.constant 112 : index
        %get3A_839 = tpu.vector_load %arg9[%get3A_837, %get3A_838] {strides = array<i32>} : memref<800x128xf32, #tpu.memory_space<vmem>>, vector<1x16xf32>,
        %get3A_840 = vector.shape_cast %get3A_839 : vector<1x16xf32> to vector<16xf32>
        %mul3A_841 = arith.mulf %get3A_840, %get3A_107 : vector<16xf32>
        %add3A_842 = arith.addf %add3A_836, %mul3A_841 : vector<16xf32>
        %reshape3A_843 = vector.shape_cast %xor3A_109 : vector<16xi32> to vector<16x1xi32>
        %gather3A_844 = vector.shape_cast %reshape3A_843 : vector<16x1xi32> to vector<16xi32>
        %gather3A_845 = tpu.dynamic_gather %add3A_842[%gather3A_844] in [0] : vector<16xf32>, vector<16xi32> -> vector<16xf32>
        %add3A_846 = arith.addf %add3A_842, %gather3A_845 : vector<16xf32>
        %reshape3A_847 = vector.shape_cast %xor3A_112 : vector<16xi32> to vector<16x1xi32>
        %gather3A_848 = vector.shape_cast %reshape3A_847 : vector<16x1xi32> to vector<16xi32>
        %gather3A_849 = tpu.dynamic_gather %add3A_846[%gather3A_848] in [0] : vector<16xf32>, vector<16xi32> -> vector<16xf32>
        %add3A_850 = arith.addf %add3A_846, %gather3A_849 : vector<16xf32>
        %reshape3A_851 = vector.shape_cast %xor3A_115 : vector<16xi32> to vector<16x1xi32>
        %gather3A_852 = vector.shape_cast %reshape3A_851 : vector<16x1xi32> to vector<16xi32>
        %gather3A_853 = tpu.dynamic_gather %add3A_850[%gather3A_852] in [0] : vector<16xf32>, vector<16xi32> -> vector<16xf32>
        %add3A_854 = arith.addf %add3A_850, %gather3A_853 : vector<16xf32>
        %reshape3A_855 = vector.shape_cast %xor3A_118 : vector<16xi32> to vector<16x1xi32>
        %gather3A_856 = vector.shape_cast %reshape3A_855 : vector<16x1xi32> to vector<16xi32>
        %gather3A_857 = tpu.dynamic_gather %add3A_854[%gather3A_856] in [0] : vector<16xf32>, vector<16xi32> -> vector<16xf32>
        %add3A_858 = arith.addf %add3A_854, %gather3A_857 : vector<16xf32>
        %eq3A_859 = arith.constant 9 : i32
        %eq3A_860 = vector.broadcast %eq3A_859 : i32 to vector<16xi32>
        %eq3A_861 = arith.cmpi eq, %iota3A, %eq3A_860 : vector<16xi32>
        %select_n3A_862 = arith.select %eq3A_861, %add3A_858, %select_n3A_791 : vector<16xi1>, vector<16xf32>
        %mul3A_863 = arith.constant 16 : i32
        %mul3A_864 = arith.muli %while3A_154, %mul3A_863 : i32
        %add3A_865 = arith.constant 10 : i32
        %add3A_866 = arith.addi %mul3A_864, %add3A_865 : i32
        %get3A_867 = arith.index_cast %add3A_866 : i32 to index
        %get3A_868 = arith.constant 0 : index
        %get3A_869 = tpu.vector_load %arg9[%get3A_867, %get3A_868] {strides = array<i32>} : memref<800x128xf32, #tpu.memory_space<vmem>>, vector<1x16xf32>,
        %get3A_870 = vector.shape_cast %get3A_869 : vector<1x16xf32> to vector<16xf32>
        %mul3A_871 = arith.mulf %get3A_870, %get3A_72 : vector<16xf32>
        %get3A_872 = arith.index_cast %add3A_866 : i32 to index
        %get3A_873 = arith.constant 16 : index
        %get3A_874 = tpu.vector_load %arg9[%get3A_872, %get3A_873] {strides = array<i32>} : memref<800x128xf32, #tpu.memory_space<vmem>>, vector<1x16xf32>,
        %get3A_875 = vector.shape_cast %get3A_874 : vector<1x16xf32> to vector<16xf32>
        %mul3A_876 = arith.mulf %get3A_875, %get3A_77 : vector<16xf32>
        %add3A_877 = arith.addf %mul3A_871, %mul3A_876 : vector<16xf32>
        %get3A_878 = arith.index_cast %add3A_866 : i32 to index
        %get3A_879 = arith.constant 32 : index
        %get3A_880 = tpu.vector_load %arg9[%get3A_878, %get3A_879] {strides = array<i32>} : memref<800x128xf32, #tpu.memory_space<vmem>>, vector<1x16xf32>,
        %get3A_881 = vector.shape_cast %get3A_880 : vector<1x16xf32> to vector<16xf32>
        %mul3A_882 = arith.mulf %get3A_881, %get3A_82 : vector<16xf32>
        %add3A_883 = arith.addf %add3A_877, %mul3A_882 : vector<16xf32>
        %get3A_884 = arith.index_cast %add3A_866 : i32 to index
        %get3A_885 = arith.constant 48 : index
        %get3A_886 = tpu.vector_load %arg9[%get3A_884, %get3A_885] {strides = array<i32>} : memref<800x128xf32, #tpu.memory_space<vmem>>, vector<1x16xf32>,
        %get3A_887 = vector.shape_cast %get3A_886 : vector<1x16xf32> to vector<16xf32>
        %mul3A_888 = arith.mulf %get3A_887, %get3A_87 : vector<16xf32>
        %add3A_889 = arith.addf %add3A_883, %mul3A_888 : vector<16xf32>
        %get3A_890 = arith.index_cast %add3A_866 : i32 to index
        %get3A_891 = arith.constant 64 : index
        %get3A_892 = tpu.vector_load %arg9[%get3A_890, %get3A_891] {strides = array<i32>} : memref<800x128xf32, #tpu.memory_space<vmem>>, vector<1x16xf32>,
        %get3A_893 = vector.shape_cast %get3A_892 : vector<1x16xf32> to vector<16xf32>
        %mul3A_894 = arith.mulf %get3A_893, %get3A_92 : vector<16xf32>
        %add3A_895 = arith.addf %add3A_889, %mul3A_894 : vector<16xf32>
        %get3A_896 = arith.index_cast %add3A_866 : i32 to index
        %get3A_897 = arith.constant 80 : index
        %get3A_898 = tpu.vector_load %arg9[%get3A_896, %get3A_897] {strides = array<i32>} : memref<800x128xf32, #tpu.memory_space<vmem>>, vector<1x16xf32>,
        %get3A_899 = vector.shape_cast %get3A_898 : vector<1x16xf32> to vector<16xf32>
        %mul3A_900 = arith.mulf %get3A_899, %get3A_97 : vector<16xf32>
        %add3A_901 = arith.addf %add3A_895, %mul3A_900 : vector<16xf32>
        %get3A_902 = arith.index_cast %add3A_866 : i32 to index
        %get3A_903 = arith.constant 96 : index
        %get3A_904 = tpu.vector_load %arg9[%get3A_902, %get3A_903] {strides = array<i32>} : memref<800x128xf32, #tpu.memory_space<vmem>>, vector<1x16xf32>,
        %get3A_905 = vector.shape_cast %get3A_904 : vector<1x16xf32> to vector<16xf32>
        %mul3A_906 = arith.mulf %get3A_905, %get3A_102 : vector<16xf32>
        %add3A_907 = arith.addf %add3A_901, %mul3A_906 : vector<16xf32>
        %get3A_908 = arith.index_cast %add3A_866 : i32 to index
        %get3A_909 = arith.constant 112 : index
        %get3A_910 = tpu.vector_load %arg9[%get3A_908, %get3A_909] {strides = array<i32>} : memref<800x128xf32, #tpu.memory_space<vmem>>, vector<1x16xf32>,
        %get3A_911 = vector.shape_cast %get3A_910 : vector<1x16xf32> to vector<16xf32>
        %mul3A_912 = arith.mulf %get3A_911, %get3A_107 : vector<16xf32>
        %add3A_913 = arith.addf %add3A_907, %mul3A_912 : vector<16xf32>
        %reshape3A_914 = vector.shape_cast %xor3A_109 : vector<16xi32> to vector<16x1xi32>
        %gather3A_915 = vector.shape_cast %reshape3A_914 : vector<16x1xi32> to vector<16xi32>
        %gather3A_916 = tpu.dynamic_gather %add3A_913[%gather3A_915] in [0] : vector<16xf32>, vector<16xi32> -> vector<16xf32>
        %add3A_917 = arith.addf %add3A_913, %gather3A_916 : vector<16xf32>
        %reshape3A_918 = vector.shape_cast %xor3A_112 : vector<16xi32> to vector<16x1xi32>
        %gather3A_919 = vector.shape_cast %reshape3A_918 : vector<16x1xi32> to vector<16xi32>
        %gather3A_920 = tpu.dynamic_gather %add3A_917[%gather3A_919] in [0] : vector<16xf32>, vector<16xi32> -> vector<16xf32>
        %add3A_921 = arith.addf %add3A_917, %gather3A_920 : vector<16xf32>
        %reshape3A_922 = vector.shape_cast %xor3A_115 : vector<16xi32> to vector<16x1xi32>
        %gather3A_923 = vector.shape_cast %reshape3A_922 : vector<16x1xi32> to vector<16xi32>
        %gather3A_924 = tpu.dynamic_gather %add3A_921[%gather3A_923] in [0] : vector<16xf32>, vector<16xi32> -> vector<16xf32>
        %add3A_925 = arith.addf %add3A_921, %gather3A_924 : vector<16xf32>
        %reshape3A_926 = vector.shape_cast %xor3A_118 : vector<16xi32> to vector<16x1xi32>
        %gather3A_927 = vector.shape_cast %reshape3A_926 : vector<16x1xi32> to vector<16xi32>
        %gather3A_928 = tpu.dynamic_gather %add3A_925[%gather3A_927] in [0] : vector<16xf32>, vector<16xi32> -> vector<16xf32>
        %add3A_929 = arith.addf %add3A_925, %gather3A_928 : vector<16xf32>
        %eq3A_930 = arith.constant 10 : i32
        %eq3A_931 = vector.broadcast %eq3A_930 : i32 to vector<16xi32>
        %eq3A_932 = arith.cmpi eq, %iota3A, %eq3A_931 : vector<16xi32>
        %select_n3A_933 = arith.select %eq3A_932, %add3A_929, %select_n3A_862 : vector<16xi1>, vector<16xf32>
        %mul3A_934 = arith.constant 16 : i32
        %mul3A_935 = arith.muli %while3A_154, %mul3A_934 : i32
        %add3A_936 = arith.constant 11 : i32
        %add3A_937 = arith.addi %mul3A_935, %add3A_936 : i32
        %get3A_938 = arith.index_cast %add3A_937 : i32 to index
        %get3A_939 = arith.constant 0 : index
        %get3A_940 = tpu.vector_load %arg9[%get3A_938, %get3A_939] {strides = array<i32>} : memref<800x128xf32, #tpu.memory_space<vmem>>, vector<1x16xf32>,
        %get3A_941 = vector.shape_cast %get3A_940 : vector<1x16xf32> to vector<16xf32>
        %mul3A_942 = arith.mulf %get3A_941, %get3A_72 : vector<16xf32>
        %get3A_943 = arith.index_cast %add3A_937 : i32 to index
        %get3A_944 = arith.constant 16 : index
        %get3A_945 = tpu.vector_load %arg9[%get3A_943, %get3A_944] {strides = array<i32>} : memref<800x128xf32, #tpu.memory_space<vmem>>, vector<1x16xf32>,
        %get3A_946 = vector.shape_cast %get3A_945 : vector<1x16xf32> to vector<16xf32>
        %mul3A_947 = arith.mulf %get3A_946, %get3A_77 : vector<16xf32>
        %add3A_948 = arith.addf %mul3A_942, %mul3A_947 : vector<16xf32>
        %get3A_949 = arith.index_cast %add3A_937 : i32 to index
        %get3A_950 = arith.constant 32 : index
        %get3A_951 = tpu.vector_load %arg9[%get3A_949, %get3A_950] {strides = array<i32>} : memref<800x128xf32, #tpu.memory_space<vmem>>, vector<1x16xf32>,
        %get3A_952 = vector.shape_cast %get3A_951 : vector<1x16xf32> to vector<16xf32>
        %mul3A_953 = arith.mulf %get3A_952, %get3A_82 : vector<16xf32>
        %add3A_954 = arith.addf %add3A_948, %mul3A_953 : vector<16xf32>
        %get3A_955 = arith.index_cast %add3A_937 : i32 to index
        %get3A_956 = arith.constant 48 : index
        %get3A_957 = tpu.vector_load %arg9[%get3A_955, %get3A_956] {strides = array<i32>} : memref<800x128xf32, #tpu.memory_space<vmem>>, vector<1x16xf32>,
        %get3A_958 = vector.shape_cast %get3A_957 : vector<1x16xf32> to vector<16xf32>
        %mul3A_959 = arith.mulf %get3A_958, %get3A_87 : vector<16xf32>
        %add3A_960 = arith.addf %add3A_954, %mul3A_959 : vector<16xf32>
        %get3A_961 = arith.index_cast %add3A_937 : i32 to index
        %get3A_962 = arith.constant 64 : index
        %get3A_963 = tpu.vector_load %arg9[%get3A_961, %get3A_962] {strides = array<i32>} : memref<800x128xf32, #tpu.memory_space<vmem>>, vector<1x16xf32>,
        %get3A_964 = vector.shape_cast %get3A_963 : vector<1x16xf32> to vector<16xf32>
        %mul3A_965 = arith.mulf %get3A_964, %get3A_92 : vector<16xf32>
        %add3A_966 = arith.addf %add3A_960, %mul3A_965 : vector<16xf32>
        %get3A_967 = arith.index_cast %add3A_937 : i32 to index
        %get3A_968 = arith.constant 80 : index
        %get3A_969 = tpu.vector_load %arg9[%get3A_967, %get3A_968] {strides = array<i32>} : memref<800x128xf32, #tpu.memory_space<vmem>>, vector<1x16xf32>,
        %get3A_970 = vector.shape_cast %get3A_969 : vector<1x16xf32> to vector<16xf32>
        %mul3A_971 = arith.mulf %get3A_970, %get3A_97 : vector<16xf32>
        %add3A_972 = arith.addf %add3A_966, %mul3A_971 : vector<16xf32>
        %get3A_973 = arith.index_cast %add3A_937 : i32 to index
        %get3A_974 = arith.constant 96 : index
        %get3A_975 = tpu.vector_load %arg9[%get3A_973, %get3A_974] {strides = array<i32>} : memref<800x128xf32, #tpu.memory_space<vmem>>, vector<1x16xf32>,
        %get3A_976 = vector.shape_cast %get3A_975 : vector<1x16xf32> to vector<16xf32>
        %mul3A_977 = arith.mulf %get3A_976, %get3A_102 : vector<16xf32>
        %add3A_978 = arith.addf %add3A_972, %mul3A_977 : vector<16xf32>
        %get3A_979 = arith.index_cast %add3A_937 : i32 to index
        %get3A_980 = arith.constant 112 : index
        %get3A_981 = tpu.vector_load %arg9[%get3A_979, %get3A_980] {strides = array<i32>} : memref<800x128xf32, #tpu.memory_space<vmem>>, vector<1x16xf32>,
        %get3A_982 = vector.shape_cast %get3A_981 : vector<1x16xf32> to vector<16xf32>
        %mul3A_983 = arith.mulf %get3A_982, %get3A_107 : vector<16xf32>
        %add3A_984 = arith.addf %add3A_978, %mul3A_983 : vector<16xf32>
        %reshape3A_985 = vector.shape_cast %xor3A_109 : vector<16xi32> to vector<16x1xi32>
        %gather3A_986 = vector.shape_cast %reshape3A_985 : vector<16x1xi32> to vector<16xi32>
        %gather3A_987 = tpu.dynamic_gather %add3A_984[%gather3A_986] in [0] : vector<16xf32>, vector<16xi32> -> vector<16xf32>
        %add3A_988 = arith.addf %add3A_984, %gather3A_987 : vector<16xf32>
        %reshape3A_989 = vector.shape_cast %xor3A_112 : vector<16xi32> to vector<16x1xi32>
        %gather3A_990 = vector.shape_cast %reshape3A_989 : vector<16x1xi32> to vector<16xi32>
        %gather3A_991 = tpu.dynamic_gather %add3A_988[%gather3A_990] in [0] : vector<16xf32>, vector<16xi32> -> vector<16xf32>
        %add3A_992 = arith.addf %add3A_988, %gather3A_991 : vector<16xf32>
        %reshape3A_993 = vector.shape_cast %xor3A_115 : vector<16xi32> to vector<16x1xi32>
        %gather3A_994 = vector.shape_cast %reshape3A_993 : vector<16x1xi32> to vector<16xi32>
        %gather3A_995 = tpu.dynamic_gather %add3A_992[%gather3A_994] in [0] : vector<16xf32>, vector<16xi32> -> vector<16xf32>
        %add3A_996 = arith.addf %add3A_992, %gather3A_995 : vector<16xf32>
        %reshape3A_997 = vector.shape_cast %xor3A_118 : vector<16xi32> to vector<16x1xi32>
        %gather3A_998 = vector.shape_cast %reshape3A_997 : vector<16x1xi32> to vector<16xi32>
        %gather3A_999 = tpu.dynamic_gather %add3A_996[%gather3A_998] in [0] : vector<16xf32>, vector<16xi32> -> vector<16xf32>
        %add3A_1000 = arith.addf %add3A_996, %gather3A_999 : vector<16xf32>
        %eq3A_1001 = arith.constant 11 : i32
        %eq3A_1002 = vector.broadcast %eq3A_1001 : i32 to vector<16xi32>
        %eq3A_1003 = arith.cmpi eq, %iota3A, %eq3A_1002 : vector<16xi32>
        %select_n3A_1004 = arith.select %eq3A_1003, %add3A_1000, %select_n3A_933 : vector<16xi1>, vector<16xf32>
        %mul3A_1005 = arith.constant 16 : i32
        %mul3A_1006 = arith.muli %while3A_154, %mul3A_1005 : i32
        %add3A_1007 = arith.constant 12 : i32
        %add3A_1008 = arith.addi %mul3A_1006, %add3A_1007 : i32
        %get3A_1009 = arith.index_cast %add3A_1008 : i32 to index
        %get3A_1010 = arith.constant 0 : index
        %get3A_1011 = tpu.vector_load %arg9[%get3A_1009, %get3A_1010] {strides = array<i32>} : memref<800x128xf32, #tpu.memory_space<vmem>>, vector<1x16xf32>,
        %get3A_1012 = vector.shape_cast %get3A_1011 : vector<1x16xf32> to vector<16xf32>
        %mul3A_1013 = arith.mulf %get3A_1012, %get3A_72 : vector<16xf32>
        %get3A_1014 = arith.index_cast %add3A_1008 : i32 to index
        %get3A_1015 = arith.constant 16 : index
        %get3A_1016 = tpu.vector_load %arg9[%get3A_1014, %get3A_1015] {strides = array<i32>} : memref<800x128xf32, #tpu.memory_space<vmem>>, vector<1x16xf32>,
        %get3A_1017 = vector.shape_cast %get3A_1016 : vector<1x16xf32> to vector<16xf32>
        %mul3A_1018 = arith.mulf %get3A_1017, %get3A_77 : vector<16xf32>
        %add3A_1019 = arith.addf %mul3A_1013, %mul3A_1018 : vector<16xf32>
        %get3A_1020 = arith.index_cast %add3A_1008 : i32 to index
        %get3A_1021 = arith.constant 32 : index
        %get3A_1022 = tpu.vector_load %arg9[%get3A_1020, %get3A_1021] {strides = array<i32>} : memref<800x128xf32, #tpu.memory_space<vmem>>, vector<1x16xf32>,
        %get3A_1023 = vector.shape_cast %get3A_1022 : vector<1x16xf32> to vector<16xf32>
        %mul3A_1024 = arith.mulf %get3A_1023, %get3A_82 : vector<16xf32>
        %add3A_1025 = arith.addf %add3A_1019, %mul3A_1024 : vector<16xf32>
        %get3A_1026 = arith.index_cast %add3A_1008 : i32 to index
        %get3A_1027 = arith.constant 48 : index
        %get3A_1028 = tpu.vector_load %arg9[%get3A_1026, %get3A_1027] {strides = array<i32>} : memref<800x128xf32, #tpu.memory_space<vmem>>, vector<1x16xf32>,
        %get3A_1029 = vector.shape_cast %get3A_1028 : vector<1x16xf32> to vector<16xf32>
        %mul3A_1030 = arith.mulf %get3A_1029, %get3A_87 : vector<16xf32>
        %add3A_1031 = arith.addf %add3A_1025, %mul3A_1030 : vector<16xf32>
        %get3A_1032 = arith.index_cast %add3A_1008 : i32 to index
        %get3A_1033 = arith.constant 64 : index
        %get3A_1034 = tpu.vector_load %arg9[%get3A_1032, %get3A_1033] {strides = array<i32>} : memref<800x128xf32, #tpu.memory_space<vmem>>, vector<1x16xf32>,
        %get3A_1035 = vector.shape_cast %get3A_1034 : vector<1x16xf32> to vector<16xf32>
        %mul3A_1036 = arith.mulf %get3A_1035, %get3A_92 : vector<16xf32>
        %add3A_1037 = arith.addf %add3A_1031, %mul3A_1036 : vector<16xf32>
        %get3A_1038 = arith.index_cast %add3A_1008 : i32 to index
        %get3A_1039 = arith.constant 80 : index
        %get3A_1040 = tpu.vector_load %arg9[%get3A_1038, %get3A_1039] {strides = array<i32>} : memref<800x128xf32, #tpu.memory_space<vmem>>, vector<1x16xf32>,
        %get3A_1041 = vector.shape_cast %get3A_1040 : vector<1x16xf32> to vector<16xf32>
        %mul3A_1042 = arith.mulf %get3A_1041, %get3A_97 : vector<16xf32>
        %add3A_1043 = arith.addf %add3A_1037, %mul3A_1042 : vector<16xf32>
        %get3A_1044 = arith.index_cast %add3A_1008 : i32 to index
        %get3A_1045 = arith.constant 96 : index
        %get3A_1046 = tpu.vector_load %arg9[%get3A_1044, %get3A_1045] {strides = array<i32>} : memref<800x128xf32, #tpu.memory_space<vmem>>, vector<1x16xf32>,
        %get3A_1047 = vector.shape_cast %get3A_1046 : vector<1x16xf32> to vector<16xf32>
        %mul3A_1048 = arith.mulf %get3A_1047, %get3A_102 : vector<16xf32>
        %add3A_1049 = arith.addf %add3A_1043, %mul3A_1048 : vector<16xf32>
        %get3A_1050 = arith.index_cast %add3A_1008 : i32 to index
        %get3A_1051 = arith.constant 112 : index
        %get3A_1052 = tpu.vector_load %arg9[%get3A_1050, %get3A_1051] {strides = array<i32>} : memref<800x128xf32, #tpu.memory_space<vmem>>, vector<1x16xf32>,
        %get3A_1053 = vector.shape_cast %get3A_1052 : vector<1x16xf32> to vector<16xf32>
        %mul3A_1054 = arith.mulf %get3A_1053, %get3A_107 : vector<16xf32>
        %add3A_1055 = arith.addf %add3A_1049, %mul3A_1054 : vector<16xf32>
        %reshape3A_1056 = vector.shape_cast %xor3A_109 : vector<16xi32> to vector<16x1xi32>
        %gather3A_1057 = vector.shape_cast %reshape3A_1056 : vector<16x1xi32> to vector<16xi32>
        %gather3A_1058 = tpu.dynamic_gather %add3A_1055[%gather3A_1057] in [0] : vector<16xf32>, vector<16xi32> -> vector<16xf32>
        %add3A_1059 = arith.addf %add3A_1055, %gather3A_1058 : vector<16xf32>
        %reshape3A_1060 = vector.shape_cast %xor3A_112 : vector<16xi32> to vector<16x1xi32>
        %gather3A_1061 = vector.shape_cast %reshape3A_1060 : vector<16x1xi32> to vector<16xi32>
        %gather3A_1062 = tpu.dynamic_gather %add3A_1059[%gather3A_1061] in [0] : vector<16xf32>, vector<16xi32> -> vector<16xf32>
        %add3A_1063 = arith.addf %add3A_1059, %gather3A_1062 : vector<16xf32>
        %reshape3A_1064 = vector.shape_cast %xor3A_115 : vector<16xi32> to vector<16x1xi32>
        %gather3A_1065 = vector.shape_cast %reshape3A_1064 : vector<16x1xi32> to vector<16xi32>
        %gather3A_1066 = tpu.dynamic_gather %add3A_1063[%gather3A_1065] in [0] : vector<16xf32>, vector<16xi32> -> vector<16xf32>
        %add3A_1067 = arith.addf %add3A_1063, %gather3A_1066 : vector<16xf32>
        %reshape3A_1068 = vector.shape_cast %xor3A_118 : vector<16xi32> to vector<16x1xi32>
        %gather3A_1069 = vector.shape_cast %reshape3A_1068 : vector<16x1xi32> to vector<16xi32>
        %gather3A_1070 = tpu.dynamic_gather %add3A_1067[%gather3A_1069] in [0] : vector<16xf32>, vector<16xi32> -> vector<16xf32>
        %add3A_1071 = arith.addf %add3A_1067, %gather3A_1070 : vector<16xf32>
        %eq3A_1072 = arith.constant 12 : i32
        %eq3A_1073 = vector.broadcast %eq3A_1072 : i32 to vector<16xi32>
        %eq3A_1074 = arith.cmpi eq, %iota3A, %eq3A_1073 : vector<16xi32>
        %select_n3A_1075 = arith.select %eq3A_1074, %add3A_1071, %select_n3A_1004 : vector<16xi1>, vector<16xf32>
        %mul3A_1076 = arith.constant 16 : i32
        %mul3A_1077 = arith.muli %while3A_154, %mul3A_1076 : i32
        %add3A_1078 = arith.constant 13 : i32
        %add3A_1079 = arith.addi %mul3A_1077, %add3A_1078 : i32
        %get3A_1080 = arith.index_cast %add3A_1079 : i32 to index
        %get3A_1081 = arith.constant 0 : index
        %get3A_1082 = tpu.vector_load %arg9[%get3A_1080, %get3A_1081] {strides = array<i32>} : memref<800x128xf32, #tpu.memory_space<vmem>>, vector<1x16xf32>,
        %get3A_1083 = vector.shape_cast %get3A_1082 : vector<1x16xf32> to vector<16xf32>
        %mul3A_1084 = arith.mulf %get3A_1083, %get3A_72 : vector<16xf32>
        %get3A_1085 = arith.index_cast %add3A_1079 : i32 to index
        %get3A_1086 = arith.constant 16 : index
        %get3A_1087 = tpu.vector_load %arg9[%get3A_1085, %get3A_1086] {strides = array<i32>} : memref<800x128xf32, #tpu.memory_space<vmem>>, vector<1x16xf32>,
        %get3A_1088 = vector.shape_cast %get3A_1087 : vector<1x16xf32> to vector<16xf32>
        %mul3A_1089 = arith.mulf %get3A_1088, %get3A_77 : vector<16xf32>
        %add3A_1090 = arith.addf %mul3A_1084, %mul3A_1089 : vector<16xf32>
        %get3A_1091 = arith.index_cast %add3A_1079 : i32 to index
        %get3A_1092 = arith.constant 32 : index
        %get3A_1093 = tpu.vector_load %arg9[%get3A_1091, %get3A_1092] {strides = array<i32>} : memref<800x128xf32, #tpu.memory_space<vmem>>, vector<1x16xf32>,
        %get3A_1094 = vector.shape_cast %get3A_1093 : vector<1x16xf32> to vector<16xf32>
        %mul3A_1095 = arith.mulf %get3A_1094, %get3A_82 : vector<16xf32>
        %add3A_1096 = arith.addf %add3A_1090, %mul3A_1095 : vector<16xf32>
        %get3A_1097 = arith.index_cast %add3A_1079 : i32 to index
        %get3A_1098 = arith.constant 48 : index
        %get3A_1099 = tpu.vector_load %arg9[%get3A_1097, %get3A_1098] {strides = array<i32>} : memref<800x128xf32, #tpu.memory_space<vmem>>, vector<1x16xf32>,
        %get3A_1100 = vector.shape_cast %get3A_1099 : vector<1x16xf32> to vector<16xf32>
        %mul3A_1101 = arith.mulf %get3A_1100, %get3A_87 : vector<16xf32>
        %add3A_1102 = arith.addf %add3A_1096, %mul3A_1101 : vector<16xf32>
        %get3A_1103 = arith.index_cast %add3A_1079 : i32 to index
        %get3A_1104 = arith.constant 64 : index
        %get3A_1105 = tpu.vector_load %arg9[%get3A_1103, %get3A_1104] {strides = array<i32>} : memref<800x128xf32, #tpu.memory_space<vmem>>, vector<1x16xf32>,
        %get3A_1106 = vector.shape_cast %get3A_1105 : vector<1x16xf32> to vector<16xf32>
        %mul3A_1107 = arith.mulf %get3A_1106, %get3A_92 : vector<16xf32>
        %add3A_1108 = arith.addf %add3A_1102, %mul3A_1107 : vector<16xf32>
        %get3A_1109 = arith.index_cast %add3A_1079 : i32 to index
        %get3A_1110 = arith.constant 80 : index
        %get3A_1111 = tpu.vector_load %arg9[%get3A_1109, %get3A_1110] {strides = array<i32>} : memref<800x128xf32, #tpu.memory_space<vmem>>, vector<1x16xf32>,
        %get3A_1112 = vector.shape_cast %get3A_1111 : vector<1x16xf32> to vector<16xf32>
        %mul3A_1113 = arith.mulf %get3A_1112, %get3A_97 : vector<16xf32>
        %add3A_1114 = arith.addf %add3A_1108, %mul3A_1113 : vector<16xf32>
        %get3A_1115 = arith.index_cast %add3A_1079 : i32 to index
        %get3A_1116 = arith.constant 96 : index
        %get3A_1117 = tpu.vector_load %arg9[%get3A_1115, %get3A_1116] {strides = array<i32>} : memref<800x128xf32, #tpu.memory_space<vmem>>, vector<1x16xf32>,
        %get3A_1118 = vector.shape_cast %get3A_1117 : vector<1x16xf32> to vector<16xf32>
        %mul3A_1119 = arith.mulf %get3A_1118, %get3A_102 : vector<16xf32>
        %add3A_1120 = arith.addf %add3A_1114, %mul3A_1119 : vector<16xf32>
        %get3A_1121 = arith.index_cast %add3A_1079 : i32 to index
        %get3A_1122 = arith.constant 112 : index
        %get3A_1123 = tpu.vector_load %arg9[%get3A_1121, %get3A_1122] {strides = array<i32>} : memref<800x128xf32, #tpu.memory_space<vmem>>, vector<1x16xf32>,
        %get3A_1124 = vector.shape_cast %get3A_1123 : vector<1x16xf32> to vector<16xf32>
        %mul3A_1125 = arith.mulf %get3A_1124, %get3A_107 : vector<16xf32>
        %add3A_1126 = arith.addf %add3A_1120, %mul3A_1125 : vector<16xf32>
        %reshape3A_1127 = vector.shape_cast %xor3A_109 : vector<16xi32> to vector<16x1xi32>
        %gather3A_1128 = vector.shape_cast %reshape3A_1127 : vector<16x1xi32> to vector<16xi32>
        %gather3A_1129 = tpu.dynamic_gather %add3A_1126[%gather3A_1128] in [0] : vector<16xf32>, vector<16xi32> -> vector<16xf32>
        %add3A_1130 = arith.addf %add3A_1126, %gather3A_1129 : vector<16xf32>
        %reshape3A_1131 = vector.shape_cast %xor3A_112 : vector<16xi32> to vector<16x1xi32>
        %gather3A_1132 = vector.shape_cast %reshape3A_1131 : vector<16x1xi32> to vector<16xi32>
        %gather3A_1133 = tpu.dynamic_gather %add3A_1130[%gather3A_1132] in [0] : vector<16xf32>, vector<16xi32> -> vector<16xf32>
        %add3A_1134 = arith.addf %add3A_1130, %gather3A_1133 : vector<16xf32>
        %reshape3A_1135 = vector.shape_cast %xor3A_115 : vector<16xi32> to vector<16x1xi32>
        %gather3A_1136 = vector.shape_cast %reshape3A_1135 : vector<16x1xi32> to vector<16xi32>
        %gather3A_1137 = tpu.dynamic_gather %add3A_1134[%gather3A_1136] in [0] : vector<16xf32>, vector<16xi32> -> vector<16xf32>
        %add3A_1138 = arith.addf %add3A_1134, %gather3A_1137 : vector<16xf32>
        %reshape3A_1139 = vector.shape_cast %xor3A_118 : vector<16xi32> to vector<16x1xi32>
        %gather3A_1140 = vector.shape_cast %reshape3A_1139 : vector<16x1xi32> to vector<16xi32>
        %gather3A_1141 = tpu.dynamic_gather %add3A_1138[%gather3A_1140] in [0] : vector<16xf32>, vector<16xi32> -> vector<16xf32>
        %add3A_1142 = arith.addf %add3A_1138, %gather3A_1141 : vector<16xf32>
        %eq3A_1143 = arith.constant 13 : i32
        %eq3A_1144 = vector.broadcast %eq3A_1143 : i32 to vector<16xi32>
        %eq3A_1145 = arith.cmpi eq, %iota3A, %eq3A_1144 : vector<16xi32>
        %select_n3A_1146 = arith.select %eq3A_1145, %add3A_1142, %select_n3A_1075 : vector<16xi1>, vector<16xf32>
        %mul3A_1147 = arith.constant 16 : i32
        %mul3A_1148 = arith.muli %while3A_154, %mul3A_1147 : i32
        %add3A_1149 = arith.constant 14 : i32
        %add3A_1150 = arith.addi %mul3A_1148, %add3A_1149 : i32
        %get3A_1151 = arith.index_cast %add3A_1150 : i32 to index
        %get3A_1152 = arith.constant 0 : index
        %get3A_1153 = tpu.vector_load %arg9[%get3A_1151, %get3A_1152] {strides = array<i32>} : memref<800x128xf32, #tpu.memory_space<vmem>>, vector<1x16xf32>,
        %get3A_1154 = vector.shape_cast %get3A_1153 : vector<1x16xf32> to vector<16xf32>
        %mul3A_1155 = arith.mulf %get3A_1154, %get3A_72 : vector<16xf32>
        %get3A_1156 = arith.index_cast %add3A_1150 : i32 to index
        %get3A_1157 = arith.constant 16 : index
        %get3A_1158 = tpu.vector_load %arg9[%get3A_1156, %get3A_1157] {strides = array<i32>} : memref<800x128xf32, #tpu.memory_space<vmem>>, vector<1x16xf32>,
        %get3A_1159 = vector.shape_cast %get3A_1158 : vector<1x16xf32> to vector<16xf32>
        %mul3A_1160 = arith.mulf %get3A_1159, %get3A_77 : vector<16xf32>
        %add3A_1161 = arith.addf %mul3A_1155, %mul3A_1160 : vector<16xf32>
        %get3A_1162 = arith.index_cast %add3A_1150 : i32 to index
        %get3A_1163 = arith.constant 32 : index
        %get3A_1164 = tpu.vector_load %arg9[%get3A_1162, %get3A_1163] {strides = array<i32>} : memref<800x128xf32, #tpu.memory_space<vmem>>, vector<1x16xf32>,
        %get3A_1165 = vector.shape_cast %get3A_1164 : vector<1x16xf32> to vector<16xf32>
        %mul3A_1166 = arith.mulf %get3A_1165, %get3A_82 : vector<16xf32>
        %add3A_1167 = arith.addf %add3A_1161, %mul3A_1166 : vector<16xf32>
        %get3A_1168 = arith.index_cast %add3A_1150 : i32 to index
        %get3A_1169 = arith.constant 48 : index
        %get3A_1170 = tpu.vector_load %arg9[%get3A_1168, %get3A_1169] {strides = array<i32>} : memref<800x128xf32, #tpu.memory_space<vmem>>, vector<1x16xf32>,
        %get3A_1171 = vector.shape_cast %get3A_1170 : vector<1x16xf32> to vector<16xf32>
        %mul3A_1172 = arith.mulf %get3A_1171, %get3A_87 : vector<16xf32>
        %add3A_1173 = arith.addf %add3A_1167, %mul3A_1172 : vector<16xf32>
        %get3A_1174 = arith.index_cast %add3A_1150 : i32 to index
        %get3A_1175 = arith.constant 64 : index
        %get3A_1176 = tpu.vector_load %arg9[%get3A_1174, %get3A_1175] {strides = array<i32>} : memref<800x128xf32, #tpu.memory_space<vmem>>, vector<1x16xf32>,
        %get3A_1177 = vector.shape_cast %get3A_1176 : vector<1x16xf32> to vector<16xf32>
        %mul3A_1178 = arith.mulf %get3A_1177, %get3A_92 : vector<16xf32>
        %add3A_1179 = arith.addf %add3A_1173, %mul3A_1178 : vector<16xf32>
        %get3A_1180 = arith.index_cast %add3A_1150 : i32 to index
        %get3A_1181 = arith.constant 80 : index
        %get3A_1182 = tpu.vector_load %arg9[%get3A_1180, %get3A_1181] {strides = array<i32>} : memref<800x128xf32, #tpu.memory_space<vmem>>, vector<1x16xf32>,
        %get3A_1183 = vector.shape_cast %get3A_1182 : vector<1x16xf32> to vector<16xf32>
        %mul3A_1184 = arith.mulf %get3A_1183, %get3A_97 : vector<16xf32>
        %add3A_1185 = arith.addf %add3A_1179, %mul3A_1184 : vector<16xf32>
        %get3A_1186 = arith.index_cast %add3A_1150 : i32 to index
        %get3A_1187 = arith.constant 96 : index
        %get3A_1188 = tpu.vector_load %arg9[%get3A_1186, %get3A_1187] {strides = array<i32>} : memref<800x128xf32, #tpu.memory_space<vmem>>, vector<1x16xf32>,
        %get3A_1189 = vector.shape_cast %get3A_1188 : vector<1x16xf32> to vector<16xf32>
        %mul3A_1190 = arith.mulf %get3A_1189, %get3A_102 : vector<16xf32>
        %add3A_1191 = arith.addf %add3A_1185, %mul3A_1190 : vector<16xf32>
        %get3A_1192 = arith.index_cast %add3A_1150 : i32 to index
        %get3A_1193 = arith.constant 112 : index
        %get3A_1194 = tpu.vector_load %arg9[%get3A_1192, %get3A_1193] {strides = array<i32>} : memref<800x128xf32, #tpu.memory_space<vmem>>, vector<1x16xf32>,
        %get3A_1195 = vector.shape_cast %get3A_1194 : vector<1x16xf32> to vector<16xf32>
        %mul3A_1196 = arith.mulf %get3A_1195, %get3A_107 : vector<16xf32>
        %add3A_1197 = arith.addf %add3A_1191, %mul3A_1196 : vector<16xf32>
        %reshape3A_1198 = vector.shape_cast %xor3A_109 : vector<16xi32> to vector<16x1xi32>
        %gather3A_1199 = vector.shape_cast %reshape3A_1198 : vector<16x1xi32> to vector<16xi32>
        %gather3A_1200 = tpu.dynamic_gather %add3A_1197[%gather3A_1199] in [0] : vector<16xf32>, vector<16xi32> -> vector<16xf32>
        %add3A_1201 = arith.addf %add3A_1197, %gather3A_1200 : vector<16xf32>
        %reshape3A_1202 = vector.shape_cast %xor3A_112 : vector<16xi32> to vector<16x1xi32>
        %gather3A_1203 = vector.shape_cast %reshape3A_1202 : vector<16x1xi32> to vector<16xi32>
        %gather3A_1204 = tpu.dynamic_gather %add3A_1201[%gather3A_1203] in [0] : vector<16xf32>, vector<16xi32> -> vector<16xf32>
        %add3A_1205 = arith.addf %add3A_1201, %gather3A_1204 : vector<16xf32>
        %reshape3A_1206 = vector.shape_cast %xor3A_115 : vector<16xi32> to vector<16x1xi32>
        %gather3A_1207 = vector.shape_cast %reshape3A_1206 : vector<16x1xi32> to vector<16xi32>
        %gather3A_1208 = tpu.dynamic_gather %add3A_1205[%gather3A_1207] in [0] : vector<16xf32>, vector<16xi32> -> vector<16xf32>
        %add3A_1209 = arith.addf %add3A_1205, %gather3A_1208 : vector<16xf32>
        %reshape3A_1210 = vector.shape_cast %xor3A_118 : vector<16xi32> to vector<16x1xi32>
        %gather3A_1211 = vector.shape_cast %reshape3A_1210 : vector<16x1xi32> to vector<16xi32>
        %gather3A_1212 = tpu.dynamic_gather %add3A_1209[%gather3A_1211] in [0] : vector<16xf32>, vector<16xi32> -> vector<16xf32>
        %add3A_1213 = arith.addf %add3A_1209, %gather3A_1212 : vector<16xf32>
        %eq3A_1214 = arith.constant 14 : i32
        %eq3A_1215 = vector.broadcast %eq3A_1214 : i32 to vector<16xi32>
        %eq3A_1216 = arith.cmpi eq, %iota3A, %eq3A_1215 : vector<16xi32>
        %select_n3A_1217 = arith.select %eq3A_1216, %add3A_1213, %select_n3A_1146 : vector<16xi1>, vector<16xf32>
        %mul3A_1218 = arith.constant 16 : i32
        %mul3A_1219 = arith.muli %while3A_154, %mul3A_1218 : i32
        %add3A_1220 = arith.constant 15 : i32
        %add3A_1221 = arith.addi %mul3A_1219, %add3A_1220 : i32
        %get3A_1222 = arith.index_cast %add3A_1221 : i32 to index
        %get3A_1223 = arith.constant 0 : index
        %get3A_1224 = tpu.vector_load %arg9[%get3A_1222, %get3A_1223] {strides = array<i32>} : memref<800x128xf32, #tpu.memory_space<vmem>>, vector<1x16xf32>,
        %get3A_1225 = vector.shape_cast %get3A_1224 : vector<1x16xf32> to vector<16xf32>
        %mul3A_1226 = arith.mulf %get3A_1225, %get3A_72 : vector<16xf32>
        %get3A_1227 = arith.index_cast %add3A_1221 : i32 to index
        %get3A_1228 = arith.constant 16 : index
        %get3A_1229 = tpu.vector_load %arg9[%get3A_1227, %get3A_1228] {strides = array<i32>} : memref<800x128xf32, #tpu.memory_space<vmem>>, vector<1x16xf32>,
        %get3A_1230 = vector.shape_cast %get3A_1229 : vector<1x16xf32> to vector<16xf32>
        %mul3A_1231 = arith.mulf %get3A_1230, %get3A_77 : vector<16xf32>
        %add3A_1232 = arith.addf %mul3A_1226, %mul3A_1231 : vector<16xf32>
        %get3A_1233 = arith.index_cast %add3A_1221 : i32 to index
        %get3A_1234 = arith.constant 32 : index
        %get3A_1235 = tpu.vector_load %arg9[%get3A_1233, %get3A_1234] {strides = array<i32>} : memref<800x128xf32, #tpu.memory_space<vmem>>, vector<1x16xf32>,
        %get3A_1236 = vector.shape_cast %get3A_1235 : vector<1x16xf32> to vector<16xf32>
        %mul3A_1237 = arith.mulf %get3A_1236, %get3A_82 : vector<16xf32>
        %add3A_1238 = arith.addf %add3A_1232, %mul3A_1237 : vector<16xf32>
        %get3A_1239 = arith.index_cast %add3A_1221 : i32 to index
        %get3A_1240 = arith.constant 48 : index
        %get3A_1241 = tpu.vector_load %arg9[%get3A_1239, %get3A_1240] {strides = array<i32>} : memref<800x128xf32, #tpu.memory_space<vmem>>, vector<1x16xf32>,
        %get3A_1242 = vector.shape_cast %get3A_1241 : vector<1x16xf32> to vector<16xf32>
        %mul3A_1243 = arith.mulf %get3A_1242, %get3A_87 : vector<16xf32>
        %add3A_1244 = arith.addf %add3A_1238, %mul3A_1243 : vector<16xf32>
        %get3A_1245 = arith.index_cast %add3A_1221 : i32 to index
        %get3A_1246 = arith.constant 64 : index
        %get3A_1247 = tpu.vector_load %arg9[%get3A_1245, %get3A_1246] {strides = array<i32>} : memref<800x128xf32, #tpu.memory_space<vmem>>, vector<1x16xf32>,
        %get3A_1248 = vector.shape_cast %get3A_1247 : vector<1x16xf32> to vector<16xf32>
        %mul3A_1249 = arith.mulf %get3A_1248, %get3A_92 : vector<16xf32>
        %add3A_1250 = arith.addf %add3A_1244, %mul3A_1249 : vector<16xf32>
        %get3A_1251 = arith.index_cast %add3A_1221 : i32 to index
        %get3A_1252 = arith.constant 80 : index
        %get3A_1253 = tpu.vector_load %arg9[%get3A_1251, %get3A_1252] {strides = array<i32>} : memref<800x128xf32, #tpu.memory_space<vmem>>, vector<1x16xf32>,
        %get3A_1254 = vector.shape_cast %get3A_1253 : vector<1x16xf32> to vector<16xf32>
        %mul3A_1255 = arith.mulf %get3A_1254, %get3A_97 : vector<16xf32>
        %add3A_1256 = arith.addf %add3A_1250, %mul3A_1255 : vector<16xf32>
        %get3A_1257 = arith.index_cast %add3A_1221 : i32 to index
        %get3A_1258 = arith.constant 96 : index
        %get3A_1259 = tpu.vector_load %arg9[%get3A_1257, %get3A_1258] {strides = array<i32>} : memref<800x128xf32, #tpu.memory_space<vmem>>, vector<1x16xf32>,
        %get3A_1260 = vector.shape_cast %get3A_1259 : vector<1x16xf32> to vector<16xf32>
        %mul3A_1261 = arith.mulf %get3A_1260, %get3A_102 : vector<16xf32>
        %add3A_1262 = arith.addf %add3A_1256, %mul3A_1261 : vector<16xf32>
        %get3A_1263 = arith.index_cast %add3A_1221 : i32 to index
        %get3A_1264 = arith.constant 112 : index
        %get3A_1265 = tpu.vector_load %arg9[%get3A_1263, %get3A_1264] {strides = array<i32>} : memref<800x128xf32, #tpu.memory_space<vmem>>, vector<1x16xf32>,
        %get3A_1266 = vector.shape_cast %get3A_1265 : vector<1x16xf32> to vector<16xf32>
        %mul3A_1267 = arith.mulf %get3A_1266, %get3A_107 : vector<16xf32>
        %add3A_1268 = arith.addf %add3A_1262, %mul3A_1267 : vector<16xf32>
        %reshape3A_1269 = vector.shape_cast %xor3A_109 : vector<16xi32> to vector<16x1xi32>
        %gather3A_1270 = vector.shape_cast %reshape3A_1269 : vector<16x1xi32> to vector<16xi32>
        %gather3A_1271 = tpu.dynamic_gather %add3A_1268[%gather3A_1270] in [0] : vector<16xf32>, vector<16xi32> -> vector<16xf32>
        %add3A_1272 = arith.addf %add3A_1268, %gather3A_1271 : vector<16xf32>
        %reshape3A_1273 = vector.shape_cast %xor3A_112 : vector<16xi32> to vector<16x1xi32>
        %gather3A_1274 = vector.shape_cast %reshape3A_1273 : vector<16x1xi32> to vector<16xi32>
        %gather3A_1275 = tpu.dynamic_gather %add3A_1272[%gather3A_1274] in [0] : vector<16xf32>, vector<16xi32> -> vector<16xf32>
        %add3A_1276 = arith.addf %add3A_1272, %gather3A_1275 : vector<16xf32>
        %reshape3A_1277 = vector.shape_cast %xor3A_115 : vector<16xi32> to vector<16x1xi32>
        %gather3A_1278 = vector.shape_cast %reshape3A_1277 : vector<16x1xi32> to vector<16xi32>
        %gather3A_1279 = tpu.dynamic_gather %add3A_1276[%gather3A_1278] in [0] : vector<16xf32>, vector<16xi32> -> vector<16xf32>
        %add3A_1280 = arith.addf %add3A_1276, %gather3A_1279 : vector<16xf32>
        %reshape3A_1281 = vector.shape_cast %xor3A_118 : vector<16xi32> to vector<16x1xi32>
        %gather3A_1282 = vector.shape_cast %reshape3A_1281 : vector<16x1xi32> to vector<16xi32>
        %gather3A_1283 = tpu.dynamic_gather %add3A_1280[%gather3A_1282] in [0] : vector<16xf32>, vector<16xi32> -> vector<16xf32>
        %add3A_1284 = arith.addf %add3A_1280, %gather3A_1283 : vector<16xf32>
        %eq3A_1285 = arith.constant 15 : i32
        %eq3A_1286 = vector.broadcast %eq3A_1285 : i32 to vector<16xi32>
        %eq3A_1287 = arith.cmpi eq, %iota3A, %eq3A_1286 : vector<16xi32>
        %select_n3A_1288 = arith.select %eq3A_1287, %add3A_1284, %select_n3A_1217 : vector<16xi1>, vector<16xf32>
        %mul3A_1289 = arith.constant 16 : i32
        %mul3A_1290 = arith.muli %while3A_154, %mul3A_1289 : i32
        %get3A_1291 = arith.index_cast %mul3A_1290 : i32 to index
        %get3A_1292 = tpu.vector_load %arg10[%get3A_1291] {strides = array<i32>} : memref<800xf32, #tpu.memory_space<vmem>>, vector<16xf32>,
        %get3A_1293 = vector.shape_cast %get3A_1292 : vector<16xf32> to vector<16xf32>
        %add3A_1294 = arith.addf %select_n3A_1288, %get3A_1293 : vector<16xf32>
        %mul3A_1295 = arith.constant 16 : i32
        %mul3A_1296 = arith.muli %while3A_154, %mul3A_1295 : i32
        %swap3A = arith.index_cast %mul3A_1296 : i32 to index
        %swap3A_1297 = tpu.vector_load %arg11[%swap3A] {strides = array<i32>} : memref<800xf32, #tpu.memory_space<vmem>>, vector<16xf32>,
        %swap3A_1298 = vector.shape_cast %swap3A_1297 : vector<16xf32> to vector<16xf32>
        %swap3A_1299 = vector.shape_cast %add3A_1294 : vector<16xf32> to vector<16xf32>
        tpu.vector_store %arg11[%swap3A], %swap3A_1299 {strides = array<i32>} : memref<800xf32, #tpu.memory_space<vmem>>, vector<16xf32>,
        %while3A_1300 = arith.constant 0 : i32
        scf.yield %while3A_1300 : i32
      }
      %while3A_151 = arith.constant 1 : i32
      %while3A_152 = scf.for %while3A_154 = %while3A_148 to %while3A_144 step %while3A_151 iter_args(%while3A_155 = %while3A_150) -> (i32)  : i32 {
        %broadcast_in_dim3A = arith.constant 0.000000e+00 : f32
        %broadcast_in_dim3A_156 = vector.broadcast %broadcast_in_dim3A : f32 to vector<16xf32>
        %mul3A_157 = arith.constant 16 : i32
        %mul3A_158 = arith.muli %while3A_154, %mul3A_157 : i32
        %add3A_159 = arith.constant 0 : i32
        %add3A_160 = arith.addi %mul3A_158, %add3A_159 : i32
        %get3A_161 = arith.index_cast %add3A_160 : i32 to index
        %get3A_162 = arith.constant 0 : index
        %get3A_163 = tpu.vector_load %arg9[%get3A_161, %get3A_162] {strides = array<i32>} : memref<800x128xf32, #tpu.memory_space<vmem>>, vector<1x16xf32>,
        %get3A_164 = vector.shape_cast %get3A_163 : vector<1x16xf32> to vector<16xf32>
        %mul3A_165 = arith.mulf %get3A_164, %get3A_72 : vector<16xf32>
        %get3A_166 = arith.index_cast %add3A_160 : i32 to index
        %get3A_167 = arith.constant 16 : index
        %get3A_168 = tpu.vector_load %arg9[%get3A_166, %get3A_167] {strides = array<i32>} : memref<800x128xf32, #tpu.memory_space<vmem>>, vector<1x16xf32>,
        %get3A_169 = vector.shape_cast %get3A_168 : vector<1x16xf32> to vector<16xf32>
        %mul3A_170 = arith.mulf %get3A_169, %get3A_77 : vector<16xf32>
        %add3A_171 = arith.addf %mul3A_165, %mul3A_170 : vector<16xf32>
        %get3A_172 = arith.index_cast %add3A_160 : i32 to index
        %get3A_173 = arith.constant 32 : index
        %get3A_174 = tpu.vector_load %arg9[%get3A_172, %get3A_173] {strides = array<i32>} : memref<800x128xf32, #tpu.memory_space<vmem>>, vector<1x16xf32>,
        %get3A_175 = vector.shape_cast %get3A_174 : vector<1x16xf32> to vector<16xf32>
        %mul3A_176 = arith.mulf %get3A_175, %get3A_82 : vector<16xf32>
        %add3A_177 = arith.addf %add3A_171, %mul3A_176 : vector<16xf32>
        %get3A_178 = arith.index_cast %add3A_160 : i32 to index
        %get3A_179 = arith.constant 48 : index
        %get3A_180 = tpu.vector_load %arg9[%get3A_178, %get3A_179] {strides = array<i32>} : memref<800x128xf32, #tpu.memory_space<vmem>>, vector<1x16xf32>,
        %get3A_181 = vector.shape_cast %get3A_180 : vector<1x16xf32> to vector<16xf32>
        %mul3A_182 = arith.mulf %get3A_181, %get3A_87 : vector<16xf32>
        %add3A_183 = arith.addf %add3A_177, %mul3A_182 : vector<16xf32>
        %get3A_184 = arith.index_cast %add3A_160 : i32 to index
        %get3A_185 = arith.constant 64 : index
        %get3A_186 = tpu.vector_load %arg9[%get3A_184, %get3A_185] {strides = array<i32>} : memref<800x128xf32, #tpu.memory_space<vmem>>, vector<1x16xf32>,
        %get3A_187 = vector.shape_cast %get3A_186 : vector<1x16xf32> to vector<16xf32>
        %mul3A_188 = arith.mulf %get3A_187, %get3A_92 : vector<16xf32>
        %add3A_189 = arith.addf %add3A_183, %mul3A_188 : vector<16xf32>
        %get3A_190 = arith.index_cast %add3A_160 : i32 to index
        %get3A_191 = arith.constant 80 : index
        %get3A_192 = tpu.vector_load %arg9[%get3A_190, %get3A_191] {strides = array<i32>} : memref<800x128xf32, #tpu.memory_space<vmem>>, vector<1x16xf32>,
        %get3A_193 = vector.shape_cast %get3A_192 : vector<1x16xf32> to vector<16xf32>
        %mul3A_194 = arith.mulf %get3A_193, %get3A_97 : vector<16xf32>
        %add3A_195 = arith.addf %add3A_189, %mul3A_194 : vector<16xf32>
        %get3A_196 = arith.index_cast %add3A_160 : i32 to index
        %get3A_197 = arith.constant 96 : index
        %get3A_198 = tpu.vector_load %arg9[%get3A_196, %get3A_197] {strides = array<i32>} : memref<800x128xf32, #tpu.memory_space<vmem>>, vector<1x16xf32>,
        %get3A_199 = vector.shape_cast %get3A_198 : vector<1x16xf32> to vector<16xf32>
        %mul3A_200 = arith.mulf %get3A_199, %get3A_102 : vector<16xf32>
        %add3A_201 = arith.addf %add3A_195, %mul3A_200 : vector<16xf32>
        %get3A_202 = arith.index_cast %add3A_160 : i32 to index
        %get3A_203 = arith.constant 112 : index
        %get3A_204 = tpu.vector_load %arg9[%get3A_202, %get3A_203] {strides = array<i32>} : memref<800x128xf32, #tpu.memory_space<vmem>>, vector<1x16xf32>,
        %get3A_205 = vector.shape_cast %get3A_204 : vector<1x16xf32> to vector<16xf32>
        %mul3A_206 = arith.mulf %get3A_205, %get3A_107 : vector<16xf32>
        %add3A_207 = arith.addf %add3A_201, %mul3A_206 : vector<16xf32>
        %reshape3A = vector.shape_cast %xor3A_109 : vector<16xi32> to vector<16x1xi32>
        %gather3A = vector.shape_cast %reshape3A : vector<16x1xi32> to vector<16xi32>
        %gather3A_208 = tpu.dynamic_gather %add3A_207[%gather3A] in [0] : vector<16xf32>, vector<16xi32> -> vector<16xf32>
        %add3A_209 = arith.addf %add3A_207, %gather3A_208 : vector<16xf32>
        %reshape3A_210 = vector.shape_cast %xor3A_112 : vector<16xi32> to vector<16x1xi32>
        %gather3A_211 = vector.shape_cast %reshape3A_210 : vector<16x1xi32> to vector<16xi32>
        %gather3A_212 = tpu.dynamic_gather %add3A_209[%gather3A_211] in [0] : vector<16xf32>, vector<16xi32> -> vector<16xf32>
        %add3A_213 = arith.addf %add3A_209, %gather3A_212 : vector<16xf32>
        %reshape3A_214 = vector.shape_cast %xor3A_115 : vector<16xi32> to vector<16x1xi32>
        %gather3A_215 = vector.shape_cast %reshape3A_214 : vector<16x1xi32> to vector<16xi32>
        %gather3A_216 = tpu.dynamic_gather %add3A_213[%gather3A_215] in [0] : vector<16xf32>, vector<16xi32> -> vector<16xf32>
        %add3A_217 = arith.addf %add3A_213, %gather3A_216 : vector<16xf32>
        %reshape3A_218 = vector.shape_cast %xor3A_118 : vector<16xi32> to vector<16x1xi32>
        %gather3A_219 = vector.shape_cast %reshape3A_218 : vector<16x1xi32> to vector<16xi32>
        %gather3A_220 = tpu.dynamic_gather %add3A_217[%gather3A_219] in [0] : vector<16xf32>, vector<16xi32> -> vector<16xf32>
        %add3A_221 = arith.addf %add3A_217, %gather3A_220 : vector<16xf32>
        %eq3A = arith.constant 0 : i32
        %eq3A_222 = vector.broadcast %eq3A : i32 to vector<16xi32>
        %eq3A_223 = arith.cmpi eq, %iota3A, %eq3A_222 : vector<16xi32>
        %select_n3A = arith.select %eq3A_223, %add3A_221, %broadcast_in_dim3A_156 : vector<16xi1>, vector<16xf32>
        %mul3A_224 = arith.constant 16 : i32
        %mul3A_225 = arith.muli %while3A_154, %mul3A_224 : i32
        %add3A_226 = arith.constant 1 : i32
        %add3A_227 = arith.addi %mul3A_225, %add3A_226 : i32
        %get3A_228 = arith.index_cast %add3A_227 : i32 to index
        %get3A_229 = arith.constant 0 : index
        %get3A_230 = tpu.vector_load %arg9[%get3A_228, %get3A_229] {strides = array<i32>} : memref<800x128xf32, #tpu.memory_space<vmem>>, vector<1x16xf32>,
        %get3A_231 = vector.shape_cast %get3A_230 : vector<1x16xf32> to vector<16xf32>
        %mul3A_232 = arith.mulf %get3A_231, %get3A_72 : vector<16xf32>
        %get3A_233 = arith.index_cast %add3A_227 : i32 to index
        %get3A_234 = arith.constant 16 : index
        %get3A_235 = tpu.vector_load %arg9[%get3A_233, %get3A_234] {strides = array<i32>} : memref<800x128xf32, #tpu.memory_space<vmem>>, vector<1x16xf32>,
        %get3A_236 = vector.shape_cast %get3A_235 : vector<1x16xf32> to vector<16xf32>
        %mul3A_237 = arith.mulf %get3A_236, %get3A_77 : vector<16xf32>
        %add3A_238 = arith.addf %mul3A_232, %mul3A_237 : vector<16xf32>
        %get3A_239 = arith.index_cast %add3A_227 : i32 to index
        %get3A_240 = arith.constant 32 : index
        %get3A_241 = tpu.vector_load %arg9[%get3A_239, %get3A_240] {strides = array<i32>} : memref<800x128xf32, #tpu.memory_space<vmem>>, vector<1x16xf32>,
        %get3A_242 = vector.shape_cast %get3A_241 : vector<1x16xf32> to vector<16xf32>
        %mul3A_243 = arith.mulf %get3A_242, %get3A_82 : vector<16xf32>
        %add3A_244 = arith.addf %add3A_238, %mul3A_243 : vector<16xf32>
        %get3A_245 = arith.index_cast %add3A_227 : i32 to index
        %get3A_246 = arith.constant 48 : index
        %get3A_247 = tpu.vector_load %arg9[%get3A_245, %get3A_246] {strides = array<i32>} : memref<800x128xf32, #tpu.memory_space<vmem>>, vector<1x16xf32>,
        %get3A_248 = vector.shape_cast %get3A_247 : vector<1x16xf32> to vector<16xf32>
        %mul3A_249 = arith.mulf %get3A_248, %get3A_87 : vector<16xf32>
        %add3A_250 = arith.addf %add3A_244, %mul3A_249 : vector<16xf32>
        %get3A_251 = arith.index_cast %add3A_227 : i32 to index
        %get3A_252 = arith.constant 64 : index
        %get3A_253 = tpu.vector_load %arg9[%get3A_251, %get3A_252] {strides = array<i32>} : memref<800x128xf32, #tpu.memory_space<vmem>>, vector<1x16xf32>,
        %get3A_254 = vector.shape_cast %get3A_253 : vector<1x16xf32> to vector<16xf32>
        %mul3A_255 = arith.mulf %get3A_254, %get3A_92 : vector<16xf32>
        %add3A_256 = arith.addf %add3A_250, %mul3A_255 : vector<16xf32>
        %get3A_257 = arith.index_cast %add3A_227 : i32 to index
        %get3A_258 = arith.constant 80 : index
        %get3A_259 = tpu.vector_load %arg9[%get3A_257, %get3A_258] {strides = array<i32>} : memref<800x128xf32, #tpu.memory_space<vmem>>, vector<1x16xf32>,
        %get3A_260 = vector.shape_cast %get3A_259 : vector<1x16xf32> to vector<16xf32>
        %mul3A_261 = arith.mulf %get3A_260, %get3A_97 : vector<16xf32>
        %add3A_262 = arith.addf %add3A_256, %mul3A_261 : vector<16xf32>
        %get3A_263 = arith.index_cast %add3A_227 : i32 to index
        %get3A_264 = arith.constant 96 : index
        %get3A_265 = tpu.vector_load %arg9[%get3A_263, %get3A_264] {strides = array<i32>} : memref<800x128xf32, #tpu.memory_space<vmem>>, vector<1x16xf32>,
        %get3A_266 = vector.shape_cast %get3A_265 : vector<1x16xf32> to vector<16xf32>
        %mul3A_267 = arith.mulf %get3A_266, %get3A_102 : vector<16xf32>
        %add3A_268 = arith.addf %add3A_262, %mul3A_267 : vector<16xf32>
        %get3A_269 = arith.index_cast %add3A_227 : i32 to index
        %get3A_270 = arith.constant 112 : index
        %get3A_271 = tpu.vector_load %arg9[%get3A_269, %get3A_270] {strides = array<i32>} : memref<800x128xf32, #tpu.memory_space<vmem>>, vector<1x16xf32>,
        %get3A_272 = vector.shape_cast %get3A_271 : vector<1x16xf32> to vector<16xf32>
        %mul3A_273 = arith.mulf %get3A_272, %get3A_107 : vector<16xf32>
        %add3A_274 = arith.addf %add3A_268, %mul3A_273 : vector<16xf32>
        %reshape3A_275 = vector.shape_cast %xor3A_109 : vector<16xi32> to vector<16x1xi32>
        %gather3A_276 = vector.shape_cast %reshape3A_275 : vector<16x1xi32> to vector<16xi32>
        %gather3A_277 = tpu.dynamic_gather %add3A_274[%gather3A_276] in [0] : vector<16xf32>, vector<16xi32> -> vector<16xf32>
        %add3A_278 = arith.addf %add3A_274, %gather3A_277 : vector<16xf32>
        %reshape3A_279 = vector.shape_cast %xor3A_112 : vector<16xi32> to vector<16x1xi32>
        %gather3A_280 = vector.shape_cast %reshape3A_279 : vector<16x1xi32> to vector<16xi32>
        %gather3A_281 = tpu.dynamic_gather %add3A_278[%gather3A_280] in [0] : vector<16xf32>, vector<16xi32> -> vector<16xf32>
        %add3A_282 = arith.addf %add3A_278, %gather3A_281 : vector<16xf32>
        %reshape3A_283 = vector.shape_cast %xor3A_115 : vector<16xi32> to vector<16x1xi32>
        %gather3A_284 = vector.shape_cast %reshape3A_283 : vector<16x1xi32> to vector<16xi32>
        %gather3A_285 = tpu.dynamic_gather %add3A_282[%gather3A_284] in [0] : vector<16xf32>, vector<16xi32> -> vector<16xf32>
        %add3A_286 = arith.addf %add3A_282, %gather3A_285 : vector<16xf32>
        %reshape3A_287 = vector.shape_cast %xor3A_118 : vector<16xi32> to vector<16x1xi32>
        %gather3A_288 = vector.shape_cast %reshape3A_287 : vector<16x1xi32> to vector<16xi32>
        %gather3A_289 = tpu.dynamic_gather %add3A_286[%gather3A_288] in [0] : vector<16xf32>, vector<16xi32> -> vector<16xf32>
        %add3A_290 = arith.addf %add3A_286, %gather3A_289 : vector<16xf32>
        %eq3A_291 = arith.constant 1 : i32
        %eq3A_292 = vector.broadcast %eq3A_291 : i32 to vector<16xi32>
        %eq3A_293 = arith.cmpi eq, %iota3A, %eq3A_292 : vector<16xi32>
        %select_n3A_294 = arith.select %eq3A_293, %add3A_290, %select_n3A : vector<16xi1>, vector<16xf32>
        %mul3A_295 = arith.constant 16 : i32
        %mul3A_296 = arith.muli %while3A_154, %mul3A_295 : i32
        %add3A_297 = arith.constant 2 : i32
        %add3A_298 = arith.addi %mul3A_296, %add3A_297 : i32
        %get3A_299 = arith.index_cast %add3A_298 : i32 to index
        %get3A_300 = arith.constant 0 : index
        %get3A_301 = tpu.vector_load %arg9[%get3A_299, %get3A_300] {strides = array<i32>} : memref<800x128xf32, #tpu.memory_space<vmem>>, vector<1x16xf32>,
        %get3A_302 = vector.shape_cast %get3A_301 : vector<1x16xf32> to vector<16xf32>
        %mul3A_303 = arith.mulf %get3A_302, %get3A_72 : vector<16xf32>
        %get3A_304 = arith.index_cast %add3A_298 : i32 to index
        %get3A_305 = arith.constant 16 : index
        %get3A_306 = tpu.vector_load %arg9[%get3A_304, %get3A_305] {strides = array<i32>} : memref<800x128xf32, #tpu.memory_space<vmem>>, vector<1x16xf32>,
        %get3A_307 = vector.shape_cast %get3A_306 : vector<1x16xf32> to vector<16xf32>
        %mul3A_308 = arith.mulf %get3A_307, %get3A_77 : vector<16xf32>
        %add3A_309 = arith.addf %mul3A_303, %mul3A_308 : vector<16xf32>
        %get3A_310 = arith.index_cast %add3A_298 : i32 to index
        %get3A_311 = arith.constant 32 : index
        %get3A_312 = tpu.vector_load %arg9[%get3A_310, %get3A_311] {strides = array<i32>} : memref<800x128xf32, #tpu.memory_space<vmem>>, vector<1x16xf32>,
        %get3A_313 = vector.shape_cast %get3A_312 : vector<1x16xf32> to vector<16xf32>
        %mul3A_314 = arith.mulf %get3A_313, %get3A_82 : vector<16xf32>
        %add3A_315 = arith.addf %add3A_309, %mul3A_314 : vector<16xf32>
        %get3A_316 = arith.index_cast %add3A_298 : i32 to index
        %get3A_317 = arith.constant 48 : index
        %get3A_318 = tpu.vector_load %arg9[%get3A_316, %get3A_317] {strides = array<i32>} : memref<800x128xf32, #tpu.memory_space<vmem>>, vector<1x16xf32>,
        %get3A_319 = vector.shape_cast %get3A_318 : vector<1x16xf32> to vector<16xf32>
        %mul3A_320 = arith.mulf %get3A_319, %get3A_87 : vector<16xf32>
        %add3A_321 = arith.addf %add3A_315, %mul3A_320 : vector<16xf32>
        %get3A_322 = arith.index_cast %add3A_298 : i32 to index
        %get3A_323 = arith.constant 64 : index
        %get3A_324 = tpu.vector_load %arg9[%get3A_322, %get3A_323] {strides = array<i32>} : memref<800x128xf32, #tpu.memory_space<vmem>>, vector<1x16xf32>,
        %get3A_325 = vector.shape_cast %get3A_324 : vector<1x16xf32> to vector<16xf32>
        %mul3A_326 = arith.mulf %get3A_325, %get3A_92 : vector<16xf32>
        %add3A_327 = arith.addf %add3A_321, %mul3A_326 : vector<16xf32>
        %get3A_328 = arith.index_cast %add3A_298 : i32 to index
        %get3A_329 = arith.constant 80 : index
        %get3A_330 = tpu.vector_load %arg9[%get3A_328, %get3A_329] {strides = array<i32>} : memref<800x128xf32, #tpu.memory_space<vmem>>, vector<1x16xf32>,
        %get3A_331 = vector.shape_cast %get3A_330 : vector<1x16xf32> to vector<16xf32>
        %mul3A_332 = arith.mulf %get3A_331, %get3A_97 : vector<16xf32>
        %add3A_333 = arith.addf %add3A_327, %mul3A_332 : vector<16xf32>
        %get3A_334 = arith.index_cast %add3A_298 : i32 to index
        %get3A_335 = arith.constant 96 : index
        %get3A_336 = tpu.vector_load %arg9[%get3A_334, %get3A_335] {strides = array<i32>} : memref<800x128xf32, #tpu.memory_space<vmem>>, vector<1x16xf32>,
        %get3A_337 = vector.shape_cast %get3A_336 : vector<1x16xf32> to vector<16xf32>
        %mul3A_338 = arith.mulf %get3A_337, %get3A_102 : vector<16xf32>
        %add3A_339 = arith.addf %add3A_333, %mul3A_338 : vector<16xf32>
        %get3A_340 = arith.index_cast %add3A_298 : i32 to index
        %get3A_341 = arith.constant 112 : index
        %get3A_342 = tpu.vector_load %arg9[%get3A_340, %get3A_341] {strides = array<i32>} : memref<800x128xf32, #tpu.memory_space<vmem>>, vector<1x16xf32>,
        %get3A_343 = vector.shape_cast %get3A_342 : vector<1x16xf32> to vector<16xf32>
        %mul3A_344 = arith.mulf %get3A_343, %get3A_107 : vector<16xf32>
        %add3A_345 = arith.addf %add3A_339, %mul3A_344 : vector<16xf32>
        %reshape3A_346 = vector.shape_cast %xor3A_109 : vector<16xi32> to vector<16x1xi32>
        %gather3A_347 = vector.shape_cast %reshape3A_346 : vector<16x1xi32> to vector<16xi32>
        %gather3A_348 = tpu.dynamic_gather %add3A_345[%gather3A_347] in [0] : vector<16xf32>, vector<16xi32> -> vector<16xf32>
        %add3A_349 = arith.addf %add3A_345, %gather3A_348 : vector<16xf32>
        %reshape3A_350 = vector.shape_cast %xor3A_112 : vector<16xi32> to vector<16x1xi32>
        %gather3A_351 = vector.shape_cast %reshape3A_350 : vector<16x1xi32> to vector<16xi32>
        %gather3A_352 = tpu.dynamic_gather %add3A_349[%gather3A_351] in [0] : vector<16xf32>, vector<16xi32> -> vector<16xf32>
        %add3A_353 = arith.addf %add3A_349, %gather3A_352 : vector<16xf32>
        %reshape3A_354 = vector.shape_cast %xor3A_115 : vector<16xi32> to vector<16x1xi32>
        %gather3A_355 = vector.shape_cast %reshape3A_354 : vector<16x1xi32> to vector<16xi32>
        %gather3A_356 = tpu.dynamic_gather %add3A_353[%gather3A_355] in [0] : vector<16xf32>, vector<16xi32> -> vector<16xf32>
        %add3A_357 = arith.addf %add3A_353, %gather3A_356 : vector<16xf32>
        %reshape3A_358 = vector.shape_cast %xor3A_118 : vector<16xi32> to vector<16x1xi32>
        %gather3A_359 = vector.shape_cast %reshape3A_358 : vector<16x1xi32> to vector<16xi32>
        %gather3A_360 = tpu.dynamic_gather %add3A_357[%gather3A_359] in [0] : vector<16xf32>, vector<16xi32> -> vector<16xf32>
        %add3A_361 = arith.addf %add3A_357, %gather3A_360 : vector<16xf32>
        %eq3A_362 = arith.constant 2 : i32
        %eq3A_363 = vector.broadcast %eq3A_362 : i32 to vector<16xi32>
        %eq3A_364 = arith.cmpi eq, %iota3A, %eq3A_363 : vector<16xi32>
        %select_n3A_365 = arith.select %eq3A_364, %add3A_361, %select_n3A_294 : vector<16xi1>, vector<16xf32>
        %mul3A_366 = arith.constant 16 : i32
        %mul3A_367 = arith.muli %while3A_154, %mul3A_366 : i32
        %add3A_368 = arith.constant 3 : i32
        %add3A_369 = arith.addi %mul3A_367, %add3A_368 : i32
        %get3A_370 = arith.index_cast %add3A_369 : i32 to index
        %get3A_371 = arith.constant 0 : index
        %get3A_372 = tpu.vector_load %arg9[%get3A_370, %get3A_371] {strides = array<i32>} : memref<800x128xf32, #tpu.memory_space<vmem>>, vector<1x16xf32>,
        %get3A_373 = vector.shape_cast %get3A_372 : vector<1x16xf32> to vector<16xf32>
        %mul3A_374 = arith.mulf %get3A_373, %get3A_72 : vector<16xf32>
        %get3A_375 = arith.index_cast %add3A_369 : i32 to index
        %get3A_376 = arith.constant 16 : index
        %get3A_377 = tpu.vector_load %arg9[%get3A_375, %get3A_376] {strides = array<i32>} : memref<800x128xf32, #tpu.memory_space<vmem>>, vector<1x16xf32>,
        %get3A_378 = vector.shape_cast %get3A_377 : vector<1x16xf32> to vector<16xf32>
        %mul3A_379 = arith.mulf %get3A_378, %get3A_77 : vector<16xf32>
        %add3A_380 = arith.addf %mul3A_374, %mul3A_379 : vector<16xf32>
        %get3A_381 = arith.index_cast %add3A_369 : i32 to index
        %get3A_382 = arith.constant 32 : index
        %get3A_383 = tpu.vector_load %arg9[%get3A_381, %get3A_382] {strides = array<i32>} : memref<800x128xf32, #tpu.memory_space<vmem>>, vector<1x16xf32>,
        %get3A_384 = vector.shape_cast %get3A_383 : vector<1x16xf32> to vector<16xf32>
        %mul3A_385 = arith.mulf %get3A_384, %get3A_82 : vector<16xf32>
        %add3A_386 = arith.addf %add3A_380, %mul3A_385 : vector<16xf32>
        %get3A_387 = arith.index_cast %add3A_369 : i32 to index
        %get3A_388 = arith.constant 48 : index
        %get3A_389 = tpu.vector_load %arg9[%get3A_387, %get3A_388] {strides = array<i32>} : memref<800x128xf32, #tpu.memory_space<vmem>>, vector<1x16xf32>,
        %get3A_390 = vector.shape_cast %get3A_389 : vector<1x16xf32> to vector<16xf32>
        %mul3A_391 = arith.mulf %get3A_390, %get3A_87 : vector<16xf32>
        %add3A_392 = arith.addf %add3A_386, %mul3A_391 : vector<16xf32>
        %get3A_393 = arith.index_cast %add3A_369 : i32 to index
        %get3A_394 = arith.constant 64 : index
        %get3A_395 = tpu.vector_load %arg9[%get3A_393, %get3A_394] {strides = array<i32>} : memref<800x128xf32, #tpu.memory_space<vmem>>, vector<1x16xf32>,
        %get3A_396 = vector.shape_cast %get3A_395 : vector<1x16xf32> to vector<16xf32>
        %mul3A_397 = arith.mulf %get3A_396, %get3A_92 : vector<16xf32>
        %add3A_398 = arith.addf %add3A_392, %mul3A_397 : vector<16xf32>
        %get3A_399 = arith.index_cast %add3A_369 : i32 to index
        %get3A_400 = arith.constant 80 : index
        %get3A_401 = tpu.vector_load %arg9[%get3A_399, %get3A_400] {strides = array<i32>} : memref<800x128xf32, #tpu.memory_space<vmem>>, vector<1x16xf32>,
        %get3A_402 = vector.shape_cast %get3A_401 : vector<1x16xf32> to vector<16xf32>
        %mul3A_403 = arith.mulf %get3A_402, %get3A_97 : vector<16xf32>
        %add3A_404 = arith.addf %add3A_398, %mul3A_403 : vector<16xf32>
        %get3A_405 = arith.index_cast %add3A_369 : i32 to index
        %get3A_406 = arith.constant 96 : index
        %get3A_407 = tpu.vector_load %arg9[%get3A_405, %get3A_406] {strides = array<i32>} : memref<800x128xf32, #tpu.memory_space<vmem>>, vector<1x16xf32>,
        %get3A_408 = vector.shape_cast %get3A_407 : vector<1x16xf32> to vector<16xf32>
        %mul3A_409 = arith.mulf %get3A_408, %get3A_102 : vector<16xf32>
        %add3A_410 = arith.addf %add3A_404, %mul3A_409 : vector<16xf32>
        %get3A_411 = arith.index_cast %add3A_369 : i32 to index
        %get3A_412 = arith.constant 112 : index
        %get3A_413 = tpu.vector_load %arg9[%get3A_411, %get3A_412] {strides = array<i32>} : memref<800x128xf32, #tpu.memory_space<vmem>>, vector<1x16xf32>,
        %get3A_414 = vector.shape_cast %get3A_413 : vector<1x16xf32> to vector<16xf32>
        %mul3A_415 = arith.mulf %get3A_414, %get3A_107 : vector<16xf32>
        %add3A_416 = arith.addf %add3A_410, %mul3A_415 : vector<16xf32>
        %reshape3A_417 = vector.shape_cast %xor3A_109 : vector<16xi32> to vector<16x1xi32>
        %gather3A_418 = vector.shape_cast %reshape3A_417 : vector<16x1xi32> to vector<16xi32>
        %gather3A_419 = tpu.dynamic_gather %add3A_416[%gather3A_418] in [0] : vector<16xf32>, vector<16xi32> -> vector<16xf32>
        %add3A_420 = arith.addf %add3A_416, %gather3A_419 : vector<16xf32>
        %reshape3A_421 = vector.shape_cast %xor3A_112 : vector<16xi32> to vector<16x1xi32>
        %gather3A_422 = vector.shape_cast %reshape3A_421 : vector<16x1xi32> to vector<16xi32>
        %gather3A_423 = tpu.dynamic_gather %add3A_420[%gather3A_422] in [0] : vector<16xf32>, vector<16xi32> -> vector<16xf32>
        %add3A_424 = arith.addf %add3A_420, %gather3A_423 : vector<16xf32>
        %reshape3A_425 = vector.shape_cast %xor3A_115 : vector<16xi32> to vector<16x1xi32>
        %gather3A_426 = vector.shape_cast %reshape3A_425 : vector<16x1xi32> to vector<16xi32>
        %gather3A_427 = tpu.dynamic_gather %add3A_424[%gather3A_426] in [0] : vector<16xf32>, vector<16xi32> -> vector<16xf32>
        %add3A_428 = arith.addf %add3A_424, %gather3A_427 : vector<16xf32>
        %reshape3A_429 = vector.shape_cast %xor3A_118 : vector<16xi32> to vector<16x1xi32>
        %gather3A_430 = vector.shape_cast %reshape3A_429 : vector<16x1xi32> to vector<16xi32>
        %gather3A_431 = tpu.dynamic_gather %add3A_428[%gather3A_430] in [0] : vector<16xf32>, vector<16xi32> -> vector<16xf32>
        %add3A_432 = arith.addf %add3A_428, %gather3A_431 : vector<16xf32>
        %eq3A_433 = arith.constant 3 : i32
        %eq3A_434 = vector.broadcast %eq3A_433 : i32 to vector<16xi32>
        %eq3A_435 = arith.cmpi eq, %iota3A, %eq3A_434 : vector<16xi32>
        %select_n3A_436 = arith.select %eq3A_435, %add3A_432, %select_n3A_365 : vector<16xi1>, vector<16xf32>
        %mul3A_437 = arith.constant 16 : i32
        %mul3A_438 = arith.muli %while3A_154, %mul3A_437 : i32
        %add3A_439 = arith.constant 4 : i32
        %add3A_440 = arith.addi %mul3A_438, %add3A_439 : i32
        %get3A_441 = arith.index_cast %add3A_440 : i32 to index
        %get3A_442 = arith.constant 0 : index
        %get3A_443 = tpu.vector_load %arg9[%get3A_441, %get3A_442] {strides = array<i32>} : memref<800x128xf32, #tpu.memory_space<vmem>>, vector<1x16xf32>,
        %get3A_444 = vector.shape_cast %get3A_443 : vector<1x16xf32> to vector<16xf32>
        %mul3A_445 = arith.mulf %get3A_444, %get3A_72 : vector<16xf32>
        %get3A_446 = arith.index_cast %add3A_440 : i32 to index
        %get3A_447 = arith.constant 16 : index
        %get3A_448 = tpu.vector_load %arg9[%get3A_446, %get3A_447] {strides = array<i32>} : memref<800x128xf32, #tpu.memory_space<vmem>>, vector<1x16xf32>,
        %get3A_449 = vector.shape_cast %get3A_448 : vector<1x16xf32> to vector<16xf32>
        %mul3A_450 = arith.mulf %get3A_449, %get3A_77 : vector<16xf32>
        %add3A_451 = arith.addf %mul3A_445, %mul3A_450 : vector<16xf32>
        %get3A_452 = arith.index_cast %add3A_440 : i32 to index
        %get3A_453 = arith.constant 32 : index
        %get3A_454 = tpu.vector_load %arg9[%get3A_452, %get3A_453] {strides = array<i32>} : memref<800x128xf32, #tpu.memory_space<vmem>>, vector<1x16xf32>,
        %get3A_455 = vector.shape_cast %get3A_454 : vector<1x16xf32> to vector<16xf32>
        %mul3A_456 = arith.mulf %get3A_455, %get3A_82 : vector<16xf32>
        %add3A_457 = arith.addf %add3A_451, %mul3A_456 : vector<16xf32>
        %get3A_458 = arith.index_cast %add3A_440 : i32 to index
        %get3A_459 = arith.constant 48 : index
        %get3A_460 = tpu.vector_load %arg9[%get3A_458, %get3A_459] {strides = array<i32>} : memref<800x128xf32, #tpu.memory_space<vmem>>, vector<1x16xf32>,
        %get3A_461 = vector.shape_cast %get3A_460 : vector<1x16xf32> to vector<16xf32>
        %mul3A_462 = arith.mulf %get3A_461, %get3A_87 : vector<16xf32>
        %add3A_463 = arith.addf %add3A_457, %mul3A_462 : vector<16xf32>
        %get3A_464 = arith.index_cast %add3A_440 : i32 to index
        %get3A_465 = arith.constant 64 : index
        %get3A_466 = tpu.vector_load %arg9[%get3A_464, %get3A_465] {strides = array<i32>} : memref<800x128xf32, #tpu.memory_space<vmem>>, vector<1x16xf32>,
        %get3A_467 = vector.shape_cast %get3A_466 : vector<1x16xf32> to vector<16xf32>
        %mul3A_468 = arith.mulf %get3A_467, %get3A_92 : vector<16xf32>
        %add3A_469 = arith.addf %add3A_463, %mul3A_468 : vector<16xf32>
        %get3A_470 = arith.index_cast %add3A_440 : i32 to index
        %get3A_471 = arith.constant 80 : index
        %get3A_472 = tpu.vector_load %arg9[%get3A_470, %get3A_471] {strides = array<i32>} : memref<800x128xf32, #tpu.memory_space<vmem>>, vector<1x16xf32>,
        %get3A_473 = vector.shape_cast %get3A_472 : vector<1x16xf32> to vector<16xf32>
        %mul3A_474 = arith.mulf %get3A_473, %get3A_97 : vector<16xf32>
        %add3A_475 = arith.addf %add3A_469, %mul3A_474 : vector<16xf32>
        %get3A_476 = arith.index_cast %add3A_440 : i32 to index
        %get3A_477 = arith.constant 96 : index
        %get3A_478 = tpu.vector_load %arg9[%get3A_476, %get3A_477] {strides = array<i32>} : memref<800x128xf32, #tpu.memory_space<vmem>>, vector<1x16xf32>,
        %get3A_479 = vector.shape_cast %get3A_478 : vector<1x16xf32> to vector<16xf32>
        %mul3A_480 = arith.mulf %get3A_479, %get3A_102 : vector<16xf32>
        %add3A_481 = arith.addf %add3A_475, %mul3A_480 : vector<16xf32>
        %get3A_482 = arith.index_cast %add3A_440 : i32 to index
        %get3A_483 = arith.constant 112 : index
        %get3A_484 = tpu.vector_load %arg9[%get3A_482, %get3A_483] {strides = array<i32>} : memref<800x128xf32, #tpu.memory_space<vmem>>, vector<1x16xf32>,
        %get3A_485 = vector.shape_cast %get3A_484 : vector<1x16xf32> to vector<16xf32>
        %mul3A_486 = arith.mulf %get3A_485, %get3A_107 : vector<16xf32>
        %add3A_487 = arith.addf %add3A_481, %mul3A_486 : vector<16xf32>
        %reshape3A_488 = vector.shape_cast %xor3A_109 : vector<16xi32> to vector<16x1xi32>
        %gather3A_489 = vector.shape_cast %reshape3A_488 : vector<16x1xi32> to vector<16xi32>
        %gather3A_490 = tpu.dynamic_gather %add3A_487[%gather3A_489] in [0] : vector<16xf32>, vector<16xi32> -> vector<16xf32>
        %add3A_491 = arith.addf %add3A_487, %gather3A_490 : vector<16xf32>
        %reshape3A_492 = vector.shape_cast %xor3A_112 : vector<16xi32> to vector<16x1xi32>
        %gather3A_493 = vector.shape_cast %reshape3A_492 : vector<16x1xi32> to vector<16xi32>
        %gather3A_494 = tpu.dynamic_gather %add3A_491[%gather3A_493] in [0] : vector<16xf32>, vector<16xi32> -> vector<16xf32>
        %add3A_495 = arith.addf %add3A_491, %gather3A_494 : vector<16xf32>
        %reshape3A_496 = vector.shape_cast %xor3A_115 : vector<16xi32> to vector<16x1xi32>
        %gather3A_497 = vector.shape_cast %reshape3A_496 : vector<16x1xi32> to vector<16xi32>
        %gather3A_498 = tpu.dynamic_gather %add3A_495[%gather3A_497] in [0] : vector<16xf32>, vector<16xi32> -> vector<16xf32>
        %add3A_499 = arith.addf %add3A_495, %gather3A_498 : vector<16xf32>
        %reshape3A_500 = vector.shape_cast %xor3A_118 : vector<16xi32> to vector<16x1xi32>
        %gather3A_501 = vector.shape_cast %reshape3A_500 : vector<16x1xi32> to vector<16xi32>
        %gather3A_502 = tpu.dynamic_gather %add3A_499[%gather3A_501] in [0] : vector<16xf32>, vector<16xi32> -> vector<16xf32>
        %add3A_503 = arith.addf %add3A_499, %gather3A_502 : vector<16xf32>
        %eq3A_504 = arith.constant 4 : i32
        %eq3A_505 = vector.broadcast %eq3A_504 : i32 to vector<16xi32>
        %eq3A_506 = arith.cmpi eq, %iota3A, %eq3A_505 : vector<16xi32>
        %select_n3A_507 = arith.select %eq3A_506, %add3A_503, %select_n3A_436 : vector<16xi1>, vector<16xf32>
        %mul3A_508 = arith.constant 16 : i32
        %mul3A_509 = arith.muli %while3A_154, %mul3A_508 : i32
        %add3A_510 = arith.constant 5 : i32
        %add3A_511 = arith.addi %mul3A_509, %add3A_510 : i32
        %get3A_512 = arith.index_cast %add3A_511 : i32 to index
        %get3A_513 = arith.constant 0 : index
        %get3A_514 = tpu.vector_load %arg9[%get3A_512, %get3A_513] {strides = array<i32>} : memref<800x128xf32, #tpu.memory_space<vmem>>, vector<1x16xf32>,
        %get3A_515 = vector.shape_cast %get3A_514 : vector<1x16xf32> to vector<16xf32>
        %mul3A_516 = arith.mulf %get3A_515, %get3A_72 : vector<16xf32>
        %get3A_517 = arith.index_cast %add3A_511 : i32 to index
        %get3A_518 = arith.constant 16 : index
        %get3A_519 = tpu.vector_load %arg9[%get3A_517, %get3A_518] {strides = array<i32>} : memref<800x128xf32, #tpu.memory_space<vmem>>, vector<1x16xf32>,
        %get3A_520 = vector.shape_cast %get3A_519 : vector<1x16xf32> to vector<16xf32>
        %mul3A_521 = arith.mulf %get3A_520, %get3A_77 : vector<16xf32>
        %add3A_522 = arith.addf %mul3A_516, %mul3A_521 : vector<16xf32>
        %get3A_523 = arith.index_cast %add3A_511 : i32 to index
        %get3A_524 = arith.constant 32 : index
        %get3A_525 = tpu.vector_load %arg9[%get3A_523, %get3A_524] {strides = array<i32>} : memref<800x128xf32, #tpu.memory_space<vmem>>, vector<1x16xf32>,
        %get3A_526 = vector.shape_cast %get3A_525 : vector<1x16xf32> to vector<16xf32>
        %mul3A_527 = arith.mulf %get3A_526, %get3A_82 : vector<16xf32>
        %add3A_528 = arith.addf %add3A_522, %mul3A_527 : vector<16xf32>
        %get3A_529 = arith.index_cast %add3A_511 : i32 to index
        %get3A_530 = arith.constant 48 : index
        %get3A_531 = tpu.vector_load %arg9[%get3A_529, %get3A_530] {strides = array<i32>} : memref<800x128xf32, #tpu.memory_space<vmem>>, vector<1x16xf32>,
        %get3A_532 = vector.shape_cast %get3A_531 : vector<1x16xf32> to vector<16xf32>
        %mul3A_533 = arith.mulf %get3A_532, %get3A_87 : vector<16xf32>
        %add3A_534 = arith.addf %add3A_528, %mul3A_533 : vector<16xf32>
        %get3A_535 = arith.index_cast %add3A_511 : i32 to index
        %get3A_536 = arith.constant 64 : index
        %get3A_537 = tpu.vector_load %arg9[%get3A_535, %get3A_536] {strides = array<i32>} : memref<800x128xf32, #tpu.memory_space<vmem>>, vector<1x16xf32>,
        %get3A_538 = vector.shape_cast %get3A_537 : vector<1x16xf32> to vector<16xf32>
        %mul3A_539 = arith.mulf %get3A_538, %get3A_92 : vector<16xf32>
        %add3A_540 = arith.addf %add3A_534, %mul3A_539 : vector<16xf32>
        %get3A_541 = arith.index_cast %add3A_511 : i32 to index
        %get3A_542 = arith.constant 80 : index
        %get3A_543 = tpu.vector_load %arg9[%get3A_541, %get3A_542] {strides = array<i32>} : memref<800x128xf32, #tpu.memory_space<vmem>>, vector<1x16xf32>,
        %get3A_544 = vector.shape_cast %get3A_543 : vector<1x16xf32> to vector<16xf32>
        %mul3A_545 = arith.mulf %get3A_544, %get3A_97 : vector<16xf32>
        %add3A_546 = arith.addf %add3A_540, %mul3A_545 : vector<16xf32>
        %get3A_547 = arith.index_cast %add3A_511 : i32 to index
        %get3A_548 = arith.constant 96 : index
        %get3A_549 = tpu.vector_load %arg9[%get3A_547, %get3A_548] {strides = array<i32>} : memref<800x128xf32, #tpu.memory_space<vmem>>, vector<1x16xf32>,
        %get3A_550 = vector.shape_cast %get3A_549 : vector<1x16xf32> to vector<16xf32>
        %mul3A_551 = arith.mulf %get3A_550, %get3A_102 : vector<16xf32>
        %add3A_552 = arith.addf %add3A_546, %mul3A_551 : vector<16xf32>
        %get3A_553 = arith.index_cast %add3A_511 : i32 to index
        %get3A_554 = arith.constant 112 : index
        %get3A_555 = tpu.vector_load %arg9[%get3A_553, %get3A_554] {strides = array<i32>} : memref<800x128xf32, #tpu.memory_space<vmem>>, vector<1x16xf32>,
        %get3A_556 = vector.shape_cast %get3A_555 : vector<1x16xf32> to vector<16xf32>
        %mul3A_557 = arith.mulf %get3A_556, %get3A_107 : vector<16xf32>
        %add3A_558 = arith.addf %add3A_552, %mul3A_557 : vector<16xf32>
        %reshape3A_559 = vector.shape_cast %xor3A_109 : vector<16xi32> to vector<16x1xi32>
        %gather3A_560 = vector.shape_cast %reshape3A_559 : vector<16x1xi32> to vector<16xi32>
        %gather3A_561 = tpu.dynamic_gather %add3A_558[%gather3A_560] in [0] : vector<16xf32>, vector<16xi32> -> vector<16xf32>
        %add3A_562 = arith.addf %add3A_558, %gather3A_561 : vector<16xf32>
        %reshape3A_563 = vector.shape_cast %xor3A_112 : vector<16xi32> to vector<16x1xi32>
        %gather3A_564 = vector.shape_cast %reshape3A_563 : vector<16x1xi32> to vector<16xi32>
        %gather3A_565 = tpu.dynamic_gather %add3A_562[%gather3A_564] in [0] : vector<16xf32>, vector<16xi32> -> vector<16xf32>
        %add3A_566 = arith.addf %add3A_562, %gather3A_565 : vector<16xf32>
        %reshape3A_567 = vector.shape_cast %xor3A_115 : vector<16xi32> to vector<16x1xi32>
        %gather3A_568 = vector.shape_cast %reshape3A_567 : vector<16x1xi32> to vector<16xi32>
        %gather3A_569 = tpu.dynamic_gather %add3A_566[%gather3A_568] in [0] : vector<16xf32>, vector<16xi32> -> vector<16xf32>
        %add3A_570 = arith.addf %add3A_566, %gather3A_569 : vector<16xf32>
        %reshape3A_571 = vector.shape_cast %xor3A_118 : vector<16xi32> to vector<16x1xi32>
        %gather3A_572 = vector.shape_cast %reshape3A_571 : vector<16x1xi32> to vector<16xi32>
        %gather3A_573 = tpu.dynamic_gather %add3A_570[%gather3A_572] in [0] : vector<16xf32>, vector<16xi32> -> vector<16xf32>
        %add3A_574 = arith.addf %add3A_570, %gather3A_573 : vector<16xf32>
        %eq3A_575 = arith.constant 5 : i32
        %eq3A_576 = vector.broadcast %eq3A_575 : i32 to vector<16xi32>
        %eq3A_577 = arith.cmpi eq, %iota3A, %eq3A_576 : vector<16xi32>
        %select_n3A_578 = arith.select %eq3A_577, %add3A_574, %select_n3A_507 : vector<16xi1>, vector<16xf32>
        %mul3A_579 = arith.constant 16 : i32
        %mul3A_580 = arith.muli %while3A_154, %mul3A_579 : i32
        %add3A_581 = arith.constant 6 : i32
        %add3A_582 = arith.addi %mul3A_580, %add3A_581 : i32
        %get3A_583 = arith.index_cast %add3A_582 : i32 to index
        %get3A_584 = arith.constant 0 : index
        %get3A_585 = tpu.vector_load %arg9[%get3A_583, %get3A_584] {strides = array<i32>} : memref<800x128xf32, #tpu.memory_space<vmem>>, vector<1x16xf32>,
        %get3A_586 = vector.shape_cast %get3A_585 : vector<1x16xf32> to vector<16xf32>
        %mul3A_587 = arith.mulf %get3A_586, %get3A_72 : vector<16xf32>
        %get3A_588 = arith.index_cast %add3A_582 : i32 to index
        %get3A_589 = arith.constant 16 : index
        %get3A_590 = tpu.vector_load %arg9[%get3A_588, %get3A_589] {strides = array<i32>} : memref<800x128xf32, #tpu.memory_space<vmem>>, vector<1x16xf32>,
        %get3A_591 = vector.shape_cast %get3A_590 : vector<1x16xf32> to vector<16xf32>
        %mul3A_592 = arith.mulf %get3A_591, %get3A_77 : vector<16xf32>
        %add3A_593 = arith.addf %mul3A_587, %mul3A_592 : vector<16xf32>
        %get3A_594 = arith.index_cast %add3A_582 : i32 to index
        %get3A_595 = arith.constant 32 : index
        %get3A_596 = tpu.vector_load %arg9[%get3A_594, %get3A_595] {strides = array<i32>} : memref<800x128xf32, #tpu.memory_space<vmem>>, vector<1x16xf32>,
        %get3A_597 = vector.shape_cast %get3A_596 : vector<1x16xf32> to vector<16xf32>
        %mul3A_598 = arith.mulf %get3A_597, %get3A_82 : vector<16xf32>
        %add3A_599 = arith.addf %add3A_593, %mul3A_598 : vector<16xf32>
        %get3A_600 = arith.index_cast %add3A_582 : i32 to index
        %get3A_601 = arith.constant 48 : index
        %get3A_602 = tpu.vector_load %arg9[%get3A_600, %get3A_601] {strides = array<i32>} : memref<800x128xf32, #tpu.memory_space<vmem>>, vector<1x16xf32>,
        %get3A_603 = vector.shape_cast %get3A_602 : vector<1x16xf32> to vector<16xf32>
        %mul3A_604 = arith.mulf %get3A_603, %get3A_87 : vector<16xf32>
        %add3A_605 = arith.addf %add3A_599, %mul3A_604 : vector<16xf32>
        %get3A_606 = arith.index_cast %add3A_582 : i32 to index
        %get3A_607 = arith.constant 64 : index
        %get3A_608 = tpu.vector_load %arg9[%get3A_606, %get3A_607] {strides = array<i32>} : memref<800x128xf32, #tpu.memory_space<vmem>>, vector<1x16xf32>,
        %get3A_609 = vector.shape_cast %get3A_608 : vector<1x16xf32> to vector<16xf32>
        %mul3A_610 = arith.mulf %get3A_609, %get3A_92 : vector<16xf32>
        %add3A_611 = arith.addf %add3A_605, %mul3A_610 : vector<16xf32>
        %get3A_612 = arith.index_cast %add3A_582 : i32 to index
        %get3A_613 = arith.constant 80 : index
        %get3A_614 = tpu.vector_load %arg9[%get3A_612, %get3A_613] {strides = array<i32>} : memref<800x128xf32, #tpu.memory_space<vmem>>, vector<1x16xf32>,
        %get3A_615 = vector.shape_cast %get3A_614 : vector<1x16xf32> to vector<16xf32>
        %mul3A_616 = arith.mulf %get3A_615, %get3A_97 : vector<16xf32>
        %add3A_617 = arith.addf %add3A_611, %mul3A_616 : vector<16xf32>
        %get3A_618 = arith.index_cast %add3A_582 : i32 to index
        %get3A_619 = arith.constant 96 : index
        %get3A_620 = tpu.vector_load %arg9[%get3A_618, %get3A_619] {strides = array<i32>} : memref<800x128xf32, #tpu.memory_space<vmem>>, vector<1x16xf32>,
        %get3A_621 = vector.shape_cast %get3A_620 : vector<1x16xf32> to vector<16xf32>
        %mul3A_622 = arith.mulf %get3A_621, %get3A_102 : vector<16xf32>
        %add3A_623 = arith.addf %add3A_617, %mul3A_622 : vector<16xf32>
        %get3A_624 = arith.index_cast %add3A_582 : i32 to index
        %get3A_625 = arith.constant 112 : index
        %get3A_626 = tpu.vector_load %arg9[%get3A_624, %get3A_625] {strides = array<i32>} : memref<800x128xf32, #tpu.memory_space<vmem>>, vector<1x16xf32>,
        %get3A_627 = vector.shape_cast %get3A_626 : vector<1x16xf32> to vector<16xf32>
        %mul3A_628 = arith.mulf %get3A_627, %get3A_107 : vector<16xf32>
        %add3A_629 = arith.addf %add3A_623, %mul3A_628 : vector<16xf32>
        %reshape3A_630 = vector.shape_cast %xor3A_109 : vector<16xi32> to vector<16x1xi32>
        %gather3A_631 = vector.shape_cast %reshape3A_630 : vector<16x1xi32> to vector<16xi32>
        %gather3A_632 = tpu.dynamic_gather %add3A_629[%gather3A_631] in [0] : vector<16xf32>, vector<16xi32> -> vector<16xf32>
        %add3A_633 = arith.addf %add3A_629, %gather3A_632 : vector<16xf32>
        %reshape3A_634 = vector.shape_cast %xor3A_112 : vector<16xi32> to vector<16x1xi32>
        %gather3A_635 = vector.shape_cast %reshape3A_634 : vector<16x1xi32> to vector<16xi32>
        %gather3A_636 = tpu.dynamic_gather %add3A_633[%gather3A_635] in [0] : vector<16xf32>, vector<16xi32> -> vector<16xf32>
        %add3A_637 = arith.addf %add3A_633, %gather3A_636 : vector<16xf32>
        %reshape3A_638 = vector.shape_cast %xor3A_115 : vector<16xi32> to vector<16x1xi32>
        %gather3A_639 = vector.shape_cast %reshape3A_638 : vector<16x1xi32> to vector<16xi32>
        %gather3A_640 = tpu.dynamic_gather %add3A_637[%gather3A_639] in [0] : vector<16xf32>, vector<16xi32> -> vector<16xf32>
        %add3A_641 = arith.addf %add3A_637, %gather3A_640 : vector<16xf32>
        %reshape3A_642 = vector.shape_cast %xor3A_118 : vector<16xi32> to vector<16x1xi32>
        %gather3A_643 = vector.shape_cast %reshape3A_642 : vector<16x1xi32> to vector<16xi32>
        %gather3A_644 = tpu.dynamic_gather %add3A_641[%gather3A_643] in [0] : vector<16xf32>, vector<16xi32> -> vector<16xf32>
        %add3A_645 = arith.addf %add3A_641, %gather3A_644 : vector<16xf32>
        %eq3A_646 = arith.constant 6 : i32
        %eq3A_647 = vector.broadcast %eq3A_646 : i32 to vector<16xi32>
        %eq3A_648 = arith.cmpi eq, %iota3A, %eq3A_647 : vector<16xi32>
        %select_n3A_649 = arith.select %eq3A_648, %add3A_645, %select_n3A_578 : vector<16xi1>, vector<16xf32>
        %mul3A_650 = arith.constant 16 : i32
        %mul3A_651 = arith.muli %while3A_154, %mul3A_650 : i32
        %add3A_652 = arith.constant 7 : i32
        %add3A_653 = arith.addi %mul3A_651, %add3A_652 : i32
        %get3A_654 = arith.index_cast %add3A_653 : i32 to index
        %get3A_655 = arith.constant 0 : index
        %get3A_656 = tpu.vector_load %arg9[%get3A_654, %get3A_655] {strides = array<i32>} : memref<800x128xf32, #tpu.memory_space<vmem>>, vector<1x16xf32>,
        %get3A_657 = vector.shape_cast %get3A_656 : vector<1x16xf32> to vector<16xf32>
        %mul3A_658 = arith.mulf %get3A_657, %get3A_72 : vector<16xf32>
        %get3A_659 = arith.index_cast %add3A_653 : i32 to index
        %get3A_660 = arith.constant 16 : index
        %get3A_661 = tpu.vector_load %arg9[%get3A_659, %get3A_660] {strides = array<i32>} : memref<800x128xf32, #tpu.memory_space<vmem>>, vector<1x16xf32>,
        %get3A_662 = vector.shape_cast %get3A_661 : vector<1x16xf32> to vector<16xf32>
        %mul3A_663 = arith.mulf %get3A_662, %get3A_77 : vector<16xf32>
        %add3A_664 = arith.addf %mul3A_658, %mul3A_663 : vector<16xf32>
        %get3A_665 = arith.index_cast %add3A_653 : i32 to index
        %get3A_666 = arith.constant 32 : index
        %get3A_667 = tpu.vector_load %arg9[%get3A_665, %get3A_666] {strides = array<i32>} : memref<800x128xf32, #tpu.memory_space<vmem>>, vector<1x16xf32>,
        %get3A_668 = vector.shape_cast %get3A_667 : vector<1x16xf32> to vector<16xf32>
        %mul3A_669 = arith.mulf %get3A_668, %get3A_82 : vector<16xf32>
        %add3A_670 = arith.addf %add3A_664, %mul3A_669 : vector<16xf32>
        %get3A_671 = arith.index_cast %add3A_653 : i32 to index
        %get3A_672 = arith.constant 48 : index
        %get3A_673 = tpu.vector_load %arg9[%get3A_671, %get3A_672] {strides = array<i32>} : memref<800x128xf32, #tpu.memory_space<vmem>>, vector<1x16xf32>,
        %get3A_674 = vector.shape_cast %get3A_673 : vector<1x16xf32> to vector<16xf32>
        %mul3A_675 = arith.mulf %get3A_674, %get3A_87 : vector<16xf32>
        %add3A_676 = arith.addf %add3A_670, %mul3A_675 : vector<16xf32>
        %get3A_677 = arith.index_cast %add3A_653 : i32 to index
        %get3A_678 = arith.constant 64 : index
        %get3A_679 = tpu.vector_load %arg9[%get3A_677, %get3A_678] {strides = array<i32>} : memref<800x128xf32, #tpu.memory_space<vmem>>, vector<1x16xf32>,
        %get3A_680 = vector.shape_cast %get3A_679 : vector<1x16xf32> to vector<16xf32>
        %mul3A_681 = arith.mulf %get3A_680, %get3A_92 : vector<16xf32>
        %add3A_682 = arith.addf %add3A_676, %mul3A_681 : vector<16xf32>
        %get3A_683 = arith.index_cast %add3A_653 : i32 to index
        %get3A_684 = arith.constant 80 : index
        %get3A_685 = tpu.vector_load %arg9[%get3A_683, %get3A_684] {strides = array<i32>} : memref<800x128xf32, #tpu.memory_space<vmem>>, vector<1x16xf32>,
        %get3A_686 = vector.shape_cast %get3A_685 : vector<1x16xf32> to vector<16xf32>
        %mul3A_687 = arith.mulf %get3A_686, %get3A_97 : vector<16xf32>
        %add3A_688 = arith.addf %add3A_682, %mul3A_687 : vector<16xf32>
        %get3A_689 = arith.index_cast %add3A_653 : i32 to index
        %get3A_690 = arith.constant 96 : index
        %get3A_691 = tpu.vector_load %arg9[%get3A_689, %get3A_690] {strides = array<i32>} : memref<800x128xf32, #tpu.memory_space<vmem>>, vector<1x16xf32>,
        %get3A_692 = vector.shape_cast %get3A_691 : vector<1x16xf32> to vector<16xf32>
        %mul3A_693 = arith.mulf %get3A_692, %get3A_102 : vector<16xf32>
        %add3A_694 = arith.addf %add3A_688, %mul3A_693 : vector<16xf32>
        %get3A_695 = arith.index_cast %add3A_653 : i32 to index
        %get3A_696 = arith.constant 112 : index
        %get3A_697 = tpu.vector_load %arg9[%get3A_695, %get3A_696] {strides = array<i32>} : memref<800x128xf32, #tpu.memory_space<vmem>>, vector<1x16xf32>,
        %get3A_698 = vector.shape_cast %get3A_697 : vector<1x16xf32> to vector<16xf32>
        %mul3A_699 = arith.mulf %get3A_698, %get3A_107 : vector<16xf32>
        %add3A_700 = arith.addf %add3A_694, %mul3A_699 : vector<16xf32>
        %reshape3A_701 = vector.shape_cast %xor3A_109 : vector<16xi32> to vector<16x1xi32>
        %gather3A_702 = vector.shape_cast %reshape3A_701 : vector<16x1xi32> to vector<16xi32>
        %gather3A_703 = tpu.dynamic_gather %add3A_700[%gather3A_702] in [0] : vector<16xf32>, vector<16xi32> -> vector<16xf32>
        %add3A_704 = arith.addf %add3A_700, %gather3A_703 : vector<16xf32>
        %reshape3A_705 = vector.shape_cast %xor3A_112 : vector<16xi32> to vector<16x1xi32>
        %gather3A_706 = vector.shape_cast %reshape3A_705 : vector<16x1xi32> to vector<16xi32>
        %gather3A_707 = tpu.dynamic_gather %add3A_704[%gather3A_706] in [0] : vector<16xf32>, vector<16xi32> -> vector<16xf32>
        %add3A_708 = arith.addf %add3A_704, %gather3A_707 : vector<16xf32>
        %reshape3A_709 = vector.shape_cast %xor3A_115 : vector<16xi32> to vector<16x1xi32>
        %gather3A_710 = vector.shape_cast %reshape3A_709 : vector<16x1xi32> to vector<16xi32>
        %gather3A_711 = tpu.dynamic_gather %add3A_708[%gather3A_710] in [0] : vector<16xf32>, vector<16xi32> -> vector<16xf32>
        %add3A_712 = arith.addf %add3A_708, %gather3A_711 : vector<16xf32>
        %reshape3A_713 = vector.shape_cast %xor3A_118 : vector<16xi32> to vector<16x1xi32>
        %gather3A_714 = vector.shape_cast %reshape3A_713 : vector<16x1xi32> to vector<16xi32>
        %gather3A_715 = tpu.dynamic_gather %add3A_712[%gather3A_714] in [0] : vector<16xf32>, vector<16xi32> -> vector<16xf32>
        %add3A_716 = arith.addf %add3A_712, %gather3A_715 : vector<16xf32>
        %eq3A_717 = arith.constant 7 : i32
        %eq3A_718 = vector.broadcast %eq3A_717 : i32 to vector<16xi32>
        %eq3A_719 = arith.cmpi eq, %iota3A, %eq3A_718 : vector<16xi32>
        %select_n3A_720 = arith.select %eq3A_719, %add3A_716, %select_n3A_649 : vector<16xi1>, vector<16xf32>
        %mul3A_721 = arith.constant 16 : i32
        %mul3A_722 = arith.muli %while3A_154, %mul3A_721 : i32
        %add3A_723 = arith.constant 8 : i32
        %add3A_724 = arith.addi %mul3A_722, %add3A_723 : i32
        %get3A_725 = arith.index_cast %add3A_724 : i32 to index
        %get3A_726 = arith.constant 0 : index
        %get3A_727 = tpu.vector_load %arg9[%get3A_725, %get3A_726] {strides = array<i32>} : memref<800x128xf32, #tpu.memory_space<vmem>>, vector<1x16xf32>,
        %get3A_728 = vector.shape_cast %get3A_727 : vector<1x16xf32> to vector<16xf32>
        %mul3A_729 = arith.mulf %get3A_728, %get3A_72 : vector<16xf32>
        %get3A_730 = arith.index_cast %add3A_724 : i32 to index
        %get3A_731 = arith.constant 16 : index
        %get3A_732 = tpu.vector_load %arg9[%get3A_730, %get3A_731] {strides = array<i32>} : memref<800x128xf32, #tpu.memory_space<vmem>>, vector<1x16xf32>,
        %get3A_733 = vector.shape_cast %get3A_732 : vector<1x16xf32> to vector<16xf32>
        %mul3A_734 = arith.mulf %get3A_733, %get3A_77 : vector<16xf32>
        %add3A_735 = arith.addf %mul3A_729, %mul3A_734 : vector<16xf32>
        %get3A_736 = arith.index_cast %add3A_724 : i32 to index
        %get3A_737 = arith.constant 32 : index
        %get3A_738 = tpu.vector_load %arg9[%get3A_736, %get3A_737] {strides = array<i32>} : memref<800x128xf32, #tpu.memory_space<vmem>>, vector<1x16xf32>,
        %get3A_739 = vector.shape_cast %get3A_738 : vector<1x16xf32> to vector<16xf32>
        %mul3A_740 = arith.mulf %get3A_739, %get3A_82 : vector<16xf32>
        %add3A_741 = arith.addf %add3A_735, %mul3A_740 : vector<16xf32>
        %get3A_742 = arith.index_cast %add3A_724 : i32 to index
        %get3A_743 = arith.constant 48 : index
        %get3A_744 = tpu.vector_load %arg9[%get3A_742, %get3A_743] {strides = array<i32>} : memref<800x128xf32, #tpu.memory_space<vmem>>, vector<1x16xf32>,
        %get3A_745 = vector.shape_cast %get3A_744 : vector<1x16xf32> to vector<16xf32>
        %mul3A_746 = arith.mulf %get3A_745, %get3A_87 : vector<16xf32>
        %add3A_747 = arith.addf %add3A_741, %mul3A_746 : vector<16xf32>
        %get3A_748 = arith.index_cast %add3A_724 : i32 to index
        %get3A_749 = arith.constant 64 : index
        %get3A_750 = tpu.vector_load %arg9[%get3A_748, %get3A_749] {strides = array<i32>} : memref<800x128xf32, #tpu.memory_space<vmem>>, vector<1x16xf32>,
        %get3A_751 = vector.shape_cast %get3A_750 : vector<1x16xf32> to vector<16xf32>
        %mul3A_752 = arith.mulf %get3A_751, %get3A_92 : vector<16xf32>
        %add3A_753 = arith.addf %add3A_747, %mul3A_752 : vector<16xf32>
        %get3A_754 = arith.index_cast %add3A_724 : i32 to index
        %get3A_755 = arith.constant 80 : index
        %get3A_756 = tpu.vector_load %arg9[%get3A_754, %get3A_755] {strides = array<i32>} : memref<800x128xf32, #tpu.memory_space<vmem>>, vector<1x16xf32>,
        %get3A_757 = vector.shape_cast %get3A_756 : vector<1x16xf32> to vector<16xf32>
        %mul3A_758 = arith.mulf %get3A_757, %get3A_97 : vector<16xf32>
        %add3A_759 = arith.addf %add3A_753, %mul3A_758 : vector<16xf32>
        %get3A_760 = arith.index_cast %add3A_724 : i32 to index
        %get3A_761 = arith.constant 96 : index
        %get3A_762 = tpu.vector_load %arg9[%get3A_760, %get3A_761] {strides = array<i32>} : memref<800x128xf32, #tpu.memory_space<vmem>>, vector<1x16xf32>,
        %get3A_763 = vector.shape_cast %get3A_762 : vector<1x16xf32> to vector<16xf32>
        %mul3A_764 = arith.mulf %get3A_763, %get3A_102 : vector<16xf32>
        %add3A_765 = arith.addf %add3A_759, %mul3A_764 : vector<16xf32>
        %get3A_766 = arith.index_cast %add3A_724 : i32 to index
        %get3A_767 = arith.constant 112 : index
        %get3A_768 = tpu.vector_load %arg9[%get3A_766, %get3A_767] {strides = array<i32>} : memref<800x128xf32, #tpu.memory_space<vmem>>, vector<1x16xf32>,
        %get3A_769 = vector.shape_cast %get3A_768 : vector<1x16xf32> to vector<16xf32>
        %mul3A_770 = arith.mulf %get3A_769, %get3A_107 : vector<16xf32>
        %add3A_771 = arith.addf %add3A_765, %mul3A_770 : vector<16xf32>
        %reshape3A_772 = vector.shape_cast %xor3A_109 : vector<16xi32> to vector<16x1xi32>
        %gather3A_773 = vector.shape_cast %reshape3A_772 : vector<16x1xi32> to vector<16xi32>
        %gather3A_774 = tpu.dynamic_gather %add3A_771[%gather3A_773] in [0] : vector<16xf32>, vector<16xi32> -> vector<16xf32>
        %add3A_775 = arith.addf %add3A_771, %gather3A_774 : vector<16xf32>
        %reshape3A_776 = vector.shape_cast %xor3A_112 : vector<16xi32> to vector<16x1xi32>
        %gather3A_777 = vector.shape_cast %reshape3A_776 : vector<16x1xi32> to vector<16xi32>
        %gather3A_778 = tpu.dynamic_gather %add3A_775[%gather3A_777] in [0] : vector<16xf32>, vector<16xi32> -> vector<16xf32>
        %add3A_779 = arith.addf %add3A_775, %gather3A_778 : vector<16xf32>
        %reshape3A_780 = vector.shape_cast %xor3A_115 : vector<16xi32> to vector<16x1xi32>
        %gather3A_781 = vector.shape_cast %reshape3A_780 : vector<16x1xi32> to vector<16xi32>
        %gather3A_782 = tpu.dynamic_gather %add3A_779[%gather3A_781] in [0] : vector<16xf32>, vector<16xi32> -> vector<16xf32>
        %add3A_783 = arith.addf %add3A_779, %gather3A_782 : vector<16xf32>
        %reshape3A_784 = vector.shape_cast %xor3A_118 : vector<16xi32> to vector<16x1xi32>
        %gather3A_785 = vector.shape_cast %reshape3A_784 : vector<16x1xi32> to vector<16xi32>
        %gather3A_786 = tpu.dynamic_gather %add3A_783[%gather3A_785] in [0] : vector<16xf32>, vector<16xi32> -> vector<16xf32>
        %add3A_787 = arith.addf %add3A_783, %gather3A_786 : vector<16xf32>
        %eq3A_788 = arith.constant 8 : i32
        %eq3A_789 = vector.broadcast %eq3A_788 : i32 to vector<16xi32>
        %eq3A_790 = arith.cmpi eq, %iota3A, %eq3A_789 : vector<16xi32>
        %select_n3A_791 = arith.select %eq3A_790, %add3A_787, %select_n3A_720 : vector<16xi1>, vector<16xf32>
        %mul3A_792 = arith.constant 16 : i32
        %mul3A_793 = arith.muli %while3A_154, %mul3A_792 : i32
        %add3A_794 = arith.constant 9 : i32
        %add3A_795 = arith.addi %mul3A_793, %add3A_794 : i32
        %get3A_796 = arith.index_cast %add3A_795 : i32 to index
        %get3A_797 = arith.constant 0 : index
        %get3A_798 = tpu.vector_load %arg9[%get3A_796, %get3A_797] {strides = array<i32>} : memref<800x128xf32, #tpu.memory_space<vmem>>, vector<1x16xf32>,
        %get3A_799 = vector.shape_cast %get3A_798 : vector<1x16xf32> to vector<16xf32>
        %mul3A_800 = arith.mulf %get3A_799, %get3A_72 : vector<16xf32>
        %get3A_801 = arith.index_cast %add3A_795 : i32 to index
        %get3A_802 = arith.constant 16 : index
        %get3A_803 = tpu.vector_load %arg9[%get3A_801, %get3A_802] {strides = array<i32>} : memref<800x128xf32, #tpu.memory_space<vmem>>, vector<1x16xf32>,
        %get3A_804 = vector.shape_cast %get3A_803 : vector<1x16xf32> to vector<16xf32>
        %mul3A_805 = arith.mulf %get3A_804, %get3A_77 : vector<16xf32>
        %add3A_806 = arith.addf %mul3A_800, %mul3A_805 : vector<16xf32>
        %get3A_807 = arith.index_cast %add3A_795 : i32 to index
        %get3A_808 = arith.constant 32 : index
        %get3A_809 = tpu.vector_load %arg9[%get3A_807, %get3A_808] {strides = array<i32>} : memref<800x128xf32, #tpu.memory_space<vmem>>, vector<1x16xf32>,
        %get3A_810 = vector.shape_cast %get3A_809 : vector<1x16xf32> to vector<16xf32>
        %mul3A_811 = arith.mulf %get3A_810, %get3A_82 : vector<16xf32>
        %add3A_812 = arith.addf %add3A_806, %mul3A_811 : vector<16xf32>
        %get3A_813 = arith.index_cast %add3A_795 : i32 to index
        %get3A_814 = arith.constant 48 : index
        %get3A_815 = tpu.vector_load %arg9[%get3A_813, %get3A_814] {strides = array<i32>} : memref<800x128xf32, #tpu.memory_space<vmem>>, vector<1x16xf32>,
        %get3A_816 = vector.shape_cast %get3A_815 : vector<1x16xf32> to vector<16xf32>
        %mul3A_817 = arith.mulf %get3A_816, %get3A_87 : vector<16xf32>
        %add3A_818 = arith.addf %add3A_812, %mul3A_817 : vector<16xf32>
        %get3A_819 = arith.index_cast %add3A_795 : i32 to index
        %get3A_820 = arith.constant 64 : index
        %get3A_821 = tpu.vector_load %arg9[%get3A_819, %get3A_820] {strides = array<i32>} : memref<800x128xf32, #tpu.memory_space<vmem>>, vector<1x16xf32>,
        %get3A_822 = vector.shape_cast %get3A_821 : vector<1x16xf32> to vector<16xf32>
        %mul3A_823 = arith.mulf %get3A_822, %get3A_92 : vector<16xf32>
        %add3A_824 = arith.addf %add3A_818, %mul3A_823 : vector<16xf32>
        %get3A_825 = arith.index_cast %add3A_795 : i32 to index
        %get3A_826 = arith.constant 80 : index
        %get3A_827 = tpu.vector_load %arg9[%get3A_825, %get3A_826] {strides = array<i32>} : memref<800x128xf32, #tpu.memory_space<vmem>>, vector<1x16xf32>,
        %get3A_828 = vector.shape_cast %get3A_827 : vector<1x16xf32> to vector<16xf32>
        %mul3A_829 = arith.mulf %get3A_828, %get3A_97 : vector<16xf32>
        %add3A_830 = arith.addf %add3A_824, %mul3A_829 : vector<16xf32>
        %get3A_831 = arith.index_cast %add3A_795 : i32 to index
        %get3A_832 = arith.constant 96 : index
        %get3A_833 = tpu.vector_load %arg9[%get3A_831, %get3A_832] {strides = array<i32>} : memref<800x128xf32, #tpu.memory_space<vmem>>, vector<1x16xf32>,
        %get3A_834 = vector.shape_cast %get3A_833 : vector<1x16xf32> to vector<16xf32>
        %mul3A_835 = arith.mulf %get3A_834, %get3A_102 : vector<16xf32>
        %add3A_836 = arith.addf %add3A_830, %mul3A_835 : vector<16xf32>
        %get3A_837 = arith.index_cast %add3A_795 : i32 to index
        %get3A_838 = arith.constant 112 : index
        %get3A_839 = tpu.vector_load %arg9[%get3A_837, %get3A_838] {strides = array<i32>} : memref<800x128xf32, #tpu.memory_space<vmem>>, vector<1x16xf32>,
        %get3A_840 = vector.shape_cast %get3A_839 : vector<1x16xf32> to vector<16xf32>
        %mul3A_841 = arith.mulf %get3A_840, %get3A_107 : vector<16xf32>
        %add3A_842 = arith.addf %add3A_836, %mul3A_841 : vector<16xf32>
        %reshape3A_843 = vector.shape_cast %xor3A_109 : vector<16xi32> to vector<16x1xi32>
        %gather3A_844 = vector.shape_cast %reshape3A_843 : vector<16x1xi32> to vector<16xi32>
        %gather3A_845 = tpu.dynamic_gather %add3A_842[%gather3A_844] in [0] : vector<16xf32>, vector<16xi32> -> vector<16xf32>
        %add3A_846 = arith.addf %add3A_842, %gather3A_845 : vector<16xf32>
        %reshape3A_847 = vector.shape_cast %xor3A_112 : vector<16xi32> to vector<16x1xi32>
        %gather3A_848 = vector.shape_cast %reshape3A_847 : vector<16x1xi32> to vector<16xi32>
        %gather3A_849 = tpu.dynamic_gather %add3A_846[%gather3A_848] in [0] : vector<16xf32>, vector<16xi32> -> vector<16xf32>
        %add3A_850 = arith.addf %add3A_846, %gather3A_849 : vector<16xf32>
        %reshape3A_851 = vector.shape_cast %xor3A_115 : vector<16xi32> to vector<16x1xi32>
        %gather3A_852 = vector.shape_cast %reshape3A_851 : vector<16x1xi32> to vector<16xi32>
        %gather3A_853 = tpu.dynamic_gather %add3A_850[%gather3A_852] in [0] : vector<16xf32>, vector<16xi32> -> vector<16xf32>
        %add3A_854 = arith.addf %add3A_850, %gather3A_853 : vector<16xf32>
        %reshape3A_855 = vector.shape_cast %xor3A_118 : vector<16xi32> to vector<16x1xi32>
        %gather3A_856 = vector.shape_cast %reshape3A_855 : vector<16x1xi32> to vector<16xi32>
        %gather3A_857 = tpu.dynamic_gather %add3A_854[%gather3A_856] in [0] : vector<16xf32>, vector<16xi32> -> vector<16xf32>
        %add3A_858 = arith.addf %add3A_854, %gather3A_857 : vector<16xf32>
        %eq3A_859 = arith.constant 9 : i32
        %eq3A_860 = vector.broadcast %eq3A_859 : i32 to vector<16xi32>
        %eq3A_861 = arith.cmpi eq, %iota3A, %eq3A_860 : vector<16xi32>
        %select_n3A_862 = arith.select %eq3A_861, %add3A_858, %select_n3A_791 : vector<16xi1>, vector<16xf32>
        %mul3A_863 = arith.constant 16 : i32
        %mul3A_864 = arith.muli %while3A_154, %mul3A_863 : i32
        %add3A_865 = arith.constant 10 : i32
        %add3A_866 = arith.addi %mul3A_864, %add3A_865 : i32
        %get3A_867 = arith.index_cast %add3A_866 : i32 to index
        %get3A_868 = arith.constant 0 : index
        %get3A_869 = tpu.vector_load %arg9[%get3A_867, %get3A_868] {strides = array<i32>} : memref<800x128xf32, #tpu.memory_space<vmem>>, vector<1x16xf32>,
        %get3A_870 = vector.shape_cast %get3A_869 : vector<1x16xf32> to vector<16xf32>
        %mul3A_871 = arith.mulf %get3A_870, %get3A_72 : vector<16xf32>
        %get3A_872 = arith.index_cast %add3A_866 : i32 to index
        %get3A_873 = arith.constant 16 : index
        %get3A_874 = tpu.vector_load %arg9[%get3A_872, %get3A_873] {strides = array<i32>} : memref<800x128xf32, #tpu.memory_space<vmem>>, vector<1x16xf32>,
        %get3A_875 = vector.shape_cast %get3A_874 : vector<1x16xf32> to vector<16xf32>
        %mul3A_876 = arith.mulf %get3A_875, %get3A_77 : vector<16xf32>
        %add3A_877 = arith.addf %mul3A_871, %mul3A_876 : vector<16xf32>
        %get3A_878 = arith.index_cast %add3A_866 : i32 to index
        %get3A_879 = arith.constant 32 : index
        %get3A_880 = tpu.vector_load %arg9[%get3A_878, %get3A_879] {strides = array<i32>} : memref<800x128xf32, #tpu.memory_space<vmem>>, vector<1x16xf32>,
        %get3A_881 = vector.shape_cast %get3A_880 : vector<1x16xf32> to vector<16xf32>
        %mul3A_882 = arith.mulf %get3A_881, %get3A_82 : vector<16xf32>
        %add3A_883 = arith.addf %add3A_877, %mul3A_882 : vector<16xf32>
        %get3A_884 = arith.index_cast %add3A_866 : i32 to index
        %get3A_885 = arith.constant 48 : index
        %get3A_886 = tpu.vector_load %arg9[%get3A_884, %get3A_885] {strides = array<i32>} : memref<800x128xf32, #tpu.memory_space<vmem>>, vector<1x16xf32>,
        %get3A_887 = vector.shape_cast %get3A_886 : vector<1x16xf32> to vector<16xf32>
        %mul3A_888 = arith.mulf %get3A_887, %get3A_87 : vector<16xf32>
        %add3A_889 = arith.addf %add3A_883, %mul3A_888 : vector<16xf32>
        %get3A_890 = arith.index_cast %add3A_866 : i32 to index
        %get3A_891 = arith.constant 64 : index
        %get3A_892 = tpu.vector_load %arg9[%get3A_890, %get3A_891] {strides = array<i32>} : memref<800x128xf32, #tpu.memory_space<vmem>>, vector<1x16xf32>,
        %get3A_893 = vector.shape_cast %get3A_892 : vector<1x16xf32> to vector<16xf32>
        %mul3A_894 = arith.mulf %get3A_893, %get3A_92 : vector<16xf32>
        %add3A_895 = arith.addf %add3A_889, %mul3A_894 : vector<16xf32>
        %get3A_896 = arith.index_cast %add3A_866 : i32 to index
        %get3A_897 = arith.constant 80 : index
        %get3A_898 = tpu.vector_load %arg9[%get3A_896, %get3A_897] {strides = array<i32>} : memref<800x128xf32, #tpu.memory_space<vmem>>, vector<1x16xf32>,
        %get3A_899 = vector.shape_cast %get3A_898 : vector<1x16xf32> to vector<16xf32>
        %mul3A_900 = arith.mulf %get3A_899, %get3A_97 : vector<16xf32>
        %add3A_901 = arith.addf %add3A_895, %mul3A_900 : vector<16xf32>
        %get3A_902 = arith.index_cast %add3A_866 : i32 to index
        %get3A_903 = arith.constant 96 : index
        %get3A_904 = tpu.vector_load %arg9[%get3A_902, %get3A_903] {strides = array<i32>} : memref<800x128xf32, #tpu.memory_space<vmem>>, vector<1x16xf32>,
        %get3A_905 = vector.shape_cast %get3A_904 : vector<1x16xf32> to vector<16xf32>
        %mul3A_906 = arith.mulf %get3A_905, %get3A_102 : vector<16xf32>
        %add3A_907 = arith.addf %add3A_901, %mul3A_906 : vector<16xf32>
        %get3A_908 = arith.index_cast %add3A_866 : i32 to index
        %get3A_909 = arith.constant 112 : index
        %get3A_910 = tpu.vector_load %arg9[%get3A_908, %get3A_909] {strides = array<i32>} : memref<800x128xf32, #tpu.memory_space<vmem>>, vector<1x16xf32>,
        %get3A_911 = vector.shape_cast %get3A_910 : vector<1x16xf32> to vector<16xf32>
        %mul3A_912 = arith.mulf %get3A_911, %get3A_107 : vector<16xf32>
        %add3A_913 = arith.addf %add3A_907, %mul3A_912 : vector<16xf32>
        %reshape3A_914 = vector.shape_cast %xor3A_109 : vector<16xi32> to vector<16x1xi32>
        %gather3A_915 = vector.shape_cast %reshape3A_914 : vector<16x1xi32> to vector<16xi32>
        %gather3A_916 = tpu.dynamic_gather %add3A_913[%gather3A_915] in [0] : vector<16xf32>, vector<16xi32> -> vector<16xf32>
        %add3A_917 = arith.addf %add3A_913, %gather3A_916 : vector<16xf32>
        %reshape3A_918 = vector.shape_cast %xor3A_112 : vector<16xi32> to vector<16x1xi32>
        %gather3A_919 = vector.shape_cast %reshape3A_918 : vector<16x1xi32> to vector<16xi32>
        %gather3A_920 = tpu.dynamic_gather %add3A_917[%gather3A_919] in [0] : vector<16xf32>, vector<16xi32> -> vector<16xf32>
        %add3A_921 = arith.addf %add3A_917, %gather3A_920 : vector<16xf32>
        %reshape3A_922 = vector.shape_cast %xor3A_115 : vector<16xi32> to vector<16x1xi32>
        %gather3A_923 = vector.shape_cast %reshape3A_922 : vector<16x1xi32> to vector<16xi32>
        %gather3A_924 = tpu.dynamic_gather %add3A_921[%gather3A_923] in [0] : vector<16xf32>, vector<16xi32> -> vector<16xf32>
        %add3A_925 = arith.addf %add3A_921, %gather3A_924 : vector<16xf32>
        %reshape3A_926 = vector.shape_cast %xor3A_118 : vector<16xi32> to vector<16x1xi32>
        %gather3A_927 = vector.shape_cast %reshape3A_926 : vector<16x1xi32> to vector<16xi32>
        %gather3A_928 = tpu.dynamic_gather %add3A_925[%gather3A_927] in [0] : vector<16xf32>, vector<16xi32> -> vector<16xf32>
        %add3A_929 = arith.addf %add3A_925, %gather3A_928 : vector<16xf32>
        %eq3A_930 = arith.constant 10 : i32
        %eq3A_931 = vector.broadcast %eq3A_930 : i32 to vector<16xi32>
        %eq3A_932 = arith.cmpi eq, %iota3A, %eq3A_931 : vector<16xi32>
        %select_n3A_933 = arith.select %eq3A_932, %add3A_929, %select_n3A_862 : vector<16xi1>, vector<16xf32>
        %mul3A_934 = arith.constant 16 : i32
        %mul3A_935 = arith.muli %while3A_154, %mul3A_934 : i32
        %add3A_936 = arith.constant 11 : i32
        %add3A_937 = arith.addi %mul3A_935, %add3A_936 : i32
        %get3A_938 = arith.index_cast %add3A_937 : i32 to index
        %get3A_939 = arith.constant 0 : index
        %get3A_940 = tpu.vector_load %arg9[%get3A_938, %get3A_939] {strides = array<i32>} : memref<800x128xf32, #tpu.memory_space<vmem>>, vector<1x16xf32>,
        %get3A_941 = vector.shape_cast %get3A_940 : vector<1x16xf32> to vector<16xf32>
        %mul3A_942 = arith.mulf %get3A_941, %get3A_72 : vector<16xf32>
        %get3A_943 = arith.index_cast %add3A_937 : i32 to index
        %get3A_944 = arith.constant 16 : index
        %get3A_945 = tpu.vector_load %arg9[%get3A_943, %get3A_944] {strides = array<i32>} : memref<800x128xf32, #tpu.memory_space<vmem>>, vector<1x16xf32>,
        %get3A_946 = vector.shape_cast %get3A_945 : vector<1x16xf32> to vector<16xf32>
        %mul3A_947 = arith.mulf %get3A_946, %get3A_77 : vector<16xf32>
        %add3A_948 = arith.addf %mul3A_942, %mul3A_947 : vector<16xf32>
        %get3A_949 = arith.index_cast %add3A_937 : i32 to index
        %get3A_950 = arith.constant 32 : index
        %get3A_951 = tpu.vector_load %arg9[%get3A_949, %get3A_950] {strides = array<i32>} : memref<800x128xf32, #tpu.memory_space<vmem>>, vector<1x16xf32>,
        %get3A_952 = vector.shape_cast %get3A_951 : vector<1x16xf32> to vector<16xf32>
        %mul3A_953 = arith.mulf %get3A_952, %get3A_82 : vector<16xf32>
        %add3A_954 = arith.addf %add3A_948, %mul3A_953 : vector<16xf32>
        %get3A_955 = arith.index_cast %add3A_937 : i32 to index
        %get3A_956 = arith.constant 48 : index
        %get3A_957 = tpu.vector_load %arg9[%get3A_955, %get3A_956] {strides = array<i32>} : memref<800x128xf32, #tpu.memory_space<vmem>>, vector<1x16xf32>,
        %get3A_958 = vector.shape_cast %get3A_957 : vector<1x16xf32> to vector<16xf32>
        %mul3A_959 = arith.mulf %get3A_958, %get3A_87 : vector<16xf32>
        %add3A_960 = arith.addf %add3A_954, %mul3A_959 : vector<16xf32>
        %get3A_961 = arith.index_cast %add3A_937 : i32 to index
        %get3A_962 = arith.constant 64 : index
        %get3A_963 = tpu.vector_load %arg9[%get3A_961, %get3A_962] {strides = array<i32>} : memref<800x128xf32, #tpu.memory_space<vmem>>, vector<1x16xf32>,
        %get3A_964 = vector.shape_cast %get3A_963 : vector<1x16xf32> to vector<16xf32>
        %mul3A_965 = arith.mulf %get3A_964, %get3A_92 : vector<16xf32>
        %add3A_966 = arith.addf %add3A_960, %mul3A_965 : vector<16xf32>
        %get3A_967 = arith.index_cast %add3A_937 : i32 to index
        %get3A_968 = arith.constant 80 : index
        %get3A_969 = tpu.vector_load %arg9[%get3A_967, %get3A_968] {strides = array<i32>} : memref<800x128xf32, #tpu.memory_space<vmem>>, vector<1x16xf32>,
        %get3A_970 = vector.shape_cast %get3A_969 : vector<1x16xf32> to vector<16xf32>
        %mul3A_971 = arith.mulf %get3A_970, %get3A_97 : vector<16xf32>
        %add3A_972 = arith.addf %add3A_966, %mul3A_971 : vector<16xf32>
        %get3A_973 = arith.index_cast %add3A_937 : i32 to index
        %get3A_974 = arith.constant 96 : index
        %get3A_975 = tpu.vector_load %arg9[%get3A_973, %get3A_974] {strides = array<i32>} : memref<800x128xf32, #tpu.memory_space<vmem>>, vector<1x16xf32>,
        %get3A_976 = vector.shape_cast %get3A_975 : vector<1x16xf32> to vector<16xf32>
        %mul3A_977 = arith.mulf %get3A_976, %get3A_102 : vector<16xf32>
        %add3A_978 = arith.addf %add3A_972, %mul3A_977 : vector<16xf32>
        %get3A_979 = arith.index_cast %add3A_937 : i32 to index
        %get3A_980 = arith.constant 112 : index
        %get3A_981 = tpu.vector_load %arg9[%get3A_979, %get3A_980] {strides = array<i32>} : memref<800x128xf32, #tpu.memory_space<vmem>>, vector<1x16xf32>,
        %get3A_982 = vector.shape_cast %get3A_981 : vector<1x16xf32> to vector<16xf32>
        %mul3A_983 = arith.mulf %get3A_982, %get3A_107 : vector<16xf32>
        %add3A_984 = arith.addf %add3A_978, %mul3A_983 : vector<16xf32>
        %reshape3A_985 = vector.shape_cast %xor3A_109 : vector<16xi32> to vector<16x1xi32>
        %gather3A_986 = vector.shape_cast %reshape3A_985 : vector<16x1xi32> to vector<16xi32>
        %gather3A_987 = tpu.dynamic_gather %add3A_984[%gather3A_986] in [0] : vector<16xf32>, vector<16xi32> -> vector<16xf32>
        %add3A_988 = arith.addf %add3A_984, %gather3A_987 : vector<16xf32>
        %reshape3A_989 = vector.shape_cast %xor3A_112 : vector<16xi32> to vector<16x1xi32>
        %gather3A_990 = vector.shape_cast %reshape3A_989 : vector<16x1xi32> to vector<16xi32>
        %gather3A_991 = tpu.dynamic_gather %add3A_988[%gather3A_990] in [0] : vector<16xf32>, vector<16xi32> -> vector<16xf32>
        %add3A_992 = arith.addf %add3A_988, %gather3A_991 : vector<16xf32>
        %reshape3A_993 = vector.shape_cast %xor3A_115 : vector<16xi32> to vector<16x1xi32>
        %gather3A_994 = vector.shape_cast %reshape3A_993 : vector<16x1xi32> to vector<16xi32>
        %gather3A_995 = tpu.dynamic_gather %add3A_992[%gather3A_994] in [0] : vector<16xf32>, vector<16xi32> -> vector<16xf32>
        %add3A_996 = arith.addf %add3A_992, %gather3A_995 : vector<16xf32>
        %reshape3A_997 = vector.shape_cast %xor3A_118 : vector<16xi32> to vector<16x1xi32>
        %gather3A_998 = vector.shape_cast %reshape3A_997 : vector<16x1xi32> to vector<16xi32>
        %gather3A_999 = tpu.dynamic_gather %add3A_996[%gather3A_998] in [0] : vector<16xf32>, vector<16xi32> -> vector<16xf32>
        %add3A_1000 = arith.addf %add3A_996, %gather3A_999 : vector<16xf32>
        %eq3A_1001 = arith.constant 11 : i32
        %eq3A_1002 = vector.broadcast %eq3A_1001 : i32 to vector<16xi32>
        %eq3A_1003 = arith.cmpi eq, %iota3A, %eq3A_1002 : vector<16xi32>
        %select_n3A_1004 = arith.select %eq3A_1003, %add3A_1000, %select_n3A_933 : vector<16xi1>, vector<16xf32>
        %mul3A_1005 = arith.constant 16 : i32
        %mul3A_1006 = arith.muli %while3A_154, %mul3A_1005 : i32
        %add3A_1007 = arith.constant 12 : i32
        %add3A_1008 = arith.addi %mul3A_1006, %add3A_1007 : i32
        %get3A_1009 = arith.index_cast %add3A_1008 : i32 to index
        %get3A_1010 = arith.constant 0 : index
        %get3A_1011 = tpu.vector_load %arg9[%get3A_1009, %get3A_1010] {strides = array<i32>} : memref<800x128xf32, #tpu.memory_space<vmem>>, vector<1x16xf32>,
        %get3A_1012 = vector.shape_cast %get3A_1011 : vector<1x16xf32> to vector<16xf32>
        %mul3A_1013 = arith.mulf %get3A_1012, %get3A_72 : vector<16xf32>
        %get3A_1014 = arith.index_cast %add3A_1008 : i32 to index
        %get3A_1015 = arith.constant 16 : index
        %get3A_1016 = tpu.vector_load %arg9[%get3A_1014, %get3A_1015] {strides = array<i32>} : memref<800x128xf32, #tpu.memory_space<vmem>>, vector<1x16xf32>,
        %get3A_1017 = vector.shape_cast %get3A_1016 : vector<1x16xf32> to vector<16xf32>
        %mul3A_1018 = arith.mulf %get3A_1017, %get3A_77 : vector<16xf32>
        %add3A_1019 = arith.addf %mul3A_1013, %mul3A_1018 : vector<16xf32>
        %get3A_1020 = arith.index_cast %add3A_1008 : i32 to index
        %get3A_1021 = arith.constant 32 : index
        %get3A_1022 = tpu.vector_load %arg9[%get3A_1020, %get3A_1021] {strides = array<i32>} : memref<800x128xf32, #tpu.memory_space<vmem>>, vector<1x16xf32>,
        %get3A_1023 = vector.shape_cast %get3A_1022 : vector<1x16xf32> to vector<16xf32>
        %mul3A_1024 = arith.mulf %get3A_1023, %get3A_82 : vector<16xf32>
        %add3A_1025 = arith.addf %add3A_1019, %mul3A_1024 : vector<16xf32>
        %get3A_1026 = arith.index_cast %add3A_1008 : i32 to index
        %get3A_1027 = arith.constant 48 : index
        %get3A_1028 = tpu.vector_load %arg9[%get3A_1026, %get3A_1027] {strides = array<i32>} : memref<800x128xf32, #tpu.memory_space<vmem>>, vector<1x16xf32>,
        %get3A_1029 = vector.shape_cast %get3A_1028 : vector<1x16xf32> to vector<16xf32>
        %mul3A_1030 = arith.mulf %get3A_1029, %get3A_87 : vector<16xf32>
        %add3A_1031 = arith.addf %add3A_1025, %mul3A_1030 : vector<16xf32>
        %get3A_1032 = arith.index_cast %add3A_1008 : i32 to index
        %get3A_1033 = arith.constant 64 : index
        %get3A_1034 = tpu.vector_load %arg9[%get3A_1032, %get3A_1033] {strides = array<i32>} : memref<800x128xf32, #tpu.memory_space<vmem>>, vector<1x16xf32>,
        %get3A_1035 = vector.shape_cast %get3A_1034 : vector<1x16xf32> to vector<16xf32>
        %mul3A_1036 = arith.mulf %get3A_1035, %get3A_92 : vector<16xf32>
        %add3A_1037 = arith.addf %add3A_1031, %mul3A_1036 : vector<16xf32>
        %get3A_1038 = arith.index_cast %add3A_1008 : i32 to index
        %get3A_1039 = arith.constant 80 : index
        %get3A_1040 = tpu.vector_load %arg9[%get3A_1038, %get3A_1039] {strides = array<i32>} : memref<800x128xf32, #tpu.memory_space<vmem>>, vector<1x16xf32>,
        %get3A_1041 = vector.shape_cast %get3A_1040 : vector<1x16xf32> to vector<16xf32>
        %mul3A_1042 = arith.mulf %get3A_1041, %get3A_97 : vector<16xf32>
        %add3A_1043 = arith.addf %add3A_1037, %mul3A_1042 : vector<16xf32>
        %get3A_1044 = arith.index_cast %add3A_1008 : i32 to index
        %get3A_1045 = arith.constant 96 : index
        %get3A_1046 = tpu.vector_load %arg9[%get3A_1044, %get3A_1045] {strides = array<i32>} : memref<800x128xf32, #tpu.memory_space<vmem>>, vector<1x16xf32>,
        %get3A_1047 = vector.shape_cast %get3A_1046 : vector<1x16xf32> to vector<16xf32>
        %mul3A_1048 = arith.mulf %get3A_1047, %get3A_102 : vector<16xf32>
        %add3A_1049 = arith.addf %add3A_1043, %mul3A_1048 : vector<16xf32>
        %get3A_1050 = arith.index_cast %add3A_1008 : i32 to index
        %get3A_1051 = arith.constant 112 : index
        %get3A_1052 = tpu.vector_load %arg9[%get3A_1050, %get3A_1051] {strides = array<i32>} : memref<800x128xf32, #tpu.memory_space<vmem>>, vector<1x16xf32>,
        %get3A_1053 = vector.shape_cast %get3A_1052 : vector<1x16xf32> to vector<16xf32>
        %mul3A_1054 = arith.mulf %get3A_1053, %get3A_107 : vector<16xf32>
        %add3A_1055 = arith.addf %add3A_1049, %mul3A_1054 : vector<16xf32>
        %reshape3A_1056 = vector.shape_cast %xor3A_109 : vector<16xi32> to vector<16x1xi32>
        %gather3A_1057 = vector.shape_cast %reshape3A_1056 : vector<16x1xi32> to vector<16xi32>
        %gather3A_1058 = tpu.dynamic_gather %add3A_1055[%gather3A_1057] in [0] : vector<16xf32>, vector<16xi32> -> vector<16xf32>
        %add3A_1059 = arith.addf %add3A_1055, %gather3A_1058 : vector<16xf32>
        %reshape3A_1060 = vector.shape_cast %xor3A_112 : vector<16xi32> to vector<16x1xi32>
        %gather3A_1061 = vector.shape_cast %reshape3A_1060 : vector<16x1xi32> to vector<16xi32>
        %gather3A_1062 = tpu.dynamic_gather %add3A_1059[%gather3A_1061] in [0] : vector<16xf32>, vector<16xi32> -> vector<16xf32>
        %add3A_1063 = arith.addf %add3A_1059, %gather3A_1062 : vector<16xf32>
        %reshape3A_1064 = vector.shape_cast %xor3A_115 : vector<16xi32> to vector<16x1xi32>
        %gather3A_1065 = vector.shape_cast %reshape3A_1064 : vector<16x1xi32> to vector<16xi32>
        %gather3A_1066 = tpu.dynamic_gather %add3A_1063[%gather3A_1065] in [0] : vector<16xf32>, vector<16xi32> -> vector<16xf32>
        %add3A_1067 = arith.addf %add3A_1063, %gather3A_1066 : vector<16xf32>
        %reshape3A_1068 = vector.shape_cast %xor3A_118 : vector<16xi32> to vector<16x1xi32>
        %gather3A_1069 = vector.shape_cast %reshape3A_1068 : vector<16x1xi32> to vector<16xi32>
        %gather3A_1070 = tpu.dynamic_gather %add3A_1067[%gather3A_1069] in [0] : vector<16xf32>, vector<16xi32> -> vector<16xf32>
        %add3A_1071 = arith.addf %add3A_1067, %gather3A_1070 : vector<16xf32>
        %eq3A_1072 = arith.constant 12 : i32
        %eq3A_1073 = vector.broadcast %eq3A_1072 : i32 to vector<16xi32>
        %eq3A_1074 = arith.cmpi eq, %iota3A, %eq3A_1073 : vector<16xi32>
        %select_n3A_1075 = arith.select %eq3A_1074, %add3A_1071, %select_n3A_1004 : vector<16xi1>, vector<16xf32>
        %mul3A_1076 = arith.constant 16 : i32
        %mul3A_1077 = arith.muli %while3A_154, %mul3A_1076 : i32
        %add3A_1078 = arith.constant 13 : i32
        %add3A_1079 = arith.addi %mul3A_1077, %add3A_1078 : i32
        %get3A_1080 = arith.index_cast %add3A_1079 : i32 to index
        %get3A_1081 = arith.constant 0 : index
        %get3A_1082 = tpu.vector_load %arg9[%get3A_1080, %get3A_1081] {strides = array<i32>} : memref<800x128xf32, #tpu.memory_space<vmem>>, vector<1x16xf32>,
        %get3A_1083 = vector.shape_cast %get3A_1082 : vector<1x16xf32> to vector<16xf32>
        %mul3A_1084 = arith.mulf %get3A_1083, %get3A_72 : vector<16xf32>
        %get3A_1085 = arith.index_cast %add3A_1079 : i32 to index
        %get3A_1086 = arith.constant 16 : index
        %get3A_1087 = tpu.vector_load %arg9[%get3A_1085, %get3A_1086] {strides = array<i32>} : memref<800x128xf32, #tpu.memory_space<vmem>>, vector<1x16xf32>,
        %get3A_1088 = vector.shape_cast %get3A_1087 : vector<1x16xf32> to vector<16xf32>
        %mul3A_1089 = arith.mulf %get3A_1088, %get3A_77 : vector<16xf32>
        %add3A_1090 = arith.addf %mul3A_1084, %mul3A_1089 : vector<16xf32>
        %get3A_1091 = arith.index_cast %add3A_1079 : i32 to index
        %get3A_1092 = arith.constant 32 : index
        %get3A_1093 = tpu.vector_load %arg9[%get3A_1091, %get3A_1092] {strides = array<i32>} : memref<800x128xf32, #tpu.memory_space<vmem>>, vector<1x16xf32>,
        %get3A_1094 = vector.shape_cast %get3A_1093 : vector<1x16xf32> to vector<16xf32>
        %mul3A_1095 = arith.mulf %get3A_1094, %get3A_82 : vector<16xf32>
        %add3A_1096 = arith.addf %add3A_1090, %mul3A_1095 : vector<16xf32>
        %get3A_1097 = arith.index_cast %add3A_1079 : i32 to index
        %get3A_1098 = arith.constant 48 : index
        %get3A_1099 = tpu.vector_load %arg9[%get3A_1097, %get3A_1098] {strides = array<i32>} : memref<800x128xf32, #tpu.memory_space<vmem>>, vector<1x16xf32>,
        %get3A_1100 = vector.shape_cast %get3A_1099 : vector<1x16xf32> to vector<16xf32>
        %mul3A_1101 = arith.mulf %get3A_1100, %get3A_87 : vector<16xf32>
        %add3A_1102 = arith.addf %add3A_1096, %mul3A_1101 : vector<16xf32>
        %get3A_1103 = arith.index_cast %add3A_1079 : i32 to index
        %get3A_1104 = arith.constant 64 : index
        %get3A_1105 = tpu.vector_load %arg9[%get3A_1103, %get3A_1104] {strides = array<i32>} : memref<800x128xf32, #tpu.memory_space<vmem>>, vector<1x16xf32>,
        %get3A_1106 = vector.shape_cast %get3A_1105 : vector<1x16xf32> to vector<16xf32>
        %mul3A_1107 = arith.mulf %get3A_1106, %get3A_92 : vector<16xf32>
        %add3A_1108 = arith.addf %add3A_1102, %mul3A_1107 : vector<16xf32>
        %get3A_1109 = arith.index_cast %add3A_1079 : i32 to index
        %get3A_1110 = arith.constant 80 : index
        %get3A_1111 = tpu.vector_load %arg9[%get3A_1109, %get3A_1110] {strides = array<i32>} : memref<800x128xf32, #tpu.memory_space<vmem>>, vector<1x16xf32>,
        %get3A_1112 = vector.shape_cast %get3A_1111 : vector<1x16xf32> to vector<16xf32>
        %mul3A_1113 = arith.mulf %get3A_1112, %get3A_97 : vector<16xf32>
        %add3A_1114 = arith.addf %add3A_1108, %mul3A_1113 : vector<16xf32>
        %get3A_1115 = arith.index_cast %add3A_1079 : i32 to index
        %get3A_1116 = arith.constant 96 : index
        %get3A_1117 = tpu.vector_load %arg9[%get3A_1115, %get3A_1116] {strides = array<i32>} : memref<800x128xf32, #tpu.memory_space<vmem>>, vector<1x16xf32>,
        %get3A_1118 = vector.shape_cast %get3A_1117 : vector<1x16xf32> to vector<16xf32>
        %mul3A_1119 = arith.mulf %get3A_1118, %get3A_102 : vector<16xf32>
        %add3A_1120 = arith.addf %add3A_1114, %mul3A_1119 : vector<16xf32>
        %get3A_1121 = arith.index_cast %add3A_1079 : i32 to index
        %get3A_1122 = arith.constant 112 : index
        %get3A_1123 = tpu.vector_load %arg9[%get3A_1121, %get3A_1122] {strides = array<i32>} : memref<800x128xf32, #tpu.memory_space<vmem>>, vector<1x16xf32>,
        %get3A_1124 = vector.shape_cast %get3A_1123 : vector<1x16xf32> to vector<16xf32>
        %mul3A_1125 = arith.mulf %get3A_1124, %get3A_107 : vector<16xf32>
        %add3A_1126 = arith.addf %add3A_1120, %mul3A_1125 : vector<16xf32>
        %reshape3A_1127 = vector.shape_cast %xor3A_109 : vector<16xi32> to vector<16x1xi32>
        %gather3A_1128 = vector.shape_cast %reshape3A_1127 : vector<16x1xi32> to vector<16xi32>
        %gather3A_1129 = tpu.dynamic_gather %add3A_1126[%gather3A_1128] in [0] : vector<16xf32>, vector<16xi32> -> vector<16xf32>
        %add3A_1130 = arith.addf %add3A_1126, %gather3A_1129 : vector<16xf32>
        %reshape3A_1131 = vector.shape_cast %xor3A_112 : vector<16xi32> to vector<16x1xi32>
        %gather3A_1132 = vector.shape_cast %reshape3A_1131 : vector<16x1xi32> to vector<16xi32>
        %gather3A_1133 = tpu.dynamic_gather %add3A_1130[%gather3A_1132] in [0] : vector<16xf32>, vector<16xi32> -> vector<16xf32>
        %add3A_1134 = arith.addf %add3A_1130, %gather3A_1133 : vector<16xf32>
        %reshape3A_1135 = vector.shape_cast %xor3A_115 : vector<16xi32> to vector<16x1xi32>
        %gather3A_1136 = vector.shape_cast %reshape3A_1135 : vector<16x1xi32> to vector<16xi32>
        %gather3A_1137 = tpu.dynamic_gather %add3A_1134[%gather3A_1136] in [0] : vector<16xf32>, vector<16xi32> -> vector<16xf32>
        %add3A_1138 = arith.addf %add3A_1134, %gather3A_1137 : vector<16xf32>
        %reshape3A_1139 = vector.shape_cast %xor3A_118 : vector<16xi32> to vector<16x1xi32>
        %gather3A_1140 = vector.shape_cast %reshape3A_1139 : vector<16x1xi32> to vector<16xi32>
        %gather3A_1141 = tpu.dynamic_gather %add3A_1138[%gather3A_1140] in [0] : vector<16xf32>, vector<16xi32> -> vector<16xf32>
        %add3A_1142 = arith.addf %add3A_1138, %gather3A_1141 : vector<16xf32>
        %eq3A_1143 = arith.constant 13 : i32
        %eq3A_1144 = vector.broadcast %eq3A_1143 : i32 to vector<16xi32>
        %eq3A_1145 = arith.cmpi eq, %iota3A, %eq3A_1144 : vector<16xi32>
        %select_n3A_1146 = arith.select %eq3A_1145, %add3A_1142, %select_n3A_1075 : vector<16xi1>, vector<16xf32>
        %mul3A_1147 = arith.constant 16 : i32
        %mul3A_1148 = arith.muli %while3A_154, %mul3A_1147 : i32
        %add3A_1149 = arith.constant 14 : i32
        %add3A_1150 = arith.addi %mul3A_1148, %add3A_1149 : i32
        %get3A_1151 = arith.index_cast %add3A_1150 : i32 to index
        %get3A_1152 = arith.constant 0 : index
        %get3A_1153 = tpu.vector_load %arg9[%get3A_1151, %get3A_1152] {strides = array<i32>} : memref<800x128xf32, #tpu.memory_space<vmem>>, vector<1x16xf32>,
        %get3A_1154 = vector.shape_cast %get3A_1153 : vector<1x16xf32> to vector<16xf32>
        %mul3A_1155 = arith.mulf %get3A_1154, %get3A_72 : vector<16xf32>
        %get3A_1156 = arith.index_cast %add3A_1150 : i32 to index
        %get3A_1157 = arith.constant 16 : index
        %get3A_1158 = tpu.vector_load %arg9[%get3A_1156, %get3A_1157] {strides = array<i32>} : memref<800x128xf32, #tpu.memory_space<vmem>>, vector<1x16xf32>,
        %get3A_1159 = vector.shape_cast %get3A_1158 : vector<1x16xf32> to vector<16xf32>
        %mul3A_1160 = arith.mulf %get3A_1159, %get3A_77 : vector<16xf32>
        %add3A_1161 = arith.addf %mul3A_1155, %mul3A_1160 : vector<16xf32>
        %get3A_1162 = arith.index_cast %add3A_1150 : i32 to index
        %get3A_1163 = arith.constant 32 : index
        %get3A_1164 = tpu.vector_load %arg9[%get3A_1162, %get3A_1163] {strides = array<i32>} : memref<800x128xf32, #tpu.memory_space<vmem>>, vector<1x16xf32>,
        %get3A_1165 = vector.shape_cast %get3A_1164 : vector<1x16xf32> to vector<16xf32>
        %mul3A_1166 = arith.mulf %get3A_1165, %get3A_82 : vector<16xf32>
        %add3A_1167 = arith.addf %add3A_1161, %mul3A_1166 : vector<16xf32>
        %get3A_1168 = arith.index_cast %add3A_1150 : i32 to index
        %get3A_1169 = arith.constant 48 : index
        %get3A_1170 = tpu.vector_load %arg9[%get3A_1168, %get3A_1169] {strides = array<i32>} : memref<800x128xf32, #tpu.memory_space<vmem>>, vector<1x16xf32>,
        %get3A_1171 = vector.shape_cast %get3A_1170 : vector<1x16xf32> to vector<16xf32>
        %mul3A_1172 = arith.mulf %get3A_1171, %get3A_87 : vector<16xf32>
        %add3A_1173 = arith.addf %add3A_1167, %mul3A_1172 : vector<16xf32>
        %get3A_1174 = arith.index_cast %add3A_1150 : i32 to index
        %get3A_1175 = arith.constant 64 : index
        %get3A_1176 = tpu.vector_load %arg9[%get3A_1174, %get3A_1175] {strides = array<i32>} : memref<800x128xf32, #tpu.memory_space<vmem>>, vector<1x16xf32>,
        %get3A_1177 = vector.shape_cast %get3A_1176 : vector<1x16xf32> to vector<16xf32>
        %mul3A_1178 = arith.mulf %get3A_1177, %get3A_92 : vector<16xf32>
        %add3A_1179 = arith.addf %add3A_1173, %mul3A_1178 : vector<16xf32>
        %get3A_1180 = arith.index_cast %add3A_1150 : i32 to index
        %get3A_1181 = arith.constant 80 : index
        %get3A_1182 = tpu.vector_load %arg9[%get3A_1180, %get3A_1181] {strides = array<i32>} : memref<800x128xf32, #tpu.memory_space<vmem>>, vector<1x16xf32>,
        %get3A_1183 = vector.shape_cast %get3A_1182 : vector<1x16xf32> to vector<16xf32>
        %mul3A_1184 = arith.mulf %get3A_1183, %get3A_97 : vector<16xf32>
        %add3A_1185 = arith.addf %add3A_1179, %mul3A_1184 : vector<16xf32>
        %get3A_1186 = arith.index_cast %add3A_1150 : i32 to index
        %get3A_1187 = arith.constant 96 : index
        %get3A_1188 = tpu.vector_load %arg9[%get3A_1186, %get3A_1187] {strides = array<i32>} : memref<800x128xf32, #tpu.memory_space<vmem>>, vector<1x16xf32>,
        %get3A_1189 = vector.shape_cast %get3A_1188 : vector<1x16xf32> to vector<16xf32>
        %mul3A_1190 = arith.mulf %get3A_1189, %get3A_102 : vector<16xf32>
        %add3A_1191 = arith.addf %add3A_1185, %mul3A_1190 : vector<16xf32>
        %get3A_1192 = arith.index_cast %add3A_1150 : i32 to index
        %get3A_1193 = arith.constant 112 : index
        %get3A_1194 = tpu.vector_load %arg9[%get3A_1192, %get3A_1193] {strides = array<i32>} : memref<800x128xf32, #tpu.memory_space<vmem>>, vector<1x16xf32>,
        %get3A_1195 = vector.shape_cast %get3A_1194 : vector<1x16xf32> to vector<16xf32>
        %mul3A_1196 = arith.mulf %get3A_1195, %get3A_107 : vector<16xf32>
        %add3A_1197 = arith.addf %add3A_1191, %mul3A_1196 : vector<16xf32>
        %reshape3A_1198 = vector.shape_cast %xor3A_109 : vector<16xi32> to vector<16x1xi32>
        %gather3A_1199 = vector.shape_cast %reshape3A_1198 : vector<16x1xi32> to vector<16xi32>
        %gather3A_1200 = tpu.dynamic_gather %add3A_1197[%gather3A_1199] in [0] : vector<16xf32>, vector<16xi32> -> vector<16xf32>
        %add3A_1201 = arith.addf %add3A_1197, %gather3A_1200 : vector<16xf32>
        %reshape3A_1202 = vector.shape_cast %xor3A_112 : vector<16xi32> to vector<16x1xi32>
        %gather3A_1203 = vector.shape_cast %reshape3A_1202 : vector<16x1xi32> to vector<16xi32>
        %gather3A_1204 = tpu.dynamic_gather %add3A_1201[%gather3A_1203] in [0] : vector<16xf32>, vector<16xi32> -> vector<16xf32>
        %add3A_1205 = arith.addf %add3A_1201, %gather3A_1204 : vector<16xf32>
        %reshape3A_1206 = vector.shape_cast %xor3A_115 : vector<16xi32> to vector<16x1xi32>
        %gather3A_1207 = vector.shape_cast %reshape3A_1206 : vector<16x1xi32> to vector<16xi32>
        %gather3A_1208 = tpu.dynamic_gather %add3A_1205[%gather3A_1207] in [0] : vector<16xf32>, vector<16xi32> -> vector<16xf32>
        %add3A_1209 = arith.addf %add3A_1205, %gather3A_1208 : vector<16xf32>
        %reshape3A_1210 = vector.shape_cast %xor3A_118 : vector<16xi32> to vector<16x1xi32>
        %gather3A_1211 = vector.shape_cast %reshape3A_1210 : vector<16x1xi32> to vector<16xi32>
        %gather3A_1212 = tpu.dynamic_gather %add3A_1209[%gather3A_1211] in [0] : vector<16xf32>, vector<16xi32> -> vector<16xf32>
        %add3A_1213 = arith.addf %add3A_1209, %gather3A_1212 : vector<16xf32>
        %eq3A_1214 = arith.constant 14 : i32
        %eq3A_1215 = vector.broadcast %eq3A_1214 : i32 to vector<16xi32>
        %eq3A_1216 = arith.cmpi eq, %iota3A, %eq3A_1215 : vector<16xi32>
        %select_n3A_1217 = arith.select %eq3A_1216, %add3A_1213, %select_n3A_1146 : vector<16xi1>, vector<16xf32>
        %mul3A_1218 = arith.constant 16 : i32
        %mul3A_1219 = arith.muli %while3A_154, %mul3A_1218 : i32
        %add3A_1220 = arith.constant 15 : i32
        %add3A_1221 = arith.addi %mul3A_1219, %add3A_1220 : i32
        %get3A_1222 = arith.index_cast %add3A_1221 : i32 to index
        %get3A_1223 = arith.constant 0 : index
        %get3A_1224 = tpu.vector_load %arg9[%get3A_1222, %get3A_1223] {strides = array<i32>} : memref<800x128xf32, #tpu.memory_space<vmem>>, vector<1x16xf32>,
        %get3A_1225 = vector.shape_cast %get3A_1224 : vector<1x16xf32> to vector<16xf32>
        %mul3A_1226 = arith.mulf %get3A_1225, %get3A_72 : vector<16xf32>
        %get3A_1227 = arith.index_cast %add3A_1221 : i32 to index
        %get3A_1228 = arith.constant 16 : index
        %get3A_1229 = tpu.vector_load %arg9[%get3A_1227, %get3A_1228] {strides = array<i32>} : memref<800x128xf32, #tpu.memory_space<vmem>>, vector<1x16xf32>,
        %get3A_1230 = vector.shape_cast %get3A_1229 : vector<1x16xf32> to vector<16xf32>
        %mul3A_1231 = arith.mulf %get3A_1230, %get3A_77 : vector<16xf32>
        %add3A_1232 = arith.addf %mul3A_1226, %mul3A_1231 : vector<16xf32>
        %get3A_1233 = arith.index_cast %add3A_1221 : i32 to index
        %get3A_1234 = arith.constant 32 : index
        %get3A_1235 = tpu.vector_load %arg9[%get3A_1233, %get3A_1234] {strides = array<i32>} : memref<800x128xf32, #tpu.memory_space<vmem>>, vector<1x16xf32>,
        %get3A_1236 = vector.shape_cast %get3A_1235 : vector<1x16xf32> to vector<16xf32>
        %mul3A_1237 = arith.mulf %get3A_1236, %get3A_82 : vector<16xf32>
        %add3A_1238 = arith.addf %add3A_1232, %mul3A_1237 : vector<16xf32>
        %get3A_1239 = arith.index_cast %add3A_1221 : i32 to index
        %get3A_1240 = arith.constant 48 : index
        %get3A_1241 = tpu.vector_load %arg9[%get3A_1239, %get3A_1240] {strides = array<i32>} : memref<800x128xf32, #tpu.memory_space<vmem>>, vector<1x16xf32>,
        %get3A_1242 = vector.shape_cast %get3A_1241 : vector<1x16xf32> to vector<16xf32>
        %mul3A_1243 = arith.mulf %get3A_1242, %get3A_87 : vector<16xf32>
        %add3A_1244 = arith.addf %add3A_1238, %mul3A_1243 : vector<16xf32>
        %get3A_1245 = arith.index_cast %add3A_1221 : i32 to index
        %get3A_1246 = arith.constant 64 : index
        %get3A_1247 = tpu.vector_load %arg9[%get3A_1245, %get3A_1246] {strides = array<i32>} : memref<800x128xf32, #tpu.memory_space<vmem>>, vector<1x16xf32>,
        %get3A_1248 = vector.shape_cast %get3A_1247 : vector<1x16xf32> to vector<16xf32>
        %mul3A_1249 = arith.mulf %get3A_1248, %get3A_92 : vector<16xf32>
        %add3A_1250 = arith.addf %add3A_1244, %mul3A_1249 : vector<16xf32>
        %get3A_1251 = arith.index_cast %add3A_1221 : i32 to index
        %get3A_1252 = arith.constant 80 : index
        %get3A_1253 = tpu.vector_load %arg9[%get3A_1251, %get3A_1252] {strides = array<i32>} : memref<800x128xf32, #tpu.memory_space<vmem>>, vector<1x16xf32>,
        %get3A_1254 = vector.shape_cast %get3A_1253 : vector<1x16xf32> to vector<16xf32>
        %mul3A_1255 = arith.mulf %get3A_1254, %get3A_97 : vector<16xf32>
        %add3A_1256 = arith.addf %add3A_1250, %mul3A_1255 : vector<16xf32>
        %get3A_1257 = arith.index_cast %add3A_1221 : i32 to index
        %get3A_1258 = arith.constant 96 : index
        %get3A_1259 = tpu.vector_load %arg9[%get3A_1257, %get3A_1258] {strides = array<i32>} : memref<800x128xf32, #tpu.memory_space<vmem>>, vector<1x16xf32>,
        %get3A_1260 = vector.shape_cast %get3A_1259 : vector<1x16xf32> to vector<16xf32>
        %mul3A_1261 = arith.mulf %get3A_1260, %get3A_102 : vector<16xf32>
        %add3A_1262 = arith.addf %add3A_1256, %mul3A_1261 : vector<16xf32>
        %get3A_1263 = arith.index_cast %add3A_1221 : i32 to index
        %get3A_1264 = arith.constant 112 : index
        %get3A_1265 = tpu.vector_load %arg9[%get3A_1263, %get3A_1264] {strides = array<i32>} : memref<800x128xf32, #tpu.memory_space<vmem>>, vector<1x16xf32>,
        %get3A_1266 = vector.shape_cast %get3A_1265 : vector<1x16xf32> to vector<16xf32>
        %mul3A_1267 = arith.mulf %get3A_1266, %get3A_107 : vector<16xf32>
        %add3A_1268 = arith.addf %add3A_1262, %mul3A_1267 : vector<16xf32>
        %reshape3A_1269 = vector.shape_cast %xor3A_109 : vector<16xi32> to vector<16x1xi32>
        %gather3A_1270 = vector.shape_cast %reshape3A_1269 : vector<16x1xi32> to vector<16xi32>
        %gather3A_1271 = tpu.dynamic_gather %add3A_1268[%gather3A_1270] in [0] : vector<16xf32>, vector<16xi32> -> vector<16xf32>
        %add3A_1272 = arith.addf %add3A_1268, %gather3A_1271 : vector<16xf32>
        %reshape3A_1273 = vector.shape_cast %xor3A_112 : vector<16xi32> to vector<16x1xi32>
        %gather3A_1274 = vector.shape_cast %reshape3A_1273 : vector<16x1xi32> to vector<16xi32>
        %gather3A_1275 = tpu.dynamic_gather %add3A_1272[%gather3A_1274] in [0] : vector<16xf32>, vector<16xi32> -> vector<16xf32>
        %add3A_1276 = arith.addf %add3A_1272, %gather3A_1275 : vector<16xf32>
        %reshape3A_1277 = vector.shape_cast %xor3A_115 : vector<16xi32> to vector<16x1xi32>
        %gather3A_1278 = vector.shape_cast %reshape3A_1277 : vector<16x1xi32> to vector<16xi32>
        %gather3A_1279 = tpu.dynamic_gather %add3A_1276[%gather3A_1278] in [0] : vector<16xf32>, vector<16xi32> -> vector<16xf32>
        %add3A_1280 = arith.addf %add3A_1276, %gather3A_1279 : vector<16xf32>
        %reshape3A_1281 = vector.shape_cast %xor3A_118 : vector<16xi32> to vector<16x1xi32>
        %gather3A_1282 = vector.shape_cast %reshape3A_1281 : vector<16x1xi32> to vector<16xi32>
        %gather3A_1283 = tpu.dynamic_gather %add3A_1280[%gather3A_1282] in [0] : vector<16xf32>, vector<16xi32> -> vector<16xf32>
        %add3A_1284 = arith.addf %add3A_1280, %gather3A_1283 : vector<16xf32>
        %eq3A_1285 = arith.constant 15 : i32
        %eq3A_1286 = vector.broadcast %eq3A_1285 : i32 to vector<16xi32>
        %eq3A_1287 = arith.cmpi eq, %iota3A, %eq3A_1286 : vector<16xi32>
        %select_n3A_1288 = arith.select %eq3A_1287, %add3A_1284, %select_n3A_1217 : vector<16xi1>, vector<16xf32>
        %mul3A_1289 = arith.constant 16 : i32
        %mul3A_1290 = arith.muli %while3A_154, %mul3A_1289 : i32
        %get3A_1291 = arith.index_cast %mul3A_1290 : i32 to index
        %get3A_1292 = tpu.vector_load %arg10[%get3A_1291] {strides = array<i32>} : memref<800xf32, #tpu.memory_space<vmem>>, vector<16xf32>,
        %get3A_1293 = vector.shape_cast %get3A_1292 : vector<16xf32> to vector<16xf32>
        %add3A_1294 = arith.addf %select_n3A_1288, %get3A_1293 : vector<16xf32>
        %mul3A_1295 = arith.constant 16 : i32
        %mul3A_1296 = arith.muli %while3A_154, %mul3A_1295 : i32
        %swap3A = arith.index_cast %mul3A_1296 : i32 to index
        %swap3A_1297 = tpu.vector_load %arg11[%swap3A] {strides = array<i32>} : memref<800xf32, #tpu.memory_space<vmem>>, vector<16xf32>,
        %swap3A_1298 = vector.shape_cast %swap3A_1297 : vector<16xf32> to vector<16xf32>
        %swap3A_1299 = vector.shape_cast %add3A_1294 : vector<16xf32> to vector<16xf32>
        tpu.vector_store %arg11[%swap3A], %swap3A_1299 {strides = array<i32>} : memref<800xf32, #tpu.memory_space<vmem>>, vector<16xf32>,
        %while3A_1300 = arith.constant 0 : i32
        scf.yield %while3A_1300 : i32
      }
      %scan3A_153 = arith.constant 0 : i32
      scf.yield %scan3A_153 : i32
    }
    %scan3A_124 = arith.constant 5 : i32
    "tpu.region"() ({
      %run_scoped3A = tpu.sem_alloc : memref<!tpu.dma_semaphore, #tpu.memory_space<semaphore_mem>>
      %dma_start3A_125 = arith.constant 0 : i32
      %dma_start3A_126 = tpu.memref_slice %arg6[%add3A, %dma_start3A_125] : memref<32x800xf32, #tpu.memory_space<hbm>> -> memref<1x800xf32, #tpu.memory_space<hbm>>
      %dma_start3A_127 = tpu.memref_squeeze %dma_start3A_126 : memref<1x800xf32, #tpu.memory_space<hbm>> -> memref<800xf32, #tpu.memory_space<hbm>>
      %dma_start3A_128 = arith.constant 0 : i32
      %dma_start3A_129 = tpu.memref_slice %arg6[%add3A, %dma_start3A_128] : memref<32x800xf32, #tpu.memory_space<hbm>> -> memref<1x800xf32, #tpu.memory_space<hbm>>
      %dma_start3A_130 = tpu.memref_squeeze %dma_start3A_129 : memref<1x800xf32, #tpu.memory_space<hbm>> -> memref<800xf32, #tpu.memory_space<hbm>>
      tpu.enqueue_dma source(%arg11 : memref<800xf32, #tpu.memory_space<vmem>>) target(%dma_start3A_130 : memref<800xf32, #tpu.memory_space<hbm>>) target_semaphore(%run_scoped3A : memref<!tpu.dma_semaphore, #tpu.memory_space<semaphore_mem>>)
      %dma_wait3A_131 = arith.constant 0 : i32
      %dma_wait3A_132 = tpu.memref_slice %arg6[%add3A, %dma_wait3A_131] : memref<32x800xf32, #tpu.memory_space<hbm>> -> memref<1x800xf32, #tpu.memory_space<hbm>>
      %dma_wait3A_133 = tpu.memref_squeeze %dma_wait3A_132 : memref<1x800xf32, #tpu.memory_space<hbm>> -> memref<800xf32, #tpu.memory_space<hbm>>
      %dma_wait3A_134 = arith.constant 0 : i32
      %dma_wait3A_135 = tpu.memref_slice %arg6[%add3A, %dma_wait3A_134] : memref<32x800xf32, #tpu.memory_space<hbm>> -> memref<1x800xf32, #tpu.memory_space<hbm>>
      %dma_wait3A_136 = tpu.memref_squeeze %dma_wait3A_135 : memref<1x800xf32, #tpu.memory_space<hbm>> -> memref<800xf32, #tpu.memory_space<hbm>>
      tpu.wait_dma2 semaphore(%run_scoped3A : memref<!tpu.dma_semaphore, #tpu.memory_space<semaphore_mem>>) src(%arg11 : memref<800xf32, #tpu.memory_space<vmem>>) dst(%dma_wait3A_136 : memref<800xf32, #tpu.memory_space<hbm>>)
      tpu.yield
    }) : () -> ()
    return
  }
}

module attributes {stable_mosaic.version = 14 : i64} {
  func.func @_tc1_body(%arg0: i32, %arg1: memref<1xi32, #tpu.memory_space<smem>>, %arg2: memref<1x1x128xf32, #tpu.memory_space<vmem>>, %arg3: memref<7440x128xf32, #tpu.memory_space<vmem>>, %arg4: memref<1x1x7440xf32, #tpu.memory_space<vmem>>) attributes {dimension_semantics = [#tpu.dimension_semantics<arbitrary>], iteration_bounds = array<i64: 10>, scalar_prefetch = 1 : i64, scratch_operands = 0 : i64, tpu.core_type = #tpu.core_type<tc>, window_params = [{transform_indices = @transform_0, window_bounds = array<i64: 1, 1, 128>}, {transform_indices = @transform_1, window_bounds = array<i64: 7440, 128>}, {transform_indices = @transform_2, window_bounds = array<i64: 1, 1, 7440>}]} {
    %get3A = arith.constant 0 : index
    %get3A_0 = arith.constant 0 : index
    %get3A_1 = arith.constant 0 : index
    %get3A_2 = vector.load %arg2[%get3A, %get3A_0, %get3A_1] : memref<1x1x128xf32, #tpu.memory_space<vmem>>, vector<1x1x128xf32>
    %get3A_3 = vector.shape_cast %get3A_2 : vector<1x1x128xf32> to vector<1x128xf32>
    %get3A_4 = arith.constant 0 : index
    %get3A_5 = arith.constant 0 : index
    %get3A_6 = vector.load %arg3[%get3A_4, %get3A_5] : memref<7440x128xf32, #tpu.memory_space<vmem>>, vector<7440x128xf32>
    %dot_general3A = arith.constant dense<0.000000e+00> : vector<1x7440xf32>
    %dot_general3A_7 = tpu.matmul %get3A_3, %get3A_6, %dot_general3A {dimension_numbers = #tpu.dot_dimension_numbers<[1], [1], [0], [0], [0, 0, 1, 0], [], []>, transpose_lhs_hint = false} : vector<1x128xf32>, vector<7440x128xf32>, vector<1x7440xf32> -> vector<1x7440xf32>
    %swap3A = arith.constant 0 : index
    %swap3A_8 = arith.constant 0 : index
    %swap3A_9 = arith.constant 0 : index
    %swap3A_10 = vector.load %arg4[%swap3A, %swap3A_8, %swap3A_9] : memref<1x1x7440xf32, #tpu.memory_space<vmem>>, vector<1x1x7440xf32>
    %swap3A_11 = vector.shape_cast %swap3A_10 : vector<1x1x7440xf32> to vector<1x7440xf32>
    %swap3A_12 = vector.shape_cast %dot_general3A_7 : vector<1x7440xf32> to vector<1x1x7440xf32>
    tpu.vector_store %arg4[%swap3A, %swap3A_8, %swap3A_9], %swap3A_12 {strides = array<i32>} : memref<1x1x7440xf32, #tpu.memory_space<vmem>>, vector<1x1x7440xf32>,
    return
  }
  func.func @transform_0(%arg0: i32, %arg1: memref<1xi32, #tpu.memory_space<smem>>) -> (i32, i32, i32) {
    %get3A = arith.constant 0 : index
    %get3A_0 = memref.load %arg1[%get3A] : memref<1xi32, #tpu.memory_space<smem>>
    %c0_i32 = arith.constant 0 : i32
    %c0_i32_1 = arith.constant 0 : i32
    %c0_i32_2 = arith.constant 0 : i32
    return %get3A_0, %c0_i32, %c0_i32_1 : i32, i32, i32
  }
  func.func @transform_1(%arg0: i32, %arg1: memref<1xi32, #tpu.memory_space<smem>>) -> (i32, i32) {
    %c0_i32 = arith.constant 0 : i32
    %c0_i32_0 = arith.constant 0 : i32
    return %arg0, %c0_i32 : i32, i32
  }
  func.func @transform_2(%arg0: i32, %arg1: memref<1xi32, #tpu.memory_space<smem>>) -> (i32, i32, i32) {
    %c0_i32 = arith.constant 0 : i32
    %c0_i32_0 = arith.constant 0 : i32
    %c0_i32_1 = arith.constant 0 : i32
    return %arg0, %c0_i32, %c0_i32_0 : i32, i32, i32
  }
}

module attributes {stable_mosaic.version = 14 : i64} {
  func.func @_tc2_body(%arg0: memref<10x1x7440xf32, #tpu.memory_space<vmem>>, %arg1: memref<32x800xf32, #tpu.memory_space<vmem>>, %arg2: memref<1x100000xf32, #tpu.memory_space<vmem>>, %arg3: memref<1x100000xf32, #tpu.memory_space<vmem>>) attributes {dimension_semantics = [], scalar_prefetch = 0 : i64, scratch_operands = 0 : i64, tpu.core_type = #tpu.core_type<tc>} {
    %get3A = arith.constant 0 : index
    %get3A_0 = arith.constant 0 : index
    %get3A_1 = vector.load %arg1[%get3A, %get3A_0] : memref<32x800xf32, #tpu.memory_space<vmem>>, vector<32x800xf32>
    %reduce_max3A = vector.shape_cast %get3A_1 : vector<32x800xf32> to vector<1x32x800xf32>
    %reduce_max3A_2 = arith.constant dense<0xFF800000> : vector<1xf32>
    %reduce_max3A_3 = vector.multi_reduction <maximumf>, %reduce_max3A, %reduce_max3A_2 [1, 2] : vector<1x32x800xf32> to vector<1xf32>
    %reduce_max3A_4 = vector.shape_cast %reduce_max3A_3 : vector<1xf32> to vector<1x1x1xf32>
    %reduce_max3A_5 = vector.extract %reduce_max3A_4[0, 0, 0] : f32 from vector<1x1x1xf32>
    %get3A_6 = arith.constant 0 : index
    %get3A_7 = arith.constant 0 : index
    %get3A_8 = arith.constant 0 : index
    %get3A_9 = vector.load %arg0[%get3A_6, %get3A_7, %get3A_8] : memref<10x1x7440xf32, #tpu.memory_space<vmem>>, vector<1x1x7440xf32>
    %get3A_10 = vector.shape_cast %get3A_9 : vector<1x1x7440xf32> to vector<1x7440xf32>
    %get3A_11 = arith.constant 0 : index
    %get3A_12 = arith.constant 0 : index
    %get3A_13 = vector.load %arg2[%get3A_11, %get3A_12] : memref<1x100000xf32, #tpu.memory_space<vmem>>, vector<1x7440xf32>
    %add3A = arith.addf %get3A_10, %get3A_13 : vector<1x7440xf32>
    %reduce_max3A_14 = vector.shape_cast %add3A : vector<1x7440xf32> to vector<1x1x7440xf32>
    %reduce_max3A_15 = arith.constant dense<0xFF800000> : vector<1xf32>
    %reduce_max3A_16 = vector.multi_reduction <maximumf>, %reduce_max3A_14, %reduce_max3A_15 [1, 2] : vector<1x1x7440xf32> to vector<1xf32>
    %reduce_max3A_17 = vector.shape_cast %reduce_max3A_16 : vector<1xf32> to vector<1x1x1xf32>
    %reduce_max3A_18 = vector.extract %reduce_max3A_17[0, 0, 0] : f32 from vector<1x1x1xf32>
    %max3A = arith.maximumf %reduce_max3A_5, %reduce_max3A_18 : f32
    %get3A_19 = arith.constant 1 : index
    %get3A_20 = arith.constant 0 : index
    %get3A_21 = arith.constant 0 : index
    %get3A_22 = vector.load %arg0[%get3A_19, %get3A_20, %get3A_21] : memref<10x1x7440xf32, #tpu.memory_space<vmem>>, vector<1x1x7440xf32>
    %get3A_23 = vector.shape_cast %get3A_22 : vector<1x1x7440xf32> to vector<1x7440xf32>
    %get3A_24 = arith.constant 0 : index
    %get3A_25 = arith.constant 7440 : index
    %get3A_26 = vector.load %arg2[%get3A_24, %get3A_25] : memref<1x100000xf32, #tpu.memory_space<vmem>>, vector<1x7440xf32>
    %add3A_27 = arith.addf %get3A_23, %get3A_26 : vector<1x7440xf32>
    %reduce_max3A_28 = vector.shape_cast %add3A_27 : vector<1x7440xf32> to vector<1x1x7440xf32>
    %reduce_max3A_29 = arith.constant dense<0xFF800000> : vector<1xf32>
    %reduce_max3A_30 = vector.multi_reduction <maximumf>, %reduce_max3A_28, %reduce_max3A_29 [1, 2] : vector<1x1x7440xf32> to vector<1xf32>
    %reduce_max3A_31 = vector.shape_cast %reduce_max3A_30 : vector<1xf32> to vector<1x1x1xf32>
    %reduce_max3A_32 = vector.extract %reduce_max3A_31[0, 0, 0] : f32 from vector<1x1x1xf32>
    %max3A_33 = arith.maximumf %max3A, %reduce_max3A_32 : f32
    %get3A_34 = arith.constant 2 : index
    %get3A_35 = arith.constant 0 : index
    %get3A_36 = arith.constant 0 : index
    %get3A_37 = vector.load %arg0[%get3A_34, %get3A_35, %get3A_36] : memref<10x1x7440xf32, #tpu.memory_space<vmem>>, vector<1x1x7440xf32>
    %get3A_38 = vector.shape_cast %get3A_37 : vector<1x1x7440xf32> to vector<1x7440xf32>
    %get3A_39 = arith.constant 0 : index
    %get3A_40 = arith.constant 14880 : index
    %get3A_41 = vector.load %arg2[%get3A_39, %get3A_40] : memref<1x100000xf32, #tpu.memory_space<vmem>>, vector<1x7440xf32>
    %add3A_42 = arith.addf %get3A_38, %get3A_41 : vector<1x7440xf32>
    %reduce_max3A_43 = vector.shape_cast %add3A_42 : vector<1x7440xf32> to vector<1x1x7440xf32>
    %reduce_max3A_44 = arith.constant dense<0xFF800000> : vector<1xf32>
    %reduce_max3A_45 = vector.multi_reduction <maximumf>, %reduce_max3A_43, %reduce_max3A_44 [1, 2] : vector<1x1x7440xf32> to vector<1xf32>
    %reduce_max3A_46 = vector.shape_cast %reduce_max3A_45 : vector<1xf32> to vector<1x1x1xf32>
    %reduce_max3A_47 = vector.extract %reduce_max3A_46[0, 0, 0] : f32 from vector<1x1x1xf32>
    %max3A_48 = arith.maximumf %max3A_33, %reduce_max3A_47 : f32
    %get3A_49 = arith.constant 3 : index
    %get3A_50 = arith.constant 0 : index
    %get3A_51 = arith.constant 0 : index
    %get3A_52 = vector.load %arg0[%get3A_49, %get3A_50, %get3A_51] : memref<10x1x7440xf32, #tpu.memory_space<vmem>>, vector<1x1x7440xf32>
    %get3A_53 = vector.shape_cast %get3A_52 : vector<1x1x7440xf32> to vector<1x7440xf32>
    %get3A_54 = arith.constant 0 : index
    %get3A_55 = arith.constant 22320 : index
    %get3A_56 = vector.load %arg2[%get3A_54, %get3A_55] : memref<1x100000xf32, #tpu.memory_space<vmem>>, vector<1x7440xf32>
    %add3A_57 = arith.addf %get3A_53, %get3A_56 : vector<1x7440xf32>
    %reduce_max3A_58 = vector.shape_cast %add3A_57 : vector<1x7440xf32> to vector<1x1x7440xf32>
    %reduce_max3A_59 = arith.constant dense<0xFF800000> : vector<1xf32>
    %reduce_max3A_60 = vector.multi_reduction <maximumf>, %reduce_max3A_58, %reduce_max3A_59 [1, 2] : vector<1x1x7440xf32> to vector<1xf32>
    %reduce_max3A_61 = vector.shape_cast %reduce_max3A_60 : vector<1xf32> to vector<1x1x1xf32>
    %reduce_max3A_62 = vector.extract %reduce_max3A_61[0, 0, 0] : f32 from vector<1x1x1xf32>
    %max3A_63 = arith.maximumf %max3A_48, %reduce_max3A_62 : f32
    %get3A_64 = arith.constant 4 : index
    %get3A_65 = arith.constant 0 : index
    %get3A_66 = arith.constant 0 : index
    %get3A_67 = vector.load %arg0[%get3A_64, %get3A_65, %get3A_66] : memref<10x1x7440xf32, #tpu.memory_space<vmem>>, vector<1x1x7440xf32>
    %get3A_68 = vector.shape_cast %get3A_67 : vector<1x1x7440xf32> to vector<1x7440xf32>
    %get3A_69 = arith.constant 0 : index
    %get3A_70 = arith.constant 29760 : index
    %get3A_71 = vector.load %arg2[%get3A_69, %get3A_70] : memref<1x100000xf32, #tpu.memory_space<vmem>>, vector<1x7440xf32>
    %add3A_72 = arith.addf %get3A_68, %get3A_71 : vector<1x7440xf32>
    %reduce_max3A_73 = vector.shape_cast %add3A_72 : vector<1x7440xf32> to vector<1x1x7440xf32>
    %reduce_max3A_74 = arith.constant dense<0xFF800000> : vector<1xf32>
    %reduce_max3A_75 = vector.multi_reduction <maximumf>, %reduce_max3A_73, %reduce_max3A_74 [1, 2] : vector<1x1x7440xf32> to vector<1xf32>
    %reduce_max3A_76 = vector.shape_cast %reduce_max3A_75 : vector<1xf32> to vector<1x1x1xf32>
    %reduce_max3A_77 = vector.extract %reduce_max3A_76[0, 0, 0] : f32 from vector<1x1x1xf32>
    %max3A_78 = arith.maximumf %max3A_63, %reduce_max3A_77 : f32
    %get3A_79 = arith.constant 5 : index
    %get3A_80 = arith.constant 0 : index
    %get3A_81 = arith.constant 0 : index
    %get3A_82 = vector.load %arg0[%get3A_79, %get3A_80, %get3A_81] : memref<10x1x7440xf32, #tpu.memory_space<vmem>>, vector<1x1x7440xf32>
    %get3A_83 = vector.shape_cast %get3A_82 : vector<1x1x7440xf32> to vector<1x7440xf32>
    %get3A_84 = arith.constant 0 : index
    %get3A_85 = arith.constant 37200 : index
    %get3A_86 = vector.load %arg2[%get3A_84, %get3A_85] : memref<1x100000xf32, #tpu.memory_space<vmem>>, vector<1x7440xf32>
    %add3A_87 = arith.addf %get3A_83, %get3A_86 : vector<1x7440xf32>
    %reduce_max3A_88 = vector.shape_cast %add3A_87 : vector<1x7440xf32> to vector<1x1x7440xf32>
    %reduce_max3A_89 = arith.constant dense<0xFF800000> : vector<1xf32>
    %reduce_max3A_90 = vector.multi_reduction <maximumf>, %reduce_max3A_88, %reduce_max3A_89 [1, 2] : vector<1x1x7440xf32> to vector<1xf32>
    %reduce_max3A_91 = vector.shape_cast %reduce_max3A_90 : vector<1xf32> to vector<1x1x1xf32>
    %reduce_max3A_92 = vector.extract %reduce_max3A_91[0, 0, 0] : f32 from vector<1x1x1xf32>
    %max3A_93 = arith.maximumf %max3A_78, %reduce_max3A_92 : f32
    %get3A_94 = arith.constant 6 : index
    %get3A_95 = arith.constant 0 : index
    %get3A_96 = arith.constant 0 : index
    %get3A_97 = vector.load %arg0[%get3A_94, %get3A_95, %get3A_96] : memref<10x1x7440xf32, #tpu.memory_space<vmem>>, vector<1x1x7440xf32>
    %get3A_98 = vector.shape_cast %get3A_97 : vector<1x1x7440xf32> to vector<1x7440xf32>
    %get3A_99 = arith.constant 0 : index
    %get3A_100 = arith.constant 44640 : index
    %get3A_101 = vector.load %arg2[%get3A_99, %get3A_100] : memref<1x100000xf32, #tpu.memory_space<vmem>>, vector<1x7440xf32>
    %add3A_102 = arith.addf %get3A_98, %get3A_101 : vector<1x7440xf32>
    %reduce_max3A_103 = vector.shape_cast %add3A_102 : vector<1x7440xf32> to vector<1x1x7440xf32>
    %reduce_max3A_104 = arith.constant dense<0xFF800000> : vector<1xf32>
    %reduce_max3A_105 = vector.multi_reduction <maximumf>, %reduce_max3A_103, %reduce_max3A_104 [1, 2] : vector<1x1x7440xf32> to vector<1xf32>
    %reduce_max3A_106 = vector.shape_cast %reduce_max3A_105 : vector<1xf32> to vector<1x1x1xf32>
    %reduce_max3A_107 = vector.extract %reduce_max3A_106[0, 0, 0] : f32 from vector<1x1x1xf32>
    %max3A_108 = arith.maximumf %max3A_93, %reduce_max3A_107 : f32
    %get3A_109 = arith.constant 7 : index
    %get3A_110 = arith.constant 0 : index
    %get3A_111 = arith.constant 0 : index
    %get3A_112 = vector.load %arg0[%get3A_109, %get3A_110, %get3A_111] : memref<10x1x7440xf32, #tpu.memory_space<vmem>>, vector<1x1x7440xf32>
    %get3A_113 = vector.shape_cast %get3A_112 : vector<1x1x7440xf32> to vector<1x7440xf32>
    %get3A_114 = arith.constant 0 : index
    %get3A_115 = arith.constant 52080 : index
    %get3A_116 = vector.load %arg2[%get3A_114, %get3A_115] : memref<1x100000xf32, #tpu.memory_space<vmem>>, vector<1x7440xf32>
    %add3A_117 = arith.addf %get3A_113, %get3A_116 : vector<1x7440xf32>
    %reduce_max3A_118 = vector.shape_cast %add3A_117 : vector<1x7440xf32> to vector<1x1x7440xf32>
    %reduce_max3A_119 = arith.constant dense<0xFF800000> : vector<1xf32>
    %reduce_max3A_120 = vector.multi_reduction <maximumf>, %reduce_max3A_118, %reduce_max3A_119 [1, 2] : vector<1x1x7440xf32> to vector<1xf32>
    %reduce_max3A_121 = vector.shape_cast %reduce_max3A_120 : vector<1xf32> to vector<1x1x1xf32>
    %reduce_max3A_122 = vector.extract %reduce_max3A_121[0, 0, 0] : f32 from vector<1x1x1xf32>
    %max3A_123 = arith.maximumf %max3A_108, %reduce_max3A_122 : f32
    %get3A_124 = arith.constant 8 : index
    %get3A_125 = arith.constant 0 : index
    %get3A_126 = arith.constant 0 : index
    %get3A_127 = vector.load %arg0[%get3A_124, %get3A_125, %get3A_126] : memref<10x1x7440xf32, #tpu.memory_space<vmem>>, vector<1x1x7440xf32>
    %get3A_128 = vector.shape_cast %get3A_127 : vector<1x1x7440xf32> to vector<1x7440xf32>
    %get3A_129 = arith.constant 0 : index
    %get3A_130 = arith.constant 59520 : index
    %get3A_131 = vector.load %arg2[%get3A_129, %get3A_130] : memref<1x100000xf32, #tpu.memory_space<vmem>>, vector<1x7440xf32>
    %add3A_132 = arith.addf %get3A_128, %get3A_131 : vector<1x7440xf32>
    %reduce_max3A_133 = vector.shape_cast %add3A_132 : vector<1x7440xf32> to vector<1x1x7440xf32>
    %reduce_max3A_134 = arith.constant dense<0xFF800000> : vector<1xf32>
    %reduce_max3A_135 = vector.multi_reduction <maximumf>, %reduce_max3A_133, %reduce_max3A_134 [1, 2] : vector<1x1x7440xf32> to vector<1xf32>
    %reduce_max3A_136 = vector.shape_cast %reduce_max3A_135 : vector<1xf32> to vector<1x1x1xf32>
    %reduce_max3A_137 = vector.extract %reduce_max3A_136[0, 0, 0] : f32 from vector<1x1x1xf32>
    %max3A_138 = arith.maximumf %max3A_123, %reduce_max3A_137 : f32
    %get3A_139 = arith.constant 9 : index
    %get3A_140 = arith.constant 0 : index
    %get3A_141 = arith.constant 0 : index
    %get3A_142 = vector.load %arg0[%get3A_139, %get3A_140, %get3A_141] : memref<10x1x7440xf32, #tpu.memory_space<vmem>>, vector<1x1x7440xf32>
    %get3A_143 = vector.shape_cast %get3A_142 : vector<1x1x7440xf32> to vector<1x7440xf32>
    %get3A_144 = arith.constant 0 : index
    %get3A_145 = arith.constant 66960 : index
    %get3A_146 = vector.load %arg2[%get3A_144, %get3A_145] : memref<1x100000xf32, #tpu.memory_space<vmem>>, vector<1x7440xf32>
    %add3A_147 = arith.addf %get3A_143, %get3A_146 : vector<1x7440xf32>
    %reduce_max3A_148 = vector.shape_cast %add3A_147 : vector<1x7440xf32> to vector<1x1x7440xf32>
    %reduce_max3A_149 = arith.constant dense<0xFF800000> : vector<1xf32>
    %reduce_max3A_150 = vector.multi_reduction <maximumf>, %reduce_max3A_148, %reduce_max3A_149 [1, 2] : vector<1x1x7440xf32> to vector<1xf32>
    %reduce_max3A_151 = vector.shape_cast %reduce_max3A_150 : vector<1xf32> to vector<1x1x1xf32>
    %reduce_max3A_152 = vector.extract %reduce_max3A_151[0, 0, 0] : f32 from vector<1x1x1xf32>
    %max3A_153 = arith.maximumf %max3A_138, %reduce_max3A_152 : f32
    %sub3A = vector.broadcast %max3A_153 : f32 to vector<32x800xf32>
    %sub3A_154 = arith.subf %get3A_1, %sub3A : vector<32x800xf32>
    %exp3A = math.exp %sub3A_154 : vector<32x800xf32>
    %reduce_sum3A = vector.shape_cast %exp3A : vector<32x800xf32> to vector<1x32x800xf32>
    %reduce_sum3A_155 = arith.constant dense<0.000000e+00> : vector<1xf32>
    %reduce_sum3A_156 = vector.multi_reduction <add>, %reduce_sum3A, %reduce_sum3A_155 [1, 2] : vector<1x32x800xf32> to vector<1xf32>
    %reduce_sum3A_157 = vector.shape_cast %reduce_sum3A_156 : vector<1xf32> to vector<1x1x1xf32>
    %reduce_sum3A_158 = vector.extract %reduce_sum3A_157[0, 0, 0] : f32 from vector<1x1x1xf32>
    %get3A_159 = arith.constant 0 : index
    %get3A_160 = arith.constant 0 : index
    %get3A_161 = arith.constant 0 : index
    %get3A_162 = vector.load %arg0[%get3A_159, %get3A_160, %get3A_161] : memref<10x1x7440xf32, #tpu.memory_space<vmem>>, vector<1x1x7440xf32>
    %get3A_163 = vector.shape_cast %get3A_162 : vector<1x1x7440xf32> to vector<1x7440xf32>
    %get3A_164 = arith.constant 0 : index
    %get3A_165 = arith.constant 0 : index
    %get3A_166 = vector.load %arg2[%get3A_164, %get3A_165] : memref<1x100000xf32, #tpu.memory_space<vmem>>, vector<1x7440xf32>
    %add3A_167 = arith.addf %get3A_163, %get3A_166 : vector<1x7440xf32>
    %sub3A_168 = vector.broadcast %max3A_153 : f32 to vector<1x7440xf32>
    %sub3A_169 = arith.subf %add3A_167, %sub3A_168 : vector<1x7440xf32>
    %exp3A_170 = math.exp %sub3A_169 : vector<1x7440xf32>
    %reduce_sum3A_171 = vector.shape_cast %exp3A_170 : vector<1x7440xf32> to vector<1x1x7440xf32>
    %reduce_sum3A_172 = arith.constant dense<0.000000e+00> : vector<1xf32>
    %reduce_sum3A_173 = vector.multi_reduction <add>, %reduce_sum3A_171, %reduce_sum3A_172 [1, 2] : vector<1x1x7440xf32> to vector<1xf32>
    %reduce_sum3A_174 = vector.shape_cast %reduce_sum3A_173 : vector<1xf32> to vector<1x1x1xf32>
    %reduce_sum3A_175 = vector.extract %reduce_sum3A_174[0, 0, 0] : f32 from vector<1x1x1xf32>
    %add3A_176 = arith.addf %reduce_sum3A_158, %reduce_sum3A_175 : f32
    %get3A_177 = arith.constant 1 : index
    %get3A_178 = arith.constant 0 : index
    %get3A_179 = arith.constant 0 : index
    %get3A_180 = vector.load %arg0[%get3A_177, %get3A_178, %get3A_179] : memref<10x1x7440xf32, #tpu.memory_space<vmem>>, vector<1x1x7440xf32>
    %get3A_181 = vector.shape_cast %get3A_180 : vector<1x1x7440xf32> to vector<1x7440xf32>
    %get3A_182 = arith.constant 0 : index
    %get3A_183 = arith.constant 7440 : index
    %get3A_184 = vector.load %arg2[%get3A_182, %get3A_183] : memref<1x100000xf32, #tpu.memory_space<vmem>>, vector<1x7440xf32>
    %add3A_185 = arith.addf %get3A_181, %get3A_184 : vector<1x7440xf32>
    %sub3A_186 = vector.broadcast %max3A_153 : f32 to vector<1x7440xf32>
    %sub3A_187 = arith.subf %add3A_185, %sub3A_186 : vector<1x7440xf32>
    %exp3A_188 = math.exp %sub3A_187 : vector<1x7440xf32>
    %reduce_sum3A_189 = vector.shape_cast %exp3A_188 : vector<1x7440xf32> to vector<1x1x7440xf32>
    %reduce_sum3A_190 = arith.constant dense<0.000000e+00> : vector<1xf32>
    %reduce_sum3A_191 = vector.multi_reduction <add>, %reduce_sum3A_189, %reduce_sum3A_190 [1, 2] : vector<1x1x7440xf32> to vector<1xf32>
    %reduce_sum3A_192 = vector.shape_cast %reduce_sum3A_191 : vector<1xf32> to vector<1x1x1xf32>
    %reduce_sum3A_193 = vector.extract %reduce_sum3A_192[0, 0, 0] : f32 from vector<1x1x1xf32>
    %add3A_194 = arith.addf %add3A_176, %reduce_sum3A_193 : f32
    %get3A_195 = arith.constant 2 : index
    %get3A_196 = arith.constant 0 : index
    %get3A_197 = arith.constant 0 : index
    %get3A_198 = vector.load %arg0[%get3A_195, %get3A_196, %get3A_197] : memref<10x1x7440xf32, #tpu.memory_space<vmem>>, vector<1x1x7440xf32>
    %get3A_199 = vector.shape_cast %get3A_198 : vector<1x1x7440xf32> to vector<1x7440xf32>
    %get3A_200 = arith.constant 0 : index
    %get3A_201 = arith.constant 14880 : index
    %get3A_202 = vector.load %arg2[%get3A_200, %get3A_201] : memref<1x100000xf32, #tpu.memory_space<vmem>>, vector<1x7440xf32>
    %add3A_203 = arith.addf %get3A_199, %get3A_202 : vector<1x7440xf32>
    %sub3A_204 = vector.broadcast %max3A_153 : f32 to vector<1x7440xf32>
    %sub3A_205 = arith.subf %add3A_203, %sub3A_204 : vector<1x7440xf32>
    %exp3A_206 = math.exp %sub3A_205 : vector<1x7440xf32>
    %reduce_sum3A_207 = vector.shape_cast %exp3A_206 : vector<1x7440xf32> to vector<1x1x7440xf32>
    %reduce_sum3A_208 = arith.constant dense<0.000000e+00> : vector<1xf32>
    %reduce_sum3A_209 = vector.multi_reduction <add>, %reduce_sum3A_207, %reduce_sum3A_208 [1, 2] : vector<1x1x7440xf32> to vector<1xf32>
    %reduce_sum3A_210 = vector.shape_cast %reduce_sum3A_209 : vector<1xf32> to vector<1x1x1xf32>
    %reduce_sum3A_211 = vector.extract %reduce_sum3A_210[0, 0, 0] : f32 from vector<1x1x1xf32>
    %add3A_212 = arith.addf %add3A_194, %reduce_sum3A_211 : f32
    %get3A_213 = arith.constant 3 : index
    %get3A_214 = arith.constant 0 : index
    %get3A_215 = arith.constant 0 : index
    %get3A_216 = vector.load %arg0[%get3A_213, %get3A_214, %get3A_215] : memref<10x1x7440xf32, #tpu.memory_space<vmem>>, vector<1x1x7440xf32>
    %get3A_217 = vector.shape_cast %get3A_216 : vector<1x1x7440xf32> to vector<1x7440xf32>
    %get3A_218 = arith.constant 0 : index
    %get3A_219 = arith.constant 22320 : index
    %get3A_220 = vector.load %arg2[%get3A_218, %get3A_219] : memref<1x100000xf32, #tpu.memory_space<vmem>>, vector<1x7440xf32>
    %add3A_221 = arith.addf %get3A_217, %get3A_220 : vector<1x7440xf32>
    %sub3A_222 = vector.broadcast %max3A_153 : f32 to vector<1x7440xf32>
    %sub3A_223 = arith.subf %add3A_221, %sub3A_222 : vector<1x7440xf32>
    %exp3A_224 = math.exp %sub3A_223 : vector<1x7440xf32>
    %reduce_sum3A_225 = vector.shape_cast %exp3A_224 : vector<1x7440xf32> to vector<1x1x7440xf32>
    %reduce_sum3A_226 = arith.constant dense<0.000000e+00> : vector<1xf32>
    %reduce_sum3A_227 = vector.multi_reduction <add>, %reduce_sum3A_225, %reduce_sum3A_226 [1, 2] : vector<1x1x7440xf32> to vector<1xf32>
    %reduce_sum3A_228 = vector.shape_cast %reduce_sum3A_227 : vector<1xf32> to vector<1x1x1xf32>
    %reduce_sum3A_229 = vector.extract %reduce_sum3A_228[0, 0, 0] : f32 from vector<1x1x1xf32>
    %add3A_230 = arith.addf %add3A_212, %reduce_sum3A_229 : f32
    %get3A_231 = arith.constant 4 : index
    %get3A_232 = arith.constant 0 : index
    %get3A_233 = arith.constant 0 : index
    %get3A_234 = vector.load %arg0[%get3A_231, %get3A_232, %get3A_233] : memref<10x1x7440xf32, #tpu.memory_space<vmem>>, vector<1x1x7440xf32>
    %get3A_235 = vector.shape_cast %get3A_234 : vector<1x1x7440xf32> to vector<1x7440xf32>
    %get3A_236 = arith.constant 0 : index
    %get3A_237 = arith.constant 29760 : index
    %get3A_238 = vector.load %arg2[%get3A_236, %get3A_237] : memref<1x100000xf32, #tpu.memory_space<vmem>>, vector<1x7440xf32>
    %add3A_239 = arith.addf %get3A_235, %get3A_238 : vector<1x7440xf32>
    %sub3A_240 = vector.broadcast %max3A_153 : f32 to vector<1x7440xf32>
    %sub3A_241 = arith.subf %add3A_239, %sub3A_240 : vector<1x7440xf32>
    %exp3A_242 = math.exp %sub3A_241 : vector<1x7440xf32>
    %reduce_sum3A_243 = vector.shape_cast %exp3A_242 : vector<1x7440xf32> to vector<1x1x7440xf32>
    %reduce_sum3A_244 = arith.constant dense<0.000000e+00> : vector<1xf32>
    %reduce_sum3A_245 = vector.multi_reduction <add>, %reduce_sum3A_243, %reduce_sum3A_244 [1, 2] : vector<1x1x7440xf32> to vector<1xf32>
    %reduce_sum3A_246 = vector.shape_cast %reduce_sum3A_245 : vector<1xf32> to vector<1x1x1xf32>
    %reduce_sum3A_247 = vector.extract %reduce_sum3A_246[0, 0, 0] : f32 from vector<1x1x1xf32>
    %add3A_248 = arith.addf %add3A_230, %reduce_sum3A_247 : f32
    %get3A_249 = arith.constant 5 : index
    %get3A_250 = arith.constant 0 : index
    %get3A_251 = arith.constant 0 : index
    %get3A_252 = vector.load %arg0[%get3A_249, %get3A_250, %get3A_251] : memref<10x1x7440xf32, #tpu.memory_space<vmem>>, vector<1x1x7440xf32>
    %get3A_253 = vector.shape_cast %get3A_252 : vector<1x1x7440xf32> to vector<1x7440xf32>
    %get3A_254 = arith.constant 0 : index
    %get3A_255 = arith.constant 37200 : index
    %get3A_256 = vector.load %arg2[%get3A_254, %get3A_255] : memref<1x100000xf32, #tpu.memory_space<vmem>>, vector<1x7440xf32>
    %add3A_257 = arith.addf %get3A_253, %get3A_256 : vector<1x7440xf32>
    %sub3A_258 = vector.broadcast %max3A_153 : f32 to vector<1x7440xf32>
    %sub3A_259 = arith.subf %add3A_257, %sub3A_258 : vector<1x7440xf32>
    %exp3A_260 = math.exp %sub3A_259 : vector<1x7440xf32>
    %reduce_sum3A_261 = vector.shape_cast %exp3A_260 : vector<1x7440xf32> to vector<1x1x7440xf32>
    %reduce_sum3A_262 = arith.constant dense<0.000000e+00> : vector<1xf32>
    %reduce_sum3A_263 = vector.multi_reduction <add>, %reduce_sum3A_261, %reduce_sum3A_262 [1, 2] : vector<1x1x7440xf32> to vector<1xf32>
    %reduce_sum3A_264 = vector.shape_cast %reduce_sum3A_263 : vector<1xf32> to vector<1x1x1xf32>
    %reduce_sum3A_265 = vector.extract %reduce_sum3A_264[0, 0, 0] : f32 from vector<1x1x1xf32>
    %add3A_266 = arith.addf %add3A_248, %reduce_sum3A_265 : f32
    %get3A_267 = arith.constant 6 : index
    %get3A_268 = arith.constant 0 : index
    %get3A_269 = arith.constant 0 : index
    %get3A_270 = vector.load %arg0[%get3A_267, %get3A_268, %get3A_269] : memref<10x1x7440xf32, #tpu.memory_space<vmem>>, vector<1x1x7440xf32>
    %get3A_271 = vector.shape_cast %get3A_270 : vector<1x1x7440xf32> to vector<1x7440xf32>
    %get3A_272 = arith.constant 0 : index
    %get3A_273 = arith.constant 44640 : index
    %get3A_274 = vector.load %arg2[%get3A_272, %get3A_273] : memref<1x100000xf32, #tpu.memory_space<vmem>>, vector<1x7440xf32>
    %add3A_275 = arith.addf %get3A_271, %get3A_274 : vector<1x7440xf32>
    %sub3A_276 = vector.broadcast %max3A_153 : f32 to vector<1x7440xf32>
    %sub3A_277 = arith.subf %add3A_275, %sub3A_276 : vector<1x7440xf32>
    %exp3A_278 = math.exp %sub3A_277 : vector<1x7440xf32>
    %reduce_sum3A_279 = vector.shape_cast %exp3A_278 : vector<1x7440xf32> to vector<1x1x7440xf32>
    %reduce_sum3A_280 = arith.constant dense<0.000000e+00> : vector<1xf32>
    %reduce_sum3A_281 = vector.multi_reduction <add>, %reduce_sum3A_279, %reduce_sum3A_280 [1, 2] : vector<1x1x7440xf32> to vector<1xf32>
    %reduce_sum3A_282 = vector.shape_cast %reduce_sum3A_281 : vector<1xf32> to vector<1x1x1xf32>
    %reduce_sum3A_283 = vector.extract %reduce_sum3A_282[0, 0, 0] : f32 from vector<1x1x1xf32>
    %add3A_284 = arith.addf %add3A_266, %reduce_sum3A_283 : f32
    %get3A_285 = arith.constant 7 : index
    %get3A_286 = arith.constant 0 : index
    %get3A_287 = arith.constant 0 : index
    %get3A_288 = vector.load %arg0[%get3A_285, %get3A_286, %get3A_287] : memref<10x1x7440xf32, #tpu.memory_space<vmem>>, vector<1x1x7440xf32>
    %get3A_289 = vector.shape_cast %get3A_288 : vector<1x1x7440xf32> to vector<1x7440xf32>
    %get3A_290 = arith.constant 0 : index
    %get3A_291 = arith.constant 52080 : index
    %get3A_292 = vector.load %arg2[%get3A_290, %get3A_291] : memref<1x100000xf32, #tpu.memory_space<vmem>>, vector<1x7440xf32>
    %add3A_293 = arith.addf %get3A_289, %get3A_292 : vector<1x7440xf32>
    %sub3A_294 = vector.broadcast %max3A_153 : f32 to vector<1x7440xf32>
    %sub3A_295 = arith.subf %add3A_293, %sub3A_294 : vector<1x7440xf32>
    %exp3A_296 = math.exp %sub3A_295 : vector<1x7440xf32>
    %reduce_sum3A_297 = vector.shape_cast %exp3A_296 : vector<1x7440xf32> to vector<1x1x7440xf32>
    %reduce_sum3A_298 = arith.constant dense<0.000000e+00> : vector<1xf32>
    %reduce_sum3A_299 = vector.multi_reduction <add>, %reduce_sum3A_297, %reduce_sum3A_298 [1, 2] : vector<1x1x7440xf32> to vector<1xf32>
    %reduce_sum3A_300 = vector.shape_cast %reduce_sum3A_299 : vector<1xf32> to vector<1x1x1xf32>
    %reduce_sum3A_301 = vector.extract %reduce_sum3A_300[0, 0, 0] : f32 from vector<1x1x1xf32>
    %add3A_302 = arith.addf %add3A_284, %reduce_sum3A_301 : f32
    %get3A_303 = arith.constant 8 : index
    %get3A_304 = arith.constant 0 : index
    %get3A_305 = arith.constant 0 : index
    %get3A_306 = vector.load %arg0[%get3A_303, %get3A_304, %get3A_305] : memref<10x1x7440xf32, #tpu.memory_space<vmem>>, vector<1x1x7440xf32>
    %get3A_307 = vector.shape_cast %get3A_306 : vector<1x1x7440xf32> to vector<1x7440xf32>
    %get3A_308 = arith.constant 0 : index
    %get3A_309 = arith.constant 59520 : index
    %get3A_310 = vector.load %arg2[%get3A_308, %get3A_309] : memref<1x100000xf32, #tpu.memory_space<vmem>>, vector<1x7440xf32>
    %add3A_311 = arith.addf %get3A_307, %get3A_310 : vector<1x7440xf32>
    %sub3A_312 = vector.broadcast %max3A_153 : f32 to vector<1x7440xf32>
    %sub3A_313 = arith.subf %add3A_311, %sub3A_312 : vector<1x7440xf32>
    %exp3A_314 = math.exp %sub3A_313 : vector<1x7440xf32>
    %reduce_sum3A_315 = vector.shape_cast %exp3A_314 : vector<1x7440xf32> to vector<1x1x7440xf32>
    %reduce_sum3A_316 = arith.constant dense<0.000000e+00> : vector<1xf32>
    %reduce_sum3A_317 = vector.multi_reduction <add>, %reduce_sum3A_315, %reduce_sum3A_316 [1, 2] : vector<1x1x7440xf32> to vector<1xf32>
    %reduce_sum3A_318 = vector.shape_cast %reduce_sum3A_317 : vector<1xf32> to vector<1x1x1xf32>
    %reduce_sum3A_319 = vector.extract %reduce_sum3A_318[0, 0, 0] : f32 from vector<1x1x1xf32>
    %add3A_320 = arith.addf %add3A_302, %reduce_sum3A_319 : f32
    %get3A_321 = arith.constant 9 : index
    %get3A_322 = arith.constant 0 : index
    %get3A_323 = arith.constant 0 : index
    %get3A_324 = vector.load %arg0[%get3A_321, %get3A_322, %get3A_323] : memref<10x1x7440xf32, #tpu.memory_space<vmem>>, vector<1x1x7440xf32>
    %get3A_325 = vector.shape_cast %get3A_324 : vector<1x1x7440xf32> to vector<1x7440xf32>
    %get3A_326 = arith.constant 0 : index
    %get3A_327 = arith.constant 66960 : index
    %get3A_328 = vector.load %arg2[%get3A_326, %get3A_327] : memref<1x100000xf32, #tpu.memory_space<vmem>>, vector<1x7440xf32>
    %add3A_329 = arith.addf %get3A_325, %get3A_328 : vector<1x7440xf32>
    %sub3A_330 = vector.broadcast %max3A_153 : f32 to vector<1x7440xf32>
    %sub3A_331 = arith.subf %add3A_329, %sub3A_330 : vector<1x7440xf32>
    %exp3A_332 = math.exp %sub3A_331 : vector<1x7440xf32>
    %reduce_sum3A_333 = vector.shape_cast %exp3A_332 : vector<1x7440xf32> to vector<1x1x7440xf32>
    %reduce_sum3A_334 = arith.constant dense<0.000000e+00> : vector<1xf32>
    %reduce_sum3A_335 = vector.multi_reduction <add>, %reduce_sum3A_333, %reduce_sum3A_334 [1, 2] : vector<1x1x7440xf32> to vector<1xf32>
    %reduce_sum3A_336 = vector.shape_cast %reduce_sum3A_335 : vector<1xf32> to vector<1x1x1xf32>
    %reduce_sum3A_337 = vector.extract %reduce_sum3A_336[0, 0, 0] : f32 from vector<1x1x1xf32>
    %add3A_338 = arith.addf %add3A_320, %reduce_sum3A_337 : f32
    %log3A = math.log %add3A_338 : f32
    %add3A_339 = arith.addf %max3A_153, %log3A : f32
    %get3A_340 = arith.constant 0 : index
    %get3A_341 = arith.constant 0 : index
    %get3A_342 = arith.constant 0 : index
    %get3A_343 = vector.load %arg0[%get3A_340, %get3A_341, %get3A_342] : memref<10x1x7440xf32, #tpu.memory_space<vmem>>, vector<1x1x7440xf32>
    %get3A_344 = vector.shape_cast %get3A_343 : vector<1x1x7440xf32> to vector<1x7440xf32>
    %get3A_345 = arith.constant 0 : index
    %get3A_346 = arith.constant 0 : index
    %get3A_347 = vector.load %arg2[%get3A_345, %get3A_346] : memref<1x100000xf32, #tpu.memory_space<vmem>>, vector<1x7440xf32>
    %add3A_348 = arith.addf %get3A_344, %get3A_347 : vector<1x7440xf32>
    %sub3A_349 = vector.broadcast %add3A_339 : f32 to vector<1x7440xf32>
    %sub3A_350 = arith.subf %add3A_348, %sub3A_349 : vector<1x7440xf32>
    %swap3A = arith.constant 0 : index
    %swap3A_351 = arith.constant 0 : index
    %swap3A_352 = vector.load %arg3[%swap3A, %swap3A_351] : memref<1x100000xf32, #tpu.memory_space<vmem>>, vector<1x7440xf32>
    tpu.vector_store %arg3[%swap3A, %swap3A_351], %sub3A_350 {strides = array<i32>} : memref<1x100000xf32, #tpu.memory_space<vmem>>, vector<1x7440xf32>,
    %get3A_353 = arith.constant 1 : index
    %get3A_354 = arith.constant 0 : index
    %get3A_355 = arith.constant 0 : index
    %get3A_356 = vector.load %arg0[%get3A_353, %get3A_354, %get3A_355] : memref<10x1x7440xf32, #tpu.memory_space<vmem>>, vector<1x1x7440xf32>
    %get3A_357 = vector.shape_cast %get3A_356 : vector<1x1x7440xf32> to vector<1x7440xf32>
    %get3A_358 = arith.constant 0 : index
    %get3A_359 = arith.constant 7440 : index
    %get3A_360 = vector.load %arg2[%get3A_358, %get3A_359] : memref<1x100000xf32, #tpu.memory_space<vmem>>, vector<1x7440xf32>
    %add3A_361 = arith.addf %get3A_357, %get3A_360 : vector<1x7440xf32>
    %sub3A_362 = vector.broadcast %add3A_339 : f32 to vector<1x7440xf32>
    %sub3A_363 = arith.subf %add3A_361, %sub3A_362 : vector<1x7440xf32>
    %swap3A_364 = arith.constant 0 : index
    %swap3A_365 = arith.constant 7440 : index
    %swap3A_366 = vector.load %arg3[%swap3A_364, %swap3A_365] : memref<1x100000xf32, #tpu.memory_space<vmem>>, vector<1x7440xf32>
    tpu.vector_store %arg3[%swap3A_364, %swap3A_365], %sub3A_363 {strides = array<i32>} : memref<1x100000xf32, #tpu.memory_space<vmem>>, vector<1x7440xf32>,
    %get3A_367 = arith.constant 2 : index
    %get3A_368 = arith.constant 0 : index
    %get3A_369 = arith.constant 0 : index
    %get3A_370 = vector.load %arg0[%get3A_367, %get3A_368, %get3A_369] : memref<10x1x7440xf32, #tpu.memory_space<vmem>>, vector<1x1x7440xf32>
    %get3A_371 = vector.shape_cast %get3A_370 : vector<1x1x7440xf32> to vector<1x7440xf32>
    %get3A_372 = arith.constant 0 : index
    %get3A_373 = arith.constant 14880 : index
    %get3A_374 = vector.load %arg2[%get3A_372, %get3A_373] : memref<1x100000xf32, #tpu.memory_space<vmem>>, vector<1x7440xf32>
    %add3A_375 = arith.addf %get3A_371, %get3A_374 : vector<1x7440xf32>
    %sub3A_376 = vector.broadcast %add3A_339 : f32 to vector<1x7440xf32>
    %sub3A_377 = arith.subf %add3A_375, %sub3A_376 : vector<1x7440xf32>
    %swap3A_378 = arith.constant 0 : index
    %swap3A_379 = arith.constant 14880 : index
    %swap3A_380 = vector.load %arg3[%swap3A_378, %swap3A_379] : memref<1x100000xf32, #tpu.memory_space<vmem>>, vector<1x7440xf32>
    tpu.vector_store %arg3[%swap3A_378, %swap3A_379], %sub3A_377 {strides = array<i32>} : memref<1x100000xf32, #tpu.memory_space<vmem>>, vector<1x7440xf32>,
    %get3A_381 = arith.constant 3 : index
    %get3A_382 = arith.constant 0 : index
    %get3A_383 = arith.constant 0 : index
    %get3A_384 = vector.load %arg0[%get3A_381, %get3A_382, %get3A_383] : memref<10x1x7440xf32, #tpu.memory_space<vmem>>, vector<1x1x7440xf32>
    %get3A_385 = vector.shape_cast %get3A_384 : vector<1x1x7440xf32> to vector<1x7440xf32>
    %get3A_386 = arith.constant 0 : index
    %get3A_387 = arith.constant 22320 : index
    %get3A_388 = vector.load %arg2[%get3A_386, %get3A_387] : memref<1x100000xf32, #tpu.memory_space<vmem>>, vector<1x7440xf32>
    %add3A_389 = arith.addf %get3A_385, %get3A_388 : vector<1x7440xf32>
    %sub3A_390 = vector.broadcast %add3A_339 : f32 to vector<1x7440xf32>
    %sub3A_391 = arith.subf %add3A_389, %sub3A_390 : vector<1x7440xf32>
    %swap3A_392 = arith.constant 0 : index
    %swap3A_393 = arith.constant 22320 : index
    %swap3A_394 = vector.load %arg3[%swap3A_392, %swap3A_393] : memref<1x100000xf32, #tpu.memory_space<vmem>>, vector<1x7440xf32>
    tpu.vector_store %arg3[%swap3A_392, %swap3A_393], %sub3A_391 {strides = array<i32>} : memref<1x100000xf32, #tpu.memory_space<vmem>>, vector<1x7440xf32>,
    %get3A_395 = arith.constant 4 : index
    %get3A_396 = arith.constant 0 : index
    %get3A_397 = arith.constant 0 : index
    %get3A_398 = vector.load %arg0[%get3A_395, %get3A_396, %get3A_397] : memref<10x1x7440xf32, #tpu.memory_space<vmem>>, vector<1x1x7440xf32>
    %get3A_399 = vector.shape_cast %get3A_398 : vector<1x1x7440xf32> to vector<1x7440xf32>
    %get3A_400 = arith.constant 0 : index
    %get3A_401 = arith.constant 29760 : index
    %get3A_402 = vector.load %arg2[%get3A_400, %get3A_401] : memref<1x100000xf32, #tpu.memory_space<vmem>>, vector<1x7440xf32>
    %add3A_403 = arith.addf %get3A_399, %get3A_402 : vector<1x7440xf32>
    %sub3A_404 = vector.broadcast %add3A_339 : f32 to vector<1x7440xf32>
    %sub3A_405 = arith.subf %add3A_403, %sub3A_404 : vector<1x7440xf32>
    %swap3A_406 = arith.constant 0 : index
    %swap3A_407 = arith.constant 29760 : index
    %swap3A_408 = vector.load %arg3[%swap3A_406, %swap3A_407] : memref<1x100000xf32, #tpu.memory_space<vmem>>, vector<1x7440xf32>
    tpu.vector_store %arg3[%swap3A_406, %swap3A_407], %sub3A_405 {strides = array<i32>} : memref<1x100000xf32, #tpu.memory_space<vmem>>, vector<1x7440xf32>,
    %get3A_409 = arith.constant 5 : index
    %get3A_410 = arith.constant 0 : index
    %get3A_411 = arith.constant 0 : index
    %get3A_412 = vector.load %arg0[%get3A_409, %get3A_410, %get3A_411] : memref<10x1x7440xf32, #tpu.memory_space<vmem>>, vector<1x1x7440xf32>
    %get3A_413 = vector.shape_cast %get3A_412 : vector<1x1x7440xf32> to vector<1x7440xf32>
    %get3A_414 = arith.constant 0 : index
    %get3A_415 = arith.constant 37200 : index
    %get3A_416 = vector.load %arg2[%get3A_414, %get3A_415] : memref<1x100000xf32, #tpu.memory_space<vmem>>, vector<1x7440xf32>
    %add3A_417 = arith.addf %get3A_413, %get3A_416 : vector<1x7440xf32>
    %sub3A_418 = vector.broadcast %add3A_339 : f32 to vector<1x7440xf32>
    %sub3A_419 = arith.subf %add3A_417, %sub3A_418 : vector<1x7440xf32>
    %swap3A_420 = arith.constant 0 : index
    %swap3A_421 = arith.constant 37200 : index
    %swap3A_422 = vector.load %arg3[%swap3A_420, %swap3A_421] : memref<1x100000xf32, #tpu.memory_space<vmem>>, vector<1x7440xf32>
    tpu.vector_store %arg3[%swap3A_420, %swap3A_421], %sub3A_419 {strides = array<i32>} : memref<1x100000xf32, #tpu.memory_space<vmem>>, vector<1x7440xf32>,
    %get3A_423 = arith.constant 6 : index
    %get3A_424 = arith.constant 0 : index
    %get3A_425 = arith.constant 0 : index
    %get3A_426 = vector.load %arg0[%get3A_423, %get3A_424, %get3A_425] : memref<10x1x7440xf32, #tpu.memory_space<vmem>>, vector<1x1x7440xf32>
    %get3A_427 = vector.shape_cast %get3A_426 : vector<1x1x7440xf32> to vector<1x7440xf32>
    %get3A_428 = arith.constant 0 : index
    %get3A_429 = arith.constant 44640 : index
    %get3A_430 = vector.load %arg2[%get3A_428, %get3A_429] : memref<1x100000xf32, #tpu.memory_space<vmem>>, vector<1x7440xf32>
    %add3A_431 = arith.addf %get3A_427, %get3A_430 : vector<1x7440xf32>
    %sub3A_432 = vector.broadcast %add3A_339 : f32 to vector<1x7440xf32>
    %sub3A_433 = arith.subf %add3A_431, %sub3A_432 : vector<1x7440xf32>
    %swap3A_434 = arith.constant 0 : index
    %swap3A_435 = arith.constant 44640 : index
    %swap3A_436 = vector.load %arg3[%swap3A_434, %swap3A_435] : memref<1x100000xf32, #tpu.memory_space<vmem>>, vector<1x7440xf32>
    tpu.vector_store %arg3[%swap3A_434, %swap3A_435], %sub3A_433 {strides = array<i32>} : memref<1x100000xf32, #tpu.memory_space<vmem>>, vector<1x7440xf32>,
    %get3A_437 = arith.constant 7 : index
    %get3A_438 = arith.constant 0 : index
    %get3A_439 = arith.constant 0 : index
    %get3A_440 = vector.load %arg0[%get3A_437, %get3A_438, %get3A_439] : memref<10x1x7440xf32, #tpu.memory_space<vmem>>, vector<1x1x7440xf32>
    %get3A_441 = vector.shape_cast %get3A_440 : vector<1x1x7440xf32> to vector<1x7440xf32>
    %get3A_442 = arith.constant 0 : index
    %get3A_443 = arith.constant 52080 : index
    %get3A_444 = vector.load %arg2[%get3A_442, %get3A_443] : memref<1x100000xf32, #tpu.memory_space<vmem>>, vector<1x7440xf32>
    %add3A_445 = arith.addf %get3A_441, %get3A_444 : vector<1x7440xf32>
    %sub3A_446 = vector.broadcast %add3A_339 : f32 to vector<1x7440xf32>
    %sub3A_447 = arith.subf %add3A_445, %sub3A_446 : vector<1x7440xf32>
    %swap3A_448 = arith.constant 0 : index
    %swap3A_449 = arith.constant 52080 : index
    %swap3A_450 = vector.load %arg3[%swap3A_448, %swap3A_449] : memref<1x100000xf32, #tpu.memory_space<vmem>>, vector<1x7440xf32>
    tpu.vector_store %arg3[%swap3A_448, %swap3A_449], %sub3A_447 {strides = array<i32>} : memref<1x100000xf32, #tpu.memory_space<vmem>>, vector<1x7440xf32>,
    %get3A_451 = arith.constant 8 : index
    %get3A_452 = arith.constant 0 : index
    %get3A_453 = arith.constant 0 : index
    %get3A_454 = vector.load %arg0[%get3A_451, %get3A_452, %get3A_453] : memref<10x1x7440xf32, #tpu.memory_space<vmem>>, vector<1x1x7440xf32>
    %get3A_455 = vector.shape_cast %get3A_454 : vector<1x1x7440xf32> to vector<1x7440xf32>
    %get3A_456 = arith.constant 0 : index
    %get3A_457 = arith.constant 59520 : index
    %get3A_458 = vector.load %arg2[%get3A_456, %get3A_457] : memref<1x100000xf32, #tpu.memory_space<vmem>>, vector<1x7440xf32>
    %add3A_459 = arith.addf %get3A_455, %get3A_458 : vector<1x7440xf32>
    %sub3A_460 = vector.broadcast %add3A_339 : f32 to vector<1x7440xf32>
    %sub3A_461 = arith.subf %add3A_459, %sub3A_460 : vector<1x7440xf32>
    %swap3A_462 = arith.constant 0 : index
    %swap3A_463 = arith.constant 59520 : index
    %swap3A_464 = vector.load %arg3[%swap3A_462, %swap3A_463] : memref<1x100000xf32, #tpu.memory_space<vmem>>, vector<1x7440xf32>
    tpu.vector_store %arg3[%swap3A_462, %swap3A_463], %sub3A_461 {strides = array<i32>} : memref<1x100000xf32, #tpu.memory_space<vmem>>, vector<1x7440xf32>,
    %get3A_465 = arith.constant 9 : index
    %get3A_466 = arith.constant 0 : index
    %get3A_467 = arith.constant 0 : index
    %get3A_468 = vector.load %arg0[%get3A_465, %get3A_466, %get3A_467] : memref<10x1x7440xf32, #tpu.memory_space<vmem>>, vector<1x1x7440xf32>
    %get3A_469 = vector.shape_cast %get3A_468 : vector<1x1x7440xf32> to vector<1x7440xf32>
    %get3A_470 = arith.constant 0 : index
    %get3A_471 = arith.constant 66960 : index
    %get3A_472 = vector.load %arg2[%get3A_470, %get3A_471] : memref<1x100000xf32, #tpu.memory_space<vmem>>, vector<1x7440xf32>
    %add3A_473 = arith.addf %get3A_469, %get3A_472 : vector<1x7440xf32>
    %sub3A_474 = vector.broadcast %add3A_339 : f32 to vector<1x7440xf32>
    %sub3A_475 = arith.subf %add3A_473, %sub3A_474 : vector<1x7440xf32>
    %swap3A_476 = arith.constant 0 : index
    %swap3A_477 = arith.constant 66960 : index
    %swap3A_478 = vector.load %arg3[%swap3A_476, %swap3A_477] : memref<1x100000xf32, #tpu.memory_space<vmem>>, vector<1x7440xf32>
    tpu.vector_store %arg3[%swap3A_476, %swap3A_477], %sub3A_475 {strides = array<i32>} : memref<1x100000xf32, #tpu.memory_space<vmem>>, vector<1x7440xf32>,
    %get3A_479 = arith.constant 0 : index
    %get3A_480 = arith.constant 0 : index
    %get3A_481 = vector.load %arg1[%get3A_479, %get3A_480] : memref<32x800xf32, #tpu.memory_space<vmem>>, vector<1x800xf32>
    %get3A_482 = vector.shape_cast %get3A_481 : vector<1x800xf32> to vector<800xf32>
    %sub3A_483 = vector.broadcast %add3A_339 : f32 to vector<800xf32>
    %sub3A_484 = arith.subf %get3A_482, %sub3A_483 : vector<800xf32>
    %reshape3A = vector.shape_cast %sub3A_484 : vector<800xf32> to vector<1x800xf32>
    %swap3A_485 = arith.constant 0 : index
    %swap3A_486 = arith.constant 74400 : index
    %swap3A_487 = vector.load %arg3[%swap3A_485, %swap3A_486] : memref<1x100000xf32, #tpu.memory_space<vmem>>, vector<1x800xf32>
    tpu.vector_store %arg3[%swap3A_485, %swap3A_486], %reshape3A {strides = array<i32>} : memref<1x100000xf32, #tpu.memory_space<vmem>>, vector<1x800xf32>,
    %get3A_488 = arith.constant 1 : index
    %get3A_489 = arith.constant 0 : index
    %get3A_490 = vector.load %arg1[%get3A_488, %get3A_489] : memref<32x800xf32, #tpu.memory_space<vmem>>, vector<1x800xf32>
    %get3A_491 = vector.shape_cast %get3A_490 : vector<1x800xf32> to vector<800xf32>
    %sub3A_492 = vector.broadcast %add3A_339 : f32 to vector<800xf32>
    %sub3A_493 = arith.subf %get3A_491, %sub3A_492 : vector<800xf32>
    %reshape3A_494 = vector.shape_cast %sub3A_493 : vector<800xf32> to vector<1x800xf32>
    %swap3A_495 = arith.constant 0 : index
    %swap3A_496 = arith.constant 75200 : index
    %swap3A_497 = vector.load %arg3[%swap3A_495, %swap3A_496] : memref<1x100000xf32, #tpu.memory_space<vmem>>, vector<1x800xf32>
    tpu.vector_store %arg3[%swap3A_495, %swap3A_496], %reshape3A_494 {strides = array<i32>} : memref<1x100000xf32, #tpu.memory_space<vmem>>, vector<1x800xf32>,
    %get3A_498 = arith.constant 2 : index
    %get3A_499 = arith.constant 0 : index
    %get3A_500 = vector.load %arg1[%get3A_498, %get3A_499] : memref<32x800xf32, #tpu.memory_space<vmem>>, vector<1x800xf32>
    %get3A_501 = vector.shape_cast %get3A_500 : vector<1x800xf32> to vector<800xf32>
    %sub3A_502 = vector.broadcast %add3A_339 : f32 to vector<800xf32>
    %sub3A_503 = arith.subf %get3A_501, %sub3A_502 : vector<800xf32>
    %reshape3A_504 = vector.shape_cast %sub3A_503 : vector<800xf32> to vector<1x800xf32>
    %swap3A_505 = arith.constant 0 : index
    %swap3A_506 = arith.constant 76000 : index
    %swap3A_507 = vector.load %arg3[%swap3A_505, %swap3A_506] : memref<1x100000xf32, #tpu.memory_space<vmem>>, vector<1x800xf32>
    tpu.vector_store %arg3[%swap3A_505, %swap3A_506], %reshape3A_504 {strides = array<i32>} : memref<1x100000xf32, #tpu.memory_space<vmem>>, vector<1x800xf32>,
    %get3A_508 = arith.constant 3 : index
    %get3A_509 = arith.constant 0 : index
    %get3A_510 = vector.load %arg1[%get3A_508, %get3A_509] : memref<32x800xf32, #tpu.memory_space<vmem>>, vector<1x800xf32>
    %get3A_511 = vector.shape_cast %get3A_510 : vector<1x800xf32> to vector<800xf32>
    %sub3A_512 = vector.broadcast %add3A_339 : f32 to vector<800xf32>
    %sub3A_513 = arith.subf %get3A_511, %sub3A_512 : vector<800xf32>
    %reshape3A_514 = vector.shape_cast %sub3A_513 : vector<800xf32> to vector<1x800xf32>
    %swap3A_515 = arith.constant 0 : index
    %swap3A_516 = arith.constant 76800 : index
    %swap3A_517 = vector.load %arg3[%swap3A_515, %swap3A_516] : memref<1x100000xf32, #tpu.memory_space<vmem>>, vector<1x800xf32>
    tpu.vector_store %arg3[%swap3A_515, %swap3A_516], %reshape3A_514 {strides = array<i32>} : memref<1x100000xf32, #tpu.memory_space<vmem>>, vector<1x800xf32>,
    %get3A_518 = arith.constant 4 : index
    %get3A_519 = arith.constant 0 : index
    %get3A_520 = vector.load %arg1[%get3A_518, %get3A_519] : memref<32x800xf32, #tpu.memory_space<vmem>>, vector<1x800xf32>
    %get3A_521 = vector.shape_cast %get3A_520 : vector<1x800xf32> to vector<800xf32>
    %sub3A_522 = vector.broadcast %add3A_339 : f32 to vector<800xf32>
    %sub3A_523 = arith.subf %get3A_521, %sub3A_522 : vector<800xf32>
    %reshape3A_524 = vector.shape_cast %sub3A_523 : vector<800xf32> to vector<1x800xf32>
    %swap3A_525 = arith.constant 0 : index
    %swap3A_526 = arith.constant 77600 : index
    %swap3A_527 = vector.load %arg3[%swap3A_525, %swap3A_526] : memref<1x100000xf32, #tpu.memory_space<vmem>>, vector<1x800xf32>
    tpu.vector_store %arg3[%swap3A_525, %swap3A_526], %reshape3A_524 {strides = array<i32>} : memref<1x100000xf32, #tpu.memory_space<vmem>>, vector<1x800xf32>,
    %get3A_528 = arith.constant 5 : index
    %get3A_529 = arith.constant 0 : index
    %get3A_530 = vector.load %arg1[%get3A_528, %get3A_529] : memref<32x800xf32, #tpu.memory_space<vmem>>, vector<1x800xf32>
    %get3A_531 = vector.shape_cast %get3A_530 : vector<1x800xf32> to vector<800xf32>
    %sub3A_532 = vector.broadcast %add3A_339 : f32 to vector<800xf32>
    %sub3A_533 = arith.subf %get3A_531, %sub3A_532 : vector<800xf32>
    %reshape3A_534 = vector.shape_cast %sub3A_533 : vector<800xf32> to vector<1x800xf32>
    %swap3A_535 = arith.constant 0 : index
    %swap3A_536 = arith.constant 78400 : index
    %swap3A_537 = vector.load %arg3[%swap3A_535, %swap3A_536] : memref<1x100000xf32, #tpu.memory_space<vmem>>, vector<1x800xf32>
    tpu.vector_store %arg3[%swap3A_535, %swap3A_536], %reshape3A_534 {strides = array<i32>} : memref<1x100000xf32, #tpu.memory_space<vmem>>, vector<1x800xf32>,
    %get3A_538 = arith.constant 6 : index
    %get3A_539 = arith.constant 0 : index
    %get3A_540 = vector.load %arg1[%get3A_538, %get3A_539] : memref<32x800xf32, #tpu.memory_space<vmem>>, vector<1x800xf32>
    %get3A_541 = vector.shape_cast %get3A_540 : vector<1x800xf32> to vector<800xf32>
    %sub3A_542 = vector.broadcast %add3A_339 : f32 to vector<800xf32>
    %sub3A_543 = arith.subf %get3A_541, %sub3A_542 : vector<800xf32>
    %reshape3A_544 = vector.shape_cast %sub3A_543 : vector<800xf32> to vector<1x800xf32>
    %swap3A_545 = arith.constant 0 : index
    %swap3A_546 = arith.constant 79200 : index
    %swap3A_547 = vector.load %arg3[%swap3A_545, %swap3A_546] : memref<1x100000xf32, #tpu.memory_space<vmem>>, vector<1x800xf32>
    tpu.vector_store %arg3[%swap3A_545, %swap3A_546], %reshape3A_544 {strides = array<i32>} : memref<1x100000xf32, #tpu.memory_space<vmem>>, vector<1x800xf32>,
    %get3A_548 = arith.constant 7 : index
    %get3A_549 = arith.constant 0 : index
    %get3A_550 = vector.load %arg1[%get3A_548, %get3A_549] : memref<32x800xf32, #tpu.memory_space<vmem>>, vector<1x800xf32>
    %get3A_551 = vector.shape_cast %get3A_550 : vector<1x800xf32> to vector<800xf32>
    %sub3A_552 = vector.broadcast %add3A_339 : f32 to vector<800xf32>
    %sub3A_553 = arith.subf %get3A_551, %sub3A_552 : vector<800xf32>
    %reshape3A_554 = vector.shape_cast %sub3A_553 : vector<800xf32> to vector<1x800xf32>
    %swap3A_555 = arith.constant 0 : index
    %swap3A_556 = arith.constant 80000 : index
    %swap3A_557 = vector.load %arg3[%swap3A_555, %swap3A_556] : memref<1x100000xf32, #tpu.memory_space<vmem>>, vector<1x800xf32>
    tpu.vector_store %arg3[%swap3A_555, %swap3A_556], %reshape3A_554 {strides = array<i32>} : memref<1x100000xf32, #tpu.memory_space<vmem>>, vector<1x800xf32>,
    %get3A_558 = arith.constant 8 : index
    %get3A_559 = arith.constant 0 : index
    %get3A_560 = vector.load %arg1[%get3A_558, %get3A_559] : memref<32x800xf32, #tpu.memory_space<vmem>>, vector<1x800xf32>
    %get3A_561 = vector.shape_cast %get3A_560 : vector<1x800xf32> to vector<800xf32>
    %sub3A_562 = vector.broadcast %add3A_339 : f32 to vector<800xf32>
    %sub3A_563 = arith.subf %get3A_561, %sub3A_562 : vector<800xf32>
    %reshape3A_564 = vector.shape_cast %sub3A_563 : vector<800xf32> to vector<1x800xf32>
    %swap3A_565 = arith.constant 0 : index
    %swap3A_566 = arith.constant 80800 : index
    %swap3A_567 = vector.load %arg3[%swap3A_565, %swap3A_566] : memref<1x100000xf32, #tpu.memory_space<vmem>>, vector<1x800xf32>
    tpu.vector_store %arg3[%swap3A_565, %swap3A_566], %reshape3A_564 {strides = array<i32>} : memref<1x100000xf32, #tpu.memory_space<vmem>>, vector<1x800xf32>,
    %get3A_568 = arith.constant 9 : index
    %get3A_569 = arith.constant 0 : index
    %get3A_570 = vector.load %arg1[%get3A_568, %get3A_569] : memref<32x800xf32, #tpu.memory_space<vmem>>, vector<1x800xf32>
    %get3A_571 = vector.shape_cast %get3A_570 : vector<1x800xf32> to vector<800xf32>
    %sub3A_572 = vector.broadcast %add3A_339 : f32 to vector<800xf32>
    %sub3A_573 = arith.subf %get3A_571, %sub3A_572 : vector<800xf32>
    %reshape3A_574 = vector.shape_cast %sub3A_573 : vector<800xf32> to vector<1x800xf32>
    %swap3A_575 = arith.constant 0 : index
    %swap3A_576 = arith.constant 81600 : index
    %swap3A_577 = vector.load %arg3[%swap3A_575, %swap3A_576] : memref<1x100000xf32, #tpu.memory_space<vmem>>, vector<1x800xf32>
    tpu.vector_store %arg3[%swap3A_575, %swap3A_576], %reshape3A_574 {strides = array<i32>} : memref<1x100000xf32, #tpu.memory_space<vmem>>, vector<1x800xf32>,
    %get3A_578 = arith.constant 10 : index
    %get3A_579 = arith.constant 0 : index
    %get3A_580 = vector.load %arg1[%get3A_578, %get3A_579] : memref<32x800xf32, #tpu.memory_space<vmem>>, vector<1x800xf32>
    %get3A_581 = vector.shape_cast %get3A_580 : vector<1x800xf32> to vector<800xf32>
    %sub3A_582 = vector.broadcast %add3A_339 : f32 to vector<800xf32>
    %sub3A_583 = arith.subf %get3A_581, %sub3A_582 : vector<800xf32>
    %reshape3A_584 = vector.shape_cast %sub3A_583 : vector<800xf32> to vector<1x800xf32>
    %swap3A_585 = arith.constant 0 : index
    %swap3A_586 = arith.constant 82400 : index
    %swap3A_587 = vector.load %arg3[%swap3A_585, %swap3A_586] : memref<1x100000xf32, #tpu.memory_space<vmem>>, vector<1x800xf32>
    tpu.vector_store %arg3[%swap3A_585, %swap3A_586], %reshape3A_584 {strides = array<i32>} : memref<1x100000xf32, #tpu.memory_space<vmem>>, vector<1x800xf32>,
    %get3A_588 = arith.constant 11 : index
    %get3A_589 = arith.constant 0 : index
    %get3A_590 = vector.load %arg1[%get3A_588, %get3A_589] : memref<32x800xf32, #tpu.memory_space<vmem>>, vector<1x800xf32>
    %get3A_591 = vector.shape_cast %get3A_590 : vector<1x800xf32> to vector<800xf32>
    %sub3A_592 = vector.broadcast %add3A_339 : f32 to vector<800xf32>
    %sub3A_593 = arith.subf %get3A_591, %sub3A_592 : vector<800xf32>
    %reshape3A_594 = vector.shape_cast %sub3A_593 : vector<800xf32> to vector<1x800xf32>
    %swap3A_595 = arith.constant 0 : index
    %swap3A_596 = arith.constant 83200 : index
    %swap3A_597 = vector.load %arg3[%swap3A_595, %swap3A_596] : memref<1x100000xf32, #tpu.memory_space<vmem>>, vector<1x800xf32>
    tpu.vector_store %arg3[%swap3A_595, %swap3A_596], %reshape3A_594 {strides = array<i32>} : memref<1x100000xf32, #tpu.memory_space<vmem>>, vector<1x800xf32>,
    %get3A_598 = arith.constant 12 : index
    %get3A_599 = arith.constant 0 : index
    %get3A_600 = vector.load %arg1[%get3A_598, %get3A_599] : memref<32x800xf32, #tpu.memory_space<vmem>>, vector<1x800xf32>
    %get3A_601 = vector.shape_cast %get3A_600 : vector<1x800xf32> to vector<800xf32>
    %sub3A_602 = vector.broadcast %add3A_339 : f32 to vector<800xf32>
    %sub3A_603 = arith.subf %get3A_601, %sub3A_602 : vector<800xf32>
    %reshape3A_604 = vector.shape_cast %sub3A_603 : vector<800xf32> to vector<1x800xf32>
    %swap3A_605 = arith.constant 0 : index
    %swap3A_606 = arith.constant 84000 : index
    %swap3A_607 = vector.load %arg3[%swap3A_605, %swap3A_606] : memref<1x100000xf32, #tpu.memory_space<vmem>>, vector<1x800xf32>
    tpu.vector_store %arg3[%swap3A_605, %swap3A_606], %reshape3A_604 {strides = array<i32>} : memref<1x100000xf32, #tpu.memory_space<vmem>>, vector<1x800xf32>,
    %get3A_608 = arith.constant 13 : index
    %get3A_609 = arith.constant 0 : index
    %get3A_610 = vector.load %arg1[%get3A_608, %get3A_609] : memref<32x800xf32, #tpu.memory_space<vmem>>, vector<1x800xf32>
    %get3A_611 = vector.shape_cast %get3A_610 : vector<1x800xf32> to vector<800xf32>
    %sub3A_612 = vector.broadcast %add3A_339 : f32 to vector<800xf32>
    %sub3A_613 = arith.subf %get3A_611, %sub3A_612 : vector<800xf32>
    %reshape3A_614 = vector.shape_cast %sub3A_613 : vector<800xf32> to vector<1x800xf32>
    %swap3A_615 = arith.constant 0 : index
    %swap3A_616 = arith.constant 84800 : index
    %swap3A_617 = vector.load %arg3[%swap3A_615, %swap3A_616] : memref<1x100000xf32, #tpu.memory_space<vmem>>, vector<1x800xf32>
    tpu.vector_store %arg3[%swap3A_615, %swap3A_616], %reshape3A_614 {strides = array<i32>} : memref<1x100000xf32, #tpu.memory_space<vmem>>, vector<1x800xf32>,
    %get3A_618 = arith.constant 14 : index
    %get3A_619 = arith.constant 0 : index
    %get3A_620 = vector.load %arg1[%get3A_618, %get3A_619] : memref<32x800xf32, #tpu.memory_space<vmem>>, vector<1x800xf32>
    %get3A_621 = vector.shape_cast %get3A_620 : vector<1x800xf32> to vector<800xf32>
    %sub3A_622 = vector.broadcast %add3A_339 : f32 to vector<800xf32>
    %sub3A_623 = arith.subf %get3A_621, %sub3A_622 : vector<800xf32>
    %reshape3A_624 = vector.shape_cast %sub3A_623 : vector<800xf32> to vector<1x800xf32>
    %swap3A_625 = arith.constant 0 : index
    %swap3A_626 = arith.constant 85600 : index
    %swap3A_627 = vector.load %arg3[%swap3A_625, %swap3A_626] : memref<1x100000xf32, #tpu.memory_space<vmem>>, vector<1x800xf32>
    tpu.vector_store %arg3[%swap3A_625, %swap3A_626], %reshape3A_624 {strides = array<i32>} : memref<1x100000xf32, #tpu.memory_space<vmem>>, vector<1x800xf32>,
    %get3A_628 = arith.constant 15 : index
    %get3A_629 = arith.constant 0 : index
    %get3A_630 = vector.load %arg1[%get3A_628, %get3A_629] : memref<32x800xf32, #tpu.memory_space<vmem>>, vector<1x800xf32>
    %get3A_631 = vector.shape_cast %get3A_630 : vector<1x800xf32> to vector<800xf32>
    %sub3A_632 = vector.broadcast %add3A_339 : f32 to vector<800xf32>
    %sub3A_633 = arith.subf %get3A_631, %sub3A_632 : vector<800xf32>
    %reshape3A_634 = vector.shape_cast %sub3A_633 : vector<800xf32> to vector<1x800xf32>
    %swap3A_635 = arith.constant 0 : index
    %swap3A_636 = arith.constant 86400 : index
    %swap3A_637 = vector.load %arg3[%swap3A_635, %swap3A_636] : memref<1x100000xf32, #tpu.memory_space<vmem>>, vector<1x800xf32>
    tpu.vector_store %arg3[%swap3A_635, %swap3A_636], %reshape3A_634 {strides = array<i32>} : memref<1x100000xf32, #tpu.memory_space<vmem>>, vector<1x800xf32>,
    %get3A_638 = arith.constant 16 : index
    %get3A_639 = arith.constant 0 : index
    %get3A_640 = vector.load %arg1[%get3A_638, %get3A_639] : memref<32x800xf32, #tpu.memory_space<vmem>>, vector<1x800xf32>
    %get3A_641 = vector.shape_cast %get3A_640 : vector<1x800xf32> to vector<800xf32>
    %sub3A_642 = vector.broadcast %add3A_339 : f32 to vector<800xf32>
    %sub3A_643 = arith.subf %get3A_641, %sub3A_642 : vector<800xf32>
    %reshape3A_644 = vector.shape_cast %sub3A_643 : vector<800xf32> to vector<1x800xf32>
    %swap3A_645 = arith.constant 0 : index
    %swap3A_646 = arith.constant 87200 : index
    %swap3A_647 = vector.load %arg3[%swap3A_645, %swap3A_646] : memref<1x100000xf32, #tpu.memory_space<vmem>>, vector<1x800xf32>
    tpu.vector_store %arg3[%swap3A_645, %swap3A_646], %reshape3A_644 {strides = array<i32>} : memref<1x100000xf32, #tpu.memory_space<vmem>>, vector<1x800xf32>,
    %get3A_648 = arith.constant 17 : index
    %get3A_649 = arith.constant 0 : index
    %get3A_650 = vector.load %arg1[%get3A_648, %get3A_649] : memref<32x800xf32, #tpu.memory_space<vmem>>, vector<1x800xf32>
    %get3A_651 = vector.shape_cast %get3A_650 : vector<1x800xf32> to vector<800xf32>
    %sub3A_652 = vector.broadcast %add3A_339 : f32 to vector<800xf32>
    %sub3A_653 = arith.subf %get3A_651, %sub3A_652 : vector<800xf32>
    %reshape3A_654 = vector.shape_cast %sub3A_653 : vector<800xf32> to vector<1x800xf32>
    %swap3A_655 = arith.constant 0 : index
    %swap3A_656 = arith.constant 88000 : index
    %swap3A_657 = vector.load %arg3[%swap3A_655, %swap3A_656] : memref<1x100000xf32, #tpu.memory_space<vmem>>, vector<1x800xf32>
    tpu.vector_store %arg3[%swap3A_655, %swap3A_656], %reshape3A_654 {strides = array<i32>} : memref<1x100000xf32, #tpu.memory_space<vmem>>, vector<1x800xf32>,
    %get3A_658 = arith.constant 18 : index
    %get3A_659 = arith.constant 0 : index
    %get3A_660 = vector.load %arg1[%get3A_658, %get3A_659] : memref<32x800xf32, #tpu.memory_space<vmem>>, vector<1x800xf32>
    %get3A_661 = vector.shape_cast %get3A_660 : vector<1x800xf32> to vector<800xf32>
    %sub3A_662 = vector.broadcast %add3A_339 : f32 to vector<800xf32>
    %sub3A_663 = arith.subf %get3A_661, %sub3A_662 : vector<800xf32>
    %reshape3A_664 = vector.shape_cast %sub3A_663 : vector<800xf32> to vector<1x800xf32>
    %swap3A_665 = arith.constant 0 : index
    %swap3A_666 = arith.constant 88800 : index
    %swap3A_667 = vector.load %arg3[%swap3A_665, %swap3A_666] : memref<1x100000xf32, #tpu.memory_space<vmem>>, vector<1x800xf32>
    tpu.vector_store %arg3[%swap3A_665, %swap3A_666], %reshape3A_664 {strides = array<i32>} : memref<1x100000xf32, #tpu.memory_space<vmem>>, vector<1x800xf32>,
    %get3A_668 = arith.constant 19 : index
    %get3A_669 = arith.constant 0 : index
    %get3A_670 = vector.load %arg1[%get3A_668, %get3A_669] : memref<32x800xf32, #tpu.memory_space<vmem>>, vector<1x800xf32>
    %get3A_671 = vector.shape_cast %get3A_670 : vector<1x800xf32> to vector<800xf32>
    %sub3A_672 = vector.broadcast %add3A_339 : f32 to vector<800xf32>
    %sub3A_673 = arith.subf %get3A_671, %sub3A_672 : vector<800xf32>
    %reshape3A_674 = vector.shape_cast %sub3A_673 : vector<800xf32> to vector<1x800xf32>
    %swap3A_675 = arith.constant 0 : index
    %swap3A_676 = arith.constant 89600 : index
    %swap3A_677 = vector.load %arg3[%swap3A_675, %swap3A_676] : memref<1x100000xf32, #tpu.memory_space<vmem>>, vector<1x800xf32>
    tpu.vector_store %arg3[%swap3A_675, %swap3A_676], %reshape3A_674 {strides = array<i32>} : memref<1x100000xf32, #tpu.memory_space<vmem>>, vector<1x800xf32>,
    %get3A_678 = arith.constant 20 : index
    %get3A_679 = arith.constant 0 : index
    %get3A_680 = vector.load %arg1[%get3A_678, %get3A_679] : memref<32x800xf32, #tpu.memory_space<vmem>>, vector<1x800xf32>
    %get3A_681 = vector.shape_cast %get3A_680 : vector<1x800xf32> to vector<800xf32>
    %sub3A_682 = vector.broadcast %add3A_339 : f32 to vector<800xf32>
    %sub3A_683 = arith.subf %get3A_681, %sub3A_682 : vector<800xf32>
    %reshape3A_684 = vector.shape_cast %sub3A_683 : vector<800xf32> to vector<1x800xf32>
    %swap3A_685 = arith.constant 0 : index
    %swap3A_686 = arith.constant 90400 : index
    %swap3A_687 = vector.load %arg3[%swap3A_685, %swap3A_686] : memref<1x100000xf32, #tpu.memory_space<vmem>>, vector<1x800xf32>
    tpu.vector_store %arg3[%swap3A_685, %swap3A_686], %reshape3A_684 {strides = array<i32>} : memref<1x100000xf32, #tpu.memory_space<vmem>>, vector<1x800xf32>,
    %get3A_688 = arith.constant 21 : index
    %get3A_689 = arith.constant 0 : index
    %get3A_690 = vector.load %arg1[%get3A_688, %get3A_689] : memref<32x800xf32, #tpu.memory_space<vmem>>, vector<1x800xf32>
    %get3A_691 = vector.shape_cast %get3A_690 : vector<1x800xf32> to vector<800xf32>
    %sub3A_692 = vector.broadcast %add3A_339 : f32 to vector<800xf32>
    %sub3A_693 = arith.subf %get3A_691, %sub3A_692 : vector<800xf32>
    %reshape3A_694 = vector.shape_cast %sub3A_693 : vector<800xf32> to vector<1x800xf32>
    %swap3A_695 = arith.constant 0 : index
    %swap3A_696 = arith.constant 91200 : index
    %swap3A_697 = vector.load %arg3[%swap3A_695, %swap3A_696] : memref<1x100000xf32, #tpu.memory_space<vmem>>, vector<1x800xf32>
    tpu.vector_store %arg3[%swap3A_695, %swap3A_696], %reshape3A_694 {strides = array<i32>} : memref<1x100000xf32, #tpu.memory_space<vmem>>, vector<1x800xf32>,
    %get3A_698 = arith.constant 22 : index
    %get3A_699 = arith.constant 0 : index
    %get3A_700 = vector.load %arg1[%get3A_698, %get3A_699] : memref<32x800xf32, #tpu.memory_space<vmem>>, vector<1x800xf32>
    %get3A_701 = vector.shape_cast %get3A_700 : vector<1x800xf32> to vector<800xf32>
    %sub3A_702 = vector.broadcast %add3A_339 : f32 to vector<800xf32>
    %sub3A_703 = arith.subf %get3A_701, %sub3A_702 : vector<800xf32>
    %reshape3A_704 = vector.shape_cast %sub3A_703 : vector<800xf32> to vector<1x800xf32>
    %swap3A_705 = arith.constant 0 : index
    %swap3A_706 = arith.constant 92000 : index
    %swap3A_707 = vector.load %arg3[%swap3A_705, %swap3A_706] : memref<1x100000xf32, #tpu.memory_space<vmem>>, vector<1x800xf32>
    tpu.vector_store %arg3[%swap3A_705, %swap3A_706], %reshape3A_704 {strides = array<i32>} : memref<1x100000xf32, #tpu.memory_space<vmem>>, vector<1x800xf32>,
    %get3A_708 = arith.constant 23 : index
    %get3A_709 = arith.constant 0 : index
    %get3A_710 = vector.load %arg1[%get3A_708, %get3A_709] : memref<32x800xf32, #tpu.memory_space<vmem>>, vector<1x800xf32>
    %get3A_711 = vector.shape_cast %get3A_710 : vector<1x800xf32> to vector<800xf32>
    %sub3A_712 = vector.broadcast %add3A_339 : f32 to vector<800xf32>
    %sub3A_713 = arith.subf %get3A_711, %sub3A_712 : vector<800xf32>
    %reshape3A_714 = vector.shape_cast %sub3A_713 : vector<800xf32> to vector<1x800xf32>
    %swap3A_715 = arith.constant 0 : index
    %swap3A_716 = arith.constant 92800 : index
    %swap3A_717 = vector.load %arg3[%swap3A_715, %swap3A_716] : memref<1x100000xf32, #tpu.memory_space<vmem>>, vector<1x800xf32>
    tpu.vector_store %arg3[%swap3A_715, %swap3A_716], %reshape3A_714 {strides = array<i32>} : memref<1x100000xf32, #tpu.memory_space<vmem>>, vector<1x800xf32>,
    %get3A_718 = arith.constant 24 : index
    %get3A_719 = arith.constant 0 : index
    %get3A_720 = vector.load %arg1[%get3A_718, %get3A_719] : memref<32x800xf32, #tpu.memory_space<vmem>>, vector<1x800xf32>
    %get3A_721 = vector.shape_cast %get3A_720 : vector<1x800xf32> to vector<800xf32>
    %sub3A_722 = vector.broadcast %add3A_339 : f32 to vector<800xf32>
    %sub3A_723 = arith.subf %get3A_721, %sub3A_722 : vector<800xf32>
    %reshape3A_724 = vector.shape_cast %sub3A_723 : vector<800xf32> to vector<1x800xf32>
    %swap3A_725 = arith.constant 0 : index
    %swap3A_726 = arith.constant 93600 : index
    %swap3A_727 = vector.load %arg3[%swap3A_725, %swap3A_726] : memref<1x100000xf32, #tpu.memory_space<vmem>>, vector<1x800xf32>
    tpu.vector_store %arg3[%swap3A_725, %swap3A_726], %reshape3A_724 {strides = array<i32>} : memref<1x100000xf32, #tpu.memory_space<vmem>>, vector<1x800xf32>,
    %get3A_728 = arith.constant 25 : index
    %get3A_729 = arith.constant 0 : index
    %get3A_730 = vector.load %arg1[%get3A_728, %get3A_729] : memref<32x800xf32, #tpu.memory_space<vmem>>, vector<1x800xf32>
    %get3A_731 = vector.shape_cast %get3A_730 : vector<1x800xf32> to vector<800xf32>
    %sub3A_732 = vector.broadcast %add3A_339 : f32 to vector<800xf32>
    %sub3A_733 = arith.subf %get3A_731, %sub3A_732 : vector<800xf32>
    %reshape3A_734 = vector.shape_cast %sub3A_733 : vector<800xf32> to vector<1x800xf32>
    %swap3A_735 = arith.constant 0 : index
    %swap3A_736 = arith.constant 94400 : index
    %swap3A_737 = vector.load %arg3[%swap3A_735, %swap3A_736] : memref<1x100000xf32, #tpu.memory_space<vmem>>, vector<1x800xf32>
    tpu.vector_store %arg3[%swap3A_735, %swap3A_736], %reshape3A_734 {strides = array<i32>} : memref<1x100000xf32, #tpu.memory_space<vmem>>, vector<1x800xf32>,
    %get3A_738 = arith.constant 26 : index
    %get3A_739 = arith.constant 0 : index
    %get3A_740 = vector.load %arg1[%get3A_738, %get3A_739] : memref<32x800xf32, #tpu.memory_space<vmem>>, vector<1x800xf32>
    %get3A_741 = vector.shape_cast %get3A_740 : vector<1x800xf32> to vector<800xf32>
    %sub3A_742 = vector.broadcast %add3A_339 : f32 to vector<800xf32>
    %sub3A_743 = arith.subf %get3A_741, %sub3A_742 : vector<800xf32>
    %reshape3A_744 = vector.shape_cast %sub3A_743 : vector<800xf32> to vector<1x800xf32>
    %swap3A_745 = arith.constant 0 : index
    %swap3A_746 = arith.constant 95200 : index
    %swap3A_747 = vector.load %arg3[%swap3A_745, %swap3A_746] : memref<1x100000xf32, #tpu.memory_space<vmem>>, vector<1x800xf32>
    tpu.vector_store %arg3[%swap3A_745, %swap3A_746], %reshape3A_744 {strides = array<i32>} : memref<1x100000xf32, #tpu.memory_space<vmem>>, vector<1x800xf32>,
    %get3A_748 = arith.constant 27 : index
    %get3A_749 = arith.constant 0 : index
    %get3A_750 = vector.load %arg1[%get3A_748, %get3A_749] : memref<32x800xf32, #tpu.memory_space<vmem>>, vector<1x800xf32>
    %get3A_751 = vector.shape_cast %get3A_750 : vector<1x800xf32> to vector<800xf32>
    %sub3A_752 = vector.broadcast %add3A_339 : f32 to vector<800xf32>
    %sub3A_753 = arith.subf %get3A_751, %sub3A_752 : vector<800xf32>
    %reshape3A_754 = vector.shape_cast %sub3A_753 : vector<800xf32> to vector<1x800xf32>
    %swap3A_755 = arith.constant 0 : index
    %swap3A_756 = arith.constant 96000 : index
    %swap3A_757 = vector.load %arg3[%swap3A_755, %swap3A_756] : memref<1x100000xf32, #tpu.memory_space<vmem>>, vector<1x800xf32>
    tpu.vector_store %arg3[%swap3A_755, %swap3A_756], %reshape3A_754 {strides = array<i32>} : memref<1x100000xf32, #tpu.memory_space<vmem>>, vector<1x800xf32>,
    %get3A_758 = arith.constant 28 : index
    %get3A_759 = arith.constant 0 : index
    %get3A_760 = vector.load %arg1[%get3A_758, %get3A_759] : memref<32x800xf32, #tpu.memory_space<vmem>>, vector<1x800xf32>
    %get3A_761 = vector.shape_cast %get3A_760 : vector<1x800xf32> to vector<800xf32>
    %sub3A_762 = vector.broadcast %add3A_339 : f32 to vector<800xf32>
    %sub3A_763 = arith.subf %get3A_761, %sub3A_762 : vector<800xf32>
    %reshape3A_764 = vector.shape_cast %sub3A_763 : vector<800xf32> to vector<1x800xf32>
    %swap3A_765 = arith.constant 0 : index
    %swap3A_766 = arith.constant 96800 : index
    %swap3A_767 = vector.load %arg3[%swap3A_765, %swap3A_766] : memref<1x100000xf32, #tpu.memory_space<vmem>>, vector<1x800xf32>
    tpu.vector_store %arg3[%swap3A_765, %swap3A_766], %reshape3A_764 {strides = array<i32>} : memref<1x100000xf32, #tpu.memory_space<vmem>>, vector<1x800xf32>,
    %get3A_768 = arith.constant 29 : index
    %get3A_769 = arith.constant 0 : index
    %get3A_770 = vector.load %arg1[%get3A_768, %get3A_769] : memref<32x800xf32, #tpu.memory_space<vmem>>, vector<1x800xf32>
    %get3A_771 = vector.shape_cast %get3A_770 : vector<1x800xf32> to vector<800xf32>
    %sub3A_772 = vector.broadcast %add3A_339 : f32 to vector<800xf32>
    %sub3A_773 = arith.subf %get3A_771, %sub3A_772 : vector<800xf32>
    %reshape3A_774 = vector.shape_cast %sub3A_773 : vector<800xf32> to vector<1x800xf32>
    %swap3A_775 = arith.constant 0 : index
    %swap3A_776 = arith.constant 97600 : index
    %swap3A_777 = vector.load %arg3[%swap3A_775, %swap3A_776] : memref<1x100000xf32, #tpu.memory_space<vmem>>, vector<1x800xf32>
    tpu.vector_store %arg3[%swap3A_775, %swap3A_776], %reshape3A_774 {strides = array<i32>} : memref<1x100000xf32, #tpu.memory_space<vmem>>, vector<1x800xf32>,
    %get3A_778 = arith.constant 30 : index
    %get3A_779 = arith.constant 0 : index
    %get3A_780 = vector.load %arg1[%get3A_778, %get3A_779] : memref<32x800xf32, #tpu.memory_space<vmem>>, vector<1x800xf32>
    %get3A_781 = vector.shape_cast %get3A_780 : vector<1x800xf32> to vector<800xf32>
    %sub3A_782 = vector.broadcast %add3A_339 : f32 to vector<800xf32>
    %sub3A_783 = arith.subf %get3A_781, %sub3A_782 : vector<800xf32>
    %reshape3A_784 = vector.shape_cast %sub3A_783 : vector<800xf32> to vector<1x800xf32>
    %swap3A_785 = arith.constant 0 : index
    %swap3A_786 = arith.constant 98400 : index
    %swap3A_787 = vector.load %arg3[%swap3A_785, %swap3A_786] : memref<1x100000xf32, #tpu.memory_space<vmem>>, vector<1x800xf32>
    tpu.vector_store %arg3[%swap3A_785, %swap3A_786], %reshape3A_784 {strides = array<i32>} : memref<1x100000xf32, #tpu.memory_space<vmem>>, vector<1x800xf32>,
    %get3A_788 = arith.constant 31 : index
    %get3A_789 = arith.constant 0 : index
    %get3A_790 = vector.load %arg1[%get3A_788, %get3A_789] : memref<32x800xf32, #tpu.memory_space<vmem>>, vector<1x800xf32>
    %get3A_791 = vector.shape_cast %get3A_790 : vector<1x800xf32> to vector<800xf32>
    %sub3A_792 = vector.broadcast %add3A_339 : f32 to vector<800xf32>
    %sub3A_793 = arith.subf %get3A_791, %sub3A_792 : vector<800xf32>
    %reshape3A_794 = vector.shape_cast %sub3A_793 : vector<800xf32> to vector<1x800xf32>
    %swap3A_795 = arith.constant 0 : index
    %swap3A_796 = arith.constant 99200 : index
    %swap3A_797 = vector.load %arg3[%swap3A_795, %swap3A_796] : memref<1x100000xf32, #tpu.memory_space<vmem>>, vector<1x800xf32>
    tpu.vector_store %arg3[%swap3A_795, %swap3A_796], %reshape3A_794 {strides = array<i32>} : memref<1x100000xf32, #tpu.memory_space<vmem>>, vector<1x800xf32>,
    return
  }
}

</mosaic_0001>

<sc_bundles>
// kernel: kernel.5.cloned.1.call-start
scs
__scs_entry_jumppad:
0x0: {  	(pc) =	sbr.rel $0x88, $3  }
0x1: {  	(tag) =	ssettag $0x0;
	lr =	simm.s32 $0x1  }
0x2: {  	[smem:$0x3F9D] =	sst lr;
	_ =	strace $0xD0000000  }
0x3: {  	_ = 	snop  }
0x4: {  	_ = 	snop  }
0x5: {  	_ = 	snop  }
0x6: {  	_ = 	snop  }
0x7: {  	_ = 	snop  }
__scs_overlays_trampoline_lowered:
0x8: {  	[smem:$0x3FAC] =	sst s0  }
0x9: {  	[smem:$0x3FAD] =	sst s1  }
0xa: {  	[smem:$0x3FAE] =	sst s2  }
0xb: {  	[smem:$0x3FAF] =	sst s3  }
0xc: {  	[smem:$0x3FB0] =	sst s4  }
0xd: {  	[smem:$0x3FB1] =	sst s5  }
0xe: {  	[smem:$0x3FB2] =	sst s6  }
0xf: {  	[smem:$0x3FB3] =	sst s7  }
0x10: {  	[smem:$0x3FB4] =	sst s8  }
0x11: {  	[smem:$0x3FB5] =	sst s9;
	s0 =	simm.s32 @!p0 $0x0  }
0x12: {  	s1 =	sld [smem:$0x3F9B];
	s0 =	simm.s32 @p0 $0x1  }
0x13: {  	[smem:$0x3FB6] =	sst s0;
	s0 =	simm.s32 @!p1 $0x0  }
0x14: {  	s2 =	sld [smem:$0x3F9A];
	s0 =	simm.s32 @p1 $0x1  }
0x15: {  	[smem:$0x3FB7] =	sst s0;
	s0 =	simm.s32 @!p2 $0x0  }
0x16: {  	s3 =	sld [smem:$0x3FDB];
	s0 =	simm.s32 @p2 $0x1  }
0x17: {  	s4 =	simm.s32 $0x1BF5;
	[smem:$0x3FB9] =	sst s0  }
0x18: {  	s0 =	sld [smem:$0x3F9C];
	_ =	swait.ge [sflag:s4], $0x0  }
0x19: {  	s7 =	sld [smem:$0x3F9D]  }
0x1a: {  	s8 =	sadd.s32 $0xFFFFE003, lr  }
0x1b: {  	s9 =	sadd.s32 $0xFFFFFEF7, lr;
	s5 =	simm.s32 $0xFFFFFFFF;
	p2 =	slt.u32 s8, $0xFFFFF086  }
0x1c: {  	p1 =	slt.u32 s9, $0xF7A;
	s5 =	simm.s32 @!p2 $0x0  }
0x1d: {  	s5 =	simm.s32 @p1 $0x1;
	p0 =	seq.s32 s7, s2  }
0x1e: {  	s7 =	smul.u32 @!p0 $0xF7A, s2;
	p2 =	seq.s32 @!p0 s5, $0x0  }
0x1f: {  	s9 =	smul.u32 $0xF7A, s1;
	s8 =	simm.s32 @!p0 $0x1BF5;
	p2 =	por !p2, p0  }
0x20: {  	[sflag:s8] =	ssyncset.s32 @!p0 $0xFFFFF086;
	s6 =	sadd.s32 @!p0 s3, s7;
	s7 =	simm.s32 @!p0 $0x108  }
0x21: {  	s3 =	sadd.s32 s3, s9;
	s6 =	sadd.s32 @!p0 $0x88, s6;
	s7 =	simm.s32 @p2 $0x1082  }
0x22: {  	[simem:s7], [sflag:s8] =	dma.local @!p0 [hbm:s6], $0xF7A  }
0x23: {  	s9 =	sor.u32 $0xD0000000, s2;
	s6 =	simm.s32 $0x108;
	_ =	swait.ge @!p0 [sflag:s8], $0x0  }
0x24: {  	s3 =	sadd.s32 $0x88, s3;
	s6 =	simm.s32 @!p1 $0x1082;
	[sflag:s4] =	ssyncset.s32 $0xFFFFF086  }
0x25: {  	[simem:s6], [sflag:s4] =	dma.local [hbm:s3], $0xF7A  }
0x26: {  	[smem:$0x3F9D] =	sst s1;
	(tag) =	ssettag s2;
	_ =	strace s9  }
0x27: {  	s1 =	sld [smem:$0x3FAD]  }
0x28: {  	s2 =	sld [smem:$0x3FAE]  }
0x29: {  	s4 =	sld [smem:$0x3FB0]  }
0x2a: {  	p0 =	seq.s32 s5, $0x0;
	s5 =	sld [smem:$0x3FB1]  }
0x2b: {  	s6 =	sld [smem:$0x3FB2]  }
0x2c: {  	s7 =	sld [smem:$0x3FB3]  }
0x2d: {  	s3 =	simm.s32 $0x108;
	s8 =	sld [smem:$0x3FB4]  }
0x2e: {  	s3 =	simm.s32 @!p0 $0x1082;
	s9 =	sld [smem:$0x3FB5]  }
0x2f: {  	lr =	sadd.s32 s0, s3;
	s0 =	sld [smem:$0x3FAC]  }
0x30: {  	s3 =	sld [smem:$0x3FAF]  }
0x31: {  	[smem:$0x3FB8] =	sst s10  }
0x32: {  	s10 =	sld [smem:$0x3FB6];
	_ =	sdelay $0x3  }
0x33: {  	p0 =	seq.s32 s10, $0x1;
	s10 =	sld [smem:$0x3FB8];
	_ =	sdelay $0x3  }
0x34: {  	[smem:$0x3FB8] =	sst s10  }
0x35: {  	s10 =	sld [smem:$0x3FB7];
	_ =	sdelay $0x3  }
0x36: {  	p1 =	seq.s32 s10, $0x1;
	s10 =	sld [smem:$0x3FB8];
	_ =	sdelay $0x3  }
0x37: {  	[smem:$0x3FB8] =	sst s10  }
0x38: {  	s10 =	sld [smem:$0x3FB9]  }
0x39: {  	_ = 	snop;
	(pc) =	sbr.ind lr, $3  }
0x3a: {  	_ = 	snop  }
0x3b: {  	_ = 	snop  }
0x3c: {  	p2 =	seq.s32 s10, $0x1;
	s10 =	sld [smem:$0x3FB8]  }
0x3d: {  	_ =	shalt  }
0x3e: {  	_ =	shalt  }
0x3f: {  	_ =	shalt  }
0x40: {  	_ =	shalt  }
0x41: {  	_ =	shalt  }
0x42: {  	_ =	shalt  }
0x43: {  	_ =	shalt  }
0x44: {  	_ =	shalt  }
0x45: {  	_ =	shalt  }
0x46: {  	_ =	shalt  }
0x47: {  	_ =	shalt  }
0x48: {  	_ =	shalt  }
0x49: {  	_ =	shalt  }
0x4a: {  	_ =	shalt  }
0x4b: {  	_ =	shalt  }
0x4c: {  	_ =	shalt  }
0x4d: {  	_ =	shalt  }
0x4e: {  	_ =	shalt  }
0x4f: {  	_ =	shalt  }
0x50: {  	_ =	shalt  }
0x51: {  	_ =	shalt  }
0x52: {  	_ =	shalt  }
0x53: {  	_ =	shalt  }
0x54: {  	_ =	shalt  }
0x55: {  	_ =	shalt  }
0x56: {  	_ =	shalt  }
0x57: {  	_ =	shalt  }
0x58: {  	_ =	shalt  }
0x59: {  	_ =	shalt  }
0x5a: {  	_ =	shalt  }
0x5b: {  	_ =	shalt  }
0x5c: {  	_ =	shalt  }
0x5d: {  	_ =	shalt  }
0x5e: {  	_ =	shalt  }
0x5f: {  	_ =	shalt  }
0x60: {  	_ =	shalt  }
0x61: {  	_ =	shalt  }
0x62: {  	_ =	shalt  }
0x63: {  	_ =	shalt  }
0x64: {  	_ =	shalt  }
0x65: {  	_ =	shalt  }
0x66: {  	_ =	shalt  }
0x67: {  	_ =	shalt  }
0x68: {  	_ =	shalt  }
0x69: {  	_ =	shalt  }
0x6a: {  	_ =	shalt  }
0x6b: {  	_ =	shalt  }
0x6c: {  	_ =	shalt  }
0x6d: {  	_ =	shalt  }
0x6e: {  	_ =	shalt  }
0x6f: {  	_ =	shalt  }
0x70: {  	_ =	shalt  }
0x71: {  	_ =	shalt  }
0x72: {  	_ =	shalt  }
0x73: {  	_ =	shalt  }
0x74: {  	_ =	shalt  }
0x75: {  	_ =	shalt  }
0x76: {  	_ =	shalt  }
0x77: {  	_ =	shalt  }
0x78: {  	_ =	shalt  }
0x79: {  	_ =	shalt  }
0x7a: {  	_ =	shalt  }
0x7b: {  	_ =	shalt  }
0x7c: {  	_ =	shalt  }
0x7d: {  	_ =	shalt  }
0x7e: {  	_ =	shalt  }
0x7f: {  	_ =	shalt  }
0x80: {  	_ =	shalt  }
0x81: {  	_ =	shalt  }
0x82: {  	_ =	shalt  }
0x83: {  	_ =	shalt  }
0x84: {  	_ =	shalt  }
0x85: {  	_ =	shalt  }
0x86: {  	_ =	shalt  }
0x87: {  	_ =	shalt  }
.Lfunc_end0:
.L_simem_size_0:
called_computation_lowered:
.L_overlay_start_0:
0x88: {  	s2 =	sld [smem:$0x3FD9]  }
0x89: {  	s3 =	sld [smem:$0x3FFE];
	_ =	sdelay $0x1  }
0x8a: {  	s1 =	srdreg.scid  }
0x8b: {  	s0 =	sand.u32 $0x1, s1  }
0x8c: {  	s18 =	sshll.u32 s0, $0xA;
	s2 =	sadd.s32 s3, s2  }
0x8d: {  	s2 =	sadd.s32 s2, s18  }
0x8e: {  	[smem:$0x3FC4] =	sst s2  }
0x8f: {  	_ = 	snop  }
0x90: {  	s2 =	sld [smem:$0x3FC9]  }
0x91: {  	s19 =	sld [smem:$0x3FC8]  }
0x92: {  	s4 =	sld [smem:$0x3FC7]  }
0x93: {  	s5 =	sld [smem:$0x3FC6]  }
0x94: {  	s6 =	sld [smem:$0x3FD0];
	(tm) =	ssettm $0x1  }
0x95: {  	s7 =	sld [smem:$0x3FFB];
	_ =	sdelay $0x3  }
0x96: {  	_ =	strace s7  }
0x97: {  	s7 =	sld [smem:$0x3FFC];
	_ =	sdelay $0x3  }
0x98: {  	_ =	strace s7  }
0x99: {  	s7 =	sld [smem:$0x3FFD];
	_ =	sdelay $0x3  }
0x9a: {  	_ =	strace s7  }
0x9b: {  	_ =	strace $0x8FFFFFFF  }
0x9c: {  	s20 =	sld [smem:$0x3FDB];
	_ =	sdelay $0x1  }
0x9d: {  	s8 =	simm.s32 $_scs_section_size  }
0x9e: {  	s9 =	simm.s32 $_size__tile_overlayer_lowered;
	s10 =	simm.s32 $_tile_overlayer_lowered  }
0x9f: {  	s23 =	simm.s32 $0x1BFF;
	s22 =	sshll.u32 s10, $0x1;
	s7 =	sadd.s32 s8, s20  }
0xa0: {  	s11 =	simm.s32 $0x0;
	s21 =	sshll.u32 s9, $0x1;
	s9 =	sadd.s32 s22, s7  }
0xa1: {  	[timem:s11], [sflag:s23] =	dma.local [hbm:s9], s21  }
0xa2: {  	_ =	swait.ge [sflag:s23], s21  }
0xa3: {  	s8 =	ssub.s32 $0x0, s21;
	[sflag:s23] =	ssyncset.done $0x0  }
0xa4: {  	[sflag:s23] =	ssyncadd.s32 s8;
	_ =	sdelay $0x1  }
0xa5: {  	s24 =	simm.s32 $0x1B8B  }
0xa6: {  	_ =	swait.ge [sflag:s24], $0x1  }
0xa7: {  	[sflag:s24] =	ssyncset.done $0x0  }
0xa8: {  	s25 =	simm.s32 $0x1B8E;
	[sflag:s24] =	ssyncadd.s32 $0xFFFFFFFF  }
0xa9: {  	s26 =	simm.s32 $execute0_lowered;
	[smem:$0x3FD2] =	sst s25  }
0xaa: {  	s8 =	sshll.u32 s26, $0x1;
	_ =	strace $0x80000046;
	[dreg:$0x1] =	wrdreg $0xFFFFFFFF  }
0xab: {  	s28 =	simm.s32 $_size_execute0_lowered;
	s7 =	sadd.s32 s7, s8;
	[dreg:$0x0] =	wrdreg $0x0  }
0xac: {  	s8 =	sshll.u32 s28, $0x1;
	[dreg:$0x2] =	wrdreg s7  }
0xad: {  	[dreg:$0x3] =	wrdreg s8  }
0xae: {  	[dreg:$0x4] =	wrdreg $0xC0  }
0xaf: {  	_ =	task [dreg:s11], $0x5FFFF  }
0xb0: {  	[dreg:$0x1] =	wrdreg $0xFFFFFFFF  }
0xb1: {  	[dreg:$0x0] =	wrdreg $0x60  }
0xb2: {  	[dreg:$0x2] =	wrdreg s2  }
0xb3: {  	[dreg:$0x3] =	wrdreg s19  }
0xb4: {  	[dreg:$0x4] =	wrdreg s4  }
0xb5: {  	[dreg:$0x5] =	wrdreg s5  }
0xb6: {  	[dreg:$0x6] =	wrdreg s6  }
0xb7: {  	[dreg:$0x7] =	wrdreg $0x9  }
0xb8: {  	_ =	task.clear_ibuf [dreg:s11], $0x8FFFF;
	_ =	strace $0x90000046  }
0xb9: {  	s29 =	simm.s32 $0x9;
	_ =	strace $0x80000048  }
0xba: {  	_ =	swait.ge [sflag:s29], $0x1  }
0xbb: {  	[sflag:s29] =	ssyncadd.s32 $0xFFFFFFFF  }
0xbc: {  	_ =	strace $0x90000048  }
0xbd: {  	_ =	sfence  }
0xbe: {  	s30 =	sld [smem:$0x0];
	_ =	sdelay $0x2  }
0xbf: {  	s31 =	sshll.u32 s1, $0xD;
	s1 =	sshrl.u32 s1, $0x2  }
0xc0: {  	s3 =	sand.u32 $0x4000, s31;
	s1 =	sadd.s32 s1, s30  }
0xc1: {  	s0 =	sor.u32 s3, s0;
	s1 =	sshll.u32 s1, $0x11  }
0xc2: {  	s0 =	sor.u32 s1, s0  }
0xc3: {  	s0 =	sadd.s32 $0x8F2B, s0  }
0xc4: {  	[sflag:s0] =	ssyncadd.remote.s32 $0x1  }
0xc5: {  	_ =	sfence.sel $0xFFFF  }
0xc6: {  	[dreg:$0x0] =	wrdreg $0xFFFFFFFF;
	(pc) =	sbr.abs _section_cstart, $3  }
0xc7: {  	[dreg:$0x1] =	wrdreg $0xFFFFFFFF  }
0xc8: {  	_ =	task.clear_ibuf [dreg:s11], $0x2FFFF;
	_ =	strace $0x9FFFFFFF  }
0xc9: {  	(tm) =	ssettm $0x7FFFFFFF  }
tec
execute0_lowered:
.L_overlay_start_1:
0x0: {  	(tag) =	ssettag $0x1  }
0x1: {  	s0 =	rddreg [dreg:$0x0]  }
0x2: {  	s1 =	rddreg [dreg:$0x1]  }
0x3: {  	s5 =	rddreg [dreg:$0x2]  }
0x4: {  	v0 =	vimm.s32 $0xEFCDAB89;
	s3 =	rddreg [dreg:$0x3];
	v1 =	vimm.s32 $0x67452301;
	v2 =	vimm.s32 $0xDCFE98BA;
	s4 =	srdreg.scid  }
0x5: {  	s2 =	stileid.u32;
	s11 =	rddreg [dreg:$0x4];
	v3 =	vimm.s32 $0x54761032;
	v4 =	vimm.s32 $0xBA98FEDC;
	v5 =	vimm.s32 $0x32107654  }
0x6: {  	v6 =	vimm.s32 $0xFEDCBA98;
	v7 =	vimm.s32 $0x76543210;
	s15 =	simm.s32 $0x80;
	s16 =	simm.s32 $0x100;
	s17 =	simm.s32 $0x5100  }
0x7: {  	vm0 =	vmmov $0x1;
	vm1 =	vmmov $0x3;
	vm2 =	vmmov $0x7;
	s18 =	simm.s32 $0xA100;
	s19 =	simm.s32 $0xF100;
	s20 =	simm.s32 $0x14100  }
0x8: {  	vm3 =	vmmov $0xf;
	vm4 =	vmmov $0x1f;
	vm5 =	vmmov $0x3f;
	s21 =	simm.s32 $0x2;
	s22 =	simm.s32 $0x400;
	s23 =	simm.s32 $0x19480  }
0x9: {  	vm6 =	vmmov $0x7f;
	vm7 =	vmmov $0xff;
	vm8 =	vmmov $0x1ff;
	s24 =	simm.s32 $0x0;
	s6 =	sand.u32 $0x1, s4;
	s25 =	sshll.u32 s2, $0x1  }
0xa: {  	vm9 =	vmmov $0x3ff;
	vm10 =	vmmov $0x7ff;
	vm11 =	vmmov $0xfff;
	s4 =	simm.s32 $0x0;
	s29 =	sshrl.u32 s2, $0x2;
	s7 =	sor.u32 s6, s25  }
0xb: {  	vm12 =	vmmov $0x1fff;
	v0 =	vunpack.c.l.s4.s8 v0;
	v1 =	vunpack.c.l.s4.s8 v1;
	s6 =	ssub.s32 $0x2, s6;
	[smem:$0x7FF] =	sst s4;
	s8 =	smul.u32 $0x320, s7  }
0xc: {  	v2 =	vunpack.c.l.s4.s8 v2;
	v3 =	vunpack.c.l.s4.s8 v3;
	v4 =	vunpack.c.l.s4.s8 v4;
	s9 =	sshrl.u32 s6, $0x1;
	s10 =	smul.u32 $0x19000, s7;
	_ =	strace $0x80000047  }
0xd: {  	v5 =	vunpack.c.l.s4.s8 v5;
	v6 =	vunpack.c.l.s4.s8 v6;
	v7 =	vunpack.c.l.s4.s8 v7;
	s7 =	sshll.u32 s7, $0x7;
	s12 =	ssub.s32 s6, s9;
	s9 =	smul.u32 $0x1C00, s29  }
0xe: {  	v0 =	vunpack.c.0.s8.s32 v0;
	v1 =	vunpack.c.0.s8.s32 v1;
	v2 =	vunpack.c.0.s8.s32 v2;
	s14 =	sand.u32 $0x380, s7;
	s13 =	sadd.s32 $0x122A0, s8;
	s28 =	sshrl.u32 s10, $0x3  }
0xf: {  	v3 =	vunpack.c.0.s8.s32 v3;
	v4 =	vunpack.c.0.s8.s32 v4;
	v5 =	vunpack.c.0.s8.s32 v5;
	s12 =	smax.u32 s12, $0x1;
	s26 =	sshll.u32 s13, $0x4;
	s10 =	sadd.s32 s5, s28  }
0x10: {  	vm13 =	vmmov $0x3fff;
	v0 =	vcombine.low v1, v0;
	v1 =	vunpack.c.0.s8.s32 v6;
	s14 =	sor.u32 s9, s14;
	s30 =	sshrl.u32 s13, $0x3;
	s13 =	simm.s32 $0x3  }
0x11: {  	v2 =	vcombine.low v3, v2;
	v3 =	vcombine.low v5, v4;
	v4 =	vunpack.c.0.s8.s32 v7;
	s5 =	sadd.s32 s5, s26;
	s6 =	sadd.s32 $0x123400, s10;
	s7 =	sadd.s32 $0x123E00, s10  }
0x12: {  	vm14 =	vmmov $0x7fff;
	s8 =	sadd.s32 $0x124800, s10;
	v0 =	vand.u32 $0xF, v0;
	v5 =	vand.u32 $0xF, v1;
	s9 =	sadd.s32 $0x125200, s10;
	s31 =	sshrl.u32 s14, $0x3  }
0x13: {  	v1 =	vand.u32 $0xF, v2;
	v2 =	vand.u32 $0xF, v3;
	s10 =	sadd.s32 s3, s30;
	s14 =	simm.s32 $0x1;
	v3 =	vcombine.low v5, v4;
	s11 =	sadd.s32 s11, s31  }
.LBB2_1:
0x14: {  	[tilespmem:s4], [sflag:$0x3] =	stream.linear.gather [hbm4b:s0+s4], $0x80, $0x38;
	[tilespmem:$0x19800] =	vst v63  }
0x15: {  	_ =	swait.ge [sflag:s13], $0x80  }
0x16: {  	[sflag:s13] =	ssyncset.done $0x0  }
0x17: {  	[sflag:s13] =	ssyncadd.s32 $0xFFFFFF80  }
0x18: {  	[tilespmem:s15], [sflag:$0x1] =	stream.indirect.gather [hbm4b:s1+s14], $0x80, s4, s14, $0xb8;
	[tilespmem:$0x19800] =	vst v63  }
0x19: {  	_ = 	snop  }
0x1a: {  	[tilespmem:s16], [sflag:$0x2] =	stream.linear.gather [hbm4b:s5+s4], $0x5000, $0x38;
	[tilespmem:$0x19800] =	vst v63  }
0x1b: {  	_ = 	snop  }
0x1c: {  	[tilespmem:s17], [sflag:$0x2] =	stream.linear.gather [hbm4b:s6+s4], $0x5000, $0x38;
	[tilespmem:$0x19800] =	vst v63  }
0x1d: {  	_ = 	snop  }
0x1e: {  	[tilespmem:s18], [sflag:$0x2] =	stream.linear.gather [hbm4b:s7+s4], $0x5000, $0x38;
	[tilespmem:$0x19800] =	vst v63  }
0x1f: {  	_ = 	snop  }
0x20: {  	[tilespmem:s19], [sflag:$0x2] =	stream.linear.gather [hbm4b:s8+s4], $0x5000, $0x38;
	[tilespmem:$0x19800] =	vst v63  }
0x21: {  	_ = 	snop  }
0x22: {  	[tilespmem:s20], [sflag:$0x2] =	stream.linear.gather [hbm4b:s9+s4], $0x5000, $0x38;
	[tilespmem:$0x19800] =	vst v63  }
0x23: {  	s25 =	simm.s32 $0x19100  }
0x24: {  	[tilespmem:s25], [sflag:$0x3] =	stream.linear.gather [hbm4b:s10+s4], $0x320, $0x38;
	[tilespmem:$0x19800] =	vst v63  }
0x25: {  	_ =	swait.ge [sflag:s13], $0x320  }
0x26: {  	[sflag:s13] =	ssyncset.done $0x0  }
0x27: {  	[sflag:s13] =	ssyncadd.s32 $0xFFFFFCE0  }
0x28: {  	_ =	swait.ge [sflag:s14], $0x80  }
0x29: {  	[sflag:s14] =	ssyncset.done $0x0  }
0x2a: {  	[sflag:s14] =	ssyncadd.s32 $0xFFFFFF80  }
0x2b: {  	v4 =	vld [tilespmem:$0x80]  }
0x2c: {  	v5 =	vld [tilespmem:$0x90]  }
0x2d: {  	v6 =	vld [tilespmem:$0xA0]  }
0x2e: {  	v8 =	vld [tilespmem:$0xC0]  }
0x2f: {  	v7 =	vld [tilespmem:$0xB0]  }
0x30: {  	v9 =	vld [tilespmem:$0xD0]  }
0x31: {  	v10 =	vld [tilespmem:$0xE0]  }
0x32: {  	s26 =	simm.s32 $0x500;
	s28 =	simm.s32 $0x19480;
	s29 =	simm.s32 $0x0;
	v11 =	vld [tilespmem:$0xF0]  }
.LBB2_3:
0x33: {  	_ =	swait.ge [sflag:s21], $0x5000  }
0x34: {  	[sflag:s21] =	ssyncset.done $0x0  }
0x35: {  	[sflag:s21] =	ssyncadd.s32 $0xFFFFB000  }
0x36: {  	v12 =	vld [tilespmem:s26+$0x3F0]  }
0x37: {  	v13 =	vld [tilespmem:s26+$0x370]  }
0x38: {  	v14 =	vld [tilespmem:s26+$0x3E0]  }
0x39: {  	v15 =	vld [tilespmem:s26+$0x2F0]  }
0x3a: {  	v16 =	vld [tilespmem:s26+$0x360]  }
0x3b: {  	v17 =	vld [tilespmem:s26+$0x3D0]  }
0x3c: {  	v18 =	vld [tilespmem:s26+$0x270]  }
0x3d: {  	v19 =	vld [tilespmem:s26+$0x2E0]  }
0x3e: {  	v20 =	vld [tilespmem:s26+$0x350]  }
0x3f: {  	v21 =	vld [tilespmem:s26+$0x3C0]  }
0x40: {  	v22 =	vld [tilespmem:s26+$0x1F0]  }
0x41: {  	v23 =	vld [tilespmem:s26+$0x260]  }
0x42: {  	v24 =	vld [tilespmem:s26+$0x2D0]  }
0x43: {  	v25 =	vld [tilespmem:s26+$0x340]  }
0x44: {  	v26 =	vld [tilespmem:s26+$0x3B0]  }
0x45: {  	v27 =	vld [tilespmem:s26+$0x170]  }
0x46: {  	v28 =	vld [tilespmem:s26+$0x1E0]  }
0x47: {  	v29 =	vld [tilespmem:s26+$0x250]  }
0x48: {  	v30 =	vld [tilespmem:s26+$0x2C0]  }
0x49: {  	v31 =	vld [tilespmem:s26+$0x330]  }
0x4a: {  	v32 =	vld [tilespmem:s26+$0x3A0]  }
0x4b: {  	v33 =	vld [tilespmem:s26+$0xF0]  }
0x4c: {  	v34 =	vld [tilespmem:s26+$0x160]  }
0x4d: {  	v35 =	vld [tilespmem:s26+$0x1D0]  }
0x4e: {  	v36 =	vld [tilespmem:s26+$0x240]  }
0x4f: {  	v39 =	vld [tilespmem:s26+$0x380]  }
0x50: {  	v40 =	vld [tilespmem:s26+$0x390]  }
0x51: {  	v37 =	vld [tilespmem:s26+$0x2B0]  }
0x52: {  	v38 =	vld [tilespmem:s26+$0x320]  }
0x53: {  	v41 =	vld [tilespmem:s26+$0x70];
	v12 =	vmul.f32 v12, v11  }
0x54: {  	v42 =	vld [tilespmem:s26+$0xE0];
	v13 =	vmul.f32 v13, v11;
	v14 =	vmul.f32 v14, v10  }
0x55: {  	v43 =	vld [tilespmem:s26+$0x150];
	v39 =	vmul.f32 v39, v4;
	v40 =	vmul.f32 v40, v5  }
0x56: {  	v47 =	vld [tilespmem:s26+$0x300];
	v15 =	vmul.f32 v15, v11;
	v16 =	vmul.f32 v16, v10  }
0x57: {  	v48 =	vld [tilespmem:s26+$0x310];
	v32 =	vmul.f32 v32, v6;
	v17 =	vmul.f32 v17, v9  }
0x58: {  	v44 =	vld [tilespmem:s26+$0x1C0];
	v18 =	vmul.f32 v18, v11;
	v19 =	vmul.f32 v19, v10  }
0x59: {  	v49 =	vld [tilespmem:s26+$0x280];
	v50 =	vmul.f32 v20, v9;
	v26 =	vmul.f32 v26, v7  }
0x5a: {  	v46 =	vld [tilespmem:s26+$0x2A0];
	v21 =	vmul.f32 v21, v8;
	v23 =	vmul.f32 v23, v10  }
0x5b: {  	v51 =	vld [tilespmem:s26+$0x200];
	v24 =	vmul.f32 v24, v9;
	v47 =	vmul.f32 v47, v4  }
0x5c: {  	v63 =	vld [tilespmem:s26+$0x220];
	v48 =	vmul.f32 v48, v5;
	v25 =	vmul.f32 v25, v8  }
0x5d: {  	v45 =	vld [tilespmem:s26+$0x230];
	v28 =	vmul.f32 v28, v10;
	v38 =	vmul.f32 v38, v6  }
0x5e: {  	v52 =	vld [tilespmem:s26+$0x140];
	v49 =	vmul.f32 v49, v4;
	v29 =	vmul.f32 v29, v9  }
0x5f: {  	v55 =	vld [tilespmem:s26+$0x1B0];
	v31 =	vmul.f32 v31, v7;
	v46 =	vmul.f32 v46, v6;
	v39 =	vadd.f32 v40, v39  }
0x60: {  	v61 =	vld [tilespmem:s26+$0x190];
	v58 =	vmul.f32 v51, v4;
	v37 =	vmul.f32 v37, v7  }
0x61: {  	v59 =	vmul.f32 v63, v6;
	v20 =	vadd.f32 v32, v39;
	v32 =	vmul.f32 v22, v11;
	v22 =	vld [tilespmem:s26+$0x290]  }
0x62: {  	v53 =	vld [tilespmem:s26+$0xFFFFFE60];
	v30 =	vmul.f32 v30, v8;
	v45 =	vmul.f32 v45, v7  }
0x63: {  	v56 =	vmul.f32 v36, v8;
	v26 =	vadd.f32 v26, v20;
	v20 =	vmul.f32 v27, v11;
	v27 =	vld [tilespmem:s26+$0x210]  }
0x64: {  	v63 =	vld [tilespmem:s26+$0xC0];
	v34 =	vmul.f32 v34, v10;
	v35 =	vmul.f32 v35, v9  }
0x65: {  	v36 =	vld [tilespmem:s26+$0x130];
	v57 =	vmul.f32 v61, v5;
	v47 =	vadd.f32 v48, v47;
	v21 =	vadd.f32 v21, v26  }
0x66: {  	v42 =	vmul.f32 v42, v10;
	v39 =	vld [tilespmem:s26+$0x60];
	v22 =	vmul.f32 v22, v5  }
0x67: {  	v51 =	vmul.f32 v52, v8;
	v52 =	vld [tilespmem:s26+$0xFFFFFFB0];
	v17 =	vadd.f32 v17, v21;
	v21 =	vadd.f32 v38, v47  }
0x68: {  	v43 =	vmul.f32 v43, v9;
	v40 =	vld [tilespmem:s26+$0xFFFFFFF0];
	v22 =	vadd.f32 v22, v49;
	v27 =	vmul.f32 v27, v5  }
0x69: {  	v48 =	vmul.f32 v63, v8;
	v26 =	vld [tilespmem:s26+$0xD0];
	v14 =	vadd.f32 v14, v17;
	v21 =	vadd.f32 v31, v21  }
0x6a: {  	v36 =	vmul.f32 v36, v7;
	v49 =	vld [tilespmem:s26+$0xA0];
	v22 =	vadd.f32 v46, v22;
	v27 =	vadd.f32 v27, v58  }
0x6b: {  	v39 =	vmul.f32 v39, v10;
	v31 =	vld [tilespmem:s26+$0xFFFFFFE0];
	v12 =	vadd.f32 v12, v14;
	v21 =	vadd.f32 v25, v21  }
0x6c: {  	v38 =	vmul.f32 v41, v11;
	v25 =	vld [tilespmem:s26+$0x180];
	v22 =	vadd.f32 v37, v22;
	v27 =	vadd.f32 v59, v27  }
0x6d: {  	v14 =	vld [tilespmem:s26+$0x50];
	v60 =	vperm.xlane v12, v0;
	v62 =	vadd.f32 v50, v21;
	v21 =	vmul.f32 v33, v11  }
0x6e: {  	v50 =	vmul.f32 v26, v9;
	v22 =	vadd.f32 v30, v22;
	v30 =	vld [tilespmem:s26+$0x1A0];
	v27 =	vadd.f32 v45, v27  }
0x6f: {  	v63 =	vld [tilespmem:s26+$0x90];
	v49 =	vmul.f32 v49, v6;
	v12 =	vadd.f32 v12, v60;
	v16 =	vadd.f32 v16, v62  }
0x70: {  	v26 =	vld [tilespmem:s26+$0x110];
	v31 =	vmul.f32 v31, v10;
	v22 =	vadd.f32 v24, v22;
	v24 =	vadd.f32 v56, v27  }
0x71: {  	v47 =	vld [tilespmem:s26+$0xFFFFFFC0];
	v25 =	vmul.f32 v25, v4;
	v13 =	vadd.f32 v13, v16;
	v16 =	vperm.xlane v12, v1  }
0x72: {  	v33 =	vld [tilespmem:s26+$0x120];
	v54 =	vmul.f32 v14, v9;
	v19 =	vadd.f32 v19, v22;
	v22 =	vadd.f32 v29, v24  }
0x73: {  	v17 =	vld [tilespmem:s26+$0xFFFFFF70];
	v16 =	vadd.f32 v12, v16;
	v12 =	vadd.f32 v57, v25;
	v25 =	vmul.f32 v30, v6  }
0x74: {  	v27 =	vld [tilespmem:s26+$0xFFFFFF60];
	v24 =	vperm.xlane v13, v0;
	v15 =	vadd.f32 v15, v19;
	v22 =	vadd.f32 v23, v22  }
0x75: {  	v46 =	vld [tilespmem:s26+$0xFFFFFEE0];
	v26 =	vmul.f32 v26, v5;
	v23 =	vmul.f32 v55, v7;
	v12 =	vadd.f32 v25, v12  }
0x76: {  	v45 =	vld [tilespmem:s26+$0xFFFFFFD0];
	v13 =	vadd.f32 v13, v24;
	v24 =	vperm.xlane v15, v0;
	v18 =	vadd.f32 v18, v22  }
0x77: {  	v29 =	vld [tilespmem:s26+$0x40];
	v33 =	vmul.f32 v33, v6;
	v12 =	vadd.f32 v23, v12;
	v23 =	vmul.f32 v44, v8  }
0x78: {  	v37 =	vld [tilespmem:s26+$0xFFFFFEF0];
	v58 =	vperm.xlane v13, v1;
	v15 =	vadd.f32 v15, v24;
	v59 =	vperm.xlane v18, v0  }
0x79: {  	v19 =	vld [tilespmem:s26+$0xB0];
	v30 =	vperm.xlane v16, v2;
	v27 =	vmul.f32 v27, v10;
	v12 =	vadd.f32 v23, v12  }
0x7a: {  	v55 =	vld [tilespmem:s26+$0x80];
	v41 =	vadd.f32 v13, v58;
	v13 =	vperm.xlane v15, v1;
	v18 =	vadd.f32 v18, v59  }
0x7b: {  	v25 =	vld [tilespmem:s26+$0xFFFFFE70];
	v14 =	vadd.f32 v16, v30;
	v44 =	vmul.f32 v45, v9;
	v23 =	vadd.f32 v35, v12  }
0x7c: {  	v29 =	vmul.f32 v29, v8;
	v61 =	vadd.f32 v15, v13;
	v15 =	vld [tilespmem:s26+$0x100];
	v13 =	vperm.xlane v18, v1  }
0x7d: {  	v30 =	vld [tilespmem:s26+$0x10];
	v24 =	vmul.f32 v40, v11;
	v28 =	vadd.f32 v28, v23;
	v23 =	vmul.f32 v17, v11  }
0x7e: {  	v62 =	vperm.xlane v61, v2;
	v17 =	vadd.f32 v18, v13;
	v18 =	vmul.f32 v37, v11;
	v37 =	vld [tilespmem:s26+$0x0]  }
0x7f: {  	v22 =	vld [tilespmem:s26+$0xFFFFFF50];
	v19 =	vmul.f32 v19, v7;
	v60 =	vperm.xlane v41, v2;
	v28 =	vadd.f32 v32, v28  }
0x80: {  	v45 =	vld [tilespmem:s26+$0xFFFFFF40];
	v32 =	vmul.f32 v63, v5;
	v16 =	vadd.f32 v61, v62;
	v61 =	vmul.f32 v55, v4  }
0x81: {  	v57 =	vperm.xlane v28, v0;
	v58 =	vmul.f32 v15, v4;
	v15 =	vadd.f32 v41, v60;
	v60 =	vld [tilespmem:s26+$0x20]  }
0x82: {  	v40 =	vld [tilespmem:s26+$0x30];
	v30 =	vmul.f32 v30, v5;
	v56 =	vperm.xlane v17, v2;
	v32 =	vadd.f32 v32, v61  }
0x83: {  	v63 =	vld [tilespmem:s26+$0xFFFFFF90];
	v26 =	vadd.f32 v26, v58;
	v28 =	vadd.f32 v28, v57;
	v37 =	vmul.f32 v37, v4  }
0x84: {  	v12 =	vmov s25;
	v55 =	vld [tilespmem:s26+$0xFFFFFF80];
	v17 =	vadd.f32 v17, v56;
	v32 =	vadd.f32 v49, v32  }
0x85: {  	v61 =	vld [tilespmem:s26+$0xFFFFFF00];
	v26 =	vadd.f32 v33, v26;
	v62 =	vperm.xlane v28, v1;
	v30 =	vadd.f32 v30, v37  }
0x86: {  	v59 =	vmul.f32 v60, v6;
	v32 =	vadd.f32 v19, v32;
	v19 =	vmul.f32 v25, v11;
	v25 =	vld [tilespmem:s26+$0xFFFFFF10]  }
0x87: {  	v22 =	vmul.f32 v22, v9;
	v26 =	vadd.f32 v36, v26;
	v57 =	vadd.f32 v28, v62;
	v28 =	vld [tilespmem:s26+$0xFFFFFFA0]  }
0x88: {  	v41 =	vld [tilespmem:s26+$0xFFFFFED0];
	v63 =	vmul.f32 v63, v5;
	v60 =	vmul.f32 v40, v7;
	v30 =	vadd.f32 v59, v30  }
0x89: {  	v62 =	vmul.f32 v55, v4;
	v32 =	vadd.f32 v48, v32;
	v48 =	vld [tilespmem:s26+$0xFFFFFF20];
	v26 =	vadd.f32 v51, v26  }
0x8a: {  	v35 =	vld [tilespmem:s26+$0xFFFFFDE0];
	v56 =	vmul.f32 v52, v7;
	v58 =	vmul.f32 v47, v8;
	v30 =	vadd.f32 v60, v30  }
0x8b: {  	v52 =	vld [tilespmem:s26+$0xFFFFFEA0];
	v36 =	vmul.f32 v61, v4;
	v40 =	vadd.f32 v63, v62;
	v26 =	vadd.f32 v43, v26  }
0x8c: {  	v51 =	vld [tilespmem:s26+$0xFFFFFE50];
	v25 =	vmul.f32 v25, v5;
	v28 =	vmul.f32 v28, v6;
	v29 =	vadd.f32 v29, v30  }
0x8d: {  	v33 =	vmul.f32 v41, v9;
	v43 =	vld [tilespmem:s26+$0xFFFFFEC0];
	v30 =	vadd.f32 v50, v32;
	v34 =	vadd.f32 v34, v26  }
0x8e: {  	v50 =	vld [tilespmem:s26+$0xFFFFFE30];
	v25 =	vadd.f32 v25, v36;
	v59 =	vmul.f32 v48, v6;
	v28 =	vadd.f32 v28, v40  }
0x8f: {  	v55 =	vld [tilespmem:s26+$0xFFFFFF30];
	v49 =	vperm.xlane v57, v2;
	v29 =	vadd.f32 v54, v29;
	v30 =	vadd.f32 v42, v30  }
0x90: {  	v26 =	vmul.f32 v46, v10;
	v46 =	vld [tilespmem:s26+$0xFFFFFE40];
	v20 =	vadd.f32 v20, v34;
	v25 =	vadd.f32 v59, v25  }
0x91: {  	v47 =	vld [tilespmem:s26+$0xFFFFFEB0];
	v32 =	vmul.f32 v51, v9;
	v28 =	vadd.f32 v56, v28;
	v29 =	vadd.f32 v39, v29  }
0x92: {  	v21 =	vadd.f32 v21, v30;
	v56 =	vld [tilespmem:s26+$0xFFFFFE20];
	v39 =	vmul.f32 v43, v8;
	v30 =	vperm.xlane v20, v0  }
0x93: {  	v37 =	vld [tilespmem:s26+$0xFFFFFDA0];
	v50 =	vmul.f32 v50, v7;
	v28 =	vadd.f32 v58, v28;
	v29 =	vadd.f32 v38, v29  }
0x94: {  	v48 =	vld [tilespmem:s26+$0xFFFFFDC0];
	v60 =	vperm.xlane v21, v0;
	v20 =	vadd.f32 v20, v30;
	v30 =	vmul.f32 v55, v7  }
0x95: {  	v42 =	vld [tilespmem:s26+$0xFFFFFDD0];
	v38 =	vmul.f32 v46, v8;
	v28 =	vadd.f32 v44, v28;
	v61 =	vperm.xlane v29, v0  }
0x96: {  	v36 =	vld [tilespmem:s26+$0xFFFFFC40];
	v21 =	vadd.f32 v21, v60;
	v62 =	vperm.xlane v20, v1;
	v25 =	vadd.f32 v30, v25  }
0x97: {  	v34 =	vld [tilespmem:s26+$0xFFFFFC70];
	v30 =	vmul.f32 v45, v8;
	v56 =	vmul.f32 v56, v6;
	v28 =	vadd.f32 v31, v28  }
0x98: {  	v58 =	vld [tilespmem:s26+$0xFFFFFE80];
	v29 =	vadd.f32 v29, v61;
	v31 =	vperm.xlane v21, v1;
	v63 =	vadd.f32 v20, v62  }
0x99: {  	v59 =	vld [tilespmem:s26+$0xFFFFFE90];
	v20 =	vadd.f32 v30, v25;
	v25 =	vmul.f32 v53, v10;
	v24 =	vadd.f32 v24, v28  }
0x9a: {  	v13 =	vmov s28;
	v40 =	vld [tilespmem:s26+$0xFFFFFC60];
	v30 =	vmul.f32 v42, v9;
	v28 =	vperm.xlane v29, v1  }
0x9b: {  	v54 =	vld [tilespmem:s26+$0xFFFFFC50];
	v31 =	vadd.f32 v21, v31;
	v20 =	vadd.f32 v22, v20;
	v22 =	vperm.xlane v24, v0  }
0x9c: {  	v21 =	vperm.xlane v63, v2;
	v41 =	vadd.f32 v29, v28;
	v29 =	vmul.f32 v34, v11;
	v34 =	vld [tilespmem:s26+$0xFFFFFE10]  }
0x9d: {  	v43 =	vld [tilespmem:s26+$0xFFFFFD80];
	v62 =	vmul.f32 v58, v4;
	v27 =	vadd.f32 v27, v20;
	v22 =	vadd.f32 v24, v22  }
0x9e: {  	v53 =	vperm.xlane v31, v2;
	v21 =	vadd.f32 v63, v21;
	v63 =	vmul.f32 v59, v5;
	v24 =	vld [tilespmem:s26+$0xFFFFFE00]  }
0x9f: {  	v46 =	vld [tilespmem:s26+$0xFFFFFC00];
	v28 =	vmul.f32 v35, v10;
	v27 =	vadd.f32 v23, v27;
	v23 =	vperm.xlane v22, v1  }
0xa0: {  	v55 =	vld [tilespmem:s26+$0xFFFFFDB0];
	v20 =	vadd.f32 v57, v49;
	v60 =	vperm.xlane v41, v2;
	v59 =	vadd.f32 v63, v62  }
0xa1: {  	v44 =	vld [tilespmem:s26+$0xFFFFFD90];
	v61 =	vperm.xlane v27, v0;
	v62 =	vmul.f32 v34, v5;
	v49 =	vadd.f32 v22, v23  }
0xa2: {  	v45 =	vld [tilespmem:s26+$0xFFFFFC20];
	v22 =	vadd.f32 v31, v53;
	v23 =	vadd.f32 v41, v60;
	v60 =	vmul.f32 v52, v6  }
0xa3: {  	v42 =	vld [tilespmem:s26+$0xFFFFFC30];
	v27 =	vadd.f32 v27, v61;
	v61 =	vmul.f32 v24, v4;
	v31 =	vperm.xlane v49, v2  }
0xa4: {  	v34 =	vmul.f32 v48, v8;
	v48 =	vld [tilespmem:s26+$0xFFFFFC80];
	v53 =	vmul.f32 v47, v7;
	v35 =	vadd.f32 v60, v59  }
0xa5: {  	v41 =	vld [tilespmem:s26+$0xFFFFFD00];
	v63 =	vperm.xlane v27, v1;
	v52 =	vadd.f32 v62, v61;
	v24 =	vadd.f32 v49, v31  }
0xa6: {  	s29 =	sadd.s32 $0x1, s29;
	v47 =	vld [tilespmem:s26+$0xFFFFFC10];
	v31 =	vmul.f32 v40, v10;
	v51 =	vadd.f32 v53, v35;
	v35 =	vmul.f32 v54, v9  }
0xa7: {  	s30 =	simm.s32 $0x0;
	s3 =	simm.s32 $0x40;
	s31 =	smov.u32 s26;
	v49 =	vld [tilespmem:s26+$0xFFFFFC90];
	v40 =	vmul.f32 v55, v7;
	v27 =	vadd.f32 v27, v63;
	v52 =	vadd.f32 v56, v52  }
.LBB2_4:
0xa8: {  	p0 =	seq.s32 s3, $0x240;
	v36 =	vmul.f32 v36, v8;
	v53 =	vld [tilespmem:s31+$0xFFFFFD10];
	v37 =	vmul.f32 v37, v6;
	v39 =	vadd.f32 v39, v51  }
0xa9: {  	v42 =	vmul.f32 v42, v7;
	v43 =	vmul.f32 v43, v4;
	v51 =	vld [tilespmem:s31+$0xFFFFFCA0];
	v50 =	vadd.f32 v50, v52  }
0xaa: {  	v45 =	vmul.f32 v45, v6;
	v44 =	vmul.f32 v44, v5;
	v52 =	vld [tilespmem:s31+$0xFFFFFD20];
	v33 =	vadd.f32 v33, v39  }
0xab: {  	v39 =	vmul.f32 v46, v4;
	v46 =	vmul.f32 v47, v5;
	v47 =	vld [tilespmem:s31+$0xFFFFFCB0];
	v38 =	vadd.f32 v38, v50  }
0xac: {  	v48 =	vmul.f32 v48, v4;
	v49 =	vmul.f32 v49, v5;
	v50 =	vld [tilespmem:s31+$0xFFFFFD30];
	v26 =	vadd.f32 v26, v33  }
0xad: {  	v41 =	vmul.f32 v41, v4;
	v33 =	vld [tilespmem:s31+$0xFFFFFCC0];
	v53 =	vmul.f32 v53, v5;
	v32 =	vadd.f32 v32, v38  }
0xae: {  	v38 =	vadd.f32 v46, v39;
	v39 =	vadd.f32 v49, v48;
	v46 =	vmul.f32 v51, v6;
	v48 =	vld [tilespmem:s31+$0xFFFFFD40]  }
0xaf: {  	v43 =	vadd.f32 v44, v43;
	v49 =	vld [tilespmem:s31+$0xFFFFFCD0];
	v41 =	vadd.f32 v53, v41;
	v51 =	vmul.f32 v52, v6  }
0xb0: {  	v38 =	vadd.f32 v45, v38;
	v39 =	vadd.f32 v46, v39;
	v44 =	vmul.f32 v47, v7;
	v45 =	vld [tilespmem:s31+$0xFFFFFD50]  }
0xb1: {  	v37 =	vadd.f32 v37, v43;
	v46 =	vld [tilespmem:s31+$0xFFFFFCE0];
	v41 =	vadd.f32 v51, v41;
	v47 =	vmul.f32 v50, v7  }
0xb2: {  	v38 =	vadd.f32 v42, v38;
	v39 =	vadd.f32 v44, v39;
	v33 =	vmul.f32 v33, v8;
	v42 =	vld [tilespmem:s31+$0xFFFFFD60]  }
0xb3: {  	v37 =	vadd.f32 v40, v37;
	v43 =	vld [tilespmem:s31+$0xFFFFFCF0];
	v41 =	vadd.f32 v47, v41;
	v44 =	vmul.f32 v48, v8  }
0xb4: {  	v36 =	vadd.f32 v36, v38;
	v33 =	vadd.f32 v33, v39;
	v38 =	vmul.f32 v49, v9;
	v39 =	vld [tilespmem:s31+$0xFFFFFD70]  }
0xb5: {  	v34 =	vadd.f32 v34, v37;
	v40 =	vadd.f32 v44, v41;
	v41 =	vmul.f32 v45, v9;
	v37 =	vld [tilespmem:s31+$0xFFFFFDF0]  }
0xb6: {  	v35 =	vadd.f32 v35, v36;
	v33 =	vadd.f32 v38, v33;
	v36 =	vmul.f32 v46, v10  }
0xb7: {  	v30 =	vadd.f32 v30, v34;
	v38 =	vadd.f32 v41, v40;
	v40 =	vmul.f32 v42, v10  }
0xb8: {  	v31 =	vadd.f32 v31, v35;
	v33 =	vadd.f32 v36, v33;
	v34 =	vmul.f32 v43, v11  }
0xb9: {  	v28 =	vadd.f32 v28, v30;
	v35 =	vadd.f32 v40, v38;
	v36 =	vmul.f32 v39, v11  }
0xba: {  	v29 =	vadd.f32 v29, v31;
	v30 =	vadd.f32 v34, v33;
	v31 =	vmul.f32 v37, v11  }
0xbb: {  	v25 =	vadd.f32 v25, v32;
	v32 =	vperm.xlane v27, v2;
	v33 =	vadd.f32 v36, v35  }
0xbc: {  	v34 =	vperm.xlane v29, v0;
	v35 =	vperm.xlane v30, v0;
	v28 =	vadd.f32 v31, v28  }
0xbd: {  	v18 =	vadd.f32 v18, v26;
	v19 =	vadd.f32 v19, v25;
	v31 =	vperm.xlane v33, v0  }
0xbe: {  	v25 =	vadd.f32 v29, v34;
	v26 =	vadd.f32 v30, v35;
	v29 =	vperm.xlane v28, v0  }
0xbf: {  	v30 =	vadd.f32 v33, v31;
	v31 =	vperm.xlane v19, v0;
	v33 =	vperm.xlane v18, v0  }
0xc0: {  	v34 =	vperm.xlane v25, v1;
	v35 =	vperm.xlane v26, v1;
	v28 =	vadd.f32 v28, v29  }
0xc1: {  	v29 =	vperm.xlane v30, v1;
	v19 =	vadd.f32 v19, v31;
	v18 =	vadd.f32 v18, v33  }
0xc2: {  	v25 =	vadd.f32 v25, v34;
	v26 =	vadd.f32 v26, v35;
	v31 =	vperm.xlane v28, v1  }
0xc3: {  	v29 =	vadd.f32 v30, v29;
	v30 =	vperm.xlane v19, v1;
	v33 =	vperm.xlane v18, v1  }
0xc4: {  	v34 =	vperm.xlane v25, v2;
	v35 =	vperm.xlane v26, v2;
	v28 =	vadd.f32 v28, v31  }
0xc5: {  	v31 =	vperm.xlane v29, v2;
	v19 =	vadd.f32 v19, v30;
	v18 =	vadd.f32 v18, v33  }
0xc6: {  	v25 =	vadd.f32 v25, v34;
	v26 =	vadd.f32 v26, v35;
	v30 =	vperm.xlane v28, v2  }
0xc7: {  	v29 =	vadd.f32 v29, v31;
	v31 =	vperm.xlane v19, v2;
	v33 =	vperm.xlane v18, v2  }
0xc8: {  	v34 =	vperm.xlane v25, v3;
	v35 =	vperm.xlane v26, v3;
	v28 =	vadd.f32 v28, v30  }
0xc9: {  	v30 =	vperm.xlane v29, v3;
	v19 =	vadd.f32 v19, v31;
	v18 =	vadd.f32 v18, v33  }
0xca: {  	v25 =	vadd.f32 v25, v34;
	v26 =	vadd.f32 v26, v35;
	v31 =	vperm.xlane v28, v3  }
0xcb: {  	v27 =	vadd.f32 v27, v32;
	v29 =	vadd.f32 v29, v30;
	v30 =	vperm.xlane v19, v3  }
0xcc: {  	v25 =	vsel vm0, v25, v26;
	v26 =	vadd.f32 v28, v31;
	v28 =	vperm.xlane v18, v3  }
0xcd: {  	v25 =	vsel vm1, v25, v29;
	v19 =	vadd.f32 v19, v30;
	v29 =	vperm.xlane v27, v3  }
0xce: {  	v25 =	vsel vm2, v25, v26;
	v18 =	vadd.f32 v18, v28;
	v26 =	vperm.xlane v24, v3  }
0xcf: {  	v19 =	vsel vm3, v25, v19;
	v25 =	vadd.f32 v27, v29;
	v27 =	vperm.xlane v23, v3  }
0xd0: {  	v18 =	vsel vm4, v19, v18;
	v19 =	vadd.f32 v24, v26;
	v24 =	vperm.xlane v22, v3  }
0xd1: {  	v18 =	vsel vm5, v18, v25;
	v23 =	vadd.f32 v23, v27;
	v25 =	vperm.xlane v21, v3  }
0xd2: {  	v18 =	vsel vm6, v18, v19;
	v19 =	vadd.f32 v22, v24;
	v22 =	vperm.xlane v20, v3  }
0xd3: {  	v18 =	vsel vm7, v18, v23;
	v21 =	vadd.f32 v21, v25;
	v23 =	vperm.xlane v17, v3  }
0xd4: {  	s2 =	sshra.s32 s30, $0x2;
	s30 =	smov.u32 s3;
	v18 =	vsel vm8, v18, v19;
	v19 =	vadd.f32 v20, v22;
	v20 =	vperm.xlane v16, v3  }
0xd5: {  	v18 =	vsel vm9, v18, v21;
	v17 =	vadd.f32 v17, v23;
	v21 =	vperm.xlane v15, v3;
	v22 =	vld.idx.msk [tilespmem:v12+s2+$0x0 ss:$0x1], $0xffff  }
0xd6: {  	v18 =	vsel vm10, v18, v19;
	v16 =	vadd.f32 v16, v20;
	v19 =	vperm.xlane v14, v3  }
0xd7: {  	v17 =	vsel vm11, v18, v17;
	v15 =	vadd.f32 v15, v21  }
0xd8: {  	v16 =	vsel vm12, v17, v16;
	v14 =	vadd.f32 v14, v19  }
0xd9: {  	v15 =	vsel vm13, v16, v15  }
0xda: {  	v14 =	vsel vm14, v15, v14  }
0xdb: {  	v14 =	vadd.f32 v14, v22;
	_ =	sdelay $0x1  }
0xdc: {  	s31 =	sadd.s32 $0x800, s31;
	[tilespmem:v13+s2+$0x0 ss:$0x1] =	vst.idx.msk $0xffff, v14  }
0xdd: {  	v15 =	vld [tilespmem:s31+$0x3F0]  }
0xde: {  	v19 =	vld [tilespmem:s31+$0x370]  }
0xdf: {  	v20 =	vld [tilespmem:s31+$0x3E0]  }
0xe0: {  	v21 =	vld [tilespmem:s31+$0x2F0]  }
0xe1: {  	v22 =	vld [tilespmem:s31+$0x360]  }
0xe2: {  	v23 =	vld [tilespmem:s31+$0x3D0]  }
0xe3: {  	v24 =	vld [tilespmem:s31+$0x270]  }
0xe4: {  	v25 =	vld [tilespmem:s31+$0x2E0]  }
0xe5: {  	v26 =	vld [tilespmem:s31+$0x350]  }
0xe6: {  	v27 =	vld [tilespmem:s31+$0x3C0]  }
0xe7: {  	v28 =	vld [tilespmem:s31+$0x1F0]  }
0xe8: {  	v29 =	vld [tilespmem:s31+$0x260]  }
0xe9: {  	v30 =	vld [tilespmem:s31+$0x2D0]  }
0xea: {  	v31 =	vld [tilespmem:s31+$0x340]  }
0xeb: {  	v32 =	vld [tilespmem:s31+$0x3B0]  }
0xec: {  	v33 =	vld [tilespmem:s31+$0x170]  }
0xed: {  	v34 =	vld [tilespmem:s31+$0x1E0]  }
0xee: {  	v35 =	vld [tilespmem:s31+$0x250]  }
0xef: {  	v36 =	vld [tilespmem:s31+$0x2C0]  }
0xf0: {  	v37 =	vld [tilespmem:s31+$0x330]  }
0xf1: {  	v38 =	vld [tilespmem:s31+$0x3A0]  }
0xf2: {  	v39 =	vld [tilespmem:s31+$0xF0]  }
0xf3: {  	v40 =	vld [tilespmem:s31+$0x160]  }
0xf4: {  	v41 =	vld [tilespmem:s31+$0x1D0]  }
0xf5: {  	v42 =	vld [tilespmem:s31+$0x240]  }
0xf6: {  	v43 =	vld [tilespmem:s31+$0x2B0]  }
0xf7: {  	v44 =	vld [tilespmem:s31+$0x320]  }
0xf8: {  	v45 =	vld [tilespmem:s31+$0x380]  }
0xf9: {  	v46 =	vld [tilespmem:s31+$0x390]  }
0xfa: {  	v17 =	vld [tilespmem:s31+$0x70]  }
0xfb: {  	v16 =	vld [tilespmem:s31+$0xE0]  }
0xfc: {  	v14 =	vld [tilespmem:s31+$0x150]  }
0xfd: {  	v47 =	vmul.f32 v15, v11;
	v18 =	vld [tilespmem:s31+$0x1C0]  }
0xfe: {  	v49 =	vmul.f32 v19, v11;
	v50 =	vmul.f32 v20, v10;
	v48 =	vld [tilespmem:s31+$0x230]  }
0xff: {  	v15 =	vmul.f32 v45, v4;
	v19 =	vmul.f32 v46, v5;
	v51 =	vld [tilespmem:s31+$0x2A0]  }
0x100: {  	v22 =	vmul.f32 v22, v10;
	v45 =	vmul.f32 v21, v11;
	v20 =	vld [tilespmem:s31+$0x300]  }
0x101: {  	v38 =	vmul.f32 v38, v6;
	v46 =	vmul.f32 v23, v9;
	v15 =	vadd.f32 v19, v15;
	v21 =	vld [tilespmem:s31+$0x310]  }
0x102: {  	v24 =	vmul.f32 v24, v11;
	v52 =	vmul.f32 v25, v10;
	v19 =	vld [tilespmem:s31+$0xFFFFFFF0]  }
0x103: {  	v26 =	vmul.f32 v26, v9;
	v32 =	vmul.f32 v32, v7;
	v38 =	vadd.f32 v38, v15;
	v25 =	vld [tilespmem:s31+$0x280]  }
0x104: {  	v27 =	vmul.f32 v27, v8;
	v15 =	vmul.f32 v28, v11;
	v28 =	vld [tilespmem:s31+$0x290]  }
0x105: {  	v29 =	vmul.f32 v29, v10;
	v30 =	vmul.f32 v30, v9;
	v32 =	vadd.f32 v32, v38;
	v23 =	vld [tilespmem:s31+$0x60]  }
0x106: {  	v53 =	vmul.f32 v20, v4;
	v38 =	vld [tilespmem:s31+$0x200];
	v21 =	vmul.f32 v21, v5  }
0x107: {  	v31 =	vmul.f32 v31, v8;
	v20 =	vmul.f32 v33, v11;
	v27 =	vadd.f32 v27, v32;
	v33 =	vld [tilespmem:s31+$0x210]  }
0x108: {  	v34 =	vmul.f32 v34, v10;
	v44 =	vmul.f32 v44, v6;
	v32 =	vld [tilespmem:s31+$0xD0];
	v21 =	vadd.f32 v21, v53  }
0x109: {  	v25 =	vmul.f32 v25, v4;
	v27 =	vadd.f32 v46, v27;
	v53 =	vld [tilespmem:s31+$0x220];
	v28 =	vmul.f32 v28, v5  }
0x10a: {  	v35 =	vmul.f32 v35, v9;
	v37 =	vmul.f32 v37, v7;
	v46 =	vld [tilespmem:s31+$0x140];
	v21 =	vadd.f32 v44, v21  }
0x10b: {  	v27 =	vadd.f32 v50, v27;
	v44 =	vld [tilespmem:s31+$0x1B0];
	v25 =	vadd.f32 v28, v25;
	v28 =	vmul.f32 v51, v6  }
0x10c: {  	v38 =	vmul.f32 v38, v4;
	v50 =	vld [tilespmem:s31+$0xFFFFFF70];
	v33 =	vmul.f32 v33, v5;
	v21 =	vadd.f32 v37, v21  }
0x10d: {  	v27 =	vadd.f32 v47, v27;
	v37 =	vld [tilespmem:s31+$0xFFFFFFE0];
	v25 =	vadd.f32 v28, v25;
	v28 =	vmul.f32 v43, v7  }
0x10e: {  	v43 =	vld [tilespmem:s31+$0x50];
	v33 =	vadd.f32 v33, v38;
	v38 =	vmul.f32 v53, v6;
	v21 =	vadd.f32 v31, v21  }
0x10f: {  	v31 =	vld [tilespmem:s31+$0x180];
	v25 =	vadd.f32 v28, v25;
	v28 =	vmul.f32 v36, v8;
	v36 =	vperm.xlane v27, v0  }
0x110: {  	v47 =	vld [tilespmem:s31+$0x190];
	v33 =	vadd.f32 v38, v33;
	v38 =	vmul.f32 v48, v7;
	v26 =	vadd.f32 v26, v21  }
0x111: {  	v21 =	vmul.f32 v39, v11;
	v48 =	vld [tilespmem:s31+$0xC0];
	v28 =	vadd.f32 v28, v25;
	v27 =	vadd.f32 v27, v36  }
0x112: {  	v36 =	vld [tilespmem:s31+$0x1A0];
	v33 =	vadd.f32 v38, v33;
	v38 =	vmul.f32 v42, v8;
	v22 =	vadd.f32 v22, v26  }
0x113: {  	v39 =	vmul.f32 v41, v9;
	v25 =	vmul.f32 v40, v10;
	v26 =	vld [tilespmem:s31+$0x130];
	v28 =	vadd.f32 v30, v28  }
0x114: {  	v30 =	vld [tilespmem:s31+$0xFFFFFEF0];
	v33 =	vadd.f32 v38, v33;
	v22 =	vadd.f32 v49, v22;
	v38 =	vperm.xlane v27, v1  }
0x115: {  	v31 =	vmul.f32 v31, v4;
	v40 =	vld [tilespmem:s31+$0xFFFFFF60];
	v41 =	vmul.f32 v47, v5;
	v28 =	vadd.f32 v52, v28  }
0x116: {  	v42 =	vld [tilespmem:s31+$0xFFFFFFD0];
	v33 =	vadd.f32 v35, v33;
	v35 =	vperm.xlane v22, v0;
	v38 =	vadd.f32 v27, v38  }
0x117: {  	v47 =	vld [tilespmem:s31+$0x40];
	v27 =	vadd.f32 v41, v31;
	v31 =	vmul.f32 v36, v6;
	v28 =	vadd.f32 v45, v28  }
0x118: {  	v36 =	vld [tilespmem:s31+$0xB0];
	v29 =	vadd.f32 v29, v33;
	v33 =	vadd.f32 v22, v35;
	v35 =	vperm.xlane v38, v2  }
0x119: {  	v41 =	vld [tilespmem:s31+$0x120];
	v22 =	vadd.f32 v31, v27;
	v31 =	vmul.f32 v44, v7;
	v44 =	vperm.xlane v28, v0  }
0x11a: {  	v27 =	vmul.f32 v17, v11;
	v45 =	vld [tilespmem:s31+$0xFFFFFE70];
	v17 =	vadd.f32 v24, v29;
	v24 =	vperm.xlane v33, v1  }
0x11b: {  	v18 =	vmul.f32 v18, v8;
	v49 =	vld [tilespmem:s31+$0xFFFFFEE0];
	v29 =	vadd.f32 v31, v22;
	v28 =	vadd.f32 v28, v44  }
0x11c: {  	v44 =	vmul.f32 v16, v10;
	v22 =	vld [tilespmem:s31+$0xFFFFFF50];
	v16 =	vperm.xlane v17, v0;
	v33 =	vadd.f32 v33, v24  }
0x11d: {  	v52 =	vmul.f32 v14, v9;
	v51 =	vld [tilespmem:s31+$0xFFFFFFC0];
	v14 =	vadd.f32 v18, v29;
	v18 =	vperm.xlane v28, v1  }
0x11e: {  	v24 =	vmul.f32 v19, v11;
	v19 =	vld [tilespmem:s31+$0x30];
	v16 =	vadd.f32 v17, v16;
	v17 =	vperm.xlane v33, v2  }
0x11f: {  	v53 =	vmul.f32 v23, v10;
	v54 =	vld [tilespmem:s31+$0xA0];
	v14 =	vadd.f32 v39, v14;
	v39 =	vadd.f32 v28, v18  }
0x120: {  	v32 =	vmul.f32 v32, v9;
	v29 =	vld [tilespmem:s31+$0x100];
	v18 =	vperm.xlane v16, v1  }
0x121: {  	v46 =	vmul.f32 v46, v8;
	v55 =	vld [tilespmem:s31+$0x110];
	v14 =	vadd.f32 v34, v14;
	v34 =	vperm.xlane v39, v2  }
0x122: {  	v23 =	vmul.f32 v50, v11;
	v31 =	vmul.f32 v37, v10;
	v28 =	vld [tilespmem:s31+$0xFFFFFE60];
	v37 =	vadd.f32 v16, v18  }
0x123: {  	v43 =	vmul.f32 v43, v9;
	v48 =	vmul.f32 v48, v8;
	v50 =	vld [tilespmem:s31+$0x80];
	v56 =	vadd.f32 v15, v14  }
0x124: {  	v26 =	vmul.f32 v26, v7;
	v57 =	vld [tilespmem:s31+$0x90];
	v58 =	vperm.xlane v37, v2  }
0x125: {  	v18 =	vmul.f32 v30, v11;
	v14 =	vadd.f32 v38, v35;
	v59 =	vld [tilespmem:s31+$0x0];
	v60 =	vperm.xlane v56, v0  }
0x126: {  	v15 =	vadd.f32 v33, v17;
	v38 =	vmul.f32 v29, v4;
	v35 =	vld [tilespmem:s31+$0x10];
	v55 =	vmul.f32 v55, v5  }
0x127: {  	v33 =	vmul.f32 v42, v9;
	v16 =	vadd.f32 v39, v34;
	v29 =	vmul.f32 v40, v10;
	v30 =	vld [tilespmem:s31+$0xFFFFFED0]  }
0x128: {  	v39 =	vmul.f32 v41, v6;
	v40 =	vadd.f32 v56, v60;
	v34 =	vld [tilespmem:s31+$0x20];
	v38 =	vadd.f32 v55, v38  }
0x129: {  	v17 =	vadd.f32 v37, v58;
	v42 =	vmul.f32 v50, v4;
	v41 =	vld [tilespmem:s31+$0xFFFFFF40];
	v50 =	vmul.f32 v57, v5  }
0x12a: {  	v54 =	vmul.f32 v54, v6;
	v37 =	vld [tilespmem:s31+$0xFFFFFF80];
	v38 =	vadd.f32 v39, v38;
	v39 =	vperm.xlane v40, v1  }
0x12b: {  	v56 =	vmul.f32 v59, v4;
	v55 =	vld [tilespmem:s31+$0xFFFFFF90];
	v35 =	vmul.f32 v35, v5;
	v42 =	vadd.f32 v50, v42  }
0x12c: {  	v36 =	vmul.f32 v36, v7;
	v50 =	vld [tilespmem:s31+$0xFFFFFFB0];
	v26 =	vadd.f32 v26, v38;
	v38 =	vadd.f32 v40, v39  }
0x12d: {  	v39 =	vld [tilespmem:s31+$0xFFFFFFA0];
	v35 =	vadd.f32 v35, v56;
	v34 =	vmul.f32 v34, v6;
	v40 =	vadd.f32 v54, v42  }
0x12e: {  	v47 =	vmul.f32 v47, v8;
	v42 =	vld [tilespmem:s31+$0xFFFFFDE0];
	v26 =	vadd.f32 v46, v26;
	v46 =	vperm.xlane v38, v2  }
0x12f: {  	v54 =	vld [tilespmem:s31+$0xFFFFFE50];
	v34 =	vadd.f32 v34, v35;
	v35 =	vmul.f32 v19, v7;
	v36 =	vadd.f32 v36, v40  }
0x130: {  	v37 =	vmul.f32 v37, v4;
	v40 =	vld [tilespmem:s31+$0xFFFFFF00];
	v55 =	vmul.f32 v55, v5;
	v26 =	vadd.f32 v52, v26  }
0x131: {  	v19 =	vmul.f32 v45, v11;
	v45 =	vld [tilespmem:s31+$0xFFFFFF10];
	v34 =	vadd.f32 v35, v34;
	v35 =	vadd.f32 v48, v36  }
0x132: {  	v48 =	vld [tilespmem:s31+$0xFFFFFEC0];
	v36 =	vadd.f32 v55, v37;
	v37 =	vmul.f32 v39, v6;
	v25 =	vadd.f32 v25, v26  }
0x133: {  	v26 =	vmul.f32 v49, v10;
	v39 =	vld [tilespmem:s31+$0xFFFFFF20];
	v34 =	vadd.f32 v47, v34;
	v32 =	vadd.f32 v32, v35  }
0x134: {  	v35 =	vld [tilespmem:s31+$0xFFFFFF30];
	v36 =	vadd.f32 v37, v36;
	v37 =	vmul.f32 v50, v7;
	v20 =	vadd.f32 v20, v25  }
0x135: {  	v25 =	vmul.f32 v51, v8;
	v47 =	vld [tilespmem:s31+$0xFFFFFC70];
	v34 =	vadd.f32 v43, v34;
	v32 =	vadd.f32 v44, v32  }
0x136: {  	v40 =	vmul.f32 v40, v4;
	v43 =	vld [tilespmem:s31+$0xFFFFFDD0];
	v44 =	vmul.f32 v45, v5;
	v36 =	vadd.f32 v37, v36  }
0x137: {  	v45 =	vld [tilespmem:s31+$0xFFFFFE40];
	v34 =	vadd.f32 v53, v34;
	v21 =	vadd.f32 v21, v32;
	v32 =	vperm.xlane v20, v0  }
0x138: {  	v49 =	vld [tilespmem:s31+$0xFFFFFEB0];
	v37 =	vadd.f32 v44, v40;
	v39 =	vmul.f32 v39, v6;
	v25 =	vadd.f32 v25, v36  }
0x139: {  	v40 =	vld [tilespmem:s31+$0xFFFFFC60];
	v27 =	vadd.f32 v27, v34;
	v34 =	vperm.xlane v21, v0;
	v20 =	vadd.f32 v20, v32  }
0x13a: {  	v35 =	vmul.f32 v35, v7;
	v50 =	vld [tilespmem:s31+$0xFFFFFDC0];
	v32 =	vadd.f32 v39, v37;
	v25 =	vadd.f32 v33, v25  }
0x13b: {  	v51 =	vld [tilespmem:s31+$0xFFFFFE30];
	v33 =	vperm.xlane v27, v0;
	v21 =	vadd.f32 v21, v34;
	v34 =	vperm.xlane v20, v1  }
0x13c: {  	v52 =	vld [tilespmem:s31+$0xFFFFFEA0];
	v32 =	vadd.f32 v35, v32;
	v35 =	vmul.f32 v41, v8;
	v25 =	vadd.f32 v31, v25  }
0x13d: {  	v53 =	vld [tilespmem:s31+$0xFFFFFC50];
	v27 =	vadd.f32 v27, v33;
	v31 =	vperm.xlane v21, v1;
	v34 =	vadd.f32 v20, v34  }
0x13e: {  	v22 =	vmul.f32 v22, v9;
	v55 =	vld [tilespmem:s31+$0xFFFFFDB0];
	v20 =	vadd.f32 v35, v32;
	v24 =	vadd.f32 v24, v25  }
0x13f: {  	v35 =	vld [tilespmem:s31+$0xFFFFFE20];
	v32 =	vperm.xlane v27, v1;
	v31 =	vadd.f32 v21, v31;
	v21 =	vperm.xlane v34, v2  }
0x140: {  	v25 =	vmul.f32 v28, v10;
	v41 =	vld [tilespmem:s31+$0xFFFFFE80];
	v20 =	vadd.f32 v22, v20;
	v22 =	vperm.xlane v24, v0  }
0x141: {  	v33 =	vmul.f32 v30, v9;
	v44 =	vld [tilespmem:s31+$0xFFFFFE90];
	v27 =	vadd.f32 v27, v32;
	v56 =	vperm.xlane v31, v2  }
0x142: {  	v28 =	vmul.f32 v42, v10;
	v36 =	vld [tilespmem:s31+$0xFFFFFC40];
	v29 =	vadd.f32 v29, v20;
	v22 =	vadd.f32 v24, v22  }
0x143: {  	v39 =	vmul.f32 v48, v8;
	v32 =	vmul.f32 v54, v9;
	v20 =	vadd.f32 v38, v46;
	v37 =	vld [tilespmem:s31+$0xFFFFFDA0]  }
0x144: {  	v48 =	vperm.xlane v27, v2;
	v24 =	vld [tilespmem:s31+$0xFFFFFE00];
	v46 =	vadd.f32 v23, v29;
	v23 =	vperm.xlane v22, v1  }
0x145: {  	v30 =	vmul.f32 v43, v9;
	v21 =	vadd.f32 v34, v21;
	v29 =	vmul.f32 v47, v11;
	v47 =	vld [tilespmem:s31+$0xFFFFFE10]  }
0x146: {  	v38 =	vmul.f32 v45, v8;
	v42 =	vld [tilespmem:s31+$0xFFFFFC30];
	v34 =	vperm.xlane v46, v0;
	v54 =	vadd.f32 v22, v23  }
0x147: {  	v41 =	vmul.f32 v41, v4;
	v57 =	vmul.f32 v44, v5;
	v22 =	vadd.f32 v31, v56;
	v43 =	vld [tilespmem:s31+$0xFFFFFD80]  }
0x148: {  	v49 =	vmul.f32 v49, v7;
	v23 =	vadd.f32 v27, v48;
	v44 =	vld [tilespmem:s31+$0xFFFFFD90];
	v31 =	vperm.xlane v54, v2  }
0x149: {  	v48 =	vmul.f32 v52, v6;
	v27 =	vadd.f32 v57, v41;
	v52 =	vadd.f32 v46, v34;
	v45 =	vld [tilespmem:s31+$0xFFFFFC20]  }
.Ltmp0:
0x14a: {  	v56 =	vmul.f32 v24, v4;
	v41 =	vld [tilespmem:s31+$0xFFFFFD00];
	v57 =	vmul.f32 v47, v5;
	v24 =	vadd.f32 v54, v31;
	(pc) =	sbr.rel @!p0 .LBB2_4-.Ltmp0, $4  }
0x14b: {  	v31 =	vmul.f32 v40, v10;
	v27 =	vadd.f32 v48, v27;
	v40 =	vperm.xlane v52, v1;
	v46 =	vld [tilespmem:s31+$0xFFFFFC00]  }
0x14c: {  	v34 =	vmul.f32 v50, v8;
	v47 =	vld [tilespmem:s31+$0xFFFFFC10];
	v54 =	vadd.f32 v57, v56;
	v56 =	vmul.f32 v35, v6  }
0x14d: {  	v50 =	vmul.f32 v51, v7;
	v51 =	vadd.f32 v49, v27;
	v27 =	vadd.f32 v52, v40;
	v48 =	vld [tilespmem:s31+$0xFFFFFC80]  }
0x14e: {  	s3 =	sadd.s32 $0x40, s3;
	v35 =	vmul.f32 v53, v9;
	v40 =	vmul.f32 v55, v7;
	v49 =	vld [tilespmem:s31+$0xFFFFFC90];
	v52 =	vadd.f32 v56, v54  }
0x14f: {  	v36 =	vmul.f32 v36, v8;
	v37 =	vmul.f32 v37, v6  }
0x150: {  	v53 =	vld [tilespmem:s31+$0xFFFFFD10];
	v42 =	vmul.f32 v42, v7;
	v43 =	vmul.f32 v43, v4  }
0x151: {  	v39 =	vadd.f32 v39, v51;
	v62 =	vld [tilespmem:s31+$0xFFFFFCA0];
	v45 =	vmul.f32 v45, v6;
	v44 =	vmul.f32 v44, v5  }
0x152: {  	v41 =	vmul.f32 v41, v4;
	v50 =	vadd.f32 v50, v52;
	v52 =	vld [tilespmem:s31+$0xFFFFFD20];
	v63 =	vmul.f32 v46, v4  }
0x153: {  	v57 =	vld [tilespmem:s31+$0xFFFFFCB0];
	v33 =	vadd.f32 v33, v39;
	v56 =	vmul.f32 v47, v5;
	v43 =	vadd.f32 v44, v43  }
0x154: {  	v58 =	vld [tilespmem:s31+$0xFFFFFD30];
	v38 =	vadd.f32 v38, v50;
	v48 =	vmul.f32 v48, v4;
	v49 =	vmul.f32 v49, v5  }
0x155: {  	v26 =	vadd.f32 v26, v33;
	v33 =	vld [tilespmem:s31+$0xFFFFFCC0];
	v59 =	vadd.f32 v56, v63;
	v53 =	vmul.f32 v53, v5  }
0x156: {  	v37 =	vadd.f32 v37, v43;
	v61 =	vmul.f32 v62, v6;
	v62 =	vld [tilespmem:s31+$0xFFFFFD40];
	v60 =	vadd.f32 v49, v48  }
0x157: {  	v63 =	vld [tilespmem:s31+$0xFFFFFCD0];
	v32 =	vadd.f32 v32, v38;
	v54 =	vmul.f32 v52, v6;
	v41 =	vadd.f32 v53, v41  }
0x158: {  	v56 =	vld [tilespmem:s31+$0xFFFFFD50];
	v55 =	vmul.f32 v57, v7;
	v38 =	vadd.f32 v45, v59;
	v39 =	vadd.f32 v61, v60  }
0x159: {  	v57 =	vld [tilespmem:s31+$0xFFFFFCE0];
	v58 =	vmul.f32 v58, v7;
	v37 =	vadd.f32 v40, v37;
	v41 =	vadd.f32 v54, v41  }
0x15a: {  	v59 =	vld [tilespmem:s31+$0xFFFFFD60];
	v38 =	vadd.f32 v42, v38;
	v33 =	vmul.f32 v33, v8;
	v39 =	vadd.f32 v55, v39  }
0x15b: {  	v18 =	vadd.f32 v18, v26;
	v60 =	vld [tilespmem:s31+$0xFFFFFCF0];
	v61 =	vmul.f32 v62, v8;
	v41 =	vadd.f32 v58, v41  }
0x15c: {  	v36 =	vadd.f32 v36, v38;
	v62 =	vmul.f32 v63, v9;
	v63 =	vld [tilespmem:s31+$0xFFFFFD70];
	v33 =	vadd.f32 v33, v39  }
0x15d: {  	v47 =	vld [tilespmem:s31+$0xFFFFFDF0];
	v34 =	vadd.f32 v34, v37;
	v45 =	vmul.f32 v56, v9;
	v44 =	vadd.f32 v61, v41  }
0x15e: {  	v48 =	vmul.f32 v57, v10;
	v35 =	vadd.f32 v35, v36;
	v33 =	vadd.f32 v62, v33  }
0x15f: {  	v30 =	vadd.f32 v30, v34;
	v50 =	vmul.f32 v59, v10;
	v49 =	vadd.f32 v45, v44  }
0x160: {  	v51 =	vmul.f32 v60, v11;
	v31 =	vadd.f32 v31, v35;
	v33 =	vadd.f32 v48, v33  }
0x161: {  	v28 =	vadd.f32 v28, v30;
	v53 =	vmul.f32 v63, v11;
	v52 =	vadd.f32 v50, v49  }
0x162: {  	v55 =	vmul.f32 v47, v11;
	v29 =	vadd.f32 v29, v31;
	v54 =	vadd.f32 v51, v33  }
0x163: {  	v25 =	vadd.f32 v25, v32;
	v56 =	vadd.f32 v53, v52  }
0x164: {  	v28 =	vadd.f32 v55, v28;
	v58 =	vperm.xlane v29, v0;
	v59 =	vperm.xlane v54, v0  }
0x165: {  	v19 =	vadd.f32 v19, v25;
	v57 =	vperm.xlane v27, v2;
	v60 =	vperm.xlane v56, v0  }
0x166: {  	v63 =	vperm.xlane v28, v0;
	v61 =	vadd.f32 v29, v58;
	v62 =	vadd.f32 v54, v59  }
0x167: {  	v38 =	vperm.xlane v18, v0;
	v37 =	vperm.xlane v19, v0;
	v36 =	vadd.f32 v56, v60  }
0x168: {  	v28 =	vadd.f32 v28, v63;
	v34 =	vperm.xlane v61, v1;
	v35 =	vperm.xlane v62, v1  }
0x169: {  	v18 =	vadd.f32 v18, v38;
	v19 =	vadd.f32 v19, v37;
	v39 =	vperm.xlane v36, v1  }
0x16a: {  	v40 =	vperm.xlane v28, v1;
	v25 =	vadd.f32 v61, v34;
	v26 =	vadd.f32 v62, v35  }
0x16b: {  	v41 =	vperm.xlane v19, v1;
	v33 =	vperm.xlane v18, v1;
	v29 =	vadd.f32 v36, v39  }
0x16c: {  	v28 =	vadd.f32 v28, v40;
	v34 =	vperm.xlane v25, v2;
	v35 =	vperm.xlane v26, v2  }
0x16d: {  	v19 =	vadd.f32 v19, v41;
	v18 =	vadd.f32 v18, v33;
	v42 =	vperm.xlane v29, v2  }
0x16e: {  	v43 =	vperm.xlane v28, v2;
	v25 =	vadd.f32 v25, v34;
	v26 =	vadd.f32 v26, v35  }
0x16f: {  	v44 =	vperm.xlane v19, v2;
	v33 =	vperm.xlane v18, v2;
	v29 =	vadd.f32 v29, v42  }
0x170: {  	v28 =	vadd.f32 v28, v43;
	v34 =	vperm.xlane v25, v3;
	v35 =	vperm.xlane v26, v3  }
0x171: {  	v19 =	vadd.f32 v19, v44;
	v18 =	vadd.f32 v18, v33;
	v45 =	vperm.xlane v29, v3  }
0x172: {  	v46 =	vperm.xlane v28, v3;
	v25 =	vadd.f32 v25, v34;
	v26 =	vadd.f32 v26, v35  }
0x173: {  	v27 =	vadd.f32 v27, v57;
	v47 =	vperm.xlane v19, v3;
	v29 =	vadd.f32 v29, v45  }
0x174: {  	v49 =	vperm.xlane v18, v3;
	v48 =	vadd.f32 v28, v46;
	v25 =	vsel vm0, v25, v26  }
0x175: {  	v50 =	vperm.xlane v27, v3;
	v19 =	vadd.f32 v19, v47;
	v25 =	vsel vm1, v25, v29  }
0x176: {  	v51 =	vperm.xlane v24, v3;
	v18 =	vadd.f32 v18, v49;
	v25 =	vsel vm2, v25, v48  }
0x177: {  	v52 =	vadd.f32 v27, v50;
	v53 =	vperm.xlane v23, v3;
	v19 =	vsel vm3, v25, v19  }
0x178: {  	v55 =	vperm.xlane v22, v3;
	v54 =	vadd.f32 v24, v51;
	v18 =	vsel vm4, v19, v18  }
0x179: {  	v23 =	vadd.f32 v23, v53;
	v56 =	vperm.xlane v21, v3;
	v18 =	vsel vm5, v18, v52  }
0x17a: {  	v57 =	vadd.f32 v22, v55;
	v58 =	vperm.xlane v20, v3;
	v18 =	vsel vm6, v18, v54  }
0x17b: {  	v59 =	vperm.xlane v17, v3;
	v21 =	vadd.f32 v21, v56;
	v18 =	vsel vm7, v18, v23  }
0x17c: {  	v60 =	vadd.f32 v20, v58;
	v61 =	vperm.xlane v16, v3;
	v18 =	vsel vm8, v18, v57  }
0x17d: {  	s2 =	sshra.s32 s30, $0x2;
	v17 =	vadd.f32 v17, v59;
	v62 =	vperm.xlane v15, v3;
	v18 =	vsel vm9, v18, v21  }
0x17e: {  	v12 =	vld.idx.msk [tilespmem:v12+s2+$0x0 ss:$0x1], $0xffff;
	v63 =	vperm.xlane v14, v3;
	v16 =	vadd.f32 v16, v61;
	v18 =	vsel vm10, v18, v60  }
0x17f: {  	v15 =	vadd.f32 v15, v62;
	v17 =	vsel vm11, v18, v17  }
0x180: {  	v14 =	vadd.f32 v14, v63;
	v16 =	vsel vm12, v17, v16  }
0x181: {  	v15 =	vsel vm13, v16, v15  }
0x182: {  	v14 =	vsel vm14, v15, v14  }
0x183: {  	v12 =	vadd.f32 v14, v12;
	_ =	sdelay $0x1  }
0x184: {  	[tilespmem:v13+s2+$0x0 ss:$0x1] =	vst.idx.msk $0xffff, v12  }
0x185: {  	p0 =	seq.s32 s29, $0x5  }
.Ltmp1:
0x186: {  	_ = 	snop;
	(pc) =	sbr.rel @!p0 .LBB2_3-.Ltmp1, $2  }
0x187: {  	_ =	sdelay $0x2  }
0x188: {  	s25 =	sadd.s32 $0xA0, s25;
	s28 =	sadd.s32 $0xA0, s28;
	s26 =	sadd.s32 $0x5000, s26  }
0x189: {  	s24 =	sadd.s32 $0x1, s24  }
0x18a: {  	p0 =	sne.s32 s24, s12  }
.Ltmp2:
0x18b: {  	_ = 	snop;
	(pc) =	sbr.rel @p0 .LBB2_1-.Ltmp2, $4  }
0x18c: {  	[hbm4b:s11+s15] =	stream.strided.scatter [tilespmem:s23], [sflag:$0x3], $0x380, s22, s15, $0x38;
	[tilespmem:$0x19800] =	vst v63  }
0x18d: {  	_ =	swait.ge [sflag:s13], $0x380  }
0x18e: {  	[sflag:s13] =	ssyncset.done $0x0  }
0x18f: {  	[sflag:s13] =	ssyncadd.s32 $0xFFFFFC80  }
0x190: {  	_ =	sfence.sel $0x180000  }
0x191: {  	[bflag:$0x0] =	sbarrier.arrive $0xFFFF  }
0x192: {  	_ =	strace $0x90000047  }
0x193: {  	s0 =	stileid.u32;
	[bflag:$0x2] =	sbarrier.arrive $0xFFFF  }
0x194: {  	p0 =	sne.s32 s0, $0x0;
	s0 =	rddreg [dreg:$0x5]  }
0x195: {  	s0 =	sadd.s32 @!p0 $0x100000, s0  }
0x196: {  	[sflag:s0] =	ssyncadd.tile.s32 @!p0 $0x1;
	_ =	shalt  }
.Lfunc_end2:
_tile_overlayer_lowered:
.L_overlay_start_2:
0x197: {  	(tag) =	ssettag $0x2  }
0x198: {  	s0 =	rddreg [dreg:$0x0];
	s2 =	stileid.u32  }
0x199: {  	s1 =	rddreg [dreg:$0x1];
	p0 =	sne.s32 s2, $0x0  }
0x19a: {  	s3 =	rddreg [dreg:$0x2];
	[bflag:$0x3] =	sbarrier.arrive $0xFFFF;
	s2 =	simm.s32 @!p0 $0x1C03  }
0x19b: {  	[timem:s3], [sflag:s2] =	dma.local @!p0 [hbm:s0], s1  }
0x19c: {  	s0 =	simm.s32 @!p0 $0x3  }
0x19d: {  	_ =	swait.ge @!p0 [sflag:s0], s1  }
0x19e: {  	s1 =	ssub.s32 @!p0 $0x0, s1;
	[sflag:s0] =	ssyncset.done @!p0 $0x0  }
0x19f: {  	[sflag:s0] =	ssyncadd.s32 @!p0 s1  }
0x1a0: {  	[bflag:$0x3] =	sbarrier.arrive $0xFFFF  }
0x1a1: {  	_ =	shalt  }

</sc_bundles>
